<compile_context>
chip_gen: v7x
topology: tpu7x:2x2x1
jax: 0.10.2.dev20260603
libtpu: 0.0.44.dev20260713+nightly
codegen_flags: <defaults>
</compile_context>

<pallas_src>
import functools

import jax
import jax.numpy as jnp
from jax import lax
from jax.experimental import pallas as pl
from jax.experimental.pallas import tpu as pltpu
from jax.experimental.pallas import tpu_sc as plsc

_N = 10000
_E = 320000
_EPS = 1e-16
_SLOPE = 0.2

_NWORK = 32
_PERW = _E // _NWORK
_K = 80
_NCHUNK = _PERW // _K
_NPAD = 10240
_RPT = _NPAD // 16
_RW = 128

_BN = 400
_BE = 4000


def _lin_kernel(x_ref, wl_ref, bl_ref, wr_ref, br_ref, xl_ref, xr_ref):
    xv = x_ref[...]
    xl_ref[...] = jnp.dot(xv, wl_ref[...], preferred_element_type=jnp.float32) + bl_ref[...]
    xr_ref[...] = jnp.dot(xv, wr_ref[...], preferred_element_type=jnp.float32) + br_ref[...]


def _lin_call(x, wl, bl, wr, br):
    din, dout = wl.shape
    return pl.pallas_call(
        _lin_kernel,
        grid=(_N // _BN,),
        in_specs=[
            pl.BlockSpec((_BN, din), lambda i: (i, 0)),
            pl.BlockSpec((din, dout), lambda i: (0, 0)),
            pl.BlockSpec((1, dout), lambda i: (0, 0)),
            pl.BlockSpec((din, dout), lambda i: (0, 0)),
            pl.BlockSpec((1, dout), lambda i: (0, 0)),
        ],
        out_specs=[
            pl.BlockSpec((_BN, dout), lambda i: (i, 0)),
            pl.BlockSpec((_BN, dout), lambda i: (i, 0)),
        ],
        out_shape=[
            jax.ShapeDtypeStruct((_N, dout), jnp.float32),
            jax.ShapeDtypeStruct((_N, dout), jnp.float32),
        ],
    )(x, wl, bl, wr, br)


_GG = 2


def _gather_call(xl, xr, src, dst):
    d = xl.shape[1]
    mesh = plsc.VectorSubcoreMesh(core_axis_name="c", subcore_axis_name="s")

    scratch = [
        pltpu.VMEM((_PERW,), jnp.int32),
        pltpu.VMEM((_PERW,), jnp.int32),
    ]
    scratch += [pltpu.VMEM((_K, d), jnp.float32) for _ in range(4 * _GG)]
    scratch += [pltpu.SemaphoreType.DMA, pltpu.SemaphoreType.DMA]

    @functools.partial(
        pl.kernel, mesh=mesh,
        out_type=(jax.ShapeDtypeStruct((_E, d), jnp.float32),
                  jax.ShapeDtypeStruct((_E, d), jnp.float32)),
        scratch_types=scratch,
    )
    def gather_kernel(xl_hbm, xr_hbm, src_hbm, dst_hbm, gxl_hbm, gxr_hbm,
                      *bufs):
        srcall, dstall = bufs[0], bufs[1]
        sets = (bufs[2:2 + 2 * _GG], bufs[2 + 2 * _GG:2 + 4 * _GG])
        semg, semw = bufs[-2], bufs[-1]
        cid = lax.axis_index("c")
        sid = lax.axis_index("s")
        base0 = (cid * 16 + sid) * _PERW

        pltpu.sync_copy(src_hbm.at[pl.ds(base0, _PERW)], srcall)
        pltpu.sync_copy(dst_hbm.at[pl.ds(base0, _PERW)], dstall)

        def fire_gathers(c0, bset):
            gd = []
            for s in range(_GG):
                o = (c0 + s) * _K
                gd.append(pltpu.async_copy(
                    xl_hbm.at[srcall.at[pl.ds(o, _K)]], bset[2 * s], semg))
                gd.append(pltpu.async_copy(
                    xr_hbm.at[dstall.at[pl.ds(o, _K)]], bset[2 * s + 1], semg))
            return gd

        def fire_writes(c0, bset):
            wd = []
            for s in range(_GG):
                b = base0 + (c0 + s) * _K
                wd.append(pltpu.async_copy(bset[2 * s], gxl_hbm.at[pl.ds(b, _K)], semw))
                wd.append(pltpu.async_copy(bset[2 * s + 1], gxr_hbm.at[pl.ds(b, _K)], semw))
            return wd

        def drain(ds):
            for c in ds:
                c.wait()

        def fire_one(ci, bset):
            return [pltpu.async_copy(
                        xl_hbm.at[srcall.at[pl.ds(ci * _K, _K)]], bset[0], semg),
                    pltpu.async_copy(
                        xr_hbm.at[dstall.at[pl.ds(ci * _K, _K)]], bset[1], semg)]

        def write_one(ci, bset):
            b = base0 + ci * _K
            return [pltpu.async_copy(bset[0], gxl_hbm.at[pl.ds(b, _K)], semw),
                    pltpu.async_copy(bset[1], gxr_hbm.at[pl.ds(b, _K)], semw)]

        npair = _NCHUNK // (2 * _GG)
        rem = _NCHUNK % (2 * _GG)

        drain(fire_gathers(0, sets[0]))
        fire_writes(_GG, sets[1])

        def body(i, carry):
            c0 = i * 2 * _GG
            c1 = c0 + _GG
            drain(fire_writes(_GG, sets[1]) if False else [])
            for _ in range(2 * _GG):
                pltpu.make_async_copy(sets[1][0], gxl_hbm.at[pl.ds(base0, _K)],
                                      semw).wait()
            w0 = fire_writes(c0, sets[0])
            g1 = fire_gathers(c1, sets[1])
            drain(g1)
            drain(w0)
            fire_writes(c1, sets[1])

            @pl.when(i < npair - 1)
            def _():
                drain(fire_gathers(c0 + 2 * _GG, sets[0]))

            return carry

        lax.fori_loop(0, npair, body, 0)
        for _ in range(2 * _GG):
            pltpu.make_async_copy(sets[1][0], gxl_hbm.at[pl.ds(base0, _K)],
                                  semw).wait()
        for t in range(rem):
            ci = npair * 2 * _GG + t
            drain(fire_one(ci, sets[0]))
            drain(write_one(ci, sets[0]))

    return gather_kernel(xl, xr, src, dst)


def _scatter_call(wm, dst):
    d = 128
    mesh = plsc.VectorSubcoreMesh(core_axis_name="c", subcore_axis_name="s")

    @functools.partial(
        pl.kernel, mesh=mesh,
        out_type=jax.ShapeDtypeStruct((2, _NPAD, d), jnp.float32),
        scratch_types=[
            pltpu.VMEM((_K,), jnp.int32),
            pltpu.VMEM((_K,), jnp.int32),
            pltpu.VMEM((_K, d), jnp.float32),
            pltpu.VMEM((_K, d), jnp.float32),
            pltpu.VMEM((_RW, d), jnp.float32),
            pltpu.VMEM_SHARED((_NPAD, d), jnp.float32),
            pltpu.SemaphoreType.DMA,
            pltpu.SemaphoreType.DMA,
        ],
    )
    def scatter_kernel(wm_hbm, dst_hbm, zw_hbm, wp_hbm,
                       dstv0, dstv1, wv0, wv1, wbv, shw, semr, sema):
        cid = lax.axis_index("c")
        sid = lax.axis_index("s")
        r0 = sid * _RPT

        pltpu.sync_copy(zw_hbm, wbv)

        def zbody(t, carry):
            pltpu.sync_copy(wbv, shw.at[pl.ds(r0 + t * _RW, _RW)])
            return carry

        lax.fori_loop(0, _RPT // _RW, zbody, 0)
        plsc.subcore_barrier()

        base0 = (cid * 16 + sid) * _PERW

        def do_pair(c0, pair):
            descs = []
            for s, (dv, wv) in enumerate(pair):
                b = base0 + (c0 + s) * _K
                descs.append(pltpu.async_copy(dst_hbm.at[pl.ds(b, _K)], dv, semr))
                descs.append(pltpu.async_copy(wm_hbm.at[pl.ds(b, _K)], wv, semr))
            adds = []
            for i, (dv, wv) in enumerate(pair):
                descs[2 * i].wait()
                descs[2 * i + 1].wait()
                adds.append(pltpu.async_copy(wv, shw.at[dv], sema, add=True))
            for c in adds:
                c.wait()

        def chunk(g, carry):
            do_pair(g * 2, [(dstv0, wv0), (dstv1, wv1)])
            return carry

        lax.fori_loop(0, _NCHUNK // 2, chunk, 0)
        if _NCHUNK % 2:
            do_pair(_NCHUNK - 1, [(dstv0, wv0)])
        plsc.subcore_barrier()

        def wb_body(t, carry):
            r = r0 + t * _RW
            pltpu.sync_copy(shw.at[pl.ds(r, _RW)], wbv)
            pltpu.sync_copy(wbv, wp_hbm.at[cid, pl.ds(r, _RW)])
            return carry

        lax.fori_loop(0, _RPT // _RW, wb_body, 0)

    zw = jnp.zeros((_RW, d), jnp.float32)
    wp = scatter_kernel(wm, dst, zw)
    return wp[:, :_N]


def _edge1_kernel(gxl_ref, gxr_ref, ea_ref, we_ref, att_ref,
                  ma_ref, mb_ref, easum_ref):
    i = pl.program_id(0)
    ea = ea_ref[...]
    eaw = jnp.dot(ea, we_ref[...], preferred_element_type=jnp.float32)
    gxl = gxl_ref[...]
    u = gxl + gxr_ref[...] + eaw
    lr = jnp.maximum(u, _SLOPE * u)
    prod = lr * att_ref[...]
    e0 = jnp.exp(jnp.sum(prod[:, :64], axis=1, keepdims=True))
    e1 = jnp.exp(jnp.sum(prod[:, 64:], axis=1, keepdims=True))
    pad = jnp.zeros((e0.shape[0], 63), jnp.float32)
    ma_ref[...] = jnp.concatenate([e0 * gxl[:, :64], e0, pad], axis=1)
    mb_ref[...] = jnp.concatenate([e1 * gxl[:, 64:], e1, pad], axis=1)

    @pl.when(i == 0)
    def _():
        easum_ref[...] = jnp.zeros_like(easum_ref)

    easum_ref[...] += jnp.sum(ea, axis=0, keepdims=True)


def _edge1_call(gxl, gxr, ea, we, att):
    return pl.pallas_call(
        _edge1_kernel,
        grid=(_E // _BE,),
        in_specs=[
            pl.BlockSpec((_BE, 128), lambda i: (i, 0)),
            pl.BlockSpec((_BE, 128), lambda i: (i, 0)),
            pl.BlockSpec((_BE, 4), lambda i: (i, 0)),
            pl.BlockSpec((4, 128), lambda i: (0, 0)),
            pl.BlockSpec((1, 128), lambda i: (0, 0)),
        ],
        out_specs=[
            pl.BlockSpec((_BE, 128), lambda i: (i, 0)),
            pl.BlockSpec((_BE, 128), lambda i: (i, 0)),
            pl.BlockSpec((1, 4), lambda i: (0, 0)),
        ],
        out_shape=[
            jax.ShapeDtypeStruct((_E, 128), jnp.float32),
            jax.ShapeDtypeStruct((_E, 128), jnp.float32),
            jax.ShapeDtypeStruct((1, 4), jnp.float32),
        ],
    )(gxl, gxr, ea, we, att)


def _edge2_kernel(gsrc_ref, gdst_ref, ea_ref, we_ref, att_ref, m_ref):
    eaw = jnp.dot(ea_ref[...], we_ref[...], preferred_element_type=jnp.float32)
    xls = gsrc_ref[:, :64]
    u = xls + gdst_ref[:, 64:] + eaw
    lr = jnp.maximum(u, _SLOPE * u)
    e0 = jnp.exp(jnp.sum(lr * att_ref[...], axis=1, keepdims=True))
    pad = jnp.zeros((e0.shape[0], 63), jnp.float32)
    m_ref[...] = jnp.concatenate([e0 * xls, e0, pad], axis=1)


def _edge2_call(gsrc, gdst, ea, we, att):
    return pl.pallas_call(
        _edge2_kernel,
        grid=(_E // _BE,),
        in_specs=[
            pl.BlockSpec((_BE, 128), lambda i: (i, 0)),
            pl.BlockSpec((_BE, 128), lambda i: (i, 0)),
            pl.BlockSpec((_BE, 4), lambda i: (i, 0)),
            pl.BlockSpec((4, 64), lambda i: (0, 0)),
            pl.BlockSpec((1, 64), lambda i: (0, 0)),
        ],
        out_specs=[pl.BlockSpec((_BE, 128), lambda i: (i, 0))],
        out_shape=[jax.ShapeDtypeStruct((_E, 128), jnp.float32)],
    )(gsrc, gdst, ea, we, att)


def _merge1_kernel(pa_ref, pb_ref, xl_ref, xr_ref, easum_ref,
                   we_ref, att_ref, bias_ref, wl2_ref, bl2_ref, wr2_ref,
                   br2_ref, t2_ref):
    eawm = jnp.dot(easum_ref[...] / _E, we_ref[...],
                   preferred_element_type=jnp.float32)
    xl = xl_ref[...]
    u = xl + xr_ref[...] + eawm
    lr = jnp.maximum(u, _SLOPE * u)
    prod = lr * att_ref[...]
    e0 = jnp.exp(jnp.sum(prod[:, :64], axis=1, keepdims=True))
    e1 = jnp.exp(jnp.sum(prod[:, 64:], axis=1, keepdims=True))
    pa = pa_ref[0] + pa_ref[1]
    pb = pb_ref[0] + pb_ref[1]
    w0 = pa[:, :64] + e0 * xl[:, :64]
    w1 = pb[:, :64] + e1 * xl[:, 64:]
    s0 = pa[:, 64:65] + e0
    s1 = pb[:, 64:65] + e1
    h = jnp.concatenate([w0 / (s0 + _EPS), w1 / (s1 + _EPS)], axis=1)
    h = jnp.maximum(h + bias_ref[...], 0.0)
    xl2 = jnp.dot(h, wl2_ref[...], preferred_element_type=jnp.float32) + bl2_ref[...]
    xr2 = jnp.dot(h, wr2_ref[...], preferred_element_type=jnp.float32) + br2_ref[...]
    t2_ref[...] = jnp.concatenate([xl2, xr2], axis=1)


def _merge1_call(pa, pb, xl, xr, easum, we, att, bias, wl2, bl2,
                 wr2, br2):
    return pl.pallas_call(
        _merge1_kernel,
        grid=(_N // _BN,),
        in_specs=[
            pl.BlockSpec((2, _BN, 128), lambda i: (0, i, 0)),
            pl.BlockSpec((2, _BN, 128), lambda i: (0, i, 0)),
            pl.BlockSpec((_BN, 128), lambda i: (i, 0)),
            pl.BlockSpec((_BN, 128), lambda i: (i, 0)),
            pl.BlockSpec((1, 4), lambda i: (0, 0)),
            pl.BlockSpec((4, 128), lambda i: (0, 0)),
            pl.BlockSpec((1, 128), lambda i: (0, 0)),
            pl.BlockSpec((1, 128), lambda i: (0, 0)),
            pl.BlockSpec((128, 64), lambda i: (0, 0)),
            pl.BlockSpec((1, 64), lambda i: (0, 0)),
            pl.BlockSpec((128, 64), lambda i: (0, 0)),
            pl.BlockSpec((1, 64), lambda i: (0, 0)),
        ],
        out_specs=[pl.BlockSpec((_BN, 128), lambda i: (i, 0))],
        out_shape=[jax.ShapeDtypeStruct((_N, 128), jnp.float32)],
    )(pa, pb, xl, xr, easum, we, att, bias, wl2, bl2, wr2, br2)


def _merge2_kernel(p_ref, t2_ref, easum_ref, we_ref, att_ref,
                   bias_ref, wh1_ref, bh1_ref, wh2_ref, bh2_ref, out_ref):
    eawm = jnp.dot(easum_ref[...] / _E, we_ref[...],
                   preferred_element_type=jnp.float32)
    xl = t2_ref[:, :64]
    u = xl + t2_ref[:, 64:] + eawm
    lr = jnp.maximum(u, _SLOPE * u)
    e0 = jnp.exp(jnp.sum(lr * att_ref[...], axis=1, keepdims=True))
    p = p_ref[0] + p_ref[1]
    w = p[:, :64] + e0 * xl
    s0 = p[:, 64:65] + e0
    h = jnp.maximum(w / (s0 + _EPS) + bias_ref[...], 0.0)
    h = jnp.maximum(jnp.dot(h, wh1_ref[...], preferred_element_type=jnp.float32)
                    + bh1_ref[...], 0.0)
    out_ref[...] = jnp.sum(h * wh2_ref[...], axis=1, keepdims=True) + bh2_ref[...]


def _merge2_call(p, t2, easum, we, att, bias, wh1, bh1, wh2t, bh2):
    return pl.pallas_call(
        _merge2_kernel,
        grid=(_N // _BN,),
        in_specs=[
            pl.BlockSpec((2, _BN, 128), lambda i: (0, i, 0)),
            pl.BlockSpec((_BN, 128), lambda i: (i, 0)),
            pl.BlockSpec((1, 4), lambda i: (0, 0)),
            pl.BlockSpec((4, 64), lambda i: (0, 0)),
            pl.BlockSpec((1, 64), lambda i: (0, 0)),
            pl.BlockSpec((1, 64), lambda i: (0, 0)),
            pl.BlockSpec((64, 64), lambda i: (0, 0)),
            pl.BlockSpec((1, 64), lambda i: (0, 0)),
            pl.BlockSpec((1, 64), lambda i: (0, 0)),
            pl.BlockSpec((1, 1), lambda i: (0, 0)),
        ],
        out_specs=[pl.BlockSpec((_BN, 1), lambda i: (i, 0))],
        out_shape=[jax.ShapeDtypeStruct((_N, 1), jnp.float32)],
    )(p, t2, easum, we, att, bias, wh1, bh1, wh2t, bh2)


def kernel(x, edge_index, edge_attr, Wl1, bl1, Wr1, br1, We1, att1, bias1,
           Wl2, bl2, Wr2, br2, We2, att2, bias2, Wh1, bh1, Wh2, bh2):
    src = edge_index[0]
    dst = edge_index[1]

    xl1, xr1 = _lin_call(x, Wl1, bl1.reshape(1, -1), Wr1, br1.reshape(1, -1))
    gxl, gxr = _gather_call(xl1, xr1, src, dst)
    ma, mb, easum = _edge1_call(gxl, gxr, edge_attr, We1,
                                att1.reshape(1, -1))
    pa = _scatter_call(ma, dst)
    pb = _scatter_call(mb, dst)
    t2 = _merge1_call(pa, pb, xl1, xr1, easum, We1,
                      att1.reshape(1, -1), bias1.reshape(1, -1),
                      Wl2, bl2.reshape(1, -1), Wr2, br2.reshape(1, -1))[0]

    gsrc, gdst = _gather_call(t2, t2, src, dst)
    m2 = _edge2_call(gsrc, gdst, edge_attr, We2, att2.reshape(1, -1))[0]
    p2 = _scatter_call(m2, dst)
    out = _merge2_call(p2, t2, easum, We2,
                       att2.reshape(1, -1), bias2.reshape(1, -1),
                       Wh1, bh1.reshape(1, -1), Wh2.reshape(1, -1),
                       bh2.reshape(1, 1))
    return out[0][:, 0]

# --- scband reference (transcript-rebuilt; emitter-appended) ---
"""Pipeline reference for scband-priority-gnn-85383949845185 (READ-ONLY COPY).

The authoritative reference and input builder live on the scoring server;
editing this copy changes nothing except your own understanding.
"""

import jax, jax.numpy as jnp
import numpy as np

N = 10000
E = 320000
IN_DIM = 128
HID = 64
EDGE_DIM = 4


def _seg_softmax(alpha, seg, num):
    m = jax.ops.segment_max(alpha, seg, num_segments=num)
    m = jnp.where(jnp.isfinite(m), m, 0.0)
    e = jnp.exp(alpha - m[seg])
    s = jax.ops.segment_sum(e, seg, num_segments=num)
    return e / (s[seg] + 1e-16)


def _gatv2(x, src, dst, ea, Wl, bl, Wr, br, We, att, bias, heads, oc):
    n = x.shape[0]
    # PyG GATv2Conv default add_self_loops=True, fill_value='mean' for edge_attr
    loop = jnp.arange(n, dtype=src.dtype)
    src = jnp.concatenate([src, loop], 0)
    dst = jnp.concatenate([dst, loop], 0)
    ea_loop = jnp.broadcast_to(ea.mean(0, keepdims=True), (n, ea.shape[1]))
    ea = jnp.concatenate([ea, ea_loop], 0)
    xl = (x @ Wl + bl).reshape(n, heads, oc)
    xr = (x @ Wr + br).reshape(n, heads, oc)
    m = xl[src] + xr[dst] + (ea @ We).reshape(-1, heads, oc)
    m = jax.nn.leaky_relu(m, negative_slope=0.2)
    alpha = (m * att[None]).sum(-1)  # [E+N, H]
    alpha = _seg_softmax(alpha, dst, n)
    out = jax.ops.segment_sum(xl[src] * alpha[..., None], dst, num_segments=n)
    return out.reshape(n, heads * oc) + bias


def setup_inputs(seed: int = 0) -> dict:
    key = jax.random.key(seed)
    ks = jax.random.split(key, 24)
    inp = {}
    inp['x'] = jax.random.normal(ks[0], (N, IN_DIM), jnp.float32)
    inp['edge_index'] = jax.random.randint(ks[1], (2, E), 0, N, dtype=jnp.int32)
    inp['edge_attr'] = jax.random.normal(ks[2], (E, EDGE_DIM), jnp.float32)
    # conv1: GATv2Conv(128 -> 64, heads=2, edge_dim=4)
    s1 = 1.0 / np.sqrt(IN_DIM)
    inp['Wl1'] = jax.random.normal(ks[3], (IN_DIM, 2 * HID), jnp.float32) * s1
    inp['bl1'] = jnp.zeros((2 * HID,), jnp.float32)
    inp['Wr1'] = jax.random.normal(ks[4], (IN_DIM, 2 * HID), jnp.float32) * s1
    inp['br1'] = jnp.zeros((2 * HID,), jnp.float32)
    inp['We1'] = jax.random.normal(ks[5], (EDGE_DIM, 2 * HID), jnp.float32) * 0.5
    inp['att1'] = jax.random.normal(ks[6], (2, HID), jnp.float32) * 0.1
    inp['bias1'] = jnp.zeros((2 * HID,), jnp.float32)
    # conv2: GATv2Conv(128 -> 64, heads=1, edge_dim=4)
    s2 = 1.0 / np.sqrt(2 * HID)
    inp['Wl2'] = jax.random.normal(ks[7], (2 * HID, HID), jnp.float32) * s2
    inp['bl2'] = jnp.zeros((HID,), jnp.float32)
    inp['Wr2'] = jax.random.normal(ks[8], (2 * HID, HID), jnp.float32) * s2
    inp['br2'] = jnp.zeros((HID,), jnp.float32)
    inp['We2'] = jax.random.normal(ks[9], (EDGE_DIM, HID), jnp.float32) * 0.5
    inp['att2'] = jax.random.normal(ks[10], (1, HID), jnp.float32) * 0.1
    inp['bias2'] = jnp.zeros((HID,), jnp.float32)
    # head: Linear(64,64) -> ReLU -> Linear(64,1)
    s3 = 1.0 / np.sqrt(HID)
    inp['Wh1'] = jax.random.normal(ks[11], (HID, HID), jnp.float32) * s3
    inp['bh1'] = jnp.zeros((HID,), jnp.float32)
    inp['Wh2'] = jax.random.normal(ks[12], (HID, 1), jnp.float32) * s3
    inp['bh2'] = jnp.zeros((1,), jnp.float32)
    return inp


def reference(x, edge_index, edge_attr, Wl1, bl1, Wr1, br1, We1, att1, bias1, Wl2, bl2, Wr2, br2, We2, att2, bias2, Wh1, bh1, Wh2, bh2):
    src, dst = edge_index[0], edge_index[1]
    h = _gatv2(x, src, dst, edge_attr, Wl1, bl1, Wr1, br1, We1, att1, bias1, 2, HID)
    h = jax.nn.relu(h)
    h = _gatv2(h, src, dst, edge_attr, Wl2, bl2, Wr2, br2, We2, att2, bias2, 1, HID)
    h = jax.nn.relu(h)
    h = jax.nn.relu(h @ Wh1 + bh1)
    out = h @ Wh2 + bh2
    return out.squeeze(-1)

if __name__ == "__main__":
    import jax
    _d = setup_inputs()
    print(jax.jit(kernel)(*tuple(_d.values())))

</pallas_src>

<mosaic_0001>
#map = affine_map<(d0, d1) -> (0, 0)>
#map1 = affine_map<(d0, d1) -> (0)>
#map2 = affine_map<(d0, d1) -> (0, 0, 0)>
module attributes {stable_mosaic.version = 14 : i64} {
  func.func @scatter_kernel(%arg0: i32, %arg1: i32, %arg2: memref<320000x128xf32, #tpu.memory_space<hbm>>, %arg3: memref<320000xi32, #tpu.memory_space<hbm>>, %arg4: memref<128x128xf32, #tpu.memory_space<hbm>>, %arg5: memref<2x10240x128xf32, #tpu.memory_space<hbm>>, %arg6: memref<80xi32, #tpu.memory_space<vmem>>, %arg7: memref<80xi32, #tpu.memory_space<vmem>>, %arg8: memref<80x128xf32, #tpu.memory_space<vmem>>, %arg9: memref<80x128xf32, #tpu.memory_space<vmem>>, %arg10: memref<128x128xf32, #tpu.memory_space<vmem>>, %arg11: memref<10240x128xf32, #tpu.memory_space<vmem_shared>>, %arg12: memref<!tpu.dma_semaphore, #tpu.memory_space<semaphore_mem>>, %arg13: memref<!tpu.dma_semaphore, #tpu.memory_space<semaphore_mem>>) attributes {dimension_semantics = [#tpu.dimension_semantics<core_parallel>, #tpu.dimension_semantics<subcore_parallel>], iteration_bounds = array<i64: 2, 16>, scalar_prefetch = 0 : i64, scratch_operands = 8 : i64, tpu.core_type = #tpu.core_type<sc_vector_subcore>, window_params = [{transform_indices = #map}, {transform_indices = #map1}, {transform_indices = #map}, {transform_indices = #map2}]} {
    %mul3A = arith.constant 640 : i32
    %mul3A_0 = arith.muli %arg1, %mul3A : i32
    "tpu.region"() ({
      %run_scoped3A = tpu.sem_alloc : memref<!tpu.dma_semaphore, #tpu.memory_space<semaphore_mem>>
      tpu.enqueue_dma source(%arg4 : memref<128x128xf32, #tpu.memory_space<hbm>>) target(%arg10 : memref<128x128xf32, #tpu.memory_space<vmem>>) target_semaphore(%run_scoped3A : memref<!tpu.dma_semaphore, #tpu.memory_space<semaphore_mem>>)
      tpu.wait_dma2 semaphore(%run_scoped3A : memref<!tpu.dma_semaphore, #tpu.memory_space<semaphore_mem>>) src(%arg4 : memref<128x128xf32, #tpu.memory_space<hbm>>) dst(%arg10 : memref<128x128xf32, #tpu.memory_space<vmem>>)
      tpu.yield
    }) : () -> ()
    %scan3A = arith.constant 0 : i32
    %scan3A_1 = arith.constant 0 : i32
    %scan3A_2 = arith.constant 5 : i32
    %scan3A_3 = arith.addi %scan3A_1, %scan3A_2 : i32
    %scan3A_4 = arith.constant 1 : i32
    scf.for %scan3A_41 = %scan3A_1 to %scan3A_3 step %scan3A_4  : i32 {
      %mul3A_42 = arith.constant 128 : i32
      %mul3A_43 = arith.muli %scan3A_41, %mul3A_42 : i32
      %add3A_44 = arith.addi %mul3A_0, %mul3A_43 : i32
      "tpu.region"() ({
        %run_scoped3A = tpu.sem_alloc : memref<!tpu.dma_semaphore, #tpu.memory_space<semaphore_mem>>
        %dma_start3A_45 = arith.constant 0 : i32
        %dma_start3A_46 = tpu.memref_slice %arg11[%add3A_44, %dma_start3A_45] : memref<10240x128xf32, #tpu.memory_space<vmem_shared>> -> memref<128x128xf32, #tpu.memory_space<vmem_shared>>
        %dma_start3A_47 = arith.constant 0 : i32
        %dma_start3A_48 = tpu.memref_slice %arg11[%add3A_44, %dma_start3A_47] : memref<10240x128xf32, #tpu.memory_space<vmem_shared>> -> memref<128x128xf32, #tpu.memory_space<vmem_shared>>
        tpu.enqueue_dma source(%arg10 : memref<128x128xf32, #tpu.memory_space<vmem>>) target(%dma_start3A_48 : memref<128x128xf32, #tpu.memory_space<vmem_shared>>) target_semaphore(%run_scoped3A : memref<!tpu.dma_semaphore, #tpu.memory_space<semaphore_mem>>)
        %dma_wait3A_49 = arith.constant 0 : i32
        %dma_wait3A_50 = tpu.memref_slice %arg11[%add3A_44, %dma_wait3A_49] : memref<10240x128xf32, #tpu.memory_space<vmem_shared>> -> memref<128x128xf32, #tpu.memory_space<vmem_shared>>
        %dma_wait3A_51 = arith.constant 0 : i32
        %dma_wait3A_52 = tpu.memref_slice %arg11[%add3A_44, %dma_wait3A_51] : memref<10240x128xf32, #tpu.memory_space<vmem_shared>> -> memref<128x128xf32, #tpu.memory_space<vmem_shared>>
        tpu.wait_dma2 semaphore(%run_scoped3A : memref<!tpu.dma_semaphore, #tpu.memory_space<semaphore_mem>>) src(%arg10 : memref<128x128xf32, #tpu.memory_space<vmem>>) dst(%dma_wait3A_52 : memref<128x128xf32, #tpu.memory_space<vmem_shared>>)
        tpu.yield
      }) : () -> ()
    }
    %scan3A_5 = arith.constant 5 : i32
    %barrier3A = arith.constant 0 : index
    tpu.barrier barrier_id(%barrier3A)
    %mul3A_6 = arith.constant 16 : i32
    %mul3A_7 = arith.muli %arg0, %mul3A_6 : i32
    %add3A = arith.addi %mul3A_7, %arg1 : i32
    %mul3A_8 = arith.constant 10000 : i32
    %mul3A_9 = arith.muli %add3A, %mul3A_8 : i32
    %scan3A_10 = arith.constant 0 : i32
    %scan3A_11 = arith.constant 0 : i32
    %scan3A_12 = arith.constant 62 : i32
    %scan3A_13 = arith.addi %scan3A_11, %scan3A_12 : i32
    %scan3A_14 = arith.constant 1 : i32
    scf.for %scan3A_41 = %scan3A_11 to %scan3A_13 step %scan3A_14  : i32 {
      %mul3A_42 = arith.constant 2 : i32
      %mul3A_43 = arith.muli %scan3A_41, %mul3A_42 : i32
      %add3A_44 = arith.constant 0 : i32
      %add3A_45 = arith.addi %mul3A_43, %add3A_44 : i32
      %mul3A_46 = arith.constant 80 : i32
      %mul3A_47 = arith.muli %add3A_45, %mul3A_46 : i32
      %add3A_48 = arith.addi %mul3A_9, %mul3A_47 : i32
      %dma_start3A_49 = tpu.memref_slice %arg3[%add3A_48] : memref<320000xi32, #tpu.memory_space<hbm>> -> memref<80xi32, #tpu.memory_space<hbm>>
      %dma_start3A_50 = tpu.memref_slice %arg3[%add3A_48] : memref<320000xi32, #tpu.memory_space<hbm>> -> memref<80xi32, #tpu.memory_space<hbm>>
      tpu.enqueue_dma source(%dma_start3A_50 : memref<80xi32, #tpu.memory_space<hbm>>) target(%arg6 : memref<80xi32, #tpu.memory_space<vmem>>) target_semaphore(%arg12 : memref<!tpu.dma_semaphore, #tpu.memory_space<semaphore_mem>>)
      %dma_start3A_51 = arith.constant 0 : i32
      %dma_start3A_52 = tpu.memref_slice %arg2[%add3A_48, %dma_start3A_51] : memref<320000x128xf32, #tpu.memory_space<hbm>> -> memref<80x128xf32, #tpu.memory_space<hbm>>
      %dma_start3A_53 = arith.constant 0 : i32
      %dma_start3A_54 = tpu.memref_slice %arg2[%add3A_48, %dma_start3A_53] : memref<320000x128xf32, #tpu.memory_space<hbm>> -> memref<80x128xf32, #tpu.memory_space<hbm>>
      tpu.enqueue_dma source(%dma_start3A_54 : memref<80x128xf32, #tpu.memory_space<hbm>>) target(%arg8 : memref<80x128xf32, #tpu.memory_space<vmem>>) target_semaphore(%arg12 : memref<!tpu.dma_semaphore, #tpu.memory_space<semaphore_mem>>)
      %add3A_55 = arith.constant 1 : i32
      %add3A_56 = arith.addi %mul3A_43, %add3A_55 : i32
      %mul3A_57 = arith.constant 80 : i32
      %mul3A_58 = arith.muli %add3A_56, %mul3A_57 : i32
      %add3A_59 = arith.addi %mul3A_9, %mul3A_58 : i32
      %dma_start3A_60 = tpu.memref_slice %arg3[%add3A_59] : memref<320000xi32, #tpu.memory_space<hbm>> -> memref<80xi32, #tpu.memory_space<hbm>>
      %dma_start3A_61 = tpu.memref_slice %arg3[%add3A_59] : memref<320000xi32, #tpu.memory_space<hbm>> -> memref<80xi32, #tpu.memory_space<hbm>>
      tpu.enqueue_dma source(%dma_start3A_61 : memref<80xi32, #tpu.memory_space<hbm>>) target(%arg7 : memref<80xi32, #tpu.memory_space<vmem>>) target_semaphore(%arg12 : memref<!tpu.dma_semaphore, #tpu.memory_space<semaphore_mem>>)
      %dma_start3A_62 = arith.constant 0 : i32
      %dma_start3A_63 = tpu.memref_slice %arg2[%add3A_59, %dma_start3A_62] : memref<320000x128xf32, #tpu.memory_space<hbm>> -> memref<80x128xf32, #tpu.memory_space<hbm>>
      %dma_start3A_64 = arith.constant 0 : i32
      %dma_start3A_65 = tpu.memref_slice %arg2[%add3A_59, %dma_start3A_64] : memref<320000x128xf32, #tpu.memory_space<hbm>> -> memref<80x128xf32, #tpu.memory_space<hbm>>
      tpu.enqueue_dma source(%dma_start3A_65 : memref<80x128xf32, #tpu.memory_space<hbm>>) target(%arg9 : memref<80x128xf32, #tpu.memory_space<vmem>>) target_semaphore(%arg12 : memref<!tpu.dma_semaphore, #tpu.memory_space<semaphore_mem>>)
      %dma_wait3A_66 = tpu.memref_slice %arg3[%add3A_48] : memref<320000xi32, #tpu.memory_space<hbm>> -> memref<80xi32, #tpu.memory_space<hbm>>
      %dma_wait3A_67 = tpu.memref_slice %arg3[%add3A_48] : memref<320000xi32, #tpu.memory_space<hbm>> -> memref<80xi32, #tpu.memory_space<hbm>>
      tpu.wait_dma2 semaphore(%arg12 : memref<!tpu.dma_semaphore, #tpu.memory_space<semaphore_mem>>) src(%dma_wait3A_67 : memref<80xi32, #tpu.memory_space<hbm>>) dst(%arg6 : memref<80xi32, #tpu.memory_space<vmem>>)
      %dma_wait3A_68 = arith.constant 0 : i32
      %dma_wait3A_69 = tpu.memref_slice %arg2[%add3A_48, %dma_wait3A_68] : memref<320000x128xf32, #tpu.memory_space<hbm>> -> memref<80x128xf32, #tpu.memory_space<hbm>>
      %dma_wait3A_70 = arith.constant 0 : i32
      %dma_wait3A_71 = tpu.memref_slice %arg2[%add3A_48, %dma_wait3A_70] : memref<320000x128xf32, #tpu.memory_space<hbm>> -> memref<80x128xf32, #tpu.memory_space<hbm>>
      tpu.wait_dma2 semaphore(%arg12 : memref<!tpu.dma_semaphore, #tpu.memory_space<semaphore_mem>>) src(%dma_wait3A_71 : memref<80x128xf32, #tpu.memory_space<hbm>>) dst(%arg8 : memref<80x128xf32, #tpu.memory_space<vmem>>)
      %dma_start3A_72 = arith.constant 0 : i32
      %dma_start3A_73 = arith.constant 0 : i32
      %dma_start3A_74 = tpu.memref_slice %arg11[%dma_start3A_72, %dma_start3A_73] : memref<10240x128xf32, #tpu.memory_space<vmem_shared>> -> memref<10240x128xf32, #tpu.memory_space<vmem_shared>>
      tpu.enqueue_indirect_dma source(%arg8 : memref<80x128xf32, #tpu.memory_space<vmem>>) target(%dma_start3A_74 : memref<10240x128xf32, #tpu.memory_space<vmem_shared>>) offsets(%arg6 : memref<80xi32, #tpu.memory_space<vmem>>) semaphore(%arg13 : memref<!tpu.dma_semaphore, #tpu.memory_space<semaphore_mem>>) {add = true}
      %dma_wait3A_75 = tpu.memref_slice %arg3[%add3A_59] : memref<320000xi32, #tpu.memory_space<hbm>> -> memref<80xi32, #tpu.memory_space<hbm>>
      %dma_wait3A_76 = tpu.memref_slice %arg3[%add3A_59] : memref<320000xi32, #tpu.memory_space<hbm>> -> memref<80xi32, #tpu.memory_space<hbm>>
      tpu.wait_dma2 semaphore(%arg12 : memref<!tpu.dma_semaphore, #tpu.memory_space<semaphore_mem>>) src(%dma_wait3A_76 : memref<80xi32, #tpu.memory_space<hbm>>) dst(%arg7 : memref<80xi32, #tpu.memory_space<vmem>>)
      %dma_wait3A_77 = arith.constant 0 : i32
      %dma_wait3A_78 = tpu.memref_slice %arg2[%add3A_59, %dma_wait3A_77] : memref<320000x128xf32, #tpu.memory_space<hbm>> -> memref<80x128xf32, #tpu.memory_space<hbm>>
      %dma_wait3A_79 = arith.constant 0 : i32
      %dma_wait3A_80 = tpu.memref_slice %arg2[%add3A_59, %dma_wait3A_79] : memref<320000x128xf32, #tpu.memory_space<hbm>> -> memref<80x128xf32, #tpu.memory_space<hbm>>
      tpu.wait_dma2 semaphore(%arg12 : memref<!tpu.dma_semaphore, #tpu.memory_space<semaphore_mem>>) src(%dma_wait3A_80 : memref<80x128xf32, #tpu.memory_space<hbm>>) dst(%arg9 : memref<80x128xf32, #tpu.memory_space<vmem>>)
      %dma_start3A_81 = arith.constant 0 : i32
      %dma_start3A_82 = arith.constant 0 : i32
      %dma_start3A_83 = tpu.memref_slice %arg11[%dma_start3A_81, %dma_start3A_82] : memref<10240x128xf32, #tpu.memory_space<vmem_shared>> -> memref<10240x128xf32, #tpu.memory_space<vmem_shared>>
      tpu.enqueue_indirect_dma source(%arg9 : memref<80x128xf32, #tpu.memory_space<vmem>>) target(%dma_start3A_83 : memref<10240x128xf32, #tpu.memory_space<vmem_shared>>) offsets(%arg7 : memref<80xi32, #tpu.memory_space<vmem>>) semaphore(%arg13 : memref<!tpu.dma_semaphore, #tpu.memory_space<semaphore_mem>>) {add = true}
      %dma_wait3A_84 = arith.constant 0 : i32
      %dma_wait3A_85 = arith.constant 0 : i32
      %dma_wait3A_86 = tpu.memref_slice %arg11[%dma_wait3A_84, %dma_wait3A_85] : memref<10240x128xf32, #tpu.memory_space<vmem_shared>> -> memref<10240x128xf32, #tpu.memory_space<vmem_shared>>
      tpu.wait_indirect_dma semaphore(%arg13 : memref<!tpu.dma_semaphore, #tpu.memory_space<semaphore_mem>>) src(%arg8 : memref<80x128xf32, #tpu.memory_space<vmem>>) dst(%dma_wait3A_86 : memref<10240x128xf32, #tpu.memory_space<vmem_shared>>)
      %dma_wait3A_87 = arith.constant 0 : i32
      %dma_wait3A_88 = arith.constant 0 : i32
      %dma_wait3A_89 = tpu.memref_slice %arg11[%dma_wait3A_87, %dma_wait3A_88] : memref<10240x128xf32, #tpu.memory_space<vmem_shared>> -> memref<10240x128xf32, #tpu.memory_space<vmem_shared>>
      tpu.wait_indirect_dma semaphore(%arg13 : memref<!tpu.dma_semaphore, #tpu.memory_space<semaphore_mem>>) src(%arg9 : memref<80x128xf32, #tpu.memory_space<vmem>>) dst(%dma_wait3A_89 : memref<10240x128xf32, #tpu.memory_space<vmem_shared>>)
    }
    %scan3A_15 = arith.constant 62 : i32
    %add3A_16 = arith.constant 9920 : i32
    %add3A_17 = arith.addi %mul3A_9, %add3A_16 : i32
    %dma_start3A = tpu.memref_slice %arg3[%add3A_17] : memref<320000xi32, #tpu.memory_space<hbm>> -> memref<80xi32, #tpu.memory_space<hbm>>
    %dma_start3A_18 = tpu.memref_slice %arg3[%add3A_17] : memref<320000xi32, #tpu.memory_space<hbm>> -> memref<80xi32, #tpu.memory_space<hbm>>
    tpu.enqueue_dma source(%dma_start3A_18 : memref<80xi32, #tpu.memory_space<hbm>>) target(%arg6 : memref<80xi32, #tpu.memory_space<vmem>>) target_semaphore(%arg12 : memref<!tpu.dma_semaphore, #tpu.memory_space<semaphore_mem>>)
    %dma_start3A_19 = arith.constant 0 : i32
    %dma_start3A_20 = tpu.memref_slice %arg2[%add3A_17, %dma_start3A_19] : memref<320000x128xf32, #tpu.memory_space<hbm>> -> memref<80x128xf32, #tpu.memory_space<hbm>>
    %dma_start3A_21 = arith.constant 0 : i32
    %dma_start3A_22 = tpu.memref_slice %arg2[%add3A_17, %dma_start3A_21] : memref<320000x128xf32, #tpu.memory_space<hbm>> -> memref<80x128xf32, #tpu.memory_space<hbm>>
    tpu.enqueue_dma source(%dma_start3A_22 : memref<80x128xf32, #tpu.memory_space<hbm>>) target(%arg8 : memref<80x128xf32, #tpu.memory_space<vmem>>) target_semaphore(%arg12 : memref<!tpu.dma_semaphore, #tpu.memory_space<semaphore_mem>>)
    %dma_wait3A = tpu.memref_slice %arg3[%add3A_17] : memref<320000xi32, #tpu.memory_space<hbm>> -> memref<80xi32, #tpu.memory_space<hbm>>
    %dma_wait3A_23 = tpu.memref_slice %arg3[%add3A_17] : memref<320000xi32, #tpu.memory_space<hbm>> -> memref<80xi32, #tpu.memory_space<hbm>>
    tpu.wait_dma2 semaphore(%arg12 : memref<!tpu.dma_semaphore, #tpu.memory_space<semaphore_mem>>) src(%dma_wait3A_23 : memref<80xi32, #tpu.memory_space<hbm>>) dst(%arg6 : memref<80xi32, #tpu.memory_space<vmem>>)
    %dma_wait3A_24 = arith.constant 0 : i32
    %dma_wait3A_25 = tpu.memref_slice %arg2[%add3A_17, %dma_wait3A_24] : memref<320000x128xf32, #tpu.memory_space<hbm>> -> memref<80x128xf32, #tpu.memory_space<hbm>>
    %dma_wait3A_26 = arith.constant 0 : i32
    %dma_wait3A_27 = tpu.memref_slice %arg2[%add3A_17, %dma_wait3A_26] : memref<320000x128xf32, #tpu.memory_space<hbm>> -> memref<80x128xf32, #tpu.memory_space<hbm>>
    tpu.wait_dma2 semaphore(%arg12 : memref<!tpu.dma_semaphore, #tpu.memory_space<semaphore_mem>>) src(%dma_wait3A_27 : memref<80x128xf32, #tpu.memory_space<hbm>>) dst(%arg8 : memref<80x128xf32, #tpu.memory_space<vmem>>)
    %dma_start3A_28 = arith.constant 0 : i32
    %dma_start3A_29 = arith.constant 0 : i32
    %dma_start3A_30 = tpu.memref_slice %arg11[%dma_start3A_28, %dma_start3A_29] : memref<10240x128xf32, #tpu.memory_space<vmem_shared>> -> memref<10240x128xf32, #tpu.memory_space<vmem_shared>>
    tpu.enqueue_indirect_dma source(%arg8 : memref<80x128xf32, #tpu.memory_space<vmem>>) target(%dma_start3A_30 : memref<10240x128xf32, #tpu.memory_space<vmem_shared>>) offsets(%arg6 : memref<80xi32, #tpu.memory_space<vmem>>) semaphore(%arg13 : memref<!tpu.dma_semaphore, #tpu.memory_space<semaphore_mem>>) {add = true}
    %dma_wait3A_31 = arith.constant 0 : i32
    %dma_wait3A_32 = arith.constant 0 : i32
    %dma_wait3A_33 = tpu.memref_slice %arg11[%dma_wait3A_31, %dma_wait3A_32] : memref<10240x128xf32, #tpu.memory_space<vmem_shared>> -> memref<10240x128xf32, #tpu.memory_space<vmem_shared>>
    tpu.wait_indirect_dma semaphore(%arg13 : memref<!tpu.dma_semaphore, #tpu.memory_space<semaphore_mem>>) src(%arg8 : memref<80x128xf32, #tpu.memory_space<vmem>>) dst(%dma_wait3A_33 : memref<10240x128xf32, #tpu.memory_space<vmem_shared>>)
    %barrier3A_34 = arith.constant 0 : index
    tpu.barrier barrier_id(%barrier3A_34)
    %scan3A_35 = arith.constant 0 : i32
    %scan3A_36 = arith.constant 0 : i32
    %scan3A_37 = arith.constant 5 : i32
    %scan3A_38 = arith.addi %scan3A_36, %scan3A_37 : i32
    %scan3A_39 = arith.constant 1 : i32
    scf.for %scan3A_41 = %scan3A_36 to %scan3A_38 step %scan3A_39  : i32 {
      %mul3A_42 = arith.constant 128 : i32
      %mul3A_43 = arith.muli %scan3A_41, %mul3A_42 : i32
      %add3A_44 = arith.addi %mul3A_0, %mul3A_43 : i32
      "tpu.region"() ({
        %run_scoped3A = tpu.sem_alloc : memref<!tpu.dma_semaphore, #tpu.memory_space<semaphore_mem>>
        %dma_start3A_45 = arith.constant 0 : i32
        %dma_start3A_46 = tpu.memref_slice %arg11[%add3A_44, %dma_start3A_45] : memref<10240x128xf32, #tpu.memory_space<vmem_shared>> -> memref<128x128xf32, #tpu.memory_space<vmem_shared>>
        %dma_start3A_47 = arith.constant 0 : i32
        %dma_start3A_48 = tpu.memref_slice %arg11[%add3A_44, %dma_start3A_47] : memref<10240x128xf32, #tpu.memory_space<vmem_shared>> -> memref<128x128xf32, #tpu.memory_space<vmem_shared>>
        tpu.enqueue_dma source(%dma_start3A_48 : memref<128x128xf32, #tpu.memory_space<vmem_shared>>) target(%arg10 : memref<128x128xf32, #tpu.memory_space<vmem>>) target_semaphore(%run_scoped3A : memref<!tpu.dma_semaphore, #tpu.memory_space<semaphore_mem>>)
        %dma_wait3A_49 = arith.constant 0 : i32
        %dma_wait3A_50 = tpu.memref_slice %arg11[%add3A_44, %dma_wait3A_49] : memref<10240x128xf32, #tpu.memory_space<vmem_shared>> -> memref<128x128xf32, #tpu.memory_space<vmem_shared>>
        %dma_wait3A_51 = arith.constant 0 : i32
        %dma_wait3A_52 = tpu.memref_slice %arg11[%add3A_44, %dma_wait3A_51] : memref<10240x128xf32, #tpu.memory_space<vmem_shared>> -> memref<128x128xf32, #tpu.memory_space<vmem_shared>>
        tpu.wait_dma2 semaphore(%run_scoped3A : memref<!tpu.dma_semaphore, #tpu.memory_space<semaphore_mem>>) src(%dma_wait3A_52 : memref<128x128xf32, #tpu.memory_space<vmem_shared>>) dst(%arg10 : memref<128x128xf32, #tpu.memory_space<vmem>>)
        tpu.yield
      }) : () -> ()
      "tpu.region"() ({
        %run_scoped3A = tpu.sem_alloc : memref<!tpu.dma_semaphore, #tpu.memory_space<semaphore_mem>>
        %dma_start3A_45 = arith.constant 0 : i32
        %dma_start3A_46 = tpu.memref_slice %arg5[%arg0, %add3A_44, %dma_start3A_45] : memref<2x10240x128xf32, #tpu.memory_space<hbm>> -> memref<1x128x128xf32, #tpu.memory_space<hbm>>
        %dma_start3A_47 = tpu.memref_squeeze %dma_start3A_46 : memref<1x128x128xf32, #tpu.memory_space<hbm>> -> memref<128x128xf32, #tpu.memory_space<hbm>>
        %dma_start3A_48 = arith.constant 0 : i32
        %dma_start3A_49 = tpu.memref_slice %arg5[%arg0, %add3A_44, %dma_start3A_48] : memref<2x10240x128xf32, #tpu.memory_space<hbm>> -> memref<1x128x128xf32, #tpu.memory_space<hbm>>
        %dma_start3A_50 = tpu.memref_squeeze %dma_start3A_49 : memref<1x128x128xf32, #tpu.memory_space<hbm>> -> memref<128x128xf32, #tpu.memory_space<hbm>>
        tpu.enqueue_dma source(%arg10 : memref<128x128xf32, #tpu.memory_space<vmem>>) target(%dma_start3A_50 : memref<128x128xf32, #tpu.memory_space<hbm>>) target_semaphore(%run_scoped3A : memref<!tpu.dma_semaphore, #tpu.memory_space<semaphore_mem>>)
        %dma_wait3A_51 = arith.constant 0 : i32
        %dma_wait3A_52 = tpu.memref_slice %arg5[%arg0, %add3A_44, %dma_wait3A_51] : memref<2x10240x128xf32, #tpu.memory_space<hbm>> -> memref<1x128x128xf32, #tpu.memory_space<hbm>>
        %dma_wait3A_53 = tpu.memref_squeeze %dma_wait3A_52 : memref<1x128x128xf32, #tpu.memory_space<hbm>> -> memref<128x128xf32, #tpu.memory_space<hbm>>
        %dma_wait3A_54 = arith.constant 0 : i32
        %dma_wait3A_55 = tpu.memref_slice %arg5[%arg0, %add3A_44, %dma_wait3A_54] : memref<2x10240x128xf32, #tpu.memory_space<hbm>> -> memref<1x128x128xf32, #tpu.memory_space<hbm>>
        %dma_wait3A_56 = tpu.memref_squeeze %dma_wait3A_55 : memref<1x128x128xf32, #tpu.memory_space<hbm>> -> memref<128x128xf32, #tpu.memory_space<hbm>>
        tpu.wait_dma2 semaphore(%run_scoped3A : memref<!tpu.dma_semaphore, #tpu.memory_space<semaphore_mem>>) src(%arg10 : memref<128x128xf32, #tpu.memory_space<vmem>>) dst(%dma_wait3A_56 : memref<128x128xf32, #tpu.memory_space<hbm>>)
        tpu.yield
      }) : () -> ()
    }
    %scan3A_40 = arith.constant 5 : i32
    return
  }
}

#map = affine_map<(d0, d1) -> (0, 0)>
#map1 = affine_map<(d0, d1) -> (0)>
module attributes {stable_mosaic.version = 14 : i64} {
  func.func @gather_kernel(%arg0: i32, %arg1: i32, %arg2: memref<10000x128xf32, #tpu.memory_space<hbm>>, %arg3: memref<10000x128xf32, #tpu.memory_space<hbm>>, %arg4: memref<320000xi32, #tpu.memory_space<hbm>>, %arg5: memref<320000xi32, #tpu.memory_space<hbm>>, %arg6: memref<320000x128xf32, #tpu.memory_space<hbm>>, %arg7: memref<320000x128xf32, #tpu.memory_space<hbm>>, %arg8: memref<10000xi32, #tpu.memory_space<vmem>>, %arg9: memref<10000xi32, #tpu.memory_space<vmem>>, %arg10: memref<80x128xf32, #tpu.memory_space<vmem>>, %arg11: memref<80x128xf32, #tpu.memory_space<vmem>>, %arg12: memref<80x128xf32, #tpu.memory_space<vmem>>, %arg13: memref<80x128xf32, #tpu.memory_space<vmem>>, %arg14: memref<80x128xf32, #tpu.memory_space<vmem>>, %arg15: memref<80x128xf32, #tpu.memory_space<vmem>>, %arg16: memref<80x128xf32, #tpu.memory_space<vmem>>, %arg17: memref<80x128xf32, #tpu.memory_space<vmem>>, %arg18: memref<!tpu.dma_semaphore, #tpu.memory_space<semaphore_mem>>, %arg19: memref<!tpu.dma_semaphore, #tpu.memory_space<semaphore_mem>>) attributes {dimension_semantics = [#tpu.dimension_semantics<core_parallel>, #tpu.dimension_semantics<subcore_parallel>], iteration_bounds = array<i64: 2, 16>, scalar_prefetch = 0 : i64, scratch_operands = 12 : i64, tpu.core_type = #tpu.core_type<sc_vector_subcore>, window_params = [{transform_indices = #map}, {transform_indices = #map}, {transform_indices = #map1}, {transform_indices = #map1}, {transform_indices = #map}, {transform_indices = #map}]} {
    %mul3A = arith.constant 16 : i32
    %mul3A_0 = arith.muli %arg0, %mul3A : i32
    %add3A = arith.addi %mul3A_0, %arg1 : i32
    %mul3A_1 = arith.constant 10000 : i32
    %mul3A_2 = arith.muli %add3A, %mul3A_1 : i32
    "tpu.region"() ({
      %run_scoped3A = tpu.sem_alloc : memref<!tpu.dma_semaphore, #tpu.memory_space<semaphore_mem>>
      %dma_start3A_120 = tpu.memref_slice %arg4[%mul3A_2] : memref<320000xi32, #tpu.memory_space<hbm>> -> memref<10000xi32, #tpu.memory_space<hbm>>
      %dma_start3A_121 = tpu.memref_slice %arg4[%mul3A_2] : memref<320000xi32, #tpu.memory_space<hbm>> -> memref<10000xi32, #tpu.memory_space<hbm>>
      tpu.enqueue_dma source(%dma_start3A_121 : memref<10000xi32, #tpu.memory_space<hbm>>) target(%arg8 : memref<10000xi32, #tpu.memory_space<vmem>>) target_semaphore(%run_scoped3A : memref<!tpu.dma_semaphore, #tpu.memory_space<semaphore_mem>>)
      %dma_wait3A_122 = tpu.memref_slice %arg4[%mul3A_2] : memref<320000xi32, #tpu.memory_space<hbm>> -> memref<10000xi32, #tpu.memory_space<hbm>>
      %dma_wait3A_123 = tpu.memref_slice %arg4[%mul3A_2] : memref<320000xi32, #tpu.memory_space<hbm>> -> memref<10000xi32, #tpu.memory_space<hbm>>
      tpu.wait_dma2 semaphore(%run_scoped3A : memref<!tpu.dma_semaphore, #tpu.memory_space<semaphore_mem>>) src(%dma_wait3A_123 : memref<10000xi32, #tpu.memory_space<hbm>>) dst(%arg8 : memref<10000xi32, #tpu.memory_space<vmem>>)
      tpu.yield
    }) : () -> ()
    "tpu.region"() ({
      %run_scoped3A = tpu.sem_alloc : memref<!tpu.dma_semaphore, #tpu.memory_space<semaphore_mem>>
      %dma_start3A_120 = tpu.memref_slice %arg5[%mul3A_2] : memref<320000xi32, #tpu.memory_space<hbm>> -> memref<10000xi32, #tpu.memory_space<hbm>>
      %dma_start3A_121 = tpu.memref_slice %arg5[%mul3A_2] : memref<320000xi32, #tpu.memory_space<hbm>> -> memref<10000xi32, #tpu.memory_space<hbm>>
      tpu.enqueue_dma source(%dma_start3A_121 : memref<10000xi32, #tpu.memory_space<hbm>>) target(%arg9 : memref<10000xi32, #tpu.memory_space<vmem>>) target_semaphore(%run_scoped3A : memref<!tpu.dma_semaphore, #tpu.memory_space<semaphore_mem>>)
      %dma_wait3A_122 = tpu.memref_slice %arg5[%mul3A_2] : memref<320000xi32, #tpu.memory_space<hbm>> -> memref<10000xi32, #tpu.memory_space<hbm>>
      %dma_wait3A_123 = tpu.memref_slice %arg5[%mul3A_2] : memref<320000xi32, #tpu.memory_space<hbm>> -> memref<10000xi32, #tpu.memory_space<hbm>>
      tpu.wait_dma2 semaphore(%run_scoped3A : memref<!tpu.dma_semaphore, #tpu.memory_space<semaphore_mem>>) src(%dma_wait3A_123 : memref<10000xi32, #tpu.memory_space<hbm>>) dst(%arg9 : memref<10000xi32, #tpu.memory_space<vmem>>)
      tpu.yield
    }) : () -> ()
    %dma_start3A = arith.constant 0 : i32
    %dma_start3A_3 = tpu.memref_slice %arg8[%dma_start3A] : memref<10000xi32, #tpu.memory_space<vmem>> -> memref<80xi32, #tpu.memory_space<vmem>>
    %dma_start3A_4 = arith.constant 0 : i32
    %dma_start3A_5 = arith.constant 0 : i32
    %dma_start3A_6 = tpu.memref_slice %arg2[%dma_start3A_4, %dma_start3A_5] : memref<10000x128xf32, #tpu.memory_space<hbm>> -> memref<10000x128xf32, #tpu.memory_space<hbm>>
    tpu.enqueue_indirect_dma source(%dma_start3A_6 : memref<10000x128xf32, #tpu.memory_space<hbm>>) target(%arg10 : memref<80x128xf32, #tpu.memory_space<vmem>>) offsets(%dma_start3A_3 : memref<80xi32, #tpu.memory_space<vmem>>) semaphore(%arg18 : memref<!tpu.dma_semaphore, #tpu.memory_space<semaphore_mem>>)
    %dma_start3A_7 = arith.constant 0 : i32
    %dma_start3A_8 = tpu.memref_slice %arg9[%dma_start3A_7] : memref<10000xi32, #tpu.memory_space<vmem>> -> memref<80xi32, #tpu.memory_space<vmem>>
    %dma_start3A_9 = arith.constant 0 : i32
    %dma_start3A_10 = arith.constant 0 : i32
    %dma_start3A_11 = tpu.memref_slice %arg3[%dma_start3A_9, %dma_start3A_10] : memref<10000x128xf32, #tpu.memory_space<hbm>> -> memref<10000x128xf32, #tpu.memory_space<hbm>>
    tpu.enqueue_indirect_dma source(%dma_start3A_11 : memref<10000x128xf32, #tpu.memory_space<hbm>>) target(%arg11 : memref<80x128xf32, #tpu.memory_space<vmem>>) offsets(%dma_start3A_8 : memref<80xi32, #tpu.memory_space<vmem>>) semaphore(%arg18 : memref<!tpu.dma_semaphore, #tpu.memory_space<semaphore_mem>>)
    %dma_start3A_12 = arith.constant 80 : i32
    %dma_start3A_13 = tpu.memref_slice %arg8[%dma_start3A_12] : memref<10000xi32, #tpu.memory_space<vmem>> -> memref<80xi32, #tpu.memory_space<vmem>>
    %dma_start3A_14 = arith.constant 0 : i32
    %dma_start3A_15 = arith.constant 0 : i32
    %dma_start3A_16 = tpu.memref_slice %arg2[%dma_start3A_14, %dma_start3A_15] : memref<10000x128xf32, #tpu.memory_space<hbm>> -> memref<10000x128xf32, #tpu.memory_space<hbm>>
    tpu.enqueue_indirect_dma source(%dma_start3A_16 : memref<10000x128xf32, #tpu.memory_space<hbm>>) target(%arg12 : memref<80x128xf32, #tpu.memory_space<vmem>>) offsets(%dma_start3A_13 : memref<80xi32, #tpu.memory_space<vmem>>) semaphore(%arg18 : memref<!tpu.dma_semaphore, #tpu.memory_space<semaphore_mem>>)
    %dma_start3A_17 = arith.constant 80 : i32
    %dma_start3A_18 = tpu.memref_slice %arg9[%dma_start3A_17] : memref<10000xi32, #tpu.memory_space<vmem>> -> memref<80xi32, #tpu.memory_space<vmem>>
    %dma_start3A_19 = arith.constant 0 : i32
    %dma_start3A_20 = arith.constant 0 : i32
    %dma_start3A_21 = tpu.memref_slice %arg3[%dma_start3A_19, %dma_start3A_20] : memref<10000x128xf32, #tpu.memory_space<hbm>> -> memref<10000x128xf32, #tpu.memory_space<hbm>>
    tpu.enqueue_indirect_dma source(%dma_start3A_21 : memref<10000x128xf32, #tpu.memory_space<hbm>>) target(%arg13 : memref<80x128xf32, #tpu.memory_space<vmem>>) offsets(%dma_start3A_18 : memref<80xi32, #tpu.memory_space<vmem>>) semaphore(%arg18 : memref<!tpu.dma_semaphore, #tpu.memory_space<semaphore_mem>>)
    %dma_wait3A = arith.constant 0 : i32
    %dma_wait3A_22 = tpu.memref_slice %arg8[%dma_wait3A] : memref<10000xi32, #tpu.memory_space<vmem>> -> memref<80xi32, #tpu.memory_space<vmem>>
    %dma_wait3A_23 = arith.constant 0 : i32
    %dma_wait3A_24 = arith.constant 0 : i32
    %dma_wait3A_25 = tpu.memref_slice %arg2[%dma_wait3A_23, %dma_wait3A_24] : memref<10000x128xf32, #tpu.memory_space<hbm>> -> memref<10000x128xf32, #tpu.memory_space<hbm>>
    tpu.wait_indirect_dma semaphore(%arg18 : memref<!tpu.dma_semaphore, #tpu.memory_space<semaphore_mem>>) src(%dma_wait3A_25 : memref<10000x128xf32, #tpu.memory_space<hbm>>) dst(%arg10 : memref<80x128xf32, #tpu.memory_space<vmem>>)
    %dma_wait3A_26 = arith.constant 0 : i32
    %dma_wait3A_27 = tpu.memref_slice %arg9[%dma_wait3A_26] : memref<10000xi32, #tpu.memory_space<vmem>> -> memref<80xi32, #tpu.memory_space<vmem>>
    %dma_wait3A_28 = arith.constant 0 : i32
    %dma_wait3A_29 = arith.constant 0 : i32
    %dma_wait3A_30 = tpu.memref_slice %arg3[%dma_wait3A_28, %dma_wait3A_29] : memref<10000x128xf32, #tpu.memory_space<hbm>> -> memref<10000x128xf32, #tpu.memory_space<hbm>>
    tpu.wait_indirect_dma semaphore(%arg18 : memref<!tpu.dma_semaphore, #tpu.memory_space<semaphore_mem>>) src(%dma_wait3A_30 : memref<10000x128xf32, #tpu.memory_space<hbm>>) dst(%arg11 : memref<80x128xf32, #tpu.memory_space<vmem>>)
    %dma_wait3A_31 = arith.constant 80 : i32
    %dma_wait3A_32 = tpu.memref_slice %arg8[%dma_wait3A_31] : memref<10000xi32, #tpu.memory_space<vmem>> -> memref<80xi32, #tpu.memory_space<vmem>>
    %dma_wait3A_33 = arith.constant 0 : i32
    %dma_wait3A_34 = arith.constant 0 : i32
    %dma_wait3A_35 = tpu.memref_slice %arg2[%dma_wait3A_33, %dma_wait3A_34] : memref<10000x128xf32, #tpu.memory_space<hbm>> -> memref<10000x128xf32, #tpu.memory_space<hbm>>
    tpu.wait_indirect_dma semaphore(%arg18 : memref<!tpu.dma_semaphore, #tpu.memory_space<semaphore_mem>>) src(%dma_wait3A_35 : memref<10000x128xf32, #tpu.memory_space<hbm>>) dst(%arg12 : memref<80x128xf32, #tpu.memory_space<vmem>>)
    %dma_wait3A_36 = arith.constant 80 : i32
    %dma_wait3A_37 = tpu.memref_slice %arg9[%dma_wait3A_36] : memref<10000xi32, #tpu.memory_space<vmem>> -> memref<80xi32, #tpu.memory_space<vmem>>
    %dma_wait3A_38 = arith.constant 0 : i32
    %dma_wait3A_39 = arith.constant 0 : i32
    %dma_wait3A_40 = tpu.memref_slice %arg3[%dma_wait3A_38, %dma_wait3A_39] : memref<10000x128xf32, #tpu.memory_space<hbm>> -> memref<10000x128xf32, #tpu.memory_space<hbm>>
    tpu.wait_indirect_dma semaphore(%arg18 : memref<!tpu.dma_semaphore, #tpu.memory_space<semaphore_mem>>) src(%dma_wait3A_40 : memref<10000x128xf32, #tpu.memory_space<hbm>>) dst(%arg13 : memref<80x128xf32, #tpu.memory_space<vmem>>)
    %add3A_41 = arith.constant 160 : i32
    %add3A_42 = arith.addi %mul3A_2, %add3A_41 : i32
    %dma_start3A_43 = arith.constant 0 : i32
    %dma_start3A_44 = tpu.memref_slice %arg6[%add3A_42, %dma_start3A_43] : memref<320000x128xf32, #tpu.memory_space<hbm>> -> memref<80x128xf32, #tpu.memory_space<hbm>>
    %dma_start3A_45 = arith.constant 0 : i32
    %dma_start3A_46 = tpu.memref_slice %arg6[%add3A_42, %dma_start3A_45] : memref<320000x128xf32, #tpu.memory_space<hbm>> -> memref<80x128xf32, #tpu.memory_space<hbm>>
    tpu.enqueue_dma source(%arg14 : memref<80x128xf32, #tpu.memory_space<vmem>>) target(%dma_start3A_46 : memref<80x128xf32, #tpu.memory_space<hbm>>) target_semaphore(%arg19 : memref<!tpu.dma_semaphore, #tpu.memory_space<semaphore_mem>>)
    %dma_start3A_47 = arith.constant 0 : i32
    %dma_start3A_48 = tpu.memref_slice %arg7[%add3A_42, %dma_start3A_47] : memref<320000x128xf32, #tpu.memory_space<hbm>> -> memref<80x128xf32, #tpu.memory_space<hbm>>
    %dma_start3A_49 = arith.constant 0 : i32
    %dma_start3A_50 = tpu.memref_slice %arg7[%add3A_42, %dma_start3A_49] : memref<320000x128xf32, #tpu.memory_space<hbm>> -> memref<80x128xf32, #tpu.memory_space<hbm>>
    tpu.enqueue_dma source(%arg15 : memref<80x128xf32, #tpu.memory_space<vmem>>) target(%dma_start3A_50 : memref<80x128xf32, #tpu.memory_space<hbm>>) target_semaphore(%arg19 : memref<!tpu.dma_semaphore, #tpu.memory_space<semaphore_mem>>)
    %add3A_51 = arith.constant 240 : i32
    %add3A_52 = arith.addi %mul3A_2, %add3A_51 : i32
    %dma_start3A_53 = arith.constant 0 : i32
    %dma_start3A_54 = tpu.memref_slice %arg6[%add3A_52, %dma_start3A_53] : memref<320000x128xf32, #tpu.memory_space<hbm>> -> memref<80x128xf32, #tpu.memory_space<hbm>>
    %dma_start3A_55 = arith.constant 0 : i32
    %dma_start3A_56 = tpu.memref_slice %arg6[%add3A_52, %dma_start3A_55] : memref<320000x128xf32, #tpu.memory_space<hbm>> -> memref<80x128xf32, #tpu.memory_space<hbm>>
    tpu.enqueue_dma source(%arg16 : memref<80x128xf32, #tpu.memory_space<vmem>>) target(%dma_start3A_56 : memref<80x128xf32, #tpu.memory_space<hbm>>) target_semaphore(%arg19 : memref<!tpu.dma_semaphore, #tpu.memory_space<semaphore_mem>>)
    %dma_start3A_57 = arith.constant 0 : i32
    %dma_start3A_58 = tpu.memref_slice %arg7[%add3A_52, %dma_start3A_57] : memref<320000x128xf32, #tpu.memory_space<hbm>> -> memref<80x128xf32, #tpu.memory_space<hbm>>
    %dma_start3A_59 = arith.constant 0 : i32
    %dma_start3A_60 = tpu.memref_slice %arg7[%add3A_52, %dma_start3A_59] : memref<320000x128xf32, #tpu.memory_space<hbm>> -> memref<80x128xf32, #tpu.memory_space<hbm>>
    tpu.enqueue_dma source(%arg17 : memref<80x128xf32, #tpu.memory_space<vmem>>) target(%dma_start3A_60 : memref<80x128xf32, #tpu.memory_space<hbm>>) target_semaphore(%arg19 : memref<!tpu.dma_semaphore, #tpu.memory_space<semaphore_mem>>)
    %scan3A = arith.constant 0 : i32
    %scan3A_61 = arith.constant 0 : i32
    %scan3A_62 = arith.constant 31 : i32
    %scan3A_63 = arith.addi %scan3A_61, %scan3A_62 : i32
    %scan3A_64 = arith.constant 1 : i32
    scf.for %scan3A_120 = %scan3A_61 to %scan3A_63 step %scan3A_64  : i32 {
      %mul3A_121 = arith.constant 2 : i32
      %mul3A_122 = arith.muli %scan3A_120, %mul3A_121 : i32
      %mul3A_123 = arith.constant 2 : i32
      %mul3A_124 = arith.muli %mul3A_122, %mul3A_123 : i32
      %add3A_125 = arith.constant 2 : i32
      %add3A_126 = arith.addi %mul3A_124, %add3A_125 : i32
      %dma_wait3A_127 = arith.constant 0 : i32
      %dma_wait3A_128 = tpu.memref_slice %arg6[%mul3A_2, %dma_wait3A_127] : memref<320000x128xf32, #tpu.memory_space<hbm>> -> memref<80x128xf32, #tpu.memory_space<hbm>>
      %dma_wait3A_129 = arith.constant 0 : i32
      %dma_wait3A_130 = tpu.memref_slice %arg6[%mul3A_2, %dma_wait3A_129] : memref<320000x128xf32, #tpu.memory_space<hbm>> -> memref<80x128xf32, #tpu.memory_space<hbm>>
      tpu.wait_dma2 semaphore(%arg19 : memref<!tpu.dma_semaphore, #tpu.memory_space<semaphore_mem>>) src(%arg14 : memref<80x128xf32, #tpu.memory_space<vmem>>) dst(%dma_wait3A_130 : memref<80x128xf32, #tpu.memory_space<hbm>>)
      %dma_wait3A_131 = arith.constant 0 : i32
      %dma_wait3A_132 = tpu.memref_slice %arg6[%mul3A_2, %dma_wait3A_131] : memref<320000x128xf32, #tpu.memory_space<hbm>> -> memref<80x128xf32, #tpu.memory_space<hbm>>
      %dma_wait3A_133 = arith.constant 0 : i32
      %dma_wait3A_134 = tpu.memref_slice %arg6[%mul3A_2, %dma_wait3A_133] : memref<320000x128xf32, #tpu.memory_space<hbm>> -> memref<80x128xf32, #tpu.memory_space<hbm>>
      tpu.wait_dma2 semaphore(%arg19 : memref<!tpu.dma_semaphore, #tpu.memory_space<semaphore_mem>>) src(%arg14 : memref<80x128xf32, #tpu.memory_space<vmem>>) dst(%dma_wait3A_134 : memref<80x128xf32, #tpu.memory_space<hbm>>)
      %dma_wait3A_135 = arith.constant 0 : i32
      %dma_wait3A_136 = tpu.memref_slice %arg6[%mul3A_2, %dma_wait3A_135] : memref<320000x128xf32, #tpu.memory_space<hbm>> -> memref<80x128xf32, #tpu.memory_space<hbm>>
      %dma_wait3A_137 = arith.constant 0 : i32
      %dma_wait3A_138 = tpu.memref_slice %arg6[%mul3A_2, %dma_wait3A_137] : memref<320000x128xf32, #tpu.memory_space<hbm>> -> memref<80x128xf32, #tpu.memory_space<hbm>>
      tpu.wait_dma2 semaphore(%arg19 : memref<!tpu.dma_semaphore, #tpu.memory_space<semaphore_mem>>) src(%arg14 : memref<80x128xf32, #tpu.memory_space<vmem>>) dst(%dma_wait3A_138 : memref<80x128xf32, #tpu.memory_space<hbm>>)
      %dma_wait3A_139 = arith.constant 0 : i32
      %dma_wait3A_140 = tpu.memref_slice %arg6[%mul3A_2, %dma_wait3A_139] : memref<320000x128xf32, #tpu.memory_space<hbm>> -> memref<80x128xf32, #tpu.memory_space<hbm>>
      %dma_wait3A_141 = arith.constant 0 : i32
      %dma_wait3A_142 = tpu.memref_slice %arg6[%mul3A_2, %dma_wait3A_141] : memref<320000x128xf32, #tpu.memory_space<hbm>> -> memref<80x128xf32, #tpu.memory_space<hbm>>
      tpu.wait_dma2 semaphore(%arg19 : memref<!tpu.dma_semaphore, #tpu.memory_space<semaphore_mem>>) src(%arg14 : memref<80x128xf32, #tpu.memory_space<vmem>>) dst(%dma_wait3A_142 : memref<80x128xf32, #tpu.memory_space<hbm>>)
      %add3A_143 = arith.constant 0 : i32
      %add3A_144 = arith.addi %mul3A_124, %add3A_143 : i32
      %mul3A_145 = arith.constant 80 : i32
      %mul3A_146 = arith.muli %add3A_144, %mul3A_145 : i32
      %add3A_147 = arith.addi %mul3A_2, %mul3A_146 : i32
      %dma_start3A_148 = arith.constant 0 : i32
      %dma_start3A_149 = tpu.memref_slice %arg6[%add3A_147, %dma_start3A_148] : memref<320000x128xf32, #tpu.memory_space<hbm>> -> memref<80x128xf32, #tpu.memory_space<hbm>>
      %dma_start3A_150 = arith.constant 0 : i32
      %dma_start3A_151 = tpu.memref_slice %arg6[%add3A_147, %dma_start3A_150] : memref<320000x128xf32, #tpu.memory_space<hbm>> -> memref<80x128xf32, #tpu.memory_space<hbm>>
      tpu.enqueue_dma source(%arg10 : memref<80x128xf32, #tpu.memory_space<vmem>>) target(%dma_start3A_151 : memref<80x128xf32, #tpu.memory_space<hbm>>) target_semaphore(%arg19 : memref<!tpu.dma_semaphore, #tpu.memory_space<semaphore_mem>>)
      %dma_start3A_152 = arith.constant 0 : i32
      %dma_start3A_153 = tpu.memref_slice %arg7[%add3A_147, %dma_start3A_152] : memref<320000x128xf32, #tpu.memory_space<hbm>> -> memref<80x128xf32, #tpu.memory_space<hbm>>
      %dma_start3A_154 = arith.constant 0 : i32
      %dma_start3A_155 = tpu.memref_slice %arg7[%add3A_147, %dma_start3A_154] : memref<320000x128xf32, #tpu.memory_space<hbm>> -> memref<80x128xf32, #tpu.memory_space<hbm>>
      tpu.enqueue_dma source(%arg11 : memref<80x128xf32, #tpu.memory_space<vmem>>) target(%dma_start3A_155 : memref<80x128xf32, #tpu.memory_space<hbm>>) target_semaphore(%arg19 : memref<!tpu.dma_semaphore, #tpu.memory_space<semaphore_mem>>)
      %add3A_156 = arith.constant 1 : i32
      %add3A_157 = arith.addi %mul3A_124, %add3A_156 : i32
      %mul3A_158 = arith.constant 80 : i32
      %mul3A_159 = arith.muli %add3A_157, %mul3A_158 : i32
      %add3A_160 = arith.addi %mul3A_2, %mul3A_159 : i32
      %dma_start3A_161 = arith.constant 0 : i32
      %dma_start3A_162 = tpu.memref_slice %arg6[%add3A_160, %dma_start3A_161] : memref<320000x128xf32, #tpu.memory_space<hbm>> -> memref<80x128xf32, #tpu.memory_space<hbm>>
      %dma_start3A_163 = arith.constant 0 : i32
      %dma_start3A_164 = tpu.memref_slice %arg6[%add3A_160, %dma_start3A_163] : memref<320000x128xf32, #tpu.memory_space<hbm>> -> memref<80x128xf32, #tpu.memory_space<hbm>>
      tpu.enqueue_dma source(%arg12 : memref<80x128xf32, #tpu.memory_space<vmem>>) target(%dma_start3A_164 : memref<80x128xf32, #tpu.memory_space<hbm>>) target_semaphore(%arg19 : memref<!tpu.dma_semaphore, #tpu.memory_space<semaphore_mem>>)
      %dma_start3A_165 = arith.constant 0 : i32
      %dma_start3A_166 = tpu.memref_slice %arg7[%add3A_160, %dma_start3A_165] : memref<320000x128xf32, #tpu.memory_space<hbm>> -> memref<80x128xf32, #tpu.memory_space<hbm>>
      %dma_start3A_167 = arith.constant 0 : i32
      %dma_start3A_168 = tpu.memref_slice %arg7[%add3A_160, %dma_start3A_167] : memref<320000x128xf32, #tpu.memory_space<hbm>> -> memref<80x128xf32, #tpu.memory_space<hbm>>
      tpu.enqueue_dma source(%arg13 : memref<80x128xf32, #tpu.memory_space<vmem>>) target(%dma_start3A_168 : memref<80x128xf32, #tpu.memory_space<hbm>>) target_semaphore(%arg19 : memref<!tpu.dma_semaphore, #tpu.memory_space<semaphore_mem>>)
      %add3A_169 = arith.constant 0 : i32
      %add3A_170 = arith.addi %add3A_126, %add3A_169 : i32
      %mul3A_171 = arith.constant 80 : i32
      %mul3A_172 = arith.muli %add3A_170, %mul3A_171 : i32
      %dma_start3A_173 = tpu.memref_slice %arg8[%mul3A_172] : memref<10000xi32, #tpu.memory_space<vmem>> -> memref<80xi32, #tpu.memory_space<vmem>>
      %dma_start3A_174 = arith.constant 0 : i32
      %dma_start3A_175 = arith.constant 0 : i32
      %dma_start3A_176 = tpu.memref_slice %arg2[%dma_start3A_174, %dma_start3A_175] : memref<10000x128xf32, #tpu.memory_space<hbm>> -> memref<10000x128xf32, #tpu.memory_space<hbm>>
      tpu.enqueue_indirect_dma source(%dma_start3A_176 : memref<10000x128xf32, #tpu.memory_space<hbm>>) target(%arg14 : memref<80x128xf32, #tpu.memory_space<vmem>>) offsets(%dma_start3A_173 : memref<80xi32, #tpu.memory_space<vmem>>) semaphore(%arg18 : memref<!tpu.dma_semaphore, #tpu.memory_space<semaphore_mem>>)
      %dma_start3A_177 = tpu.memref_slice %arg9[%mul3A_172] : memref<10000xi32, #tpu.memory_space<vmem>> -> memref<80xi32, #tpu.memory_space<vmem>>
      %dma_start3A_178 = arith.constant 0 : i32
      %dma_start3A_179 = arith.constant 0 : i32
      %dma_start3A_180 = tpu.memref_slice %arg3[%dma_start3A_178, %dma_start3A_179] : memref<10000x128xf32, #tpu.memory_space<hbm>> -> memref<10000x128xf32, #tpu.memory_space<hbm>>
      tpu.enqueue_indirect_dma source(%dma_start3A_180 : memref<10000x128xf32, #tpu.memory_space<hbm>>) target(%arg15 : memref<80x128xf32, #tpu.memory_space<vmem>>) offsets(%dma_start3A_177 : memref<80xi32, #tpu.memory_space<vmem>>) semaphore(%arg18 : memref<!tpu.dma_semaphore, #tpu.memory_space<semaphore_mem>>)
      %add3A_181 = arith.constant 1 : i32
      %add3A_182 = arith.addi %add3A_126, %add3A_181 : i32
      %mul3A_183 = arith.constant 80 : i32
      %mul3A_184 = arith.muli %add3A_182, %mul3A_183 : i32
      %dma_start3A_185 = tpu.memref_slice %arg8[%mul3A_184] : memref<10000xi32, #tpu.memory_space<vmem>> -> memref<80xi32, #tpu.memory_space<vmem>>
      %dma_start3A_186 = arith.constant 0 : i32
      %dma_start3A_187 = arith.constant 0 : i32
      %dma_start3A_188 = tpu.memref_slice %arg2[%dma_start3A_186, %dma_start3A_187] : memref<10000x128xf32, #tpu.memory_space<hbm>> -> memref<10000x128xf32, #tpu.memory_space<hbm>>
      tpu.enqueue_indirect_dma source(%dma_start3A_188 : memref<10000x128xf32, #tpu.memory_space<hbm>>) target(%arg16 : memref<80x128xf32, #tpu.memory_space<vmem>>) offsets(%dma_start3A_185 : memref<80xi32, #tpu.memory_space<vmem>>) semaphore(%arg18 : memref<!tpu.dma_semaphore, #tpu.memory_space<semaphore_mem>>)
      %dma_start3A_189 = tpu.memref_slice %arg9[%mul3A_184] : memref<10000xi32, #tpu.memory_space<vmem>> -> memref<80xi32, #tpu.memory_space<vmem>>
      %dma_start3A_190 = arith.constant 0 : i32
      %dma_start3A_191 = arith.constant 0 : i32
      %dma_start3A_192 = tpu.memref_slice %arg3[%dma_start3A_190, %dma_start3A_191] : memref<10000x128xf32, #tpu.memory_space<hbm>> -> memref<10000x128xf32, #tpu.memory_space<hbm>>
      tpu.enqueue_indirect_dma source(%dma_start3A_192 : memref<10000x128xf32, #tpu.memory_space<hbm>>) target(%arg17 : memref<80x128xf32, #tpu.memory_space<vmem>>) offsets(%dma_start3A_189 : memref<80xi32, #tpu.memory_space<vmem>>) semaphore(%arg18 : memref<!tpu.dma_semaphore, #tpu.memory_space<semaphore_mem>>)
      %dma_wait3A_193 = tpu.memref_slice %arg8[%mul3A_172] : memref<10000xi32, #tpu.memory_space<vmem>> -> memref<80xi32, #tpu.memory_space<vmem>>
      %dma_wait3A_194 = arith.constant 0 : i32
      %dma_wait3A_195 = arith.constant 0 : i32
      %dma_wait3A_196 = tpu.memref_slice %arg2[%dma_wait3A_194, %dma_wait3A_195] : memref<10000x128xf32, #tpu.memory_space<hbm>> -> memref<10000x128xf32, #tpu.memory_space<hbm>>
      tpu.wait_indirect_dma semaphore(%arg18 : memref<!tpu.dma_semaphore, #tpu.memory_space<semaphore_mem>>) src(%dma_wait3A_196 : memref<10000x128xf32, #tpu.memory_space<hbm>>) dst(%arg14 : memref<80x128xf32, #tpu.memory_space<vmem>>)
      %dma_wait3A_197 = tpu.memref_slice %arg9[%mul3A_172] : memref<10000xi32, #tpu.memory_space<vmem>> -> memref<80xi32, #tpu.memory_space<vmem>>
      %dma_wait3A_198 = arith.constant 0 : i32
      %dma_wait3A_199 = arith.constant 0 : i32
      %dma_wait3A_200 = tpu.memref_slice %arg3[%dma_wait3A_198, %dma_wait3A_199] : memref<10000x128xf32, #tpu.memory_space<hbm>> -> memref<10000x128xf32, #tpu.memory_space<hbm>>
      tpu.wait_indirect_dma semaphore(%arg18 : memref<!tpu.dma_semaphore, #tpu.memory_space<semaphore_mem>>) src(%dma_wait3A_200 : memref<10000x128xf32, #tpu.memory_space<hbm>>) dst(%arg15 : memref<80x128xf32, #tpu.memory_space<vmem>>)
      %dma_wait3A_201 = tpu.memref_slice %arg8[%mul3A_184] : memref<10000xi32, #tpu.memory_space<vmem>> -> memref<80xi32, #tpu.memory_space<vmem>>
      %dma_wait3A_202 = arith.constant 0 : i32
      %dma_wait3A_203 = arith.constant 0 : i32
      %dma_wait3A_204 = tpu.memref_slice %arg2[%dma_wait3A_202, %dma_wait3A_203] : memref<10000x128xf32, #tpu.memory_space<hbm>> -> memref<10000x128xf32, #tpu.memory_space<hbm>>
      tpu.wait_indirect_dma semaphore(%arg18 : memref<!tpu.dma_semaphore, #tpu.memory_space<semaphore_mem>>) src(%dma_wait3A_204 : memref<10000x128xf32, #tpu.memory_space<hbm>>) dst(%arg16 : memref<80x128xf32, #tpu.memory_space<vmem>>)
      %dma_wait3A_205 = tpu.memref_slice %arg9[%mul3A_184] : memref<10000xi32, #tpu.memory_space<vmem>> -> memref<80xi32, #tpu.memory_space<vmem>>
      %dma_wait3A_206 = arith.constant 0 : i32
      %dma_wait3A_207 = arith.constant 0 : i32
      %dma_wait3A_208 = tpu.memref_slice %arg3[%dma_wait3A_206, %dma_wait3A_207] : memref<10000x128xf32, #tpu.memory_space<hbm>> -> memref<10000x128xf32, #tpu.memory_space<hbm>>
      tpu.wait_indirect_dma semaphore(%arg18 : memref<!tpu.dma_semaphore, #tpu.memory_space<semaphore_mem>>) src(%dma_wait3A_208 : memref<10000x128xf32, #tpu.memory_space<hbm>>) dst(%arg17 : memref<80x128xf32, #tpu.memory_space<vmem>>)
      %dma_wait3A_209 = arith.constant 0 : i32
      %dma_wait3A_210 = tpu.memref_slice %arg6[%add3A_147, %dma_wait3A_209] : memref<320000x128xf32, #tpu.memory_space<hbm>> -> memref<80x128xf32, #tpu.memory_space<hbm>>
      %dma_wait3A_211 = arith.constant 0 : i32
      %dma_wait3A_212 = tpu.memref_slice %arg6[%add3A_147, %dma_wait3A_211] : memref<320000x128xf32, #tpu.memory_space<hbm>> -> memref<80x128xf32, #tpu.memory_space<hbm>>
      tpu.wait_dma2 semaphore(%arg19 : memref<!tpu.dma_semaphore, #tpu.memory_space<semaphore_mem>>) src(%arg10 : memref<80x128xf32, #tpu.memory_space<vmem>>) dst(%dma_wait3A_212 : memref<80x128xf32, #tpu.memory_space<hbm>>)
      %dma_wait3A_213 = arith.constant 0 : i32
      %dma_wait3A_214 = tpu.memref_slice %arg7[%add3A_147, %dma_wait3A_213] : memref<320000x128xf32, #tpu.memory_space<hbm>> -> memref<80x128xf32, #tpu.memory_space<hbm>>
      %dma_wait3A_215 = arith.constant 0 : i32
      %dma_wait3A_216 = tpu.memref_slice %arg7[%add3A_147, %dma_wait3A_215] : memref<320000x128xf32, #tpu.memory_space<hbm>> -> memref<80x128xf32, #tpu.memory_space<hbm>>
      tpu.wait_dma2 semaphore(%arg19 : memref<!tpu.dma_semaphore, #tpu.memory_space<semaphore_mem>>) src(%arg11 : memref<80x128xf32, #tpu.memory_space<vmem>>) dst(%dma_wait3A_216 : memref<80x128xf32, #tpu.memory_space<hbm>>)
      %dma_wait3A_217 = arith.constant 0 : i32
      %dma_wait3A_218 = tpu.memref_slice %arg6[%add3A_160, %dma_wait3A_217] : memref<320000x128xf32, #tpu.memory_space<hbm>> -> memref<80x128xf32, #tpu.memory_space<hbm>>
      %dma_wait3A_219 = arith.constant 0 : i32
      %dma_wait3A_220 = tpu.memref_slice %arg6[%add3A_160, %dma_wait3A_219] : memref<320000x128xf32, #tpu.memory_space<hbm>> -> memref<80x128xf32, #tpu.memory_space<hbm>>
      tpu.wait_dma2 semaphore(%arg19 : memref<!tpu.dma_semaphore, #tpu.memory_space<semaphore_mem>>) src(%arg12 : memref<80x128xf32, #tpu.memory_space<vmem>>) dst(%dma_wait3A_220 : memref<80x128xf32, #tpu.memory_space<hbm>>)
      %dma_wait3A_221 = arith.constant 0 : i32
      %dma_wait3A_222 = tpu.memref_slice %arg7[%add3A_160, %dma_wait3A_221] : memref<320000x128xf32, #tpu.memory_space<hbm>> -> memref<80x128xf32, #tpu.memory_space<hbm>>
      %dma_wait3A_223 = arith.constant 0 : i32
      %dma_wait3A_224 = tpu.memref_slice %arg7[%add3A_160, %dma_wait3A_223] : memref<320000x128xf32, #tpu.memory_space<hbm>> -> memref<80x128xf32, #tpu.memory_space<hbm>>
      tpu.wait_dma2 semaphore(%arg19 : memref<!tpu.dma_semaphore, #tpu.memory_space<semaphore_mem>>) src(%arg13 : memref<80x128xf32, #tpu.memory_space<vmem>>) dst(%dma_wait3A_224 : memref<80x128xf32, #tpu.memory_space<hbm>>)
      %add3A_225 = arith.constant 0 : i32
      %add3A_226 = arith.addi %add3A_126, %add3A_225 : i32
      %mul3A_227 = arith.constant 80 : i32
      %mul3A_228 = arith.muli %add3A_226, %mul3A_227 : i32
      %add3A_229 = arith.addi %mul3A_2, %mul3A_228 : i32
      %dma_start3A_230 = arith.constant 0 : i32
      %dma_start3A_231 = tpu.memref_slice %arg6[%add3A_229, %dma_start3A_230] : memref<320000x128xf32, #tpu.memory_space<hbm>> -> memref<80x128xf32, #tpu.memory_space<hbm>>
      %dma_start3A_232 = arith.constant 0 : i32
      %dma_start3A_233 = tpu.memref_slice %arg6[%add3A_229, %dma_start3A_232] : memref<320000x128xf32, #tpu.memory_space<hbm>> -> memref<80x128xf32, #tpu.memory_space<hbm>>
      tpu.enqueue_dma source(%arg14 : memref<80x128xf32, #tpu.memory_space<vmem>>) target(%dma_start3A_233 : memref<80x128xf32, #tpu.memory_space<hbm>>) target_semaphore(%arg19 : memref<!tpu.dma_semaphore, #tpu.memory_space<semaphore_mem>>)
      %dma_start3A_234 = arith.constant 0 : i32
      %dma_start3A_235 = tpu.memref_slice %arg7[%add3A_229, %dma_start3A_234] : memref<320000x128xf32, #tpu.memory_space<hbm>> -> memref<80x128xf32, #tpu.memory_space<hbm>>
      %dma_start3A_236 = arith.constant 0 : i32
      %dma_start3A_237 = tpu.memref_slice %arg7[%add3A_229, %dma_start3A_236] : memref<320000x128xf32, #tpu.memory_space<hbm>> -> memref<80x128xf32, #tpu.memory_space<hbm>>
      tpu.enqueue_dma source(%arg15 : memref<80x128xf32, #tpu.memory_space<vmem>>) target(%dma_start3A_237 : memref<80x128xf32, #tpu.memory_space<hbm>>) target_semaphore(%arg19 : memref<!tpu.dma_semaphore, #tpu.memory_space<semaphore_mem>>)
      %add3A_238 = arith.constant 1 : i32
      %add3A_239 = arith.addi %add3A_126, %add3A_238 : i32
      %mul3A_240 = arith.constant 80 : i32
      %mul3A_241 = arith.muli %add3A_239, %mul3A_240 : i32
      %add3A_242 = arith.addi %mul3A_2, %mul3A_241 : i32
      %dma_start3A_243 = arith.constant 0 : i32
      %dma_start3A_244 = tpu.memref_slice %arg6[%add3A_242, %dma_start3A_243] : memref<320000x128xf32, #tpu.memory_space<hbm>> -> memref<80x128xf32, #tpu.memory_space<hbm>>
      %dma_start3A_245 = arith.constant 0 : i32
      %dma_start3A_246 = tpu.memref_slice %arg6[%add3A_242, %dma_start3A_245] : memref<320000x128xf32, #tpu.memory_space<hbm>> -> memref<80x128xf32, #tpu.memory_space<hbm>>
      tpu.enqueue_dma source(%arg16 : memref<80x128xf32, #tpu.memory_space<vmem>>) target(%dma_start3A_246 : memref<80x128xf32, #tpu.memory_space<hbm>>) target_semaphore(%arg19 : memref<!tpu.dma_semaphore, #tpu.memory_space<semaphore_mem>>)
      %dma_start3A_247 = arith.constant 0 : i32
      %dma_start3A_248 = tpu.memref_slice %arg7[%add3A_242, %dma_start3A_247] : memref<320000x128xf32, #tpu.memory_space<hbm>> -> memref<80x128xf32, #tpu.memory_space<hbm>>
      %dma_start3A_249 = arith.constant 0 : i32
      %dma_start3A_250 = tpu.memref_slice %arg7[%add3A_242, %dma_start3A_249] : memref<320000x128xf32, #tpu.memory_space<hbm>> -> memref<80x128xf32, #tpu.memory_space<hbm>>
      tpu.enqueue_dma source(%arg17 : memref<80x128xf32, #tpu.memory_space<vmem>>) target(%dma_start3A_250 : memref<80x128xf32, #tpu.memory_space<hbm>>) target_semaphore(%arg19 : memref<!tpu.dma_semaphore, #tpu.memory_space<semaphore_mem>>)
      %lt3A = arith.constant 30 : i32
      %lt3A_251 = arith.cmpi slt, %scan3A_120, %lt3A : i32
      %convert_element_type3A = arith.extui %lt3A_251 : i1 to i32
      %cond3A = arith.constant 0 : i32
      %cond3A_252 = arith.cmpi ne, %convert_element_type3A, %cond3A : i32
      scf.if %cond3A_252 {
        %add3A_253 = arith.constant 4 : i32
        %add3A_254 = arith.addi %mul3A_124, %add3A_253 : i32
        %add3A_255 = arith.constant 0 : i32
        %add3A_256 = arith.addi %add3A_254, %add3A_255 : i32
        %mul3A_257 = arith.constant 80 : i32
        %mul3A_258 = arith.muli %add3A_256, %mul3A_257 : i32
        %dma_start3A_259 = tpu.memref_slice %arg8[%mul3A_258] : memref<10000xi32, #tpu.memory_space<vmem>> -> memref<80xi32, #tpu.memory_space<vmem>>
        %dma_start3A_260 = arith.constant 0 : i32
        %dma_start3A_261 = arith.constant 0 : i32
        %dma_start3A_262 = tpu.memref_slice %arg2[%dma_start3A_260, %dma_start3A_261] : memref<10000x128xf32, #tpu.memory_space<hbm>> -> memref<10000x128xf32, #tpu.memory_space<hbm>>
        tpu.enqueue_indirect_dma source(%dma_start3A_262 : memref<10000x128xf32, #tpu.memory_space<hbm>>) target(%arg10 : memref<80x128xf32, #tpu.memory_space<vmem>>) offsets(%dma_start3A_259 : memref<80xi32, #tpu.memory_space<vmem>>) semaphore(%arg18 : memref<!tpu.dma_semaphore, #tpu.memory_space<semaphore_mem>>)
        %dma_start3A_263 = tpu.memref_slice %arg9[%mul3A_258] : memref<10000xi32, #tpu.memory_space<vmem>> -> memref<80xi32, #tpu.memory_space<vmem>>
        %dma_start3A_264 = arith.constant 0 : i32
        %dma_start3A_265 = arith.constant 0 : i32
        %dma_start3A_266 = tpu.memref_slice %arg3[%dma_start3A_264, %dma_start3A_265] : memref<10000x128xf32, #tpu.memory_space<hbm>> -> memref<10000x128xf32, #tpu.memory_space<hbm>>
        tpu.enqueue_indirect_dma source(%dma_start3A_266 : memref<10000x128xf32, #tpu.memory_space<hbm>>) target(%arg11 : memref<80x128xf32, #tpu.memory_space<vmem>>) offsets(%dma_start3A_263 : memref<80xi32, #tpu.memory_space<vmem>>) semaphore(%arg18 : memref<!tpu.dma_semaphore, #tpu.memory_space<semaphore_mem>>)
        %add3A_267 = arith.constant 1 : i32
        %add3A_268 = arith.addi %add3A_254, %add3A_267 : i32
        %mul3A_269 = arith.constant 80 : i32
        %mul3A_270 = arith.muli %add3A_268, %mul3A_269 : i32
        %dma_start3A_271 = tpu.memref_slice %arg8[%mul3A_270] : memref<10000xi32, #tpu.memory_space<vmem>> -> memref<80xi32, #tpu.memory_space<vmem>>
        %dma_start3A_272 = arith.constant 0 : i32
        %dma_start3A_273 = arith.constant 0 : i32
        %dma_start3A_274 = tpu.memref_slice %arg2[%dma_start3A_272, %dma_start3A_273] : memref<10000x128xf32, #tpu.memory_space<hbm>> -> memref<10000x128xf32, #tpu.memory_space<hbm>>
        tpu.enqueue_indirect_dma source(%dma_start3A_274 : memref<10000x128xf32, #tpu.memory_space<hbm>>) target(%arg12 : memref<80x128xf32, #tpu.memory_space<vmem>>) offsets(%dma_start3A_271 : memref<80xi32, #tpu.memory_space<vmem>>) semaphore(%arg18 : memref<!tpu.dma_semaphore, #tpu.memory_space<semaphore_mem>>)
        %dma_start3A_275 = tpu.memref_slice %arg9[%mul3A_270] : memref<10000xi32, #tpu.memory_space<vmem>> -> memref<80xi32, #tpu.memory_space<vmem>>
        %dma_start3A_276 = arith.constant 0 : i32
        %dma_start3A_277 = arith.constant 0 : i32
        %dma_start3A_278 = tpu.memref_slice %arg3[%dma_start3A_276, %dma_start3A_277] : memref<10000x128xf32, #tpu.memory_space<hbm>> -> memref<10000x128xf32, #tpu.memory_space<hbm>>
        tpu.enqueue_indirect_dma source(%dma_start3A_278 : memref<10000x128xf32, #tpu.memory_space<hbm>>) target(%arg13 : memref<80x128xf32, #tpu.memory_space<vmem>>) offsets(%dma_start3A_275 : memref<80xi32, #tpu.memory_space<vmem>>) semaphore(%arg18 : memref<!tpu.dma_semaphore, #tpu.memory_space<semaphore_mem>>)
        %dma_wait3A_279 = tpu.memref_slice %arg8[%mul3A_258] : memref<10000xi32, #tpu.memory_space<vmem>> -> memref<80xi32, #tpu.memory_space<vmem>>
        %dma_wait3A_280 = arith.constant 0 : i32
        %dma_wait3A_281 = arith.constant 0 : i32
        %dma_wait3A_282 = tpu.memref_slice %arg2[%dma_wait3A_280, %dma_wait3A_281] : memref<10000x128xf32, #tpu.memory_space<hbm>> -> memref<10000x128xf32, #tpu.memory_space<hbm>>
        tpu.wait_indirect_dma semaphore(%arg18 : memref<!tpu.dma_semaphore, #tpu.memory_space<semaphore_mem>>) src(%dma_wait3A_282 : memref<10000x128xf32, #tpu.memory_space<hbm>>) dst(%arg10 : memref<80x128xf32, #tpu.memory_space<vmem>>)
        %dma_wait3A_283 = tpu.memref_slice %arg9[%mul3A_258] : memref<10000xi32, #tpu.memory_space<vmem>> -> memref<80xi32, #tpu.memory_space<vmem>>
        %dma_wait3A_284 = arith.constant 0 : i32
        %dma_wait3A_285 = arith.constant 0 : i32
        %dma_wait3A_286 = tpu.memref_slice %arg3[%dma_wait3A_284, %dma_wait3A_285] : memref<10000x128xf32, #tpu.memory_space<hbm>> -> memref<10000x128xf32, #tpu.memory_space<hbm>>
        tpu.wait_indirect_dma semaphore(%arg18 : memref<!tpu.dma_semaphore, #tpu.memory_space<semaphore_mem>>) src(%dma_wait3A_286 : memref<10000x128xf32, #tpu.memory_space<hbm>>) dst(%arg11 : memref<80x128xf32, #tpu.memory_space<vmem>>)
        %dma_wait3A_287 = tpu.memref_slice %arg8[%mul3A_270] : memref<10000xi32, #tpu.memory_space<vmem>> -> memref<80xi32, #tpu.memory_space<vmem>>
        %dma_wait3A_288 = arith.constant 0 : i32
        %dma_wait3A_289 = arith.constant 0 : i32
        %dma_wait3A_290 = tpu.memref_slice %arg2[%dma_wait3A_288, %dma_wait3A_289] : memref<10000x128xf32, #tpu.memory_space<hbm>> -> memref<10000x128xf32, #tpu.memory_space<hbm>>
        tpu.wait_indirect_dma semaphore(%arg18 : memref<!tpu.dma_semaphore, #tpu.memory_space<semaphore_mem>>) src(%dma_wait3A_290 : memref<10000x128xf32, #tpu.memory_space<hbm>>) dst(%arg12 : memref<80x128xf32, #tpu.memory_space<vmem>>)
        %dma_wait3A_291 = tpu.memref_slice %arg9[%mul3A_270] : memref<10000xi32, #tpu.memory_space<vmem>> -> memref<80xi32, #tpu.memory_space<vmem>>
        %dma_wait3A_292 = arith.constant 0 : i32
        %dma_wait3A_293 = arith.constant 0 : i32
        %dma_wait3A_294 = tpu.memref_slice %arg3[%dma_wait3A_292, %dma_wait3A_293] : memref<10000x128xf32, #tpu.memory_space<hbm>> -> memref<10000x128xf32, #tpu.memory_space<hbm>>
        tpu.wait_indirect_dma semaphore(%arg18 : memref<!tpu.dma_semaphore, #tpu.memory_space<semaphore_mem>>) src(%dma_wait3A_294 : memref<10000x128xf32, #tpu.memory_space<hbm>>) dst(%arg13 : memref<80x128xf32, #tpu.memory_space<vmem>>)
      } else {
      }
    }
    %scan3A_65 = arith.constant 31 : i32
    %dma_wait3A_66 = arith.constant 0 : i32
    %dma_wait3A_67 = tpu.memref_slice %arg6[%mul3A_2, %dma_wait3A_66] : memref<320000x128xf32, #tpu.memory_space<hbm>> -> memref<80x128xf32, #tpu.memory_space<hbm>>
    %dma_wait3A_68 = arith.constant 0 : i32
    %dma_wait3A_69 = tpu.memref_slice %arg6[%mul3A_2, %dma_wait3A_68] : memref<320000x128xf32, #tpu.memory_space<hbm>> -> memref<80x128xf32, #tpu.memory_space<hbm>>
    tpu.wait_dma2 semaphore(%arg19 : memref<!tpu.dma_semaphore, #tpu.memory_space<semaphore_mem>>) src(%arg14 : memref<80x128xf32, #tpu.memory_space<vmem>>) dst(%dma_wait3A_69 : memref<80x128xf32, #tpu.memory_space<hbm>>)
    %dma_wait3A_70 = arith.constant 0 : i32
    %dma_wait3A_71 = tpu.memref_slice %arg6[%mul3A_2, %dma_wait3A_70] : memref<320000x128xf32, #tpu.memory_space<hbm>> -> memref<80x128xf32, #tpu.memory_space<hbm>>
    %dma_wait3A_72 = arith.constant 0 : i32
    %dma_wait3A_73 = tpu.memref_slice %arg6[%mul3A_2, %dma_wait3A_72] : memref<320000x128xf32, #tpu.memory_space<hbm>> -> memref<80x128xf32, #tpu.memory_space<hbm>>
    tpu.wait_dma2 semaphore(%arg19 : memref<!tpu.dma_semaphore, #tpu.memory_space<semaphore_mem>>) src(%arg14 : memref<80x128xf32, #tpu.memory_space<vmem>>) dst(%dma_wait3A_73 : memref<80x128xf32, #tpu.memory_space<hbm>>)
    %dma_wait3A_74 = arith.constant 0 : i32
    %dma_wait3A_75 = tpu.memref_slice %arg6[%mul3A_2, %dma_wait3A_74] : memref<320000x128xf32, #tpu.memory_space<hbm>> -> memref<80x128xf32, #tpu.memory_space<hbm>>
    %dma_wait3A_76 = arith.constant 0 : i32
    %dma_wait3A_77 = tpu.memref_slice %arg6[%mul3A_2, %dma_wait3A_76] : memref<320000x128xf32, #tpu.memory_space<hbm>> -> memref<80x128xf32, #tpu.memory_space<hbm>>
    tpu.wait_dma2 semaphore(%arg19 : memref<!tpu.dma_semaphore, #tpu.memory_space<semaphore_mem>>) src(%arg14 : memref<80x128xf32, #tpu.memory_space<vmem>>) dst(%dma_wait3A_77 : memref<80x128xf32, #tpu.memory_space<hbm>>)
    %dma_wait3A_78 = arith.constant 0 : i32
    %dma_wait3A_79 = tpu.memref_slice %arg6[%mul3A_2, %dma_wait3A_78] : memref<320000x128xf32, #tpu.memory_space<hbm>> -> memref<80x128xf32, #tpu.memory_space<hbm>>
    %dma_wait3A_80 = arith.constant 0 : i32
    %dma_wait3A_81 = tpu.memref_slice %arg6[%mul3A_2, %dma_wait3A_80] : memref<320000x128xf32, #tpu.memory_space<hbm>> -> memref<80x128xf32, #tpu.memory_space<hbm>>
    tpu.wait_dma2 semaphore(%arg19 : memref<!tpu.dma_semaphore, #tpu.memory_space<semaphore_mem>>) src(%arg14 : memref<80x128xf32, #tpu.memory_space<vmem>>) dst(%dma_wait3A_81 : memref<80x128xf32, #tpu.memory_space<hbm>>)
    %dma_start3A_82 = arith.constant 9920 : i32
    %dma_start3A_83 = tpu.memref_slice %arg8[%dma_start3A_82] : memref<10000xi32, #tpu.memory_space<vmem>> -> memref<80xi32, #tpu.memory_space<vmem>>
    %dma_start3A_84 = arith.constant 0 : i32
    %dma_start3A_85 = arith.constant 0 : i32
    %dma_start3A_86 = tpu.memref_slice %arg2[%dma_start3A_84, %dma_start3A_85] : memref<10000x128xf32, #tpu.memory_space<hbm>> -> memref<10000x128xf32, #tpu.memory_space<hbm>>
    tpu.enqueue_indirect_dma source(%dma_start3A_86 : memref<10000x128xf32, #tpu.memory_space<hbm>>) target(%arg10 : memref<80x128xf32, #tpu.memory_space<vmem>>) offsets(%dma_start3A_83 : memref<80xi32, #tpu.memory_space<vmem>>) semaphore(%arg18 : memref<!tpu.dma_semaphore, #tpu.memory_space<semaphore_mem>>)
    %dma_start3A_87 = arith.constant 9920 : i32
    %dma_start3A_88 = tpu.memref_slice %arg9[%dma_start3A_87] : memref<10000xi32, #tpu.memory_space<vmem>> -> memref<80xi32, #tpu.memory_space<vmem>>
    %dma_start3A_89 = arith.constant 0 : i32
    %dma_start3A_90 = arith.constant 0 : i32
    %dma_start3A_91 = tpu.memref_slice %arg3[%dma_start3A_89, %dma_start3A_90] : memref<10000x128xf32, #tpu.memory_space<hbm>> -> memref<10000x128xf32, #tpu.memory_space<hbm>>
    tpu.enqueue_indirect_dma source(%dma_start3A_91 : memref<10000x128xf32, #tpu.memory_space<hbm>>) target(%arg11 : memref<80x128xf32, #tpu.memory_space<vmem>>) offsets(%dma_start3A_88 : memref<80xi32, #tpu.memory_space<vmem>>) semaphore(%arg18 : memref<!tpu.dma_semaphore, #tpu.memory_space<semaphore_mem>>)
    %dma_wait3A_92 = arith.constant 9920 : i32
    %dma_wait3A_93 = tpu.memref_slice %arg8[%dma_wait3A_92] : memref<10000xi32, #tpu.memory_space<vmem>> -> memref<80xi32, #tpu.memory_space<vmem>>
    %dma_wait3A_94 = arith.constant 0 : i32
    %dma_wait3A_95 = arith.constant 0 : i32
    %dma_wait3A_96 = tpu.memref_slice %arg2[%dma_wait3A_94, %dma_wait3A_95] : memref<10000x128xf32, #tpu.memory_space<hbm>> -> memref<10000x128xf32, #tpu.memory_space<hbm>>
    tpu.wait_indirect_dma semaphore(%arg18 : memref<!tpu.dma_semaphore, #tpu.memory_space<semaphore_mem>>) src(%dma_wait3A_96 : memref<10000x128xf32, #tpu.memory_space<hbm>>) dst(%arg10 : memref<80x128xf32, #tpu.memory_space<vmem>>)
    %dma_wait3A_97 = arith.constant 9920 : i32
    %dma_wait3A_98 = tpu.memref_slice %arg9[%dma_wait3A_97] : memref<10000xi32, #tpu.memory_space<vmem>> -> memref<80xi32, #tpu.memory_space<vmem>>
    %dma_wait3A_99 = arith.constant 0 : i32
    %dma_wait3A_100 = arith.constant 0 : i32
    %dma_wait3A_101 = tpu.memref_slice %arg3[%dma_wait3A_99, %dma_wait3A_100] : memref<10000x128xf32, #tpu.memory_space<hbm>> -> memref<10000x128xf32, #tpu.memory_space<hbm>>
    tpu.wait_indirect_dma semaphore(%arg18 : memref<!tpu.dma_semaphore, #tpu.memory_space<semaphore_mem>>) src(%dma_wait3A_101 : memref<10000x128xf32, #tpu.memory_space<hbm>>) dst(%arg11 : memref<80x128xf32, #tpu.memory_space<vmem>>)
    %add3A_102 = arith.constant 9920 : i32
    %add3A_103 = arith.addi %mul3A_2, %add3A_102 : i32
    %dma_start3A_104 = arith.constant 0 : i32
    %dma_start3A_105 = tpu.memref_slice %arg6[%add3A_103, %dma_start3A_104] : memref<320000x128xf32, #tpu.memory_space<hbm>> -> memref<80x128xf32, #tpu.memory_space<hbm>>
    %dma_start3A_106 = arith.constant 0 : i32
    %dma_start3A_107 = tpu.memref_slice %arg6[%add3A_103, %dma_start3A_106] : memref<320000x128xf32, #tpu.memory_space<hbm>> -> memref<80x128xf32, #tpu.memory_space<hbm>>
    tpu.enqueue_dma source(%arg10 : memref<80x128xf32, #tpu.memory_space<vmem>>) target(%dma_start3A_107 : memref<80x128xf32, #tpu.memory_space<hbm>>) target_semaphore(%arg19 : memref<!tpu.dma_semaphore, #tpu.memory_space<semaphore_mem>>)
    %dma_start3A_108 = arith.constant 0 : i32
    %dma_start3A_109 = tpu.memref_slice %arg7[%add3A_103, %dma_start3A_108] : memref<320000x128xf32, #tpu.memory_space<hbm>> -> memref<80x128xf32, #tpu.memory_space<hbm>>
    %dma_start3A_110 = arith.constant 0 : i32
    %dma_start3A_111 = tpu.memref_slice %arg7[%add3A_103, %dma_start3A_110] : memref<320000x128xf32, #tpu.memory_space<hbm>> -> memref<80x128xf32, #tpu.memory_space<hbm>>
    tpu.enqueue_dma source(%arg11 : memref<80x128xf32, #tpu.memory_space<vmem>>) target(%dma_start3A_111 : memref<80x128xf32, #tpu.memory_space<hbm>>) target_semaphore(%arg19 : memref<!tpu.dma_semaphore, #tpu.memory_space<semaphore_mem>>)
    %dma_wait3A_112 = arith.constant 0 : i32
    %dma_wait3A_113 = tpu.memref_slice %arg6[%add3A_103, %dma_wait3A_112] : memref<320000x128xf32, #tpu.memory_space<hbm>> -> memref<80x128xf32, #tpu.memory_space<hbm>>
    %dma_wait3A_114 = arith.constant 0 : i32
    %dma_wait3A_115 = tpu.memref_slice %arg6[%add3A_103, %dma_wait3A_114] : memref<320000x128xf32, #tpu.memory_space<hbm>> -> memref<80x128xf32, #tpu.memory_space<hbm>>
    tpu.wait_dma2 semaphore(%arg19 : memref<!tpu.dma_semaphore, #tpu.memory_space<semaphore_mem>>) src(%arg10 : memref<80x128xf32, #tpu.memory_space<vmem>>) dst(%dma_wait3A_115 : memref<80x128xf32, #tpu.memory_space<hbm>>)
    %dma_wait3A_116 = arith.constant 0 : i32
    %dma_wait3A_117 = tpu.memref_slice %arg7[%add3A_103, %dma_wait3A_116] : memref<320000x128xf32, #tpu.memory_space<hbm>> -> memref<80x128xf32, #tpu.memory_space<hbm>>
    %dma_wait3A_118 = arith.constant 0 : i32
    %dma_wait3A_119 = tpu.memref_slice %arg7[%add3A_103, %dma_wait3A_118] : memref<320000x128xf32, #tpu.memory_space<hbm>> -> memref<80x128xf32, #tpu.memory_space<hbm>>
    tpu.wait_dma2 semaphore(%arg19 : memref<!tpu.dma_semaphore, #tpu.memory_space<semaphore_mem>>) src(%arg11 : memref<80x128xf32, #tpu.memory_space<vmem>>) dst(%dma_wait3A_119 : memref<80x128xf32, #tpu.memory_space<hbm>>)
    return
  }
}

#map = affine_map<(d0, d1) -> (0, 0)>
#map1 = affine_map<(d0, d1) -> (0)>
#map2 = affine_map<(d0, d1) -> (0, 0, 0)>
module attributes {stable_mosaic.version = 14 : i64} {
  func.func @scatter_kernel(%arg0: i32, %arg1: i32, %arg2: memref<320000x128xf32, #tpu.memory_space<hbm>>, %arg3: memref<320000xi32, #tpu.memory_space<hbm>>, %arg4: memref<128x128xf32, #tpu.memory_space<hbm>>, %arg5: memref<2x10240x128xf32, #tpu.memory_space<hbm>>, %arg6: memref<80xi32, #tpu.memory_space<vmem>>, %arg7: memref<80xi32, #tpu.memory_space<vmem>>, %arg8: memref<80x128xf32, #tpu.memory_space<vmem>>, %arg9: memref<80x128xf32, #tpu.memory_space<vmem>>, %arg10: memref<128x128xf32, #tpu.memory_space<vmem>>, %arg11: memref<10240x128xf32, #tpu.memory_space<vmem_shared>>, %arg12: memref<!tpu.dma_semaphore, #tpu.memory_space<semaphore_mem>>, %arg13: memref<!tpu.dma_semaphore, #tpu.memory_space<semaphore_mem>>) attributes {dimension_semantics = [#tpu.dimension_semantics<core_parallel>, #tpu.dimension_semantics<subcore_parallel>], iteration_bounds = array<i64: 2, 16>, scalar_prefetch = 0 : i64, scratch_operands = 8 : i64, tpu.core_type = #tpu.core_type<sc_vector_subcore>, window_params = [{transform_indices = #map}, {transform_indices = #map1}, {transform_indices = #map}, {transform_indices = #map2}]} {
    %mul3A = arith.constant 640 : i32
    %mul3A_0 = arith.muli %arg1, %mul3A : i32
    "tpu.region"() ({
      %run_scoped3A = tpu.sem_alloc : memref<!tpu.dma_semaphore, #tpu.memory_space<semaphore_mem>>
      tpu.enqueue_dma source(%arg4 : memref<128x128xf32, #tpu.memory_space<hbm>>) target(%arg10 : memref<128x128xf32, #tpu.memory_space<vmem>>) target_semaphore(%run_scoped3A : memref<!tpu.dma_semaphore, #tpu.memory_space<semaphore_mem>>)
      tpu.wait_dma2 semaphore(%run_scoped3A : memref<!tpu.dma_semaphore, #tpu.memory_space<semaphore_mem>>) src(%arg4 : memref<128x128xf32, #tpu.memory_space<hbm>>) dst(%arg10 : memref<128x128xf32, #tpu.memory_space<vmem>>)
      tpu.yield
    }) : () -> ()
    %scan3A = arith.constant 0 : i32
    %scan3A_1 = arith.constant 0 : i32
    %scan3A_2 = arith.constant 5 : i32
    %scan3A_3 = arith.addi %scan3A_1, %scan3A_2 : i32
    %scan3A_4 = arith.constant 1 : i32
    scf.for %scan3A_41 = %scan3A_1 to %scan3A_3 step %scan3A_4  : i32 {
      %mul3A_42 = arith.constant 128 : i32
      %mul3A_43 = arith.muli %scan3A_41, %mul3A_42 : i32
      %add3A_44 = arith.addi %mul3A_0, %mul3A_43 : i32
      "tpu.region"() ({
        %run_scoped3A = tpu.sem_alloc : memref<!tpu.dma_semaphore, #tpu.memory_space<semaphore_mem>>
        %dma_start3A_45 = arith.constant 0 : i32
        %dma_start3A_46 = tpu.memref_slice %arg11[%add3A_44, %dma_start3A_45] : memref<10240x128xf32, #tpu.memory_space<vmem_shared>> -> memref<128x128xf32, #tpu.memory_space<vmem_shared>>
        %dma_start3A_47 = arith.constant 0 : i32
        %dma_start3A_48 = tpu.memref_slice %arg11[%add3A_44, %dma_start3A_47] : memref<10240x128xf32, #tpu.memory_space<vmem_shared>> -> memref<128x128xf32, #tpu.memory_space<vmem_shared>>
        tpu.enqueue_dma source(%arg10 : memref<128x128xf32, #tpu.memory_space<vmem>>) target(%dma_start3A_48 : memref<128x128xf32, #tpu.memory_space<vmem_shared>>) target_semaphore(%run_scoped3A : memref<!tpu.dma_semaphore, #tpu.memory_space<semaphore_mem>>)
        %dma_wait3A_49 = arith.constant 0 : i32
        %dma_wait3A_50 = tpu.memref_slice %arg11[%add3A_44, %dma_wait3A_49] : memref<10240x128xf32, #tpu.memory_space<vmem_shared>> -> memref<128x128xf32, #tpu.memory_space<vmem_shared>>
        %dma_wait3A_51 = arith.constant 0 : i32
        %dma_wait3A_52 = tpu.memref_slice %arg11[%add3A_44, %dma_wait3A_51] : memref<10240x128xf32, #tpu.memory_space<vmem_shared>> -> memref<128x128xf32, #tpu.memory_space<vmem_shared>>
        tpu.wait_dma2 semaphore(%run_scoped3A : memref<!tpu.dma_semaphore, #tpu.memory_space<semaphore_mem>>) src(%arg10 : memref<128x128xf32, #tpu.memory_space<vmem>>) dst(%dma_wait3A_52 : memref<128x128xf32, #tpu.memory_space<vmem_shared>>)
        tpu.yield
      }) : () -> ()
    }
    %scan3A_5 = arith.constant 5 : i32
    %barrier3A = arith.constant 0 : index
    tpu.barrier barrier_id(%barrier3A)
    %mul3A_6 = arith.constant 16 : i32
    %mul3A_7 = arith.muli %arg0, %mul3A_6 : i32
    %add3A = arith.addi %mul3A_7, %arg1 : i32
    %mul3A_8 = arith.constant 10000 : i32
    %mul3A_9 = arith.muli %add3A, %mul3A_8 : i32
    %scan3A_10 = arith.constant 0 : i32
    %scan3A_11 = arith.constant 0 : i32
    %scan3A_12 = arith.constant 62 : i32
    %scan3A_13 = arith.addi %scan3A_11, %scan3A_12 : i32
    %scan3A_14 = arith.constant 1 : i32
    scf.for %scan3A_41 = %scan3A_11 to %scan3A_13 step %scan3A_14  : i32 {
      %mul3A_42 = arith.constant 2 : i32
      %mul3A_43 = arith.muli %scan3A_41, %mul3A_42 : i32
      %add3A_44 = arith.constant 0 : i32
      %add3A_45 = arith.addi %mul3A_43, %add3A_44 : i32
      %mul3A_46 = arith.constant 80 : i32
      %mul3A_47 = arith.muli %add3A_45, %mul3A_46 : i32
      %add3A_48 = arith.addi %mul3A_9, %mul3A_47 : i32
      %dma_start3A_49 = tpu.memref_slice %arg3[%add3A_48] : memref<320000xi32, #tpu.memory_space<hbm>> -> memref<80xi32, #tpu.memory_space<hbm>>
      %dma_start3A_50 = tpu.memref_slice %arg3[%add3A_48] : memref<320000xi32, #tpu.memory_space<hbm>> -> memref<80xi32, #tpu.memory_space<hbm>>
      tpu.enqueue_dma source(%dma_start3A_50 : memref<80xi32, #tpu.memory_space<hbm>>) target(%arg6 : memref<80xi32, #tpu.memory_space<vmem>>) target_semaphore(%arg12 : memref<!tpu.dma_semaphore, #tpu.memory_space<semaphore_mem>>)
      %dma_start3A_51 = arith.constant 0 : i32
      %dma_start3A_52 = tpu.memref_slice %arg2[%add3A_48, %dma_start3A_51] : memref<320000x128xf32, #tpu.memory_space<hbm>> -> memref<80x128xf32, #tpu.memory_space<hbm>>
      %dma_start3A_53 = arith.constant 0 : i32
      %dma_start3A_54 = tpu.memref_slice %arg2[%add3A_48, %dma_start3A_53] : memref<320000x128xf32, #tpu.memory_space<hbm>> -> memref<80x128xf32, #tpu.memory_space<hbm>>
      tpu.enqueue_dma source(%dma_start3A_54 : memref<80x128xf32, #tpu.memory_space<hbm>>) target(%arg8 : memref<80x128xf32, #tpu.memory_space<vmem>>) target_semaphore(%arg12 : memref<!tpu.dma_semaphore, #tpu.memory_space<semaphore_mem>>)
      %add3A_55 = arith.constant 1 : i32
      %add3A_56 = arith.addi %mul3A_43, %add3A_55 : i32
      %mul3A_57 = arith.constant 80 : i32
      %mul3A_58 = arith.muli %add3A_56, %mul3A_57 : i32
      %add3A_59 = arith.addi %mul3A_9, %mul3A_58 : i32
      %dma_start3A_60 = tpu.memref_slice %arg3[%add3A_59] : memref<320000xi32, #tpu.memory_space<hbm>> -> memref<80xi32, #tpu.memory_space<hbm>>
      %dma_start3A_61 = tpu.memref_slice %arg3[%add3A_59] : memref<320000xi32, #tpu.memory_space<hbm>> -> memref<80xi32, #tpu.memory_space<hbm>>
      tpu.enqueue_dma source(%dma_start3A_61 : memref<80xi32, #tpu.memory_space<hbm>>) target(%arg7 : memref<80xi32, #tpu.memory_space<vmem>>) target_semaphore(%arg12 : memref<!tpu.dma_semaphore, #tpu.memory_space<semaphore_mem>>)
      %dma_start3A_62 = arith.constant 0 : i32
      %dma_start3A_63 = tpu.memref_slice %arg2[%add3A_59, %dma_start3A_62] : memref<320000x128xf32, #tpu.memory_space<hbm>> -> memref<80x128xf32, #tpu.memory_space<hbm>>
      %dma_start3A_64 = arith.constant 0 : i32
      %dma_start3A_65 = tpu.memref_slice %arg2[%add3A_59, %dma_start3A_64] : memref<320000x128xf32, #tpu.memory_space<hbm>> -> memref<80x128xf32, #tpu.memory_space<hbm>>
      tpu.enqueue_dma source(%dma_start3A_65 : memref<80x128xf32, #tpu.memory_space<hbm>>) target(%arg9 : memref<80x128xf32, #tpu.memory_space<vmem>>) target_semaphore(%arg12 : memref<!tpu.dma_semaphore, #tpu.memory_space<semaphore_mem>>)
      %dma_wait3A_66 = tpu.memref_slice %arg3[%add3A_48] : memref<320000xi32, #tpu.memory_space<hbm>> -> memref<80xi32, #tpu.memory_space<hbm>>
      %dma_wait3A_67 = tpu.memref_slice %arg3[%add3A_48] : memref<320000xi32, #tpu.memory_space<hbm>> -> memref<80xi32, #tpu.memory_space<hbm>>
      tpu.wait_dma2 semaphore(%arg12 : memref<!tpu.dma_semaphore, #tpu.memory_space<semaphore_mem>>) src(%dma_wait3A_67 : memref<80xi32, #tpu.memory_space<hbm>>) dst(%arg6 : memref<80xi32, #tpu.memory_space<vmem>>)
      %dma_wait3A_68 = arith.constant 0 : i32
      %dma_wait3A_69 = tpu.memref_slice %arg2[%add3A_48, %dma_wait3A_68] : memref<320000x128xf32, #tpu.memory_space<hbm>> -> memref<80x128xf32, #tpu.memory_space<hbm>>
      %dma_wait3A_70 = arith.constant 0 : i32
      %dma_wait3A_71 = tpu.memref_slice %arg2[%add3A_48, %dma_wait3A_70] : memref<320000x128xf32, #tpu.memory_space<hbm>> -> memref<80x128xf32, #tpu.memory_space<hbm>>
      tpu.wait_dma2 semaphore(%arg12 : memref<!tpu.dma_semaphore, #tpu.memory_space<semaphore_mem>>) src(%dma_wait3A_71 : memref<80x128xf32, #tpu.memory_space<hbm>>) dst(%arg8 : memref<80x128xf32, #tpu.memory_space<vmem>>)
      %dma_start3A_72 = arith.constant 0 : i32
      %dma_start3A_73 = arith.constant 0 : i32
      %dma_start3A_74 = tpu.memref_slice %arg11[%dma_start3A_72, %dma_start3A_73] : memref<10240x128xf32, #tpu.memory_space<vmem_shared>> -> memref<10240x128xf32, #tpu.memory_space<vmem_shared>>
      tpu.enqueue_indirect_dma source(%arg8 : memref<80x128xf32, #tpu.memory_space<vmem>>) target(%dma_start3A_74 : memref<10240x128xf32, #tpu.memory_space<vmem_shared>>) offsets(%arg6 : memref<80xi32, #tpu.memory_space<vmem>>) semaphore(%arg13 : memref<!tpu.dma_semaphore, #tpu.memory_space<semaphore_mem>>) {add = true}
      %dma_wait3A_75 = tpu.memref_slice %arg3[%add3A_59] : memref<320000xi32, #tpu.memory_space<hbm>> -> memref<80xi32, #tpu.memory_space<hbm>>
      %dma_wait3A_76 = tpu.memref_slice %arg3[%add3A_59] : memref<320000xi32, #tpu.memory_space<hbm>> -> memref<80xi32, #tpu.memory_space<hbm>>
      tpu.wait_dma2 semaphore(%arg12 : memref<!tpu.dma_semaphore, #tpu.memory_space<semaphore_mem>>) src(%dma_wait3A_76 : memref<80xi32, #tpu.memory_space<hbm>>) dst(%arg7 : memref<80xi32, #tpu.memory_space<vmem>>)
      %dma_wait3A_77 = arith.constant 0 : i32
      %dma_wait3A_78 = tpu.memref_slice %arg2[%add3A_59, %dma_wait3A_77] : memref<320000x128xf32, #tpu.memory_space<hbm>> -> memref<80x128xf32, #tpu.memory_space<hbm>>
      %dma_wait3A_79 = arith.constant 0 : i32
      %dma_wait3A_80 = tpu.memref_slice %arg2[%add3A_59, %dma_wait3A_79] : memref<320000x128xf32, #tpu.memory_space<hbm>> -> memref<80x128xf32, #tpu.memory_space<hbm>>
      tpu.wait_dma2 semaphore(%arg12 : memref<!tpu.dma_semaphore, #tpu.memory_space<semaphore_mem>>) src(%dma_wait3A_80 : memref<80x128xf32, #tpu.memory_space<hbm>>) dst(%arg9 : memref<80x128xf32, #tpu.memory_space<vmem>>)
      %dma_start3A_81 = arith.constant 0 : i32
      %dma_start3A_82 = arith.constant 0 : i32
      %dma_start3A_83 = tpu.memref_slice %arg11[%dma_start3A_81, %dma_start3A_82] : memref<10240x128xf32, #tpu.memory_space<vmem_shared>> -> memref<10240x128xf32, #tpu.memory_space<vmem_shared>>
      tpu.enqueue_indirect_dma source(%arg9 : memref<80x128xf32, #tpu.memory_space<vmem>>) target(%dma_start3A_83 : memref<10240x128xf32, #tpu.memory_space<vmem_shared>>) offsets(%arg7 : memref<80xi32, #tpu.memory_space<vmem>>) semaphore(%arg13 : memref<!tpu.dma_semaphore, #tpu.memory_space<semaphore_mem>>) {add = true}
      %dma_wait3A_84 = arith.constant 0 : i32
      %dma_wait3A_85 = arith.constant 0 : i32
      %dma_wait3A_86 = tpu.memref_slice %arg11[%dma_wait3A_84, %dma_wait3A_85] : memref<10240x128xf32, #tpu.memory_space<vmem_shared>> -> memref<10240x128xf32, #tpu.memory_space<vmem_shared>>
      tpu.wait_indirect_dma semaphore(%arg13 : memref<!tpu.dma_semaphore, #tpu.memory_space<semaphore_mem>>) src(%arg8 : memref<80x128xf32, #tpu.memory_space<vmem>>) dst(%dma_wait3A_86 : memref<10240x128xf32, #tpu.memory_space<vmem_shared>>)
      %dma_wait3A_87 = arith.constant 0 : i32
      %dma_wait3A_88 = arith.constant 0 : i32
      %dma_wait3A_89 = tpu.memref_slice %arg11[%dma_wait3A_87, %dma_wait3A_88] : memref<10240x128xf32, #tpu.memory_space<vmem_shared>> -> memref<10240x128xf32, #tpu.memory_space<vmem_shared>>
      tpu.wait_indirect_dma semaphore(%arg13 : memref<!tpu.dma_semaphore, #tpu.memory_space<semaphore_mem>>) src(%arg9 : memref<80x128xf32, #tpu.memory_space<vmem>>) dst(%dma_wait3A_89 : memref<10240x128xf32, #tpu.memory_space<vmem_shared>>)
    }
    %scan3A_15 = arith.constant 62 : i32
    %add3A_16 = arith.constant 9920 : i32
    %add3A_17 = arith.addi %mul3A_9, %add3A_16 : i32
    %dma_start3A = tpu.memref_slice %arg3[%add3A_17] : memref<320000xi32, #tpu.memory_space<hbm>> -> memref<80xi32, #tpu.memory_space<hbm>>
    %dma_start3A_18 = tpu.memref_slice %arg3[%add3A_17] : memref<320000xi32, #tpu.memory_space<hbm>> -> memref<80xi32, #tpu.memory_space<hbm>>
    tpu.enqueue_dma source(%dma_start3A_18 : memref<80xi32, #tpu.memory_space<hbm>>) target(%arg6 : memref<80xi32, #tpu.memory_space<vmem>>) target_semaphore(%arg12 : memref<!tpu.dma_semaphore, #tpu.memory_space<semaphore_mem>>)
    %dma_start3A_19 = arith.constant 0 : i32
    %dma_start3A_20 = tpu.memref_slice %arg2[%add3A_17, %dma_start3A_19] : memref<320000x128xf32, #tpu.memory_space<hbm>> -> memref<80x128xf32, #tpu.memory_space<hbm>>
    %dma_start3A_21 = arith.constant 0 : i32
    %dma_start3A_22 = tpu.memref_slice %arg2[%add3A_17, %dma_start3A_21] : memref<320000x128xf32, #tpu.memory_space<hbm>> -> memref<80x128xf32, #tpu.memory_space<hbm>>
    tpu.enqueue_dma source(%dma_start3A_22 : memref<80x128xf32, #tpu.memory_space<hbm>>) target(%arg8 : memref<80x128xf32, #tpu.memory_space<vmem>>) target_semaphore(%arg12 : memref<!tpu.dma_semaphore, #tpu.memory_space<semaphore_mem>>)
    %dma_wait3A = tpu.memref_slice %arg3[%add3A_17] : memref<320000xi32, #tpu.memory_space<hbm>> -> memref<80xi32, #tpu.memory_space<hbm>>
    %dma_wait3A_23 = tpu.memref_slice %arg3[%add3A_17] : memref<320000xi32, #tpu.memory_space<hbm>> -> memref<80xi32, #tpu.memory_space<hbm>>
    tpu.wait_dma2 semaphore(%arg12 : memref<!tpu.dma_semaphore, #tpu.memory_space<semaphore_mem>>) src(%dma_wait3A_23 : memref<80xi32, #tpu.memory_space<hbm>>) dst(%arg6 : memref<80xi32, #tpu.memory_space<vmem>>)
    %dma_wait3A_24 = arith.constant 0 : i32
    %dma_wait3A_25 = tpu.memref_slice %arg2[%add3A_17, %dma_wait3A_24] : memref<320000x128xf32, #tpu.memory_space<hbm>> -> memref<80x128xf32, #tpu.memory_space<hbm>>
    %dma_wait3A_26 = arith.constant 0 : i32
    %dma_wait3A_27 = tpu.memref_slice %arg2[%add3A_17, %dma_wait3A_26] : memref<320000x128xf32, #tpu.memory_space<hbm>> -> memref<80x128xf32, #tpu.memory_space<hbm>>
    tpu.wait_dma2 semaphore(%arg12 : memref<!tpu.dma_semaphore, #tpu.memory_space<semaphore_mem>>) src(%dma_wait3A_27 : memref<80x128xf32, #tpu.memory_space<hbm>>) dst(%arg8 : memref<80x128xf32, #tpu.memory_space<vmem>>)
    %dma_start3A_28 = arith.constant 0 : i32
    %dma_start3A_29 = arith.constant 0 : i32
    %dma_start3A_30 = tpu.memref_slice %arg11[%dma_start3A_28, %dma_start3A_29] : memref<10240x128xf32, #tpu.memory_space<vmem_shared>> -> memref<10240x128xf32, #tpu.memory_space<vmem_shared>>
    tpu.enqueue_indirect_dma source(%arg8 : memref<80x128xf32, #tpu.memory_space<vmem>>) target(%dma_start3A_30 : memref<10240x128xf32, #tpu.memory_space<vmem_shared>>) offsets(%arg6 : memref<80xi32, #tpu.memory_space<vmem>>) semaphore(%arg13 : memref<!tpu.dma_semaphore, #tpu.memory_space<semaphore_mem>>) {add = true}
    %dma_wait3A_31 = arith.constant 0 : i32
    %dma_wait3A_32 = arith.constant 0 : i32
    %dma_wait3A_33 = tpu.memref_slice %arg11[%dma_wait3A_31, %dma_wait3A_32] : memref<10240x128xf32, #tpu.memory_space<vmem_shared>> -> memref<10240x128xf32, #tpu.memory_space<vmem_shared>>
    tpu.wait_indirect_dma semaphore(%arg13 : memref<!tpu.dma_semaphore, #tpu.memory_space<semaphore_mem>>) src(%arg8 : memref<80x128xf32, #tpu.memory_space<vmem>>) dst(%dma_wait3A_33 : memref<10240x128xf32, #tpu.memory_space<vmem_shared>>)
    %barrier3A_34 = arith.constant 0 : index
    tpu.barrier barrier_id(%barrier3A_34)
    %scan3A_35 = arith.constant 0 : i32
    %scan3A_36 = arith.constant 0 : i32
    %scan3A_37 = arith.constant 5 : i32
    %scan3A_38 = arith.addi %scan3A_36, %scan3A_37 : i32
    %scan3A_39 = arith.constant 1 : i32
    scf.for %scan3A_41 = %scan3A_36 to %scan3A_38 step %scan3A_39  : i32 {
      %mul3A_42 = arith.constant 128 : i32
      %mul3A_43 = arith.muli %scan3A_41, %mul3A_42 : i32
      %add3A_44 = arith.addi %mul3A_0, %mul3A_43 : i32
      "tpu.region"() ({
        %run_scoped3A = tpu.sem_alloc : memref<!tpu.dma_semaphore, #tpu.memory_space<semaphore_mem>>
        %dma_start3A_45 = arith.constant 0 : i32
        %dma_start3A_46 = tpu.memref_slice %arg11[%add3A_44, %dma_start3A_45] : memref<10240x128xf32, #tpu.memory_space<vmem_shared>> -> memref<128x128xf32, #tpu.memory_space<vmem_shared>>
        %dma_start3A_47 = arith.constant 0 : i32
        %dma_start3A_48 = tpu.memref_slice %arg11[%add3A_44, %dma_start3A_47] : memref<10240x128xf32, #tpu.memory_space<vmem_shared>> -> memref<128x128xf32, #tpu.memory_space<vmem_shared>>
        tpu.enqueue_dma source(%dma_start3A_48 : memref<128x128xf32, #tpu.memory_space<vmem_shared>>) target(%arg10 : memref<128x128xf32, #tpu.memory_space<vmem>>) target_semaphore(%run_scoped3A : memref<!tpu.dma_semaphore, #tpu.memory_space<semaphore_mem>>)
        %dma_wait3A_49 = arith.constant 0 : i32
        %dma_wait3A_50 = tpu.memref_slice %arg11[%add3A_44, %dma_wait3A_49] : memref<10240x128xf32, #tpu.memory_space<vmem_shared>> -> memref<128x128xf32, #tpu.memory_space<vmem_shared>>
        %dma_wait3A_51 = arith.constant 0 : i32
        %dma_wait3A_52 = tpu.memref_slice %arg11[%add3A_44, %dma_wait3A_51] : memref<10240x128xf32, #tpu.memory_space<vmem_shared>> -> memref<128x128xf32, #tpu.memory_space<vmem_shared>>
        tpu.wait_dma2 semaphore(%run_scoped3A : memref<!tpu.dma_semaphore, #tpu.memory_space<semaphore_mem>>) src(%dma_wait3A_52 : memref<128x128xf32, #tpu.memory_space<vmem_shared>>) dst(%arg10 : memref<128x128xf32, #tpu.memory_space<vmem>>)
        tpu.yield
      }) : () -> ()
      "tpu.region"() ({
        %run_scoped3A = tpu.sem_alloc : memref<!tpu.dma_semaphore, #tpu.memory_space<semaphore_mem>>
        %dma_start3A_45 = arith.constant 0 : i32
        %dma_start3A_46 = tpu.memref_slice %arg5[%arg0, %add3A_44, %dma_start3A_45] : memref<2x10240x128xf32, #tpu.memory_space<hbm>> -> memref<1x128x128xf32, #tpu.memory_space<hbm>>
        %dma_start3A_47 = tpu.memref_squeeze %dma_start3A_46 : memref<1x128x128xf32, #tpu.memory_space<hbm>> -> memref<128x128xf32, #tpu.memory_space<hbm>>
        %dma_start3A_48 = arith.constant 0 : i32
        %dma_start3A_49 = tpu.memref_slice %arg5[%arg0, %add3A_44, %dma_start3A_48] : memref<2x10240x128xf32, #tpu.memory_space<hbm>> -> memref<1x128x128xf32, #tpu.memory_space<hbm>>
        %dma_start3A_50 = tpu.memref_squeeze %dma_start3A_49 : memref<1x128x128xf32, #tpu.memory_space<hbm>> -> memref<128x128xf32, #tpu.memory_space<hbm>>
        tpu.enqueue_dma source(%arg10 : memref<128x128xf32, #tpu.memory_space<vmem>>) target(%dma_start3A_50 : memref<128x128xf32, #tpu.memory_space<hbm>>) target_semaphore(%run_scoped3A : memref<!tpu.dma_semaphore, #tpu.memory_space<semaphore_mem>>)
        %dma_wait3A_51 = arith.constant 0 : i32
        %dma_wait3A_52 = tpu.memref_slice %arg5[%arg0, %add3A_44, %dma_wait3A_51] : memref<2x10240x128xf32, #tpu.memory_space<hbm>> -> memref<1x128x128xf32, #tpu.memory_space<hbm>>
        %dma_wait3A_53 = tpu.memref_squeeze %dma_wait3A_52 : memref<1x128x128xf32, #tpu.memory_space<hbm>> -> memref<128x128xf32, #tpu.memory_space<hbm>>
        %dma_wait3A_54 = arith.constant 0 : i32
        %dma_wait3A_55 = tpu.memref_slice %arg5[%arg0, %add3A_44, %dma_wait3A_54] : memref<2x10240x128xf32, #tpu.memory_space<hbm>> -> memref<1x128x128xf32, #tpu.memory_space<hbm>>
        %dma_wait3A_56 = tpu.memref_squeeze %dma_wait3A_55 : memref<1x128x128xf32, #tpu.memory_space<hbm>> -> memref<128x128xf32, #tpu.memory_space<hbm>>
        tpu.wait_dma2 semaphore(%run_scoped3A : memref<!tpu.dma_semaphore, #tpu.memory_space<semaphore_mem>>) src(%arg10 : memref<128x128xf32, #tpu.memory_space<vmem>>) dst(%dma_wait3A_56 : memref<128x128xf32, #tpu.memory_space<hbm>>)
        tpu.yield
      }) : () -> ()
    }
    %scan3A_40 = arith.constant 5 : i32
    return
  }
}

#map = affine_map<(d0, d1) -> (0, 0)>
#map1 = affine_map<(d0, d1) -> (0)>
module attributes {stable_mosaic.version = 14 : i64} {
  func.func @gather_kernel(%arg0: i32, %arg1: i32, %arg2: memref<10000x128xf32, #tpu.memory_space<hbm>>, %arg3: memref<10000x128xf32, #tpu.memory_space<hbm>>, %arg4: memref<320000xi32, #tpu.memory_space<hbm>>, %arg5: memref<320000xi32, #tpu.memory_space<hbm>>, %arg6: memref<320000x128xf32, #tpu.memory_space<hbm>>, %arg7: memref<320000x128xf32, #tpu.memory_space<hbm>>, %arg8: memref<10000xi32, #tpu.memory_space<vmem>>, %arg9: memref<10000xi32, #tpu.memory_space<vmem>>, %arg10: memref<80x128xf32, #tpu.memory_space<vmem>>, %arg11: memref<80x128xf32, #tpu.memory_space<vmem>>, %arg12: memref<80x128xf32, #tpu.memory_space<vmem>>, %arg13: memref<80x128xf32, #tpu.memory_space<vmem>>, %arg14: memref<80x128xf32, #tpu.memory_space<vmem>>, %arg15: memref<80x128xf32, #tpu.memory_space<vmem>>, %arg16: memref<80x128xf32, #tpu.memory_space<vmem>>, %arg17: memref<80x128xf32, #tpu.memory_space<vmem>>, %arg18: memref<!tpu.dma_semaphore, #tpu.memory_space<semaphore_mem>>, %arg19: memref<!tpu.dma_semaphore, #tpu.memory_space<semaphore_mem>>) attributes {dimension_semantics = [#tpu.dimension_semantics<core_parallel>, #tpu.dimension_semantics<subcore_parallel>], iteration_bounds = array<i64: 2, 16>, scalar_prefetch = 0 : i64, scratch_operands = 12 : i64, tpu.core_type = #tpu.core_type<sc_vector_subcore>, window_params = [{transform_indices = #map}, {transform_indices = #map}, {transform_indices = #map1}, {transform_indices = #map1}, {transform_indices = #map}, {transform_indices = #map}]} {
    %mul3A = arith.constant 16 : i32
    %mul3A_0 = arith.muli %arg0, %mul3A : i32
    %add3A = arith.addi %mul3A_0, %arg1 : i32
    %mul3A_1 = arith.constant 10000 : i32
    %mul3A_2 = arith.muli %add3A, %mul3A_1 : i32
    "tpu.region"() ({
      %run_scoped3A = tpu.sem_alloc : memref<!tpu.dma_semaphore, #tpu.memory_space<semaphore_mem>>
      %dma_start3A_120 = tpu.memref_slice %arg4[%mul3A_2] : memref<320000xi32, #tpu.memory_space<hbm>> -> memref<10000xi32, #tpu.memory_space<hbm>>
      %dma_start3A_121 = tpu.memref_slice %arg4[%mul3A_2] : memref<320000xi32, #tpu.memory_space<hbm>> -> memref<10000xi32, #tpu.memory_space<hbm>>
      tpu.enqueue_dma source(%dma_start3A_121 : memref<10000xi32, #tpu.memory_space<hbm>>) target(%arg8 : memref<10000xi32, #tpu.memory_space<vmem>>) target_semaphore(%run_scoped3A : memref<!tpu.dma_semaphore, #tpu.memory_space<semaphore_mem>>)
      %dma_wait3A_122 = tpu.memref_slice %arg4[%mul3A_2] : memref<320000xi32, #tpu.memory_space<hbm>> -> memref<10000xi32, #tpu.memory_space<hbm>>
      %dma_wait3A_123 = tpu.memref_slice %arg4[%mul3A_2] : memref<320000xi32, #tpu.memory_space<hbm>> -> memref<10000xi32, #tpu.memory_space<hbm>>
      tpu.wait_dma2 semaphore(%run_scoped3A : memref<!tpu.dma_semaphore, #tpu.memory_space<semaphore_mem>>) src(%dma_wait3A_123 : memref<10000xi32, #tpu.memory_space<hbm>>) dst(%arg8 : memref<10000xi32, #tpu.memory_space<vmem>>)
      tpu.yield
    }) : () -> ()
    "tpu.region"() ({
      %run_scoped3A = tpu.sem_alloc : memref<!tpu.dma_semaphore, #tpu.memory_space<semaphore_mem>>
      %dma_start3A_120 = tpu.memref_slice %arg5[%mul3A_2] : memref<320000xi32, #tpu.memory_space<hbm>> -> memref<10000xi32, #tpu.memory_space<hbm>>
      %dma_start3A_121 = tpu.memref_slice %arg5[%mul3A_2] : memref<320000xi32, #tpu.memory_space<hbm>> -> memref<10000xi32, #tpu.memory_space<hbm>>
      tpu.enqueue_dma source(%dma_start3A_121 : memref<10000xi32, #tpu.memory_space<hbm>>) target(%arg9 : memref<10000xi32, #tpu.memory_space<vmem>>) target_semaphore(%run_scoped3A : memref<!tpu.dma_semaphore, #tpu.memory_space<semaphore_mem>>)
      %dma_wait3A_122 = tpu.memref_slice %arg5[%mul3A_2] : memref<320000xi32, #tpu.memory_space<hbm>> -> memref<10000xi32, #tpu.memory_space<hbm>>
      %dma_wait3A_123 = tpu.memref_slice %arg5[%mul3A_2] : memref<320000xi32, #tpu.memory_space<hbm>> -> memref<10000xi32, #tpu.memory_space<hbm>>
      tpu.wait_dma2 semaphore(%run_scoped3A : memref<!tpu.dma_semaphore, #tpu.memory_space<semaphore_mem>>) src(%dma_wait3A_123 : memref<10000xi32, #tpu.memory_space<hbm>>) dst(%arg9 : memref<10000xi32, #tpu.memory_space<vmem>>)
      tpu.yield
    }) : () -> ()
    %dma_start3A = arith.constant 0 : i32
    %dma_start3A_3 = tpu.memref_slice %arg8[%dma_start3A] : memref<10000xi32, #tpu.memory_space<vmem>> -> memref<80xi32, #tpu.memory_space<vmem>>
    %dma_start3A_4 = arith.constant 0 : i32
    %dma_start3A_5 = arith.constant 0 : i32
    %dma_start3A_6 = tpu.memref_slice %arg2[%dma_start3A_4, %dma_start3A_5] : memref<10000x128xf32, #tpu.memory_space<hbm>> -> memref<10000x128xf32, #tpu.memory_space<hbm>>
    tpu.enqueue_indirect_dma source(%dma_start3A_6 : memref<10000x128xf32, #tpu.memory_space<hbm>>) target(%arg10 : memref<80x128xf32, #tpu.memory_space<vmem>>) offsets(%dma_start3A_3 : memref<80xi32, #tpu.memory_space<vmem>>) semaphore(%arg18 : memref<!tpu.dma_semaphore, #tpu.memory_space<semaphore_mem>>)
    %dma_start3A_7 = arith.constant 0 : i32
    %dma_start3A_8 = tpu.memref_slice %arg9[%dma_start3A_7] : memref<10000xi32, #tpu.memory_space<vmem>> -> memref<80xi32, #tpu.memory_space<vmem>>
    %dma_start3A_9 = arith.constant 0 : i32
    %dma_start3A_10 = arith.constant 0 : i32
    %dma_start3A_11 = tpu.memref_slice %arg3[%dma_start3A_9, %dma_start3A_10] : memref<10000x128xf32, #tpu.memory_space<hbm>> -> memref<10000x128xf32, #tpu.memory_space<hbm>>
    tpu.enqueue_indirect_dma source(%dma_start3A_11 : memref<10000x128xf32, #tpu.memory_space<hbm>>) target(%arg11 : memref<80x128xf32, #tpu.memory_space<vmem>>) offsets(%dma_start3A_8 : memref<80xi32, #tpu.memory_space<vmem>>) semaphore(%arg18 : memref<!tpu.dma_semaphore, #tpu.memory_space<semaphore_mem>>)
    %dma_start3A_12 = arith.constant 80 : i32
    %dma_start3A_13 = tpu.memref_slice %arg8[%dma_start3A_12] : memref<10000xi32, #tpu.memory_space<vmem>> -> memref<80xi32, #tpu.memory_space<vmem>>
    %dma_start3A_14 = arith.constant 0 : i32
    %dma_start3A_15 = arith.constant 0 : i32
    %dma_start3A_16 = tpu.memref_slice %arg2[%dma_start3A_14, %dma_start3A_15] : memref<10000x128xf32, #tpu.memory_space<hbm>> -> memref<10000x128xf32, #tpu.memory_space<hbm>>
    tpu.enqueue_indirect_dma source(%dma_start3A_16 : memref<10000x128xf32, #tpu.memory_space<hbm>>) target(%arg12 : memref<80x128xf32, #tpu.memory_space<vmem>>) offsets(%dma_start3A_13 : memref<80xi32, #tpu.memory_space<vmem>>) semaphore(%arg18 : memref<!tpu.dma_semaphore, #tpu.memory_space<semaphore_mem>>)
    %dma_start3A_17 = arith.constant 80 : i32
    %dma_start3A_18 = tpu.memref_slice %arg9[%dma_start3A_17] : memref<10000xi32, #tpu.memory_space<vmem>> -> memref<80xi32, #tpu.memory_space<vmem>>
    %dma_start3A_19 = arith.constant 0 : i32
    %dma_start3A_20 = arith.constant 0 : i32
    %dma_start3A_21 = tpu.memref_slice %arg3[%dma_start3A_19, %dma_start3A_20] : memref<10000x128xf32, #tpu.memory_space<hbm>> -> memref<10000x128xf32, #tpu.memory_space<hbm>>
    tpu.enqueue_indirect_dma source(%dma_start3A_21 : memref<10000x128xf32, #tpu.memory_space<hbm>>) target(%arg13 : memref<80x128xf32, #tpu.memory_space<vmem>>) offsets(%dma_start3A_18 : memref<80xi32, #tpu.memory_space<vmem>>) semaphore(%arg18 : memref<!tpu.dma_semaphore, #tpu.memory_space<semaphore_mem>>)
    %dma_wait3A = arith.constant 0 : i32
    %dma_wait3A_22 = tpu.memref_slice %arg8[%dma_wait3A] : memref<10000xi32, #tpu.memory_space<vmem>> -> memref<80xi32, #tpu.memory_space<vmem>>
    %dma_wait3A_23 = arith.constant 0 : i32
    %dma_wait3A_24 = arith.constant 0 : i32
    %dma_wait3A_25 = tpu.memref_slice %arg2[%dma_wait3A_23, %dma_wait3A_24] : memref<10000x128xf32, #tpu.memory_space<hbm>> -> memref<10000x128xf32, #tpu.memory_space<hbm>>
    tpu.wait_indirect_dma semaphore(%arg18 : memref<!tpu.dma_semaphore, #tpu.memory_space<semaphore_mem>>) src(%dma_wait3A_25 : memref<10000x128xf32, #tpu.memory_space<hbm>>) dst(%arg10 : memref<80x128xf32, #tpu.memory_space<vmem>>)
    %dma_wait3A_26 = arith.constant 0 : i32
    %dma_wait3A_27 = tpu.memref_slice %arg9[%dma_wait3A_26] : memref<10000xi32, #tpu.memory_space<vmem>> -> memref<80xi32, #tpu.memory_space<vmem>>
    %dma_wait3A_28 = arith.constant 0 : i32
    %dma_wait3A_29 = arith.constant 0 : i32
    %dma_wait3A_30 = tpu.memref_slice %arg3[%dma_wait3A_28, %dma_wait3A_29] : memref<10000x128xf32, #tpu.memory_space<hbm>> -> memref<10000x128xf32, #tpu.memory_space<hbm>>
    tpu.wait_indirect_dma semaphore(%arg18 : memref<!tpu.dma_semaphore, #tpu.memory_space<semaphore_mem>>) src(%dma_wait3A_30 : memref<10000x128xf32, #tpu.memory_space<hbm>>) dst(%arg11 : memref<80x128xf32, #tpu.memory_space<vmem>>)
    %dma_wait3A_31 = arith.constant 80 : i32
    %dma_wait3A_32 = tpu.memref_slice %arg8[%dma_wait3A_31] : memref<10000xi32, #tpu.memory_space<vmem>> -> memref<80xi32, #tpu.memory_space<vmem>>
    %dma_wait3A_33 = arith.constant 0 : i32
    %dma_wait3A_34 = arith.constant 0 : i32
    %dma_wait3A_35 = tpu.memref_slice %arg2[%dma_wait3A_33, %dma_wait3A_34] : memref<10000x128xf32, #tpu.memory_space<hbm>> -> memref<10000x128xf32, #tpu.memory_space<hbm>>
    tpu.wait_indirect_dma semaphore(%arg18 : memref<!tpu.dma_semaphore, #tpu.memory_space<semaphore_mem>>) src(%dma_wait3A_35 : memref<10000x128xf32, #tpu.memory_space<hbm>>) dst(%arg12 : memref<80x128xf32, #tpu.memory_space<vmem>>)
    %dma_wait3A_36 = arith.constant 80 : i32
    %dma_wait3A_37 = tpu.memref_slice %arg9[%dma_wait3A_36] : memref<10000xi32, #tpu.memory_space<vmem>> -> memref<80xi32, #tpu.memory_space<vmem>>
    %dma_wait3A_38 = arith.constant 0 : i32
    %dma_wait3A_39 = arith.constant 0 : i32
    %dma_wait3A_40 = tpu.memref_slice %arg3[%dma_wait3A_38, %dma_wait3A_39] : memref<10000x128xf32, #tpu.memory_space<hbm>> -> memref<10000x128xf32, #tpu.memory_space<hbm>>
    tpu.wait_indirect_dma semaphore(%arg18 : memref<!tpu.dma_semaphore, #tpu.memory_space<semaphore_mem>>) src(%dma_wait3A_40 : memref<10000x128xf32, #tpu.memory_space<hbm>>) dst(%arg13 : memref<80x128xf32, #tpu.memory_space<vmem>>)
    %add3A_41 = arith.constant 160 : i32
    %add3A_42 = arith.addi %mul3A_2, %add3A_41 : i32
    %dma_start3A_43 = arith.constant 0 : i32
    %dma_start3A_44 = tpu.memref_slice %arg6[%add3A_42, %dma_start3A_43] : memref<320000x128xf32, #tpu.memory_space<hbm>> -> memref<80x128xf32, #tpu.memory_space<hbm>>
    %dma_start3A_45 = arith.constant 0 : i32
    %dma_start3A_46 = tpu.memref_slice %arg6[%add3A_42, %dma_start3A_45] : memref<320000x128xf32, #tpu.memory_space<hbm>> -> memref<80x128xf32, #tpu.memory_space<hbm>>
    tpu.enqueue_dma source(%arg14 : memref<80x128xf32, #tpu.memory_space<vmem>>) target(%dma_start3A_46 : memref<80x128xf32, #tpu.memory_space<hbm>>) target_semaphore(%arg19 : memref<!tpu.dma_semaphore, #tpu.memory_space<semaphore_mem>>)
    %dma_start3A_47 = arith.constant 0 : i32
    %dma_start3A_48 = tpu.memref_slice %arg7[%add3A_42, %dma_start3A_47] : memref<320000x128xf32, #tpu.memory_space<hbm>> -> memref<80x128xf32, #tpu.memory_space<hbm>>
    %dma_start3A_49 = arith.constant 0 : i32
    %dma_start3A_50 = tpu.memref_slice %arg7[%add3A_42, %dma_start3A_49] : memref<320000x128xf32, #tpu.memory_space<hbm>> -> memref<80x128xf32, #tpu.memory_space<hbm>>
    tpu.enqueue_dma source(%arg15 : memref<80x128xf32, #tpu.memory_space<vmem>>) target(%dma_start3A_50 : memref<80x128xf32, #tpu.memory_space<hbm>>) target_semaphore(%arg19 : memref<!tpu.dma_semaphore, #tpu.memory_space<semaphore_mem>>)
    %add3A_51 = arith.constant 240 : i32
    %add3A_52 = arith.addi %mul3A_2, %add3A_51 : i32
    %dma_start3A_53 = arith.constant 0 : i32
    %dma_start3A_54 = tpu.memref_slice %arg6[%add3A_52, %dma_start3A_53] : memref<320000x128xf32, #tpu.memory_space<hbm>> -> memref<80x128xf32, #tpu.memory_space<hbm>>
    %dma_start3A_55 = arith.constant 0 : i32
    %dma_start3A_56 = tpu.memref_slice %arg6[%add3A_52, %dma_start3A_55] : memref<320000x128xf32, #tpu.memory_space<hbm>> -> memref<80x128xf32, #tpu.memory_space<hbm>>
    tpu.enqueue_dma source(%arg16 : memref<80x128xf32, #tpu.memory_space<vmem>>) target(%dma_start3A_56 : memref<80x128xf32, #tpu.memory_space<hbm>>) target_semaphore(%arg19 : memref<!tpu.dma_semaphore, #tpu.memory_space<semaphore_mem>>)
    %dma_start3A_57 = arith.constant 0 : i32
    %dma_start3A_58 = tpu.memref_slice %arg7[%add3A_52, %dma_start3A_57] : memref<320000x128xf32, #tpu.memory_space<hbm>> -> memref<80x128xf32, #tpu.memory_space<hbm>>
    %dma_start3A_59 = arith.constant 0 : i32
    %dma_start3A_60 = tpu.memref_slice %arg7[%add3A_52, %dma_start3A_59] : memref<320000x128xf32, #tpu.memory_space<hbm>> -> memref<80x128xf32, #tpu.memory_space<hbm>>
    tpu.enqueue_dma source(%arg17 : memref<80x128xf32, #tpu.memory_space<vmem>>) target(%dma_start3A_60 : memref<80x128xf32, #tpu.memory_space<hbm>>) target_semaphore(%arg19 : memref<!tpu.dma_semaphore, #tpu.memory_space<semaphore_mem>>)
    %scan3A = arith.constant 0 : i32
    %scan3A_61 = arith.constant 0 : i32
    %scan3A_62 = arith.constant 31 : i32
    %scan3A_63 = arith.addi %scan3A_61, %scan3A_62 : i32
    %scan3A_64 = arith.constant 1 : i32
    scf.for %scan3A_120 = %scan3A_61 to %scan3A_63 step %scan3A_64  : i32 {
      %mul3A_121 = arith.constant 2 : i32
      %mul3A_122 = arith.muli %scan3A_120, %mul3A_121 : i32
      %mul3A_123 = arith.constant 2 : i32
      %mul3A_124 = arith.muli %mul3A_122, %mul3A_123 : i32
      %add3A_125 = arith.constant 2 : i32
      %add3A_126 = arith.addi %mul3A_124, %add3A_125 : i32
      %dma_wait3A_127 = arith.constant 0 : i32
      %dma_wait3A_128 = tpu.memref_slice %arg6[%mul3A_2, %dma_wait3A_127] : memref<320000x128xf32, #tpu.memory_space<hbm>> -> memref<80x128xf32, #tpu.memory_space<hbm>>
      %dma_wait3A_129 = arith.constant 0 : i32
      %dma_wait3A_130 = tpu.memref_slice %arg6[%mul3A_2, %dma_wait3A_129] : memref<320000x128xf32, #tpu.memory_space<hbm>> -> memref<80x128xf32, #tpu.memory_space<hbm>>
      tpu.wait_dma2 semaphore(%arg19 : memref<!tpu.dma_semaphore, #tpu.memory_space<semaphore_mem>>) src(%arg14 : memref<80x128xf32, #tpu.memory_space<vmem>>) dst(%dma_wait3A_130 : memref<80x128xf32, #tpu.memory_space<hbm>>)
      %dma_wait3A_131 = arith.constant 0 : i32
      %dma_wait3A_132 = tpu.memref_slice %arg6[%mul3A_2, %dma_wait3A_131] : memref<320000x128xf32, #tpu.memory_space<hbm>> -> memref<80x128xf32, #tpu.memory_space<hbm>>
      %dma_wait3A_133 = arith.constant 0 : i32
      %dma_wait3A_134 = tpu.memref_slice %arg6[%mul3A_2, %dma_wait3A_133] : memref<320000x128xf32, #tpu.memory_space<hbm>> -> memref<80x128xf32, #tpu.memory_space<hbm>>
      tpu.wait_dma2 semaphore(%arg19 : memref<!tpu.dma_semaphore, #tpu.memory_space<semaphore_mem>>) src(%arg14 : memref<80x128xf32, #tpu.memory_space<vmem>>) dst(%dma_wait3A_134 : memref<80x128xf32, #tpu.memory_space<hbm>>)
      %dma_wait3A_135 = arith.constant 0 : i32
      %dma_wait3A_136 = tpu.memref_slice %arg6[%mul3A_2, %dma_wait3A_135] : memref<320000x128xf32, #tpu.memory_space<hbm>> -> memref<80x128xf32, #tpu.memory_space<hbm>>
      %dma_wait3A_137 = arith.constant 0 : i32
      %dma_wait3A_138 = tpu.memref_slice %arg6[%mul3A_2, %dma_wait3A_137] : memref<320000x128xf32, #tpu.memory_space<hbm>> -> memref<80x128xf32, #tpu.memory_space<hbm>>
      tpu.wait_dma2 semaphore(%arg19 : memref<!tpu.dma_semaphore, #tpu.memory_space<semaphore_mem>>) src(%arg14 : memref<80x128xf32, #tpu.memory_space<vmem>>) dst(%dma_wait3A_138 : memref<80x128xf32, #tpu.memory_space<hbm>>)
      %dma_wait3A_139 = arith.constant 0 : i32
      %dma_wait3A_140 = tpu.memref_slice %arg6[%mul3A_2, %dma_wait3A_139] : memref<320000x128xf32, #tpu.memory_space<hbm>> -> memref<80x128xf32, #tpu.memory_space<hbm>>
      %dma_wait3A_141 = arith.constant 0 : i32
      %dma_wait3A_142 = tpu.memref_slice %arg6[%mul3A_2, %dma_wait3A_141] : memref<320000x128xf32, #tpu.memory_space<hbm>> -> memref<80x128xf32, #tpu.memory_space<hbm>>
      tpu.wait_dma2 semaphore(%arg19 : memref<!tpu.dma_semaphore, #tpu.memory_space<semaphore_mem>>) src(%arg14 : memref<80x128xf32, #tpu.memory_space<vmem>>) dst(%dma_wait3A_142 : memref<80x128xf32, #tpu.memory_space<hbm>>)
      %add3A_143 = arith.constant 0 : i32
      %add3A_144 = arith.addi %mul3A_124, %add3A_143 : i32
      %mul3A_145 = arith.constant 80 : i32
      %mul3A_146 = arith.muli %add3A_144, %mul3A_145 : i32
      %add3A_147 = arith.addi %mul3A_2, %mul3A_146 : i32
      %dma_start3A_148 = arith.constant 0 : i32
      %dma_start3A_149 = tpu.memref_slice %arg6[%add3A_147, %dma_start3A_148] : memref<320000x128xf32, #tpu.memory_space<hbm>> -> memref<80x128xf32, #tpu.memory_space<hbm>>
      %dma_start3A_150 = arith.constant 0 : i32
      %dma_start3A_151 = tpu.memref_slice %arg6[%add3A_147, %dma_start3A_150] : memref<320000x128xf32, #tpu.memory_space<hbm>> -> memref<80x128xf32, #tpu.memory_space<hbm>>
      tpu.enqueue_dma source(%arg10 : memref<80x128xf32, #tpu.memory_space<vmem>>) target(%dma_start3A_151 : memref<80x128xf32, #tpu.memory_space<hbm>>) target_semaphore(%arg19 : memref<!tpu.dma_semaphore, #tpu.memory_space<semaphore_mem>>)
      %dma_start3A_152 = arith.constant 0 : i32
      %dma_start3A_153 = tpu.memref_slice %arg7[%add3A_147, %dma_start3A_152] : memref<320000x128xf32, #tpu.memory_space<hbm>> -> memref<80x128xf32, #tpu.memory_space<hbm>>
      %dma_start3A_154 = arith.constant 0 : i32
      %dma_start3A_155 = tpu.memref_slice %arg7[%add3A_147, %dma_start3A_154] : memref<320000x128xf32, #tpu.memory_space<hbm>> -> memref<80x128xf32, #tpu.memory_space<hbm>>
      tpu.enqueue_dma source(%arg11 : memref<80x128xf32, #tpu.memory_space<vmem>>) target(%dma_start3A_155 : memref<80x128xf32, #tpu.memory_space<hbm>>) target_semaphore(%arg19 : memref<!tpu.dma_semaphore, #tpu.memory_space<semaphore_mem>>)
      %add3A_156 = arith.constant 1 : i32
      %add3A_157 = arith.addi %mul3A_124, %add3A_156 : i32
      %mul3A_158 = arith.constant 80 : i32
      %mul3A_159 = arith.muli %add3A_157, %mul3A_158 : i32
      %add3A_160 = arith.addi %mul3A_2, %mul3A_159 : i32
      %dma_start3A_161 = arith.constant 0 : i32
      %dma_start3A_162 = tpu.memref_slice %arg6[%add3A_160, %dma_start3A_161] : memref<320000x128xf32, #tpu.memory_space<hbm>> -> memref<80x128xf32, #tpu.memory_space<hbm>>
      %dma_start3A_163 = arith.constant 0 : i32
      %dma_start3A_164 = tpu.memref_slice %arg6[%add3A_160, %dma_start3A_163] : memref<320000x128xf32, #tpu.memory_space<hbm>> -> memref<80x128xf32, #tpu.memory_space<hbm>>
      tpu.enqueue_dma source(%arg12 : memref<80x128xf32, #tpu.memory_space<vmem>>) target(%dma_start3A_164 : memref<80x128xf32, #tpu.memory_space<hbm>>) target_semaphore(%arg19 : memref<!tpu.dma_semaphore, #tpu.memory_space<semaphore_mem>>)
      %dma_start3A_165 = arith.constant 0 : i32
      %dma_start3A_166 = tpu.memref_slice %arg7[%add3A_160, %dma_start3A_165] : memref<320000x128xf32, #tpu.memory_space<hbm>> -> memref<80x128xf32, #tpu.memory_space<hbm>>
      %dma_start3A_167 = arith.constant 0 : i32
      %dma_start3A_168 = tpu.memref_slice %arg7[%add3A_160, %dma_start3A_167] : memref<320000x128xf32, #tpu.memory_space<hbm>> -> memref<80x128xf32, #tpu.memory_space<hbm>>
      tpu.enqueue_dma source(%arg13 : memref<80x128xf32, #tpu.memory_space<vmem>>) target(%dma_start3A_168 : memref<80x128xf32, #tpu.memory_space<hbm>>) target_semaphore(%arg19 : memref<!tpu.dma_semaphore, #tpu.memory_space<semaphore_mem>>)
      %add3A_169 = arith.constant 0 : i32
      %add3A_170 = arith.addi %add3A_126, %add3A_169 : i32
      %mul3A_171 = arith.constant 80 : i32
      %mul3A_172 = arith.muli %add3A_170, %mul3A_171 : i32
      %dma_start3A_173 = tpu.memref_slice %arg8[%mul3A_172] : memref<10000xi32, #tpu.memory_space<vmem>> -> memref<80xi32, #tpu.memory_space<vmem>>
      %dma_start3A_174 = arith.constant 0 : i32
      %dma_start3A_175 = arith.constant 0 : i32
      %dma_start3A_176 = tpu.memref_slice %arg2[%dma_start3A_174, %dma_start3A_175] : memref<10000x128xf32, #tpu.memory_space<hbm>> -> memref<10000x128xf32, #tpu.memory_space<hbm>>
      tpu.enqueue_indirect_dma source(%dma_start3A_176 : memref<10000x128xf32, #tpu.memory_space<hbm>>) target(%arg14 : memref<80x128xf32, #tpu.memory_space<vmem>>) offsets(%dma_start3A_173 : memref<80xi32, #tpu.memory_space<vmem>>) semaphore(%arg18 : memref<!tpu.dma_semaphore, #tpu.memory_space<semaphore_mem>>)
      %dma_start3A_177 = tpu.memref_slice %arg9[%mul3A_172] : memref<10000xi32, #tpu.memory_space<vmem>> -> memref<80xi32, #tpu.memory_space<vmem>>
      %dma_start3A_178 = arith.constant 0 : i32
      %dma_start3A_179 = arith.constant 0 : i32
      %dma_start3A_180 = tpu.memref_slice %arg3[%dma_start3A_178, %dma_start3A_179] : memref<10000x128xf32, #tpu.memory_space<hbm>> -> memref<10000x128xf32, #tpu.memory_space<hbm>>
      tpu.enqueue_indirect_dma source(%dma_start3A_180 : memref<10000x128xf32, #tpu.memory_space<hbm>>) target(%arg15 : memref<80x128xf32, #tpu.memory_space<vmem>>) offsets(%dma_start3A_177 : memref<80xi32, #tpu.memory_space<vmem>>) semaphore(%arg18 : memref<!tpu.dma_semaphore, #tpu.memory_space<semaphore_mem>>)
      %add3A_181 = arith.constant 1 : i32
      %add3A_182 = arith.addi %add3A_126, %add3A_181 : i32
      %mul3A_183 = arith.constant 80 : i32
      %mul3A_184 = arith.muli %add3A_182, %mul3A_183 : i32
      %dma_start3A_185 = tpu.memref_slice %arg8[%mul3A_184] : memref<10000xi32, #tpu.memory_space<vmem>> -> memref<80xi32, #tpu.memory_space<vmem>>
      %dma_start3A_186 = arith.constant 0 : i32
      %dma_start3A_187 = arith.constant 0 : i32
      %dma_start3A_188 = tpu.memref_slice %arg2[%dma_start3A_186, %dma_start3A_187] : memref<10000x128xf32, #tpu.memory_space<hbm>> -> memref<10000x128xf32, #tpu.memory_space<hbm>>
      tpu.enqueue_indirect_dma source(%dma_start3A_188 : memref<10000x128xf32, #tpu.memory_space<hbm>>) target(%arg16 : memref<80x128xf32, #tpu.memory_space<vmem>>) offsets(%dma_start3A_185 : memref<80xi32, #tpu.memory_space<vmem>>) semaphore(%arg18 : memref<!tpu.dma_semaphore, #tpu.memory_space<semaphore_mem>>)
      %dma_start3A_189 = tpu.memref_slice %arg9[%mul3A_184] : memref<10000xi32, #tpu.memory_space<vmem>> -> memref<80xi32, #tpu.memory_space<vmem>>
      %dma_start3A_190 = arith.constant 0 : i32
      %dma_start3A_191 = arith.constant 0 : i32
      %dma_start3A_192 = tpu.memref_slice %arg3[%dma_start3A_190, %dma_start3A_191] : memref<10000x128xf32, #tpu.memory_space<hbm>> -> memref<10000x128xf32, #tpu.memory_space<hbm>>
      tpu.enqueue_indirect_dma source(%dma_start3A_192 : memref<10000x128xf32, #tpu.memory_space<hbm>>) target(%arg17 : memref<80x128xf32, #tpu.memory_space<vmem>>) offsets(%dma_start3A_189 : memref<80xi32, #tpu.memory_space<vmem>>) semaphore(%arg18 : memref<!tpu.dma_semaphore, #tpu.memory_space<semaphore_mem>>)
      %dma_wait3A_193 = tpu.memref_slice %arg8[%mul3A_172] : memref<10000xi32, #tpu.memory_space<vmem>> -> memref<80xi32, #tpu.memory_space<vmem>>
      %dma_wait3A_194 = arith.constant 0 : i32
      %dma_wait3A_195 = arith.constant 0 : i32
      %dma_wait3A_196 = tpu.memref_slice %arg2[%dma_wait3A_194, %dma_wait3A_195] : memref<10000x128xf32, #tpu.memory_space<hbm>> -> memref<10000x128xf32, #tpu.memory_space<hbm>>
      tpu.wait_indirect_dma semaphore(%arg18 : memref<!tpu.dma_semaphore, #tpu.memory_space<semaphore_mem>>) src(%dma_wait3A_196 : memref<10000x128xf32, #tpu.memory_space<hbm>>) dst(%arg14 : memref<80x128xf32, #tpu.memory_space<vmem>>)
      %dma_wait3A_197 = tpu.memref_slice %arg9[%mul3A_172] : memref<10000xi32, #tpu.memory_space<vmem>> -> memref<80xi32, #tpu.memory_space<vmem>>
      %dma_wait3A_198 = arith.constant 0 : i32
      %dma_wait3A_199 = arith.constant 0 : i32
      %dma_wait3A_200 = tpu.memref_slice %arg3[%dma_wait3A_198, %dma_wait3A_199] : memref<10000x128xf32, #tpu.memory_space<hbm>> -> memref<10000x128xf32, #tpu.memory_space<hbm>>
      tpu.wait_indirect_dma semaphore(%arg18 : memref<!tpu.dma_semaphore, #tpu.memory_space<semaphore_mem>>) src(%dma_wait3A_200 : memref<10000x128xf32, #tpu.memory_space<hbm>>) dst(%arg15 : memref<80x128xf32, #tpu.memory_space<vmem>>)
      %dma_wait3A_201 = tpu.memref_slice %arg8[%mul3A_184] : memref<10000xi32, #tpu.memory_space<vmem>> -> memref<80xi32, #tpu.memory_space<vmem>>
      %dma_wait3A_202 = arith.constant 0 : i32
      %dma_wait3A_203 = arith.constant 0 : i32
      %dma_wait3A_204 = tpu.memref_slice %arg2[%dma_wait3A_202, %dma_wait3A_203] : memref<10000x128xf32, #tpu.memory_space<hbm>> -> memref<10000x128xf32, #tpu.memory_space<hbm>>
      tpu.wait_indirect_dma semaphore(%arg18 : memref<!tpu.dma_semaphore, #tpu.memory_space<semaphore_mem>>) src(%dma_wait3A_204 : memref<10000x128xf32, #tpu.memory_space<hbm>>) dst(%arg16 : memref<80x128xf32, #tpu.memory_space<vmem>>)
      %dma_wait3A_205 = tpu.memref_slice %arg9[%mul3A_184] : memref<10000xi32, #tpu.memory_space<vmem>> -> memref<80xi32, #tpu.memory_space<vmem>>
      %dma_wait3A_206 = arith.constant 0 : i32
      %dma_wait3A_207 = arith.constant 0 : i32
      %dma_wait3A_208 = tpu.memref_slice %arg3[%dma_wait3A_206, %dma_wait3A_207] : memref<10000x128xf32, #tpu.memory_space<hbm>> -> memref<10000x128xf32, #tpu.memory_space<hbm>>
      tpu.wait_indirect_dma semaphore(%arg18 : memref<!tpu.dma_semaphore, #tpu.memory_space<semaphore_mem>>) src(%dma_wait3A_208 : memref<10000x128xf32, #tpu.memory_space<hbm>>) dst(%arg17 : memref<80x128xf32, #tpu.memory_space<vmem>>)
      %dma_wait3A_209 = arith.constant 0 : i32
      %dma_wait3A_210 = tpu.memref_slice %arg6[%add3A_147, %dma_wait3A_209] : memref<320000x128xf32, #tpu.memory_space<hbm>> -> memref<80x128xf32, #tpu.memory_space<hbm>>
      %dma_wait3A_211 = arith.constant 0 : i32
      %dma_wait3A_212 = tpu.memref_slice %arg6[%add3A_147, %dma_wait3A_211] : memref<320000x128xf32, #tpu.memory_space<hbm>> -> memref<80x128xf32, #tpu.memory_space<hbm>>
      tpu.wait_dma2 semaphore(%arg19 : memref<!tpu.dma_semaphore, #tpu.memory_space<semaphore_mem>>) src(%arg10 : memref<80x128xf32, #tpu.memory_space<vmem>>) dst(%dma_wait3A_212 : memref<80x128xf32, #tpu.memory_space<hbm>>)
      %dma_wait3A_213 = arith.constant 0 : i32
      %dma_wait3A_214 = tpu.memref_slice %arg7[%add3A_147, %dma_wait3A_213] : memref<320000x128xf32, #tpu.memory_space<hbm>> -> memref<80x128xf32, #tpu.memory_space<hbm>>
      %dma_wait3A_215 = arith.constant 0 : i32
      %dma_wait3A_216 = tpu.memref_slice %arg7[%add3A_147, %dma_wait3A_215] : memref<320000x128xf32, #tpu.memory_space<hbm>> -> memref<80x128xf32, #tpu.memory_space<hbm>>
      tpu.wait_dma2 semaphore(%arg19 : memref<!tpu.dma_semaphore, #tpu.memory_space<semaphore_mem>>) src(%arg11 : memref<80x128xf32, #tpu.memory_space<vmem>>) dst(%dma_wait3A_216 : memref<80x128xf32, #tpu.memory_space<hbm>>)
      %dma_wait3A_217 = arith.constant 0 : i32
      %dma_wait3A_218 = tpu.memref_slice %arg6[%add3A_160, %dma_wait3A_217] : memref<320000x128xf32, #tpu.memory_space<hbm>> -> memref<80x128xf32, #tpu.memory_space<hbm>>
      %dma_wait3A_219 = arith.constant 0 : i32
      %dma_wait3A_220 = tpu.memref_slice %arg6[%add3A_160, %dma_wait3A_219] : memref<320000x128xf32, #tpu.memory_space<hbm>> -> memref<80x128xf32, #tpu.memory_space<hbm>>
      tpu.wait_dma2 semaphore(%arg19 : memref<!tpu.dma_semaphore, #tpu.memory_space<semaphore_mem>>) src(%arg12 : memref<80x128xf32, #tpu.memory_space<vmem>>) dst(%dma_wait3A_220 : memref<80x128xf32, #tpu.memory_space<hbm>>)
      %dma_wait3A_221 = arith.constant 0 : i32
      %dma_wait3A_222 = tpu.memref_slice %arg7[%add3A_160, %dma_wait3A_221] : memref<320000x128xf32, #tpu.memory_space<hbm>> -> memref<80x128xf32, #tpu.memory_space<hbm>>
      %dma_wait3A_223 = arith.constant 0 : i32
      %dma_wait3A_224 = tpu.memref_slice %arg7[%add3A_160, %dma_wait3A_223] : memref<320000x128xf32, #tpu.memory_space<hbm>> -> memref<80x128xf32, #tpu.memory_space<hbm>>
      tpu.wait_dma2 semaphore(%arg19 : memref<!tpu.dma_semaphore, #tpu.memory_space<semaphore_mem>>) src(%arg13 : memref<80x128xf32, #tpu.memory_space<vmem>>) dst(%dma_wait3A_224 : memref<80x128xf32, #tpu.memory_space<hbm>>)
      %add3A_225 = arith.constant 0 : i32
      %add3A_226 = arith.addi %add3A_126, %add3A_225 : i32
      %mul3A_227 = arith.constant 80 : i32
      %mul3A_228 = arith.muli %add3A_226, %mul3A_227 : i32
      %add3A_229 = arith.addi %mul3A_2, %mul3A_228 : i32
      %dma_start3A_230 = arith.constant 0 : i32
      %dma_start3A_231 = tpu.memref_slice %arg6[%add3A_229, %dma_start3A_230] : memref<320000x128xf32, #tpu.memory_space<hbm>> -> memref<80x128xf32, #tpu.memory_space<hbm>>
      %dma_start3A_232 = arith.constant 0 : i32
      %dma_start3A_233 = tpu.memref_slice %arg6[%add3A_229, %dma_start3A_232] : memref<320000x128xf32, #tpu.memory_space<hbm>> -> memref<80x128xf32, #tpu.memory_space<hbm>>
      tpu.enqueue_dma source(%arg14 : memref<80x128xf32, #tpu.memory_space<vmem>>) target(%dma_start3A_233 : memref<80x128xf32, #tpu.memory_space<hbm>>) target_semaphore(%arg19 : memref<!tpu.dma_semaphore, #tpu.memory_space<semaphore_mem>>)
      %dma_start3A_234 = arith.constant 0 : i32
      %dma_start3A_235 = tpu.memref_slice %arg7[%add3A_229, %dma_start3A_234] : memref<320000x128xf32, #tpu.memory_space<hbm>> -> memref<80x128xf32, #tpu.memory_space<hbm>>
      %dma_start3A_236 = arith.constant 0 : i32
      %dma_start3A_237 = tpu.memref_slice %arg7[%add3A_229, %dma_start3A_236] : memref<320000x128xf32, #tpu.memory_space<hbm>> -> memref<80x128xf32, #tpu.memory_space<hbm>>
      tpu.enqueue_dma source(%arg15 : memref<80x128xf32, #tpu.memory_space<vmem>>) target(%dma_start3A_237 : memref<80x128xf32, #tpu.memory_space<hbm>>) target_semaphore(%arg19 : memref<!tpu.dma_semaphore, #tpu.memory_space<semaphore_mem>>)
      %add3A_238 = arith.constant 1 : i32
      %add3A_239 = arith.addi %add3A_126, %add3A_238 : i32
      %mul3A_240 = arith.constant 80 : i32
      %mul3A_241 = arith.muli %add3A_239, %mul3A_240 : i32
      %add3A_242 = arith.addi %mul3A_2, %mul3A_241 : i32
      %dma_start3A_243 = arith.constant 0 : i32
      %dma_start3A_244 = tpu.memref_slice %arg6[%add3A_242, %dma_start3A_243] : memref<320000x128xf32, #tpu.memory_space<hbm>> -> memref<80x128xf32, #tpu.memory_space<hbm>>
      %dma_start3A_245 = arith.constant 0 : i32
      %dma_start3A_246 = tpu.memref_slice %arg6[%add3A_242, %dma_start3A_245] : memref<320000x128xf32, #tpu.memory_space<hbm>> -> memref<80x128xf32, #tpu.memory_space<hbm>>
      tpu.enqueue_dma source(%arg16 : memref<80x128xf32, #tpu.memory_space<vmem>>) target(%dma_start3A_246 : memref<80x128xf32, #tpu.memory_space<hbm>>) target_semaphore(%arg19 : memref<!tpu.dma_semaphore, #tpu.memory_space<semaphore_mem>>)
      %dma_start3A_247 = arith.constant 0 : i32
      %dma_start3A_248 = tpu.memref_slice %arg7[%add3A_242, %dma_start3A_247] : memref<320000x128xf32, #tpu.memory_space<hbm>> -> memref<80x128xf32, #tpu.memory_space<hbm>>
      %dma_start3A_249 = arith.constant 0 : i32
      %dma_start3A_250 = tpu.memref_slice %arg7[%add3A_242, %dma_start3A_249] : memref<320000x128xf32, #tpu.memory_space<hbm>> -> memref<80x128xf32, #tpu.memory_space<hbm>>
      tpu.enqueue_dma source(%arg17 : memref<80x128xf32, #tpu.memory_space<vmem>>) target(%dma_start3A_250 : memref<80x128xf32, #tpu.memory_space<hbm>>) target_semaphore(%arg19 : memref<!tpu.dma_semaphore, #tpu.memory_space<semaphore_mem>>)
      %lt3A = arith.constant 30 : i32
      %lt3A_251 = arith.cmpi slt, %scan3A_120, %lt3A : i32
      %convert_element_type3A = arith.extui %lt3A_251 : i1 to i32
      %cond3A = arith.constant 0 : i32
      %cond3A_252 = arith.cmpi ne, %convert_element_type3A, %cond3A : i32
      scf.if %cond3A_252 {
        %add3A_253 = arith.constant 4 : i32
        %add3A_254 = arith.addi %mul3A_124, %add3A_253 : i32
        %add3A_255 = arith.constant 0 : i32
        %add3A_256 = arith.addi %add3A_254, %add3A_255 : i32
        %mul3A_257 = arith.constant 80 : i32
        %mul3A_258 = arith.muli %add3A_256, %mul3A_257 : i32
        %dma_start3A_259 = tpu.memref_slice %arg8[%mul3A_258] : memref<10000xi32, #tpu.memory_space<vmem>> -> memref<80xi32, #tpu.memory_space<vmem>>
        %dma_start3A_260 = arith.constant 0 : i32
        %dma_start3A_261 = arith.constant 0 : i32
        %dma_start3A_262 = tpu.memref_slice %arg2[%dma_start3A_260, %dma_start3A_261] : memref<10000x128xf32, #tpu.memory_space<hbm>> -> memref<10000x128xf32, #tpu.memory_space<hbm>>
        tpu.enqueue_indirect_dma source(%dma_start3A_262 : memref<10000x128xf32, #tpu.memory_space<hbm>>) target(%arg10 : memref<80x128xf32, #tpu.memory_space<vmem>>) offsets(%dma_start3A_259 : memref<80xi32, #tpu.memory_space<vmem>>) semaphore(%arg18 : memref<!tpu.dma_semaphore, #tpu.memory_space<semaphore_mem>>)
        %dma_start3A_263 = tpu.memref_slice %arg9[%mul3A_258] : memref<10000xi32, #tpu.memory_space<vmem>> -> memref<80xi32, #tpu.memory_space<vmem>>
        %dma_start3A_264 = arith.constant 0 : i32
        %dma_start3A_265 = arith.constant 0 : i32
        %dma_start3A_266 = tpu.memref_slice %arg3[%dma_start3A_264, %dma_start3A_265] : memref<10000x128xf32, #tpu.memory_space<hbm>> -> memref<10000x128xf32, #tpu.memory_space<hbm>>
        tpu.enqueue_indirect_dma source(%dma_start3A_266 : memref<10000x128xf32, #tpu.memory_space<hbm>>) target(%arg11 : memref<80x128xf32, #tpu.memory_space<vmem>>) offsets(%dma_start3A_263 : memref<80xi32, #tpu.memory_space<vmem>>) semaphore(%arg18 : memref<!tpu.dma_semaphore, #tpu.memory_space<semaphore_mem>>)
        %add3A_267 = arith.constant 1 : i32
        %add3A_268 = arith.addi %add3A_254, %add3A_267 : i32
        %mul3A_269 = arith.constant 80 : i32
        %mul3A_270 = arith.muli %add3A_268, %mul3A_269 : i32
        %dma_start3A_271 = tpu.memref_slice %arg8[%mul3A_270] : memref<10000xi32, #tpu.memory_space<vmem>> -> memref<80xi32, #tpu.memory_space<vmem>>
        %dma_start3A_272 = arith.constant 0 : i32
        %dma_start3A_273 = arith.constant 0 : i32
        %dma_start3A_274 = tpu.memref_slice %arg2[%dma_start3A_272, %dma_start3A_273] : memref<10000x128xf32, #tpu.memory_space<hbm>> -> memref<10000x128xf32, #tpu.memory_space<hbm>>
        tpu.enqueue_indirect_dma source(%dma_start3A_274 : memref<10000x128xf32, #tpu.memory_space<hbm>>) target(%arg12 : memref<80x128xf32, #tpu.memory_space<vmem>>) offsets(%dma_start3A_271 : memref<80xi32, #tpu.memory_space<vmem>>) semaphore(%arg18 : memref<!tpu.dma_semaphore, #tpu.memory_space<semaphore_mem>>)
        %dma_start3A_275 = tpu.memref_slice %arg9[%mul3A_270] : memref<10000xi32, #tpu.memory_space<vmem>> -> memref<80xi32, #tpu.memory_space<vmem>>
        %dma_start3A_276 = arith.constant 0 : i32
        %dma_start3A_277 = arith.constant 0 : i32
        %dma_start3A_278 = tpu.memref_slice %arg3[%dma_start3A_276, %dma_start3A_277] : memref<10000x128xf32, #tpu.memory_space<hbm>> -> memref<10000x128xf32, #tpu.memory_space<hbm>>
        tpu.enqueue_indirect_dma source(%dma_start3A_278 : memref<10000x128xf32, #tpu.memory_space<hbm>>) target(%arg13 : memref<80x128xf32, #tpu.memory_space<vmem>>) offsets(%dma_start3A_275 : memref<80xi32, #tpu.memory_space<vmem>>) semaphore(%arg18 : memref<!tpu.dma_semaphore, #tpu.memory_space<semaphore_mem>>)
        %dma_wait3A_279 = tpu.memref_slice %arg8[%mul3A_258] : memref<10000xi32, #tpu.memory_space<vmem>> -> memref<80xi32, #tpu.memory_space<vmem>>
        %dma_wait3A_280 = arith.constant 0 : i32
        %dma_wait3A_281 = arith.constant 0 : i32
        %dma_wait3A_282 = tpu.memref_slice %arg2[%dma_wait3A_280, %dma_wait3A_281] : memref<10000x128xf32, #tpu.memory_space<hbm>> -> memref<10000x128xf32, #tpu.memory_space<hbm>>
        tpu.wait_indirect_dma semaphore(%arg18 : memref<!tpu.dma_semaphore, #tpu.memory_space<semaphore_mem>>) src(%dma_wait3A_282 : memref<10000x128xf32, #tpu.memory_space<hbm>>) dst(%arg10 : memref<80x128xf32, #tpu.memory_space<vmem>>)
        %dma_wait3A_283 = tpu.memref_slice %arg9[%mul3A_258] : memref<10000xi32, #tpu.memory_space<vmem>> -> memref<80xi32, #tpu.memory_space<vmem>>
        %dma_wait3A_284 = arith.constant 0 : i32
        %dma_wait3A_285 = arith.constant 0 : i32
        %dma_wait3A_286 = tpu.memref_slice %arg3[%dma_wait3A_284, %dma_wait3A_285] : memref<10000x128xf32, #tpu.memory_space<hbm>> -> memref<10000x128xf32, #tpu.memory_space<hbm>>
        tpu.wait_indirect_dma semaphore(%arg18 : memref<!tpu.dma_semaphore, #tpu.memory_space<semaphore_mem>>) src(%dma_wait3A_286 : memref<10000x128xf32, #tpu.memory_space<hbm>>) dst(%arg11 : memref<80x128xf32, #tpu.memory_space<vmem>>)
        %dma_wait3A_287 = tpu.memref_slice %arg8[%mul3A_270] : memref<10000xi32, #tpu.memory_space<vmem>> -> memref<80xi32, #tpu.memory_space<vmem>>
        %dma_wait3A_288 = arith.constant 0 : i32
        %dma_wait3A_289 = arith.constant 0 : i32
        %dma_wait3A_290 = tpu.memref_slice %arg2[%dma_wait3A_288, %dma_wait3A_289] : memref<10000x128xf32, #tpu.memory_space<hbm>> -> memref<10000x128xf32, #tpu.memory_space<hbm>>
        tpu.wait_indirect_dma semaphore(%arg18 : memref<!tpu.dma_semaphore, #tpu.memory_space<semaphore_mem>>) src(%dma_wait3A_290 : memref<10000x128xf32, #tpu.memory_space<hbm>>) dst(%arg12 : memref<80x128xf32, #tpu.memory_space<vmem>>)
        %dma_wait3A_291 = tpu.memref_slice %arg9[%mul3A_270] : memref<10000xi32, #tpu.memory_space<vmem>> -> memref<80xi32, #tpu.memory_space<vmem>>
        %dma_wait3A_292 = arith.constant 0 : i32
        %dma_wait3A_293 = arith.constant 0 : i32
        %dma_wait3A_294 = tpu.memref_slice %arg3[%dma_wait3A_292, %dma_wait3A_293] : memref<10000x128xf32, #tpu.memory_space<hbm>> -> memref<10000x128xf32, #tpu.memory_space<hbm>>
        tpu.wait_indirect_dma semaphore(%arg18 : memref<!tpu.dma_semaphore, #tpu.memory_space<semaphore_mem>>) src(%dma_wait3A_294 : memref<10000x128xf32, #tpu.memory_space<hbm>>) dst(%arg13 : memref<80x128xf32, #tpu.memory_space<vmem>>)
      } else {
      }
    }
    %scan3A_65 = arith.constant 31 : i32
    %dma_wait3A_66 = arith.constant 0 : i32
    %dma_wait3A_67 = tpu.memref_slice %arg6[%mul3A_2, %dma_wait3A_66] : memref<320000x128xf32, #tpu.memory_space<hbm>> -> memref<80x128xf32, #tpu.memory_space<hbm>>
    %dma_wait3A_68 = arith.constant 0 : i32
    %dma_wait3A_69 = tpu.memref_slice %arg6[%mul3A_2, %dma_wait3A_68] : memref<320000x128xf32, #tpu.memory_space<hbm>> -> memref<80x128xf32, #tpu.memory_space<hbm>>
    tpu.wait_dma2 semaphore(%arg19 : memref<!tpu.dma_semaphore, #tpu.memory_space<semaphore_mem>>) src(%arg14 : memref<80x128xf32, #tpu.memory_space<vmem>>) dst(%dma_wait3A_69 : memref<80x128xf32, #tpu.memory_space<hbm>>)
    %dma_wait3A_70 = arith.constant 0 : i32
    %dma_wait3A_71 = tpu.memref_slice %arg6[%mul3A_2, %dma_wait3A_70] : memref<320000x128xf32, #tpu.memory_space<hbm>> -> memref<80x128xf32, #tpu.memory_space<hbm>>
    %dma_wait3A_72 = arith.constant 0 : i32
    %dma_wait3A_73 = tpu.memref_slice %arg6[%mul3A_2, %dma_wait3A_72] : memref<320000x128xf32, #tpu.memory_space<hbm>> -> memref<80x128xf32, #tpu.memory_space<hbm>>
    tpu.wait_dma2 semaphore(%arg19 : memref<!tpu.dma_semaphore, #tpu.memory_space<semaphore_mem>>) src(%arg14 : memref<80x128xf32, #tpu.memory_space<vmem>>) dst(%dma_wait3A_73 : memref<80x128xf32, #tpu.memory_space<hbm>>)
    %dma_wait3A_74 = arith.constant 0 : i32
    %dma_wait3A_75 = tpu.memref_slice %arg6[%mul3A_2, %dma_wait3A_74] : memref<320000x128xf32, #tpu.memory_space<hbm>> -> memref<80x128xf32, #tpu.memory_space<hbm>>
    %dma_wait3A_76 = arith.constant 0 : i32
    %dma_wait3A_77 = tpu.memref_slice %arg6[%mul3A_2, %dma_wait3A_76] : memref<320000x128xf32, #tpu.memory_space<hbm>> -> memref<80x128xf32, #tpu.memory_space<hbm>>
    tpu.wait_dma2 semaphore(%arg19 : memref<!tpu.dma_semaphore, #tpu.memory_space<semaphore_mem>>) src(%arg14 : memref<80x128xf32, #tpu.memory_space<vmem>>) dst(%dma_wait3A_77 : memref<80x128xf32, #tpu.memory_space<hbm>>)
    %dma_wait3A_78 = arith.constant 0 : i32
    %dma_wait3A_79 = tpu.memref_slice %arg6[%mul3A_2, %dma_wait3A_78] : memref<320000x128xf32, #tpu.memory_space<hbm>> -> memref<80x128xf32, #tpu.memory_space<hbm>>
    %dma_wait3A_80 = arith.constant 0 : i32
    %dma_wait3A_81 = tpu.memref_slice %arg6[%mul3A_2, %dma_wait3A_80] : memref<320000x128xf32, #tpu.memory_space<hbm>> -> memref<80x128xf32, #tpu.memory_space<hbm>>
    tpu.wait_dma2 semaphore(%arg19 : memref<!tpu.dma_semaphore, #tpu.memory_space<semaphore_mem>>) src(%arg14 : memref<80x128xf32, #tpu.memory_space<vmem>>) dst(%dma_wait3A_81 : memref<80x128xf32, #tpu.memory_space<hbm>>)
    %dma_start3A_82 = arith.constant 9920 : i32
    %dma_start3A_83 = tpu.memref_slice %arg8[%dma_start3A_82] : memref<10000xi32, #tpu.memory_space<vmem>> -> memref<80xi32, #tpu.memory_space<vmem>>
    %dma_start3A_84 = arith.constant 0 : i32
    %dma_start3A_85 = arith.constant 0 : i32
    %dma_start3A_86 = tpu.memref_slice %arg2[%dma_start3A_84, %dma_start3A_85] : memref<10000x128xf32, #tpu.memory_space<hbm>> -> memref<10000x128xf32, #tpu.memory_space<hbm>>
    tpu.enqueue_indirect_dma source(%dma_start3A_86 : memref<10000x128xf32, #tpu.memory_space<hbm>>) target(%arg10 : memref<80x128xf32, #tpu.memory_space<vmem>>) offsets(%dma_start3A_83 : memref<80xi32, #tpu.memory_space<vmem>>) semaphore(%arg18 : memref<!tpu.dma_semaphore, #tpu.memory_space<semaphore_mem>>)
    %dma_start3A_87 = arith.constant 9920 : i32
    %dma_start3A_88 = tpu.memref_slice %arg9[%dma_start3A_87] : memref<10000xi32, #tpu.memory_space<vmem>> -> memref<80xi32, #tpu.memory_space<vmem>>
    %dma_start3A_89 = arith.constant 0 : i32
    %dma_start3A_90 = arith.constant 0 : i32
    %dma_start3A_91 = tpu.memref_slice %arg3[%dma_start3A_89, %dma_start3A_90] : memref<10000x128xf32, #tpu.memory_space<hbm>> -> memref<10000x128xf32, #tpu.memory_space<hbm>>
    tpu.enqueue_indirect_dma source(%dma_start3A_91 : memref<10000x128xf32, #tpu.memory_space<hbm>>) target(%arg11 : memref<80x128xf32, #tpu.memory_space<vmem>>) offsets(%dma_start3A_88 : memref<80xi32, #tpu.memory_space<vmem>>) semaphore(%arg18 : memref<!tpu.dma_semaphore, #tpu.memory_space<semaphore_mem>>)
    %dma_wait3A_92 = arith.constant 9920 : i32
    %dma_wait3A_93 = tpu.memref_slice %arg8[%dma_wait3A_92] : memref<10000xi32, #tpu.memory_space<vmem>> -> memref<80xi32, #tpu.memory_space<vmem>>
    %dma_wait3A_94 = arith.constant 0 : i32
    %dma_wait3A_95 = arith.constant 0 : i32
    %dma_wait3A_96 = tpu.memref_slice %arg2[%dma_wait3A_94, %dma_wait3A_95] : memref<10000x128xf32, #tpu.memory_space<hbm>> -> memref<10000x128xf32, #tpu.memory_space<hbm>>
    tpu.wait_indirect_dma semaphore(%arg18 : memref<!tpu.dma_semaphore, #tpu.memory_space<semaphore_mem>>) src(%dma_wait3A_96 : memref<10000x128xf32, #tpu.memory_space<hbm>>) dst(%arg10 : memref<80x128xf32, #tpu.memory_space<vmem>>)
    %dma_wait3A_97 = arith.constant 9920 : i32
    %dma_wait3A_98 = tpu.memref_slice %arg9[%dma_wait3A_97] : memref<10000xi32, #tpu.memory_space<vmem>> -> memref<80xi32, #tpu.memory_space<vmem>>
    %dma_wait3A_99 = arith.constant 0 : i32
    %dma_wait3A_100 = arith.constant 0 : i32
    %dma_wait3A_101 = tpu.memref_slice %arg3[%dma_wait3A_99, %dma_wait3A_100] : memref<10000x128xf32, #tpu.memory_space<hbm>> -> memref<10000x128xf32, #tpu.memory_space<hbm>>
    tpu.wait_indirect_dma semaphore(%arg18 : memref<!tpu.dma_semaphore, #tpu.memory_space<semaphore_mem>>) src(%dma_wait3A_101 : memref<10000x128xf32, #tpu.memory_space<hbm>>) dst(%arg11 : memref<80x128xf32, #tpu.memory_space<vmem>>)
    %add3A_102 = arith.constant 9920 : i32
    %add3A_103 = arith.addi %mul3A_2, %add3A_102 : i32
    %dma_start3A_104 = arith.constant 0 : i32
    %dma_start3A_105 = tpu.memref_slice %arg6[%add3A_103, %dma_start3A_104] : memref<320000x128xf32, #tpu.memory_space<hbm>> -> memref<80x128xf32, #tpu.memory_space<hbm>>
    %dma_start3A_106 = arith.constant 0 : i32
    %dma_start3A_107 = tpu.memref_slice %arg6[%add3A_103, %dma_start3A_106] : memref<320000x128xf32, #tpu.memory_space<hbm>> -> memref<80x128xf32, #tpu.memory_space<hbm>>
    tpu.enqueue_dma source(%arg10 : memref<80x128xf32, #tpu.memory_space<vmem>>) target(%dma_start3A_107 : memref<80x128xf32, #tpu.memory_space<hbm>>) target_semaphore(%arg19 : memref<!tpu.dma_semaphore, #tpu.memory_space<semaphore_mem>>)
    %dma_start3A_108 = arith.constant 0 : i32
    %dma_start3A_109 = tpu.memref_slice %arg7[%add3A_103, %dma_start3A_108] : memref<320000x128xf32, #tpu.memory_space<hbm>> -> memref<80x128xf32, #tpu.memory_space<hbm>>
    %dma_start3A_110 = arith.constant 0 : i32
    %dma_start3A_111 = tpu.memref_slice %arg7[%add3A_103, %dma_start3A_110] : memref<320000x128xf32, #tpu.memory_space<hbm>> -> memref<80x128xf32, #tpu.memory_space<hbm>>
    tpu.enqueue_dma source(%arg11 : memref<80x128xf32, #tpu.memory_space<vmem>>) target(%dma_start3A_111 : memref<80x128xf32, #tpu.memory_space<hbm>>) target_semaphore(%arg19 : memref<!tpu.dma_semaphore, #tpu.memory_space<semaphore_mem>>)
    %dma_wait3A_112 = arith.constant 0 : i32
    %dma_wait3A_113 = tpu.memref_slice %arg6[%add3A_103, %dma_wait3A_112] : memref<320000x128xf32, #tpu.memory_space<hbm>> -> memref<80x128xf32, #tpu.memory_space<hbm>>
    %dma_wait3A_114 = arith.constant 0 : i32
    %dma_wait3A_115 = tpu.memref_slice %arg6[%add3A_103, %dma_wait3A_114] : memref<320000x128xf32, #tpu.memory_space<hbm>> -> memref<80x128xf32, #tpu.memory_space<hbm>>
    tpu.wait_dma2 semaphore(%arg19 : memref<!tpu.dma_semaphore, #tpu.memory_space<semaphore_mem>>) src(%arg10 : memref<80x128xf32, #tpu.memory_space<vmem>>) dst(%dma_wait3A_115 : memref<80x128xf32, #tpu.memory_space<hbm>>)
    %dma_wait3A_116 = arith.constant 0 : i32
    %dma_wait3A_117 = tpu.memref_slice %arg7[%add3A_103, %dma_wait3A_116] : memref<320000x128xf32, #tpu.memory_space<hbm>> -> memref<80x128xf32, #tpu.memory_space<hbm>>
    %dma_wait3A_118 = arith.constant 0 : i32
    %dma_wait3A_119 = tpu.memref_slice %arg7[%add3A_103, %dma_wait3A_118] : memref<320000x128xf32, #tpu.memory_space<hbm>> -> memref<80x128xf32, #tpu.memory_space<hbm>>
    tpu.wait_dma2 semaphore(%arg19 : memref<!tpu.dma_semaphore, #tpu.memory_space<semaphore_mem>>) src(%arg11 : memref<80x128xf32, #tpu.memory_space<vmem>>) dst(%dma_wait3A_119 : memref<80x128xf32, #tpu.memory_space<hbm>>)
    return
  }
}

#map = affine_map<(d0, d1) -> (0, 0)>
#map1 = affine_map<(d0, d1) -> (0)>
#map2 = affine_map<(d0, d1) -> (0, 0, 0)>
module attributes {stable_mosaic.version = 14 : i64} {
  func.func @scatter_kernel(%arg0: i32, %arg1: i32, %arg2: memref<320000x128xf32, #tpu.memory_space<hbm>>, %arg3: memref<320000xi32, #tpu.memory_space<hbm>>, %arg4: memref<128x128xf32, #tpu.memory_space<hbm>>, %arg5: memref<2x10240x128xf32, #tpu.memory_space<hbm>>, %arg6: memref<80xi32, #tpu.memory_space<vmem>>, %arg7: memref<80xi32, #tpu.memory_space<vmem>>, %arg8: memref<80x128xf32, #tpu.memory_space<vmem>>, %arg9: memref<80x128xf32, #tpu.memory_space<vmem>>, %arg10: memref<128x128xf32, #tpu.memory_space<vmem>>, %arg11: memref<10240x128xf32, #tpu.memory_space<vmem_shared>>, %arg12: memref<!tpu.dma_semaphore, #tpu.memory_space<semaphore_mem>>, %arg13: memref<!tpu.dma_semaphore, #tpu.memory_space<semaphore_mem>>) attributes {dimension_semantics = [#tpu.dimension_semantics<core_parallel>, #tpu.dimension_semantics<subcore_parallel>], iteration_bounds = array<i64: 2, 16>, scalar_prefetch = 0 : i64, scratch_operands = 8 : i64, tpu.core_type = #tpu.core_type<sc_vector_subcore>, window_params = [{transform_indices = #map}, {transform_indices = #map1}, {transform_indices = #map}, {transform_indices = #map2}]} {
    %mul3A = arith.constant 640 : i32
    %mul3A_0 = arith.muli %arg1, %mul3A : i32
    "tpu.region"() ({
      %run_scoped3A = tpu.sem_alloc : memref<!tpu.dma_semaphore, #tpu.memory_space<semaphore_mem>>
      tpu.enqueue_dma source(%arg4 : memref<128x128xf32, #tpu.memory_space<hbm>>) target(%arg10 : memref<128x128xf32, #tpu.memory_space<vmem>>) target_semaphore(%run_scoped3A : memref<!tpu.dma_semaphore, #tpu.memory_space<semaphore_mem>>)
      tpu.wait_dma2 semaphore(%run_scoped3A : memref<!tpu.dma_semaphore, #tpu.memory_space<semaphore_mem>>) src(%arg4 : memref<128x128xf32, #tpu.memory_space<hbm>>) dst(%arg10 : memref<128x128xf32, #tpu.memory_space<vmem>>)
      tpu.yield
    }) : () -> ()
    %scan3A = arith.constant 0 : i32
    %scan3A_1 = arith.constant 0 : i32
    %scan3A_2 = arith.constant 5 : i32
    %scan3A_3 = arith.addi %scan3A_1, %scan3A_2 : i32
    %scan3A_4 = arith.constant 1 : i32
    scf.for %scan3A_41 = %scan3A_1 to %scan3A_3 step %scan3A_4  : i32 {
      %mul3A_42 = arith.constant 128 : i32
      %mul3A_43 = arith.muli %scan3A_41, %mul3A_42 : i32
      %add3A_44 = arith.addi %mul3A_0, %mul3A_43 : i32
      "tpu.region"() ({
        %run_scoped3A = tpu.sem_alloc : memref<!tpu.dma_semaphore, #tpu.memory_space<semaphore_mem>>
        %dma_start3A_45 = arith.constant 0 : i32
        %dma_start3A_46 = tpu.memref_slice %arg11[%add3A_44, %dma_start3A_45] : memref<10240x128xf32, #tpu.memory_space<vmem_shared>> -> memref<128x128xf32, #tpu.memory_space<vmem_shared>>
        %dma_start3A_47 = arith.constant 0 : i32
        %dma_start3A_48 = tpu.memref_slice %arg11[%add3A_44, %dma_start3A_47] : memref<10240x128xf32, #tpu.memory_space<vmem_shared>> -> memref<128x128xf32, #tpu.memory_space<vmem_shared>>
        tpu.enqueue_dma source(%arg10 : memref<128x128xf32, #tpu.memory_space<vmem>>) target(%dma_start3A_48 : memref<128x128xf32, #tpu.memory_space<vmem_shared>>) target_semaphore(%run_scoped3A : memref<!tpu.dma_semaphore, #tpu.memory_space<semaphore_mem>>)
        %dma_wait3A_49 = arith.constant 0 : i32
        %dma_wait3A_50 = tpu.memref_slice %arg11[%add3A_44, %dma_wait3A_49] : memref<10240x128xf32, #tpu.memory_space<vmem_shared>> -> memref<128x128xf32, #tpu.memory_space<vmem_shared>>
        %dma_wait3A_51 = arith.constant 0 : i32
        %dma_wait3A_52 = tpu.memref_slice %arg11[%add3A_44, %dma_wait3A_51] : memref<10240x128xf32, #tpu.memory_space<vmem_shared>> -> memref<128x128xf32, #tpu.memory_space<vmem_shared>>
        tpu.wait_dma2 semaphore(%run_scoped3A : memref<!tpu.dma_semaphore, #tpu.memory_space<semaphore_mem>>) src(%arg10 : memref<128x128xf32, #tpu.memory_space<vmem>>) dst(%dma_wait3A_52 : memref<128x128xf32, #tpu.memory_space<vmem_shared>>)
        tpu.yield
      }) : () -> ()
    }
    %scan3A_5 = arith.constant 5 : i32
    %barrier3A = arith.constant 0 : index
    tpu.barrier barrier_id(%barrier3A)
    %mul3A_6 = arith.constant 16 : i32
    %mul3A_7 = arith.muli %arg0, %mul3A_6 : i32
    %add3A = arith.addi %mul3A_7, %arg1 : i32
    %mul3A_8 = arith.constant 10000 : i32
    %mul3A_9 = arith.muli %add3A, %mul3A_8 : i32
    %scan3A_10 = arith.constant 0 : i32
    %scan3A_11 = arith.constant 0 : i32
    %scan3A_12 = arith.constant 62 : i32
    %scan3A_13 = arith.addi %scan3A_11, %scan3A_12 : i32
    %scan3A_14 = arith.constant 1 : i32
    scf.for %scan3A_41 = %scan3A_11 to %scan3A_13 step %scan3A_14  : i32 {
      %mul3A_42 = arith.constant 2 : i32
      %mul3A_43 = arith.muli %scan3A_41, %mul3A_42 : i32
      %add3A_44 = arith.constant 0 : i32
      %add3A_45 = arith.addi %mul3A_43, %add3A_44 : i32
      %mul3A_46 = arith.constant 80 : i32
      %mul3A_47 = arith.muli %add3A_45, %mul3A_46 : i32
      %add3A_48 = arith.addi %mul3A_9, %mul3A_47 : i32
      %dma_start3A_49 = tpu.memref_slice %arg3[%add3A_48] : memref<320000xi32, #tpu.memory_space<hbm>> -> memref<80xi32, #tpu.memory_space<hbm>>
      %dma_start3A_50 = tpu.memref_slice %arg3[%add3A_48] : memref<320000xi32, #tpu.memory_space<hbm>> -> memref<80xi32, #tpu.memory_space<hbm>>
      tpu.enqueue_dma source(%dma_start3A_50 : memref<80xi32, #tpu.memory_space<hbm>>) target(%arg6 : memref<80xi32, #tpu.memory_space<vmem>>) target_semaphore(%arg12 : memref<!tpu.dma_semaphore, #tpu.memory_space<semaphore_mem>>)
      %dma_start3A_51 = arith.constant 0 : i32
      %dma_start3A_52 = tpu.memref_slice %arg2[%add3A_48, %dma_start3A_51] : memref<320000x128xf32, #tpu.memory_space<hbm>> -> memref<80x128xf32, #tpu.memory_space<hbm>>
      %dma_start3A_53 = arith.constant 0 : i32
      %dma_start3A_54 = tpu.memref_slice %arg2[%add3A_48, %dma_start3A_53] : memref<320000x128xf32, #tpu.memory_space<hbm>> -> memref<80x128xf32, #tpu.memory_space<hbm>>
      tpu.enqueue_dma source(%dma_start3A_54 : memref<80x128xf32, #tpu.memory_space<hbm>>) target(%arg8 : memref<80x128xf32, #tpu.memory_space<vmem>>) target_semaphore(%arg12 : memref<!tpu.dma_semaphore, #tpu.memory_space<semaphore_mem>>)
      %add3A_55 = arith.constant 1 : i32
      %add3A_56 = arith.addi %mul3A_43, %add3A_55 : i32
      %mul3A_57 = arith.constant 80 : i32
      %mul3A_58 = arith.muli %add3A_56, %mul3A_57 : i32
      %add3A_59 = arith.addi %mul3A_9, %mul3A_58 : i32
      %dma_start3A_60 = tpu.memref_slice %arg3[%add3A_59] : memref<320000xi32, #tpu.memory_space<hbm>> -> memref<80xi32, #tpu.memory_space<hbm>>
      %dma_start3A_61 = tpu.memref_slice %arg3[%add3A_59] : memref<320000xi32, #tpu.memory_space<hbm>> -> memref<80xi32, #tpu.memory_space<hbm>>
      tpu.enqueue_dma source(%dma_start3A_61 : memref<80xi32, #tpu.memory_space<hbm>>) target(%arg7 : memref<80xi32, #tpu.memory_space<vmem>>) target_semaphore(%arg12 : memref<!tpu.dma_semaphore, #tpu.memory_space<semaphore_mem>>)
      %dma_start3A_62 = arith.constant 0 : i32
      %dma_start3A_63 = tpu.memref_slice %arg2[%add3A_59, %dma_start3A_62] : memref<320000x128xf32, #tpu.memory_space<hbm>> -> memref<80x128xf32, #tpu.memory_space<hbm>>
      %dma_start3A_64 = arith.constant 0 : i32
      %dma_start3A_65 = tpu.memref_slice %arg2[%add3A_59, %dma_start3A_64] : memref<320000x128xf32, #tpu.memory_space<hbm>> -> memref<80x128xf32, #tpu.memory_space<hbm>>
      tpu.enqueue_dma source(%dma_start3A_65 : memref<80x128xf32, #tpu.memory_space<hbm>>) target(%arg9 : memref<80x128xf32, #tpu.memory_space<vmem>>) target_semaphore(%arg12 : memref<!tpu.dma_semaphore, #tpu.memory_space<semaphore_mem>>)
      %dma_wait3A_66 = tpu.memref_slice %arg3[%add3A_48] : memref<320000xi32, #tpu.memory_space<hbm>> -> memref<80xi32, #tpu.memory_space<hbm>>
      %dma_wait3A_67 = tpu.memref_slice %arg3[%add3A_48] : memref<320000xi32, #tpu.memory_space<hbm>> -> memref<80xi32, #tpu.memory_space<hbm>>
      tpu.wait_dma2 semaphore(%arg12 : memref<!tpu.dma_semaphore, #tpu.memory_space<semaphore_mem>>) src(%dma_wait3A_67 : memref<80xi32, #tpu.memory_space<hbm>>) dst(%arg6 : memref<80xi32, #tpu.memory_space<vmem>>)
      %dma_wait3A_68 = arith.constant 0 : i32
      %dma_wait3A_69 = tpu.memref_slice %arg2[%add3A_48, %dma_wait3A_68] : memref<320000x128xf32, #tpu.memory_space<hbm>> -> memref<80x128xf32, #tpu.memory_space<hbm>>
      %dma_wait3A_70 = arith.constant 0 : i32
      %dma_wait3A_71 = tpu.memref_slice %arg2[%add3A_48, %dma_wait3A_70] : memref<320000x128xf32, #tpu.memory_space<hbm>> -> memref<80x128xf32, #tpu.memory_space<hbm>>
      tpu.wait_dma2 semaphore(%arg12 : memref<!tpu.dma_semaphore, #tpu.memory_space<semaphore_mem>>) src(%dma_wait3A_71 : memref<80x128xf32, #tpu.memory_space<hbm>>) dst(%arg8 : memref<80x128xf32, #tpu.memory_space<vmem>>)
      %dma_start3A_72 = arith.constant 0 : i32
      %dma_start3A_73 = arith.constant 0 : i32
      %dma_start3A_74 = tpu.memref_slice %arg11[%dma_start3A_72, %dma_start3A_73] : memref<10240x128xf32, #tpu.memory_space<vmem_shared>> -> memref<10240x128xf32, #tpu.memory_space<vmem_shared>>
      tpu.enqueue_indirect_dma source(%arg8 : memref<80x128xf32, #tpu.memory_space<vmem>>) target(%dma_start3A_74 : memref<10240x128xf32, #tpu.memory_space<vmem_shared>>) offsets(%arg6 : memref<80xi32, #tpu.memory_space<vmem>>) semaphore(%arg13 : memref<!tpu.dma_semaphore, #tpu.memory_space<semaphore_mem>>) {add = true}
      %dma_wait3A_75 = tpu.memref_slice %arg3[%add3A_59] : memref<320000xi32, #tpu.memory_space<hbm>> -> memref<80xi32, #tpu.memory_space<hbm>>
      %dma_wait3A_76 = tpu.memref_slice %arg3[%add3A_59] : memref<320000xi32, #tpu.memory_space<hbm>> -> memref<80xi32, #tpu.memory_space<hbm>>
      tpu.wait_dma2 semaphore(%arg12 : memref<!tpu.dma_semaphore, #tpu.memory_space<semaphore_mem>>) src(%dma_wait3A_76 : memref<80xi32, #tpu.memory_space<hbm>>) dst(%arg7 : memref<80xi32, #tpu.memory_space<vmem>>)
      %dma_wait3A_77 = arith.constant 0 : i32
      %dma_wait3A_78 = tpu.memref_slice %arg2[%add3A_59, %dma_wait3A_77] : memref<320000x128xf32, #tpu.memory_space<hbm>> -> memref<80x128xf32, #tpu.memory_space<hbm>>
      %dma_wait3A_79 = arith.constant 0 : i32
      %dma_wait3A_80 = tpu.memref_slice %arg2[%add3A_59, %dma_wait3A_79] : memref<320000x128xf32, #tpu.memory_space<hbm>> -> memref<80x128xf32, #tpu.memory_space<hbm>>
      tpu.wait_dma2 semaphore(%arg12 : memref<!tpu.dma_semaphore, #tpu.memory_space<semaphore_mem>>) src(%dma_wait3A_80 : memref<80x128xf32, #tpu.memory_space<hbm>>) dst(%arg9 : memref<80x128xf32, #tpu.memory_space<vmem>>)
      %dma_start3A_81 = arith.constant 0 : i32
      %dma_start3A_82 = arith.constant 0 : i32
      %dma_start3A_83 = tpu.memref_slice %arg11[%dma_start3A_81, %dma_start3A_82] : memref<10240x128xf32, #tpu.memory_space<vmem_shared>> -> memref<10240x128xf32, #tpu.memory_space<vmem_shared>>
      tpu.enqueue_indirect_dma source(%arg9 : memref<80x128xf32, #tpu.memory_space<vmem>>) target(%dma_start3A_83 : memref<10240x128xf32, #tpu.memory_space<vmem_shared>>) offsets(%arg7 : memref<80xi32, #tpu.memory_space<vmem>>) semaphore(%arg13 : memref<!tpu.dma_semaphore, #tpu.memory_space<semaphore_mem>>) {add = true}
      %dma_wait3A_84 = arith.constant 0 : i32
      %dma_wait3A_85 = arith.constant 0 : i32
      %dma_wait3A_86 = tpu.memref_slice %arg11[%dma_wait3A_84, %dma_wait3A_85] : memref<10240x128xf32, #tpu.memory_space<vmem_shared>> -> memref<10240x128xf32, #tpu.memory_space<vmem_shared>>
      tpu.wait_indirect_dma semaphore(%arg13 : memref<!tpu.dma_semaphore, #tpu.memory_space<semaphore_mem>>) src(%arg8 : memref<80x128xf32, #tpu.memory_space<vmem>>) dst(%dma_wait3A_86 : memref<10240x128xf32, #tpu.memory_space<vmem_shared>>)
      %dma_wait3A_87 = arith.constant 0 : i32
      %dma_wait3A_88 = arith.constant 0 : i32
      %dma_wait3A_89 = tpu.memref_slice %arg11[%dma_wait3A_87, %dma_wait3A_88] : memref<10240x128xf32, #tpu.memory_space<vmem_shared>> -> memref<10240x128xf32, #tpu.memory_space<vmem_shared>>
      tpu.wait_indirect_dma semaphore(%arg13 : memref<!tpu.dma_semaphore, #tpu.memory_space<semaphore_mem>>) src(%arg9 : memref<80x128xf32, #tpu.memory_space<vmem>>) dst(%dma_wait3A_89 : memref<10240x128xf32, #tpu.memory_space<vmem_shared>>)
    }
    %scan3A_15 = arith.constant 62 : i32
    %add3A_16 = arith.constant 9920 : i32
    %add3A_17 = arith.addi %mul3A_9, %add3A_16 : i32
    %dma_start3A = tpu.memref_slice %arg3[%add3A_17] : memref<320000xi32, #tpu.memory_space<hbm>> -> memref<80xi32, #tpu.memory_space<hbm>>
    %dma_start3A_18 = tpu.memref_slice %arg3[%add3A_17] : memref<320000xi32, #tpu.memory_space<hbm>> -> memref<80xi32, #tpu.memory_space<hbm>>
    tpu.enqueue_dma source(%dma_start3A_18 : memref<80xi32, #tpu.memory_space<hbm>>) target(%arg6 : memref<80xi32, #tpu.memory_space<vmem>>) target_semaphore(%arg12 : memref<!tpu.dma_semaphore, #tpu.memory_space<semaphore_mem>>)
    %dma_start3A_19 = arith.constant 0 : i32
    %dma_start3A_20 = tpu.memref_slice %arg2[%add3A_17, %dma_start3A_19] : memref<320000x128xf32, #tpu.memory_space<hbm>> -> memref<80x128xf32, #tpu.memory_space<hbm>>
    %dma_start3A_21 = arith.constant 0 : i32
    %dma_start3A_22 = tpu.memref_slice %arg2[%add3A_17, %dma_start3A_21] : memref<320000x128xf32, #tpu.memory_space<hbm>> -> memref<80x128xf32, #tpu.memory_space<hbm>>
    tpu.enqueue_dma source(%dma_start3A_22 : memref<80x128xf32, #tpu.memory_space<hbm>>) target(%arg8 : memref<80x128xf32, #tpu.memory_space<vmem>>) target_semaphore(%arg12 : memref<!tpu.dma_semaphore, #tpu.memory_space<semaphore_mem>>)
    %dma_wait3A = tpu.memref_slice %arg3[%add3A_17] : memref<320000xi32, #tpu.memory_space<hbm>> -> memref<80xi32, #tpu.memory_space<hbm>>
    %dma_wait3A_23 = tpu.memref_slice %arg3[%add3A_17] : memref<320000xi32, #tpu.memory_space<hbm>> -> memref<80xi32, #tpu.memory_space<hbm>>
    tpu.wait_dma2 semaphore(%arg12 : memref<!tpu.dma_semaphore, #tpu.memory_space<semaphore_mem>>) src(%dma_wait3A_23 : memref<80xi32, #tpu.memory_space<hbm>>) dst(%arg6 : memref<80xi32, #tpu.memory_space<vmem>>)
    %dma_wait3A_24 = arith.constant 0 : i32
    %dma_wait3A_25 = tpu.memref_slice %arg2[%add3A_17, %dma_wait3A_24] : memref<320000x128xf32, #tpu.memory_space<hbm>> -> memref<80x128xf32, #tpu.memory_space<hbm>>
    %dma_wait3A_26 = arith.constant 0 : i32
    %dma_wait3A_27 = tpu.memref_slice %arg2[%add3A_17, %dma_wait3A_26] : memref<320000x128xf32, #tpu.memory_space<hbm>> -> memref<80x128xf32, #tpu.memory_space<hbm>>
    tpu.wait_dma2 semaphore(%arg12 : memref<!tpu.dma_semaphore, #tpu.memory_space<semaphore_mem>>) src(%dma_wait3A_27 : memref<80x128xf32, #tpu.memory_space<hbm>>) dst(%arg8 : memref<80x128xf32, #tpu.memory_space<vmem>>)
    %dma_start3A_28 = arith.constant 0 : i32
    %dma_start3A_29 = arith.constant 0 : i32
    %dma_start3A_30 = tpu.memref_slice %arg11[%dma_start3A_28, %dma_start3A_29] : memref<10240x128xf32, #tpu.memory_space<vmem_shared>> -> memref<10240x128xf32, #tpu.memory_space<vmem_shared>>
    tpu.enqueue_indirect_dma source(%arg8 : memref<80x128xf32, #tpu.memory_space<vmem>>) target(%dma_start3A_30 : memref<10240x128xf32, #tpu.memory_space<vmem_shared>>) offsets(%arg6 : memref<80xi32, #tpu.memory_space<vmem>>) semaphore(%arg13 : memref<!tpu.dma_semaphore, #tpu.memory_space<semaphore_mem>>) {add = true}
    %dma_wait3A_31 = arith.constant 0 : i32
    %dma_wait3A_32 = arith.constant 0 : i32
    %dma_wait3A_33 = tpu.memref_slice %arg11[%dma_wait3A_31, %dma_wait3A_32] : memref<10240x128xf32, #tpu.memory_space<vmem_shared>> -> memref<10240x128xf32, #tpu.memory_space<vmem_shared>>
    tpu.wait_indirect_dma semaphore(%arg13 : memref<!tpu.dma_semaphore, #tpu.memory_space<semaphore_mem>>) src(%arg8 : memref<80x128xf32, #tpu.memory_space<vmem>>) dst(%dma_wait3A_33 : memref<10240x128xf32, #tpu.memory_space<vmem_shared>>)
    %barrier3A_34 = arith.constant 0 : index
    tpu.barrier barrier_id(%barrier3A_34)
    %scan3A_35 = arith.constant 0 : i32
    %scan3A_36 = arith.constant 0 : i32
    %scan3A_37 = arith.constant 5 : i32
    %scan3A_38 = arith.addi %scan3A_36, %scan3A_37 : i32
    %scan3A_39 = arith.constant 1 : i32
    scf.for %scan3A_41 = %scan3A_36 to %scan3A_38 step %scan3A_39  : i32 {
      %mul3A_42 = arith.constant 128 : i32
      %mul3A_43 = arith.muli %scan3A_41, %mul3A_42 : i32
      %add3A_44 = arith.addi %mul3A_0, %mul3A_43 : i32
      "tpu.region"() ({
        %run_scoped3A = tpu.sem_alloc : memref<!tpu.dma_semaphore, #tpu.memory_space<semaphore_mem>>
        %dma_start3A_45 = arith.constant 0 : i32
        %dma_start3A_46 = tpu.memref_slice %arg11[%add3A_44, %dma_start3A_45] : memref<10240x128xf32, #tpu.memory_space<vmem_shared>> -> memref<128x128xf32, #tpu.memory_space<vmem_shared>>
        %dma_start3A_47 = arith.constant 0 : i32
        %dma_start3A_48 = tpu.memref_slice %arg11[%add3A_44, %dma_start3A_47] : memref<10240x128xf32, #tpu.memory_space<vmem_shared>> -> memref<128x128xf32, #tpu.memory_space<vmem_shared>>
        tpu.enqueue_dma source(%dma_start3A_48 : memref<128x128xf32, #tpu.memory_space<vmem_shared>>) target(%arg10 : memref<128x128xf32, #tpu.memory_space<vmem>>) target_semaphore(%run_scoped3A : memref<!tpu.dma_semaphore, #tpu.memory_space<semaphore_mem>>)
        %dma_wait3A_49 = arith.constant 0 : i32
        %dma_wait3A_50 = tpu.memref_slice %arg11[%add3A_44, %dma_wait3A_49] : memref<10240x128xf32, #tpu.memory_space<vmem_shared>> -> memref<128x128xf32, #tpu.memory_space<vmem_shared>>
        %dma_wait3A_51 = arith.constant 0 : i32
        %dma_wait3A_52 = tpu.memref_slice %arg11[%add3A_44, %dma_wait3A_51] : memref<10240x128xf32, #tpu.memory_space<vmem_shared>> -> memref<128x128xf32, #tpu.memory_space<vmem_shared>>
        tpu.wait_dma2 semaphore(%run_scoped3A : memref<!tpu.dma_semaphore, #tpu.memory_space<semaphore_mem>>) src(%dma_wait3A_52 : memref<128x128xf32, #tpu.memory_space<vmem_shared>>) dst(%arg10 : memref<128x128xf32, #tpu.memory_space<vmem>>)
        tpu.yield
      }) : () -> ()
      "tpu.region"() ({
        %run_scoped3A = tpu.sem_alloc : memref<!tpu.dma_semaphore, #tpu.memory_space<semaphore_mem>>
        %dma_start3A_45 = arith.constant 0 : i32
        %dma_start3A_46 = tpu.memref_slice %arg5[%arg0, %add3A_44, %dma_start3A_45] : memref<2x10240x128xf32, #tpu.memory_space<hbm>> -> memref<1x128x128xf32, #tpu.memory_space<hbm>>
        %dma_start3A_47 = tpu.memref_squeeze %dma_start3A_46 : memref<1x128x128xf32, #tpu.memory_space<hbm>> -> memref<128x128xf32, #tpu.memory_space<hbm>>
        %dma_start3A_48 = arith.constant 0 : i32
        %dma_start3A_49 = tpu.memref_slice %arg5[%arg0, %add3A_44, %dma_start3A_48] : memref<2x10240x128xf32, #tpu.memory_space<hbm>> -> memref<1x128x128xf32, #tpu.memory_space<hbm>>
        %dma_start3A_50 = tpu.memref_squeeze %dma_start3A_49 : memref<1x128x128xf32, #tpu.memory_space<hbm>> -> memref<128x128xf32, #tpu.memory_space<hbm>>
        tpu.enqueue_dma source(%arg10 : memref<128x128xf32, #tpu.memory_space<vmem>>) target(%dma_start3A_50 : memref<128x128xf32, #tpu.memory_space<hbm>>) target_semaphore(%run_scoped3A : memref<!tpu.dma_semaphore, #tpu.memory_space<semaphore_mem>>)
        %dma_wait3A_51 = arith.constant 0 : i32
        %dma_wait3A_52 = tpu.memref_slice %arg5[%arg0, %add3A_44, %dma_wait3A_51] : memref<2x10240x128xf32, #tpu.memory_space<hbm>> -> memref<1x128x128xf32, #tpu.memory_space<hbm>>
        %dma_wait3A_53 = tpu.memref_squeeze %dma_wait3A_52 : memref<1x128x128xf32, #tpu.memory_space<hbm>> -> memref<128x128xf32, #tpu.memory_space<hbm>>
        %dma_wait3A_54 = arith.constant 0 : i32
        %dma_wait3A_55 = tpu.memref_slice %arg5[%arg0, %add3A_44, %dma_wait3A_54] : memref<2x10240x128xf32, #tpu.memory_space<hbm>> -> memref<1x128x128xf32, #tpu.memory_space<hbm>>
        %dma_wait3A_56 = tpu.memref_squeeze %dma_wait3A_55 : memref<1x128x128xf32, #tpu.memory_space<hbm>> -> memref<128x128xf32, #tpu.memory_space<hbm>>
        tpu.wait_dma2 semaphore(%run_scoped3A : memref<!tpu.dma_semaphore, #tpu.memory_space<semaphore_mem>>) src(%arg10 : memref<128x128xf32, #tpu.memory_space<vmem>>) dst(%dma_wait3A_56 : memref<128x128xf32, #tpu.memory_space<hbm>>)
        tpu.yield
      }) : () -> ()
    }
    %scan3A_40 = arith.constant 5 : i32
    return
  }
}

module attributes {stable_mosaic.version = 14 : i64} {
  func.func @_edge1_kernel(%arg0: i32, %arg1: memref<4000x128xf32, #tpu.memory_space<vmem>>, %arg2: memref<4000x128xf32, #tpu.memory_space<vmem>>, %arg3: memref<4000x4xf32, #tpu.memory_space<vmem>>, %arg4: memref<4x128xf32, #tpu.memory_space<vmem>>, %arg5: memref<1x128xf32, #tpu.memory_space<vmem>>, %arg6: memref<4000x128xf32, #tpu.memory_space<vmem>>, %arg7: memref<4000x128xf32, #tpu.memory_space<vmem>>, %arg8: memref<1x4xf32, #tpu.memory_space<vmem>>) attributes {dimension_semantics = [#tpu.dimension_semantics<arbitrary>], iteration_bounds = array<i64: 80>, scalar_prefetch = 0 : i64, scratch_operands = 0 : i64, tpu.core_type = #tpu.core_type<tc>, window_params = [{transform_indices = @transform_0, window_bounds = array<i64: 4000, 128>}, {transform_indices = @transform_1, window_bounds = array<i64: 4000, 128>}, {transform_indices = @transform_2, window_bounds = array<i64: 4000, 4>}, {pipeline_mode = #tpu.pipeline_mode<synchronous>, transform_indices = @transform_3, window_bounds = array<i64: 4, 128>}, {pipeline_mode = #tpu.pipeline_mode<synchronous>, transform_indices = @transform_4, window_bounds = array<i64: 1, 128>}, {transform_indices = @transform_5, window_bounds = array<i64: 4000, 128>}, {transform_indices = @transform_6, window_bounds = array<i64: 4000, 128>}, {pipeline_mode = #tpu.pipeline_mode<synchronous>, transform_indices = @transform_7, window_bounds = array<i64: 1, 4>}]} {
    %get3A = arith.constant 0 : index
    %get3A_0 = arith.constant 0 : index
    %get3A_1 = vector.load %arg3[%get3A, %get3A_0] : memref<4000x4xf32, #tpu.memory_space<vmem>>, vector<4000x4xf32>
    %get3A_2 = arith.constant 0 : index
    %get3A_3 = arith.constant 0 : index
    %get3A_4 = vector.load %arg4[%get3A_2, %get3A_3] : memref<4x128xf32, #tpu.memory_space<vmem>>, vector<4x128xf32>
    %dot_general3A = arith.constant dense<0.000000e+00> : vector<4000x128xf32>
    %dot_general3A_5 = tpu.matmul %get3A_1, %get3A_4, %dot_general3A {dimension_numbers = #tpu.dot_dimension_numbers<[1], [0], [0], [1], [0, 0, 1, 1], [], []>, transpose_lhs_hint = false} : vector<4000x4xf32>, vector<4x128xf32>, vector<4000x128xf32> -> vector<4000x128xf32>
    %get3A_6 = arith.constant 0 : index
    %get3A_7 = arith.constant 0 : index
    %get3A_8 = vector.load %arg1[%get3A_6, %get3A_7] : memref<4000x128xf32, #tpu.memory_space<vmem>>, vector<4000x128xf32>
    %get3A_9 = arith.constant 0 : index
    %get3A_10 = arith.constant 0 : index
    %get3A_11 = vector.load %arg2[%get3A_9, %get3A_10] : memref<4000x128xf32, #tpu.memory_space<vmem>>, vector<4000x128xf32>
    %add3A = arith.addf %get3A_8, %get3A_11 : vector<4000x128xf32>
    %add3A_12 = arith.addf %add3A, %dot_general3A_5 : vector<4000x128xf32>
    %mul3A = arith.constant 2.000000e-01 : f32
    %mul3A_13 = vector.broadcast %mul3A : f32 to vector<4000x128xf32>
    %mul3A_14 = arith.mulf %mul3A_13, %add3A_12 : vector<4000x128xf32>
    %max3A = arith.maximumf %add3A_12, %mul3A_14 : vector<4000x128xf32>
    %get3A_15 = arith.constant 0 : index
    %get3A_16 = arith.constant 0 : index
    %get3A_17 = vector.load %arg5[%get3A_15, %get3A_16] : memref<1x128xf32, #tpu.memory_space<vmem>>, vector<1x128xf32>
    %mul3A_18 = vector.broadcast %get3A_17 : vector<1x128xf32> to vector<4000x128xf32>
    %mul3A_19 = arith.mulf %max3A, %mul3A_18 : vector<4000x128xf32>
    %slice3A = vector.extract_strided_slice %mul3A_19 {offsets = [0, 0], sizes = [4000, 64], strides = [1, 1]} : vector<4000x128xf32> to vector<4000x64xf32>
    %reduce_sum3A = arith.constant dense<0.000000e+00> : vector<4000xf32>
    %reduce_sum3A_20 = vector.multi_reduction <add>, %slice3A, %reduce_sum3A [1] : vector<4000x64xf32> to vector<4000xf32>
    %broadcast_in_dim3A = vector.shape_cast %reduce_sum3A_20 : vector<4000xf32> to vector<4000x1xf32>
    %exp3A = math.exp %broadcast_in_dim3A : vector<4000x1xf32>
    %slice3A_21 = vector.extract_strided_slice %mul3A_19 {offsets = [0, 64], sizes = [4000, 64], strides = [1, 1]} : vector<4000x128xf32> to vector<4000x64xf32>
    %reduce_sum3A_22 = arith.constant dense<0.000000e+00> : vector<4000xf32>
    %reduce_sum3A_23 = vector.multi_reduction <add>, %slice3A_21, %reduce_sum3A_22 [1] : vector<4000x64xf32> to vector<4000xf32>
    %broadcast_in_dim3A_24 = vector.shape_cast %reduce_sum3A_23 : vector<4000xf32> to vector<4000x1xf32>
    %exp3A_25 = math.exp %broadcast_in_dim3A_24 : vector<4000x1xf32>
    %broadcast_in_dim3A_26 = arith.constant 0.000000e+00 : f32
    %broadcast_in_dim3A_27 = vector.broadcast %broadcast_in_dim3A_26 : f32 to vector<4000x63xf32>
    %slice3A_28 = vector.extract_strided_slice %get3A_8 {offsets = [0, 0], sizes = [4000, 64], strides = [1, 1]} : vector<4000x128xf32> to vector<4000x64xf32>
    %mul3A_29 = vector.broadcast %exp3A : vector<4000x1xf32> to vector<4000x64xf32>
    %mul3A_30 = arith.mulf %mul3A_29, %slice3A_28 : vector<4000x64xf32>
    %concatenate3A = tpu.concatenate %mul3A_30, %exp3A, %broadcast_in_dim3A_27 in 1 : vector<4000x64xf32>, vector<4000x1xf32>, vector<4000x63xf32> -> vector<4000x128xf32>
    %swap3A = arith.constant 0 : index
    %swap3A_31 = arith.constant 0 : index
    %swap3A_32 = vector.load %arg6[%swap3A, %swap3A_31] : memref<4000x128xf32, #tpu.memory_space<vmem>>, vector<4000x128xf32>
    tpu.vector_store %arg6[%swap3A, %swap3A_31], %concatenate3A {strides = array<i32>} : memref<4000x128xf32, #tpu.memory_space<vmem>>, vector<4000x128xf32>,
    %slice3A_33 = vector.extract_strided_slice %get3A_8 {offsets = [0, 64], sizes = [4000, 64], strides = [1, 1]} : vector<4000x128xf32> to vector<4000x64xf32>
    %mul3A_34 = vector.broadcast %exp3A_25 : vector<4000x1xf32> to vector<4000x64xf32>
    %mul3A_35 = arith.mulf %mul3A_34, %slice3A_33 : vector<4000x64xf32>
    %concatenate3A_36 = tpu.concatenate %mul3A_35, %exp3A_25, %broadcast_in_dim3A_27 in 1 : vector<4000x64xf32>, vector<4000x1xf32>, vector<4000x63xf32> -> vector<4000x128xf32>
    %swap3A_37 = arith.constant 0 : index
    %swap3A_38 = arith.constant 0 : index
    %swap3A_39 = vector.load %arg7[%swap3A_37, %swap3A_38] : memref<4000x128xf32, #tpu.memory_space<vmem>>, vector<4000x128xf32>
    tpu.vector_store %arg7[%swap3A_37, %swap3A_38], %concatenate3A_36 {strides = array<i32>} : memref<4000x128xf32, #tpu.memory_space<vmem>>, vector<4000x128xf32>,
    %eq3A = arith.constant 0 : i32
    %eq3A_40 = arith.cmpi eq, %arg0, %eq3A : i32
    %convert_element_type3A = arith.extui %eq3A_40 : i1 to i32
    %cond3A = arith.constant 0 : i32
    %cond3A_41 = arith.cmpi ne, %convert_element_type3A, %cond3A : i32
    scf.if %cond3A_41 {
      %broadcast_in_dim3A_52 = arith.constant 0.000000e+00 : f32
      %broadcast_in_dim3A_53 = vector.broadcast %broadcast_in_dim3A_52 : f32 to vector<1x4xf32>
      %swap3A_54 = arith.constant 0 : index
      %swap3A_55 = arith.constant 0 : index
      %swap3A_56 = vector.load %arg8[%swap3A_54, %swap3A_55] : memref<1x4xf32, #tpu.memory_space<vmem>>, vector<1x4xf32>
      tpu.vector_store %arg8[%swap3A_54, %swap3A_55], %broadcast_in_dim3A_53 {strides = array<i32>} : memref<1x4xf32, #tpu.memory_space<vmem>>, vector<1x4xf32>,
    } else {
    }
    %get3A_42 = arith.constant 0 : index
    %get3A_43 = arith.constant 0 : index
    %get3A_44 = vector.load %arg8[%get3A_42, %get3A_43] : memref<1x4xf32, #tpu.memory_space<vmem>>, vector<1x4xf32>
    %reduce_sum3A_45 = arith.constant dense<0.000000e+00> : vector<4xf32>
    %reduce_sum3A_46 = vector.multi_reduction <add>, %get3A_1, %reduce_sum3A_45 [0] : vector<4000x4xf32> to vector<4xf32>
    %broadcast_in_dim3A_47 = vector.shape_cast %reduce_sum3A_46 : vector<4xf32> to vector<1x4xf32>
    %add3A_48 = arith.addf %get3A_44, %broadcast_in_dim3A_47 : vector<1x4xf32>
    %swap3A_49 = arith.constant 0 : index
    %swap3A_50 = arith.constant 0 : index
    %swap3A_51 = vector.load %arg8[%swap3A_49, %swap3A_50] : memref<1x4xf32, #tpu.memory_space<vmem>>, vector<1x4xf32>
    tpu.vector_store %arg8[%swap3A_49, %swap3A_50], %add3A_48 {strides = array<i32>} : memref<1x4xf32, #tpu.memory_space<vmem>>, vector<1x4xf32>,
    return
  }
  func.func @transform_0(%arg0: i32) -> (i32, i32) {
    %c0_i32 = arith.constant 0 : i32
    %c0_i32_0 = arith.constant 0 : i32
    return %arg0, %c0_i32 : i32, i32
  }
  func.func @transform_1(%arg0: i32) -> (i32, i32) {
    %c0_i32 = arith.constant 0 : i32
    %c0_i32_0 = arith.constant 0 : i32
    return %arg0, %c0_i32 : i32, i32
  }
  func.func @transform_2(%arg0: i32) -> (i32, i32) {
    %c0_i32 = arith.constant 0 : i32
    %c0_i32_0 = arith.constant 0 : i32
    return %arg0, %c0_i32 : i32, i32
  }
  func.func @transform_3(%arg0: i32) -> (i32, i32) {
    %c0_i32 = arith.constant 0 : i32
    %c0_i32_0 = arith.constant 0 : i32
    %c0_i32_1 = arith.constant 0 : i32
    return %c0_i32, %c0_i32_0 : i32, i32
  }
  func.func @transform_4(%arg0: i32) -> (i32, i32) {
    %c0_i32 = arith.constant 0 : i32
    %c0_i32_0 = arith.constant 0 : i32
    %c0_i32_1 = arith.constant 0 : i32
    return %c0_i32, %c0_i32_0 : i32, i32
  }
  func.func @transform_5(%arg0: i32) -> (i32, i32) {
    %c0_i32 = arith.constant 0 : i32
    %c0_i32_0 = arith.constant 0 : i32
    return %arg0, %c0_i32 : i32, i32
  }
  func.func @transform_6(%arg0: i32) -> (i32, i32) {
    %c0_i32 = arith.constant 0 : i32
    %c0_i32_0 = arith.constant 0 : i32
    return %arg0, %c0_i32 : i32, i32
  }
  func.func @transform_7(%arg0: i32) -> (i32, i32) {
    %c0_i32 = arith.constant 0 : i32
    %c0_i32_0 = arith.constant 0 : i32
    %c0_i32_1 = arith.constant 0 : i32
    return %c0_i32, %c0_i32_0 : i32, i32
  }
}

module attributes {stable_mosaic.version = 14 : i64} {
  func.func @_lin_kernel(%arg0: i32, %arg1: memref<400x128xf32, #tpu.memory_space<vmem>>, %arg2: memref<128x128xf32, #tpu.memory_space<vmem>>, %arg3: memref<1x128xf32, #tpu.memory_space<vmem>>, %arg4: memref<128x128xf32, #tpu.memory_space<vmem>>, %arg5: memref<1x128xf32, #tpu.memory_space<vmem>>, %arg6: memref<400x128xf32, #tpu.memory_space<vmem>>, %arg7: memref<400x128xf32, #tpu.memory_space<vmem>>) attributes {dimension_semantics = [#tpu.dimension_semantics<arbitrary>], iteration_bounds = array<i64: 25>, scalar_prefetch = 0 : i64, scratch_operands = 0 : i64, tpu.core_type = #tpu.core_type<tc>, window_params = [{transform_indices = @transform_0, window_bounds = array<i64: 400, 128>}, {pipeline_mode = #tpu.pipeline_mode<synchronous>, transform_indices = @transform_1, window_bounds = array<i64: 128, 128>}, {pipeline_mode = #tpu.pipeline_mode<synchronous>, transform_indices = @transform_2, window_bounds = array<i64: 1, 128>}, {pipeline_mode = #tpu.pipeline_mode<synchronous>, transform_indices = @transform_3, window_bounds = array<i64: 128, 128>}, {pipeline_mode = #tpu.pipeline_mode<synchronous>, transform_indices = @transform_4, window_bounds = array<i64: 1, 128>}, {transform_indices = @transform_5, window_bounds = array<i64: 400, 128>}, {transform_indices = @transform_6, window_bounds = array<i64: 400, 128>}]} {
    %get3A = arith.constant 0 : index
    %get3A_0 = arith.constant 0 : index
    %get3A_1 = vector.load %arg1[%get3A, %get3A_0] : memref<400x128xf32, #tpu.memory_space<vmem>>, vector<400x128xf32>
    %get3A_2 = arith.constant 0 : index
    %get3A_3 = arith.constant 0 : index
    %get3A_4 = vector.load %arg2[%get3A_2, %get3A_3] : memref<128x128xf32, #tpu.memory_space<vmem>>, vector<128x128xf32>
    %dot_general3A = arith.constant dense<0.000000e+00> : vector<400x128xf32>
    %dot_general3A_5 = tpu.matmul %get3A_1, %get3A_4, %dot_general3A {dimension_numbers = #tpu.dot_dimension_numbers<[1], [0], [0], [1], [0, 0, 1, 1], [], []>, transpose_lhs_hint = false} : vector<400x128xf32>, vector<128x128xf32>, vector<400x128xf32> -> vector<400x128xf32>
    %get3A_6 = arith.constant 0 : index
    %get3A_7 = arith.constant 0 : index
    %get3A_8 = vector.load %arg3[%get3A_6, %get3A_7] : memref<1x128xf32, #tpu.memory_space<vmem>>, vector<1x128xf32>
    %add3A = vector.broadcast %get3A_8 : vector<1x128xf32> to vector<400x128xf32>
    %add3A_9 = arith.addf %dot_general3A_5, %add3A : vector<400x128xf32>
    %swap3A = arith.constant 0 : index
    %swap3A_10 = arith.constant 0 : index
    %swap3A_11 = vector.load %arg6[%swap3A, %swap3A_10] : memref<400x128xf32, #tpu.memory_space<vmem>>, vector<400x128xf32>
    tpu.vector_store %arg6[%swap3A, %swap3A_10], %add3A_9 {strides = array<i32>} : memref<400x128xf32, #tpu.memory_space<vmem>>, vector<400x128xf32>,
    %get3A_12 = arith.constant 0 : index
    %get3A_13 = arith.constant 0 : index
    %get3A_14 = vector.load %arg4[%get3A_12, %get3A_13] : memref<128x128xf32, #tpu.memory_space<vmem>>, vector<128x128xf32>
    %dot_general3A_15 = arith.constant dense<0.000000e+00> : vector<400x128xf32>
    %dot_general3A_16 = tpu.matmul %get3A_1, %get3A_14, %dot_general3A_15 {dimension_numbers = #tpu.dot_dimension_numbers<[1], [0], [0], [1], [0, 0, 1, 1], [], []>, transpose_lhs_hint = false} : vector<400x128xf32>, vector<128x128xf32>, vector<400x128xf32> -> vector<400x128xf32>
    %get3A_17 = arith.constant 0 : index
    %get3A_18 = arith.constant 0 : index
    %get3A_19 = vector.load %arg5[%get3A_17, %get3A_18] : memref<1x128xf32, #tpu.memory_space<vmem>>, vector<1x128xf32>
    %add3A_20 = vector.broadcast %get3A_19 : vector<1x128xf32> to vector<400x128xf32>
    %add3A_21 = arith.addf %dot_general3A_16, %add3A_20 : vector<400x128xf32>
    %swap3A_22 = arith.constant 0 : index
    %swap3A_23 = arith.constant 0 : index
    %swap3A_24 = vector.load %arg7[%swap3A_22, %swap3A_23] : memref<400x128xf32, #tpu.memory_space<vmem>>, vector<400x128xf32>
    tpu.vector_store %arg7[%swap3A_22, %swap3A_23], %add3A_21 {strides = array<i32>} : memref<400x128xf32, #tpu.memory_space<vmem>>, vector<400x128xf32>,
    return
  }
  func.func @transform_0(%arg0: i32) -> (i32, i32) {
    %c0_i32 = arith.constant 0 : i32
    %c0_i32_0 = arith.constant 0 : i32
    return %arg0, %c0_i32 : i32, i32
  }
  func.func @transform_1(%arg0: i32) -> (i32, i32) {
    %c0_i32 = arith.constant 0 : i32
    %c0_i32_0 = arith.constant 0 : i32
    %c0_i32_1 = arith.constant 0 : i32
    return %c0_i32, %c0_i32_0 : i32, i32
  }
  func.func @transform_2(%arg0: i32) -> (i32, i32) {
    %c0_i32 = arith.constant 0 : i32
    %c0_i32_0 = arith.constant 0 : i32
    %c0_i32_1 = arith.constant 0 : i32
    return %c0_i32, %c0_i32_0 : i32, i32
  }
  func.func @transform_3(%arg0: i32) -> (i32, i32) {
    %c0_i32 = arith.constant 0 : i32
    %c0_i32_0 = arith.constant 0 : i32
    %c0_i32_1 = arith.constant 0 : i32
    return %c0_i32, %c0_i32_0 : i32, i32
  }
  func.func @transform_4(%arg0: i32) -> (i32, i32) {
    %c0_i32 = arith.constant 0 : i32
    %c0_i32_0 = arith.constant 0 : i32
    %c0_i32_1 = arith.constant 0 : i32
    return %c0_i32, %c0_i32_0 : i32, i32
  }
  func.func @transform_5(%arg0: i32) -> (i32, i32) {
    %c0_i32 = arith.constant 0 : i32
    %c0_i32_0 = arith.constant 0 : i32
    return %arg0, %c0_i32 : i32, i32
  }
  func.func @transform_6(%arg0: i32) -> (i32, i32) {
    %c0_i32 = arith.constant 0 : i32
    %c0_i32_0 = arith.constant 0 : i32
    return %arg0, %c0_i32 : i32, i32
  }
}

module attributes {stable_mosaic.version = 14 : i64} {
  func.func @_merge1_kernel(%arg0: i32, %arg1: memref<2x400x128xf32, #tpu.memory_space<vmem>>, %arg2: memref<2x400x128xf32, #tpu.memory_space<vmem>>, %arg3: memref<400x128xf32, #tpu.memory_space<vmem>>, %arg4: memref<400x128xf32, #tpu.memory_space<vmem>>, %arg5: memref<1x4xf32, #tpu.memory_space<vmem>>, %arg6: memref<4x128xf32, #tpu.memory_space<vmem>>, %arg7: memref<1x128xf32, #tpu.memory_space<vmem>>, %arg8: memref<1x128xf32, #tpu.memory_space<vmem>>, %arg9: memref<128x64xf32, #tpu.memory_space<vmem>>, %arg10: memref<1x64xf32, #tpu.memory_space<vmem>>, %arg11: memref<128x64xf32, #tpu.memory_space<vmem>>, %arg12: memref<1x64xf32, #tpu.memory_space<vmem>>, %arg13: memref<400x128xf32, #tpu.memory_space<vmem>>) attributes {dimension_semantics = [#tpu.dimension_semantics<arbitrary>], iteration_bounds = array<i64: 25>, scalar_prefetch = 0 : i64, scratch_operands = 0 : i64, tpu.core_type = #tpu.core_type<tc>, window_params = [{transform_indices = @transform_0, window_bounds = array<i64: 2, 400, 128>}, {transform_indices = @transform_1, window_bounds = array<i64: 2, 400, 128>}, {transform_indices = @transform_2, window_bounds = array<i64: 400, 128>}, {transform_indices = @transform_3, window_bounds = array<i64: 400, 128>}, {pipeline_mode = #tpu.pipeline_mode<synchronous>, transform_indices = @transform_4, window_bounds = array<i64: 1, 4>}, {pipeline_mode = #tpu.pipeline_mode<synchronous>, transform_indices = @transform_5, window_bounds = array<i64: 4, 128>}, {pipeline_mode = #tpu.pipeline_mode<synchronous>, transform_indices = @transform_6, window_bounds = array<i64: 1, 128>}, {pipeline_mode = #tpu.pipeline_mode<synchronous>, transform_indices = @transform_7, window_bounds = array<i64: 1, 128>}, {pipeline_mode = #tpu.pipeline_mode<synchronous>, transform_indices = @transform_8, window_bounds = array<i64: 128, 64>}, {pipeline_mode = #tpu.pipeline_mode<synchronous>, transform_indices = @transform_9, window_bounds = array<i64: 1, 64>}, {pipeline_mode = #tpu.pipeline_mode<synchronous>, transform_indices = @transform_10, window_bounds = array<i64: 128, 64>}, {pipeline_mode = #tpu.pipeline_mode<synchronous>, transform_indices = @transform_11, window_bounds = array<i64: 1, 64>}, {transform_indices = @transform_12, window_bounds = array<i64: 400, 128>}]} {
    %get3A = arith.constant 0 : index
    %get3A_0 = arith.constant 0 : index
    %get3A_1 = vector.load %arg5[%get3A, %get3A_0] : memref<1x4xf32, #tpu.memory_space<vmem>>, vector<1x4xf32>
    %div3A = arith.constant 3.200000e+05 : f32
    %div3A_2 = vector.broadcast %div3A : f32 to vector<1x4xf32>
    %div3A_3 = arith.divf %get3A_1, %div3A_2 : vector<1x4xf32>
    %get3A_4 = arith.constant 0 : index
    %get3A_5 = arith.constant 0 : index
    %get3A_6 = vector.load %arg6[%get3A_4, %get3A_5] : memref<4x128xf32, #tpu.memory_space<vmem>>, vector<4x128xf32>
    %dot_general3A = arith.constant dense<0.000000e+00> : vector<1x128xf32>
    %dot_general3A_7 = tpu.matmul %div3A_3, %get3A_6, %dot_general3A {dimension_numbers = #tpu.dot_dimension_numbers<[1], [0], [0], [1], [0, 0, 1, 1], [], []>, transpose_lhs_hint = false} : vector<1x4xf32>, vector<4x128xf32>, vector<1x128xf32> -> vector<1x128xf32>
    %get3A_8 = arith.constant 0 : index
    %get3A_9 = arith.constant 0 : index
    %get3A_10 = vector.load %arg3[%get3A_8, %get3A_9] : memref<400x128xf32, #tpu.memory_space<vmem>>, vector<400x128xf32>
    %get3A_11 = arith.constant 0 : index
    %get3A_12 = arith.constant 0 : index
    %get3A_13 = vector.load %arg4[%get3A_11, %get3A_12] : memref<400x128xf32, #tpu.memory_space<vmem>>, vector<400x128xf32>
    %add3A = arith.addf %get3A_10, %get3A_13 : vector<400x128xf32>
    %add3A_14 = vector.broadcast %dot_general3A_7 : vector<1x128xf32> to vector<400x128xf32>
    %add3A_15 = arith.addf %add3A, %add3A_14 : vector<400x128xf32>
    %mul3A = arith.constant 2.000000e-01 : f32
    %mul3A_16 = vector.broadcast %mul3A : f32 to vector<400x128xf32>
    %mul3A_17 = arith.mulf %mul3A_16, %add3A_15 : vector<400x128xf32>
    %max3A = arith.maximumf %add3A_15, %mul3A_17 : vector<400x128xf32>
    %get3A_18 = arith.constant 0 : index
    %get3A_19 = arith.constant 0 : index
    %get3A_20 = vector.load %arg7[%get3A_18, %get3A_19] : memref<1x128xf32, #tpu.memory_space<vmem>>, vector<1x128xf32>
    %mul3A_21 = vector.broadcast %get3A_20 : vector<1x128xf32> to vector<400x128xf32>
    %mul3A_22 = arith.mulf %max3A, %mul3A_21 : vector<400x128xf32>
    %slice3A = vector.extract_strided_slice %mul3A_22 {offsets = [0, 0], sizes = [400, 64], strides = [1, 1]} : vector<400x128xf32> to vector<400x64xf32>
    %reduce_sum3A = arith.constant dense<0.000000e+00> : vector<400xf32>
    %reduce_sum3A_23 = vector.multi_reduction <add>, %slice3A, %reduce_sum3A [1] : vector<400x64xf32> to vector<400xf32>
    %broadcast_in_dim3A = vector.shape_cast %reduce_sum3A_23 : vector<400xf32> to vector<400x1xf32>
    %exp3A = math.exp %broadcast_in_dim3A : vector<400x1xf32>
    %slice3A_24 = vector.extract_strided_slice %mul3A_22 {offsets = [0, 64], sizes = [400, 64], strides = [1, 1]} : vector<400x128xf32> to vector<400x64xf32>
    %reduce_sum3A_25 = arith.constant dense<0.000000e+00> : vector<400xf32>
    %reduce_sum3A_26 = vector.multi_reduction <add>, %slice3A_24, %reduce_sum3A_25 [1] : vector<400x64xf32> to vector<400xf32>
    %broadcast_in_dim3A_27 = vector.shape_cast %reduce_sum3A_26 : vector<400xf32> to vector<400x1xf32>
    %exp3A_28 = math.exp %broadcast_in_dim3A_27 : vector<400x1xf32>
    %get3A_29 = arith.constant 0 : index
    %get3A_30 = arith.constant 0 : index
    %get3A_31 = arith.constant 0 : index
    %get3A_32 = vector.load %arg1[%get3A_29, %get3A_30, %get3A_31] : memref<2x400x128xf32, #tpu.memory_space<vmem>>, vector<1x400x128xf32>
    %get3A_33 = vector.shape_cast %get3A_32 : vector<1x400x128xf32> to vector<400x128xf32>
    %get3A_34 = arith.constant 1 : index
    %get3A_35 = arith.constant 0 : index
    %get3A_36 = arith.constant 0 : index
    %get3A_37 = vector.load %arg1[%get3A_34, %get3A_35, %get3A_36] : memref<2x400x128xf32, #tpu.memory_space<vmem>>, vector<1x400x128xf32>
    %get3A_38 = vector.shape_cast %get3A_37 : vector<1x400x128xf32> to vector<400x128xf32>
    %add3A_39 = arith.addf %get3A_33, %get3A_38 : vector<400x128xf32>
    %get3A_40 = arith.constant 0 : index
    %get3A_41 = arith.constant 0 : index
    %get3A_42 = arith.constant 0 : index
    %get3A_43 = vector.load %arg2[%get3A_40, %get3A_41, %get3A_42] : memref<2x400x128xf32, #tpu.memory_space<vmem>>, vector<1x400x128xf32>
    %get3A_44 = vector.shape_cast %get3A_43 : vector<1x400x128xf32> to vector<400x128xf32>
    %get3A_45 = arith.constant 1 : index
    %get3A_46 = arith.constant 0 : index
    %get3A_47 = arith.constant 0 : index
    %get3A_48 = vector.load %arg2[%get3A_45, %get3A_46, %get3A_47] : memref<2x400x128xf32, #tpu.memory_space<vmem>>, vector<1x400x128xf32>
    %get3A_49 = vector.shape_cast %get3A_48 : vector<1x400x128xf32> to vector<400x128xf32>
    %add3A_50 = arith.addf %get3A_44, %get3A_49 : vector<400x128xf32>
    %slice3A_51 = vector.extract_strided_slice %add3A_39 {offsets = [0, 0], sizes = [400, 64], strides = [1, 1]} : vector<400x128xf32> to vector<400x64xf32>
    %slice3A_52 = vector.extract_strided_slice %get3A_10 {offsets = [0, 0], sizes = [400, 64], strides = [1, 1]} : vector<400x128xf32> to vector<400x64xf32>
    %mul3A_53 = vector.broadcast %exp3A : vector<400x1xf32> to vector<400x64xf32>
    %mul3A_54 = arith.mulf %mul3A_53, %slice3A_52 : vector<400x64xf32>
    %add3A_55 = arith.addf %slice3A_51, %mul3A_54 : vector<400x64xf32>
    %slice3A_56 = vector.extract_strided_slice %add3A_50 {offsets = [0, 0], sizes = [400, 64], strides = [1, 1]} : vector<400x128xf32> to vector<400x64xf32>
    %slice3A_57 = vector.extract_strided_slice %get3A_10 {offsets = [0, 64], sizes = [400, 64], strides = [1, 1]} : vector<400x128xf32> to vector<400x64xf32>
    %mul3A_58 = vector.broadcast %exp3A_28 : vector<400x1xf32> to vector<400x64xf32>
    %mul3A_59 = arith.mulf %mul3A_58, %slice3A_57 : vector<400x64xf32>
    %add3A_60 = arith.addf %slice3A_56, %mul3A_59 : vector<400x64xf32>
    %slice3A_61 = vector.extract_strided_slice %add3A_39 {offsets = [0, 64], sizes = [400, 1], strides = [1, 1]} : vector<400x128xf32> to vector<400x1xf32>
    %add3A_62 = arith.addf %slice3A_61, %exp3A : vector<400x1xf32>
    %slice3A_63 = vector.extract_strided_slice %add3A_50 {offsets = [0, 64], sizes = [400, 1], strides = [1, 1]} : vector<400x128xf32> to vector<400x1xf32>
    %add3A_64 = arith.addf %slice3A_63, %exp3A_28 : vector<400x1xf32>
    %add3A_65 = arith.constant 1.000000e-16 : f32
    %add3A_66 = vector.broadcast %add3A_65 : f32 to vector<400x1xf32>
    %add3A_67 = arith.addf %add3A_62, %add3A_66 : vector<400x1xf32>
    %div3A_68 = vector.broadcast %add3A_67 : vector<400x1xf32> to vector<400x64xf32>
    %div3A_69 = arith.divf %add3A_55, %div3A_68 : vector<400x64xf32>
    %add3A_70 = arith.constant 1.000000e-16 : f32
    %add3A_71 = vector.broadcast %add3A_70 : f32 to vector<400x1xf32>
    %add3A_72 = arith.addf %add3A_64, %add3A_71 : vector<400x1xf32>
    %div3A_73 = vector.broadcast %add3A_72 : vector<400x1xf32> to vector<400x64xf32>
    %div3A_74 = arith.divf %add3A_60, %div3A_73 : vector<400x64xf32>
    %concatenate3A = tpu.concatenate %div3A_69, %div3A_74 in 1 : vector<400x64xf32>, vector<400x64xf32> -> vector<400x128xf32>
    %get3A_75 = arith.constant 0 : index
    %get3A_76 = arith.constant 0 : index
    %get3A_77 = vector.load %arg8[%get3A_75, %get3A_76] : memref<1x128xf32, #tpu.memory_space<vmem>>, vector<1x128xf32>
    %add3A_78 = vector.broadcast %get3A_77 : vector<1x128xf32> to vector<400x128xf32>
    %add3A_79 = arith.addf %concatenate3A, %add3A_78 : vector<400x128xf32>
    %max3A_80 = arith.constant 0.000000e+00 : f32
    %max3A_81 = vector.broadcast %max3A_80 : f32 to vector<400x128xf32>
    %max3A_82 = arith.maximumf %add3A_79, %max3A_81 : vector<400x128xf32>
    %get3A_83 = arith.constant 0 : index
    %get3A_84 = arith.constant 0 : index
    %get3A_85 = vector.load %arg9[%get3A_83, %get3A_84] : memref<128x64xf32, #tpu.memory_space<vmem>>, vector<128x64xf32>
    %dot_general3A_86 = arith.constant dense<0.000000e+00> : vector<400x64xf32>
    %dot_general3A_87 = tpu.matmul %max3A_82, %get3A_85, %dot_general3A_86 {dimension_numbers = #tpu.dot_dimension_numbers<[1], [0], [0], [1], [0, 0, 1, 1], [], []>, transpose_lhs_hint = false} : vector<400x128xf32>, vector<128x64xf32>, vector<400x64xf32> -> vector<400x64xf32>
    %get3A_88 = arith.constant 0 : index
    %get3A_89 = arith.constant 0 : index
    %get3A_90 = vector.load %arg10[%get3A_88, %get3A_89] : memref<1x64xf32, #tpu.memory_space<vmem>>, vector<1x64xf32>
    %add3A_91 = vector.broadcast %get3A_90 : vector<1x64xf32> to vector<400x64xf32>
    %add3A_92 = arith.addf %dot_general3A_87, %add3A_91 : vector<400x64xf32>
    %get3A_93 = arith.constant 0 : index
    %get3A_94 = arith.constant 0 : index
    %get3A_95 = vector.load %arg11[%get3A_93, %get3A_94] : memref<128x64xf32, #tpu.memory_space<vmem>>, vector<128x64xf32>
    %dot_general3A_96 = arith.constant dense<0.000000e+00> : vector<400x64xf32>
    %dot_general3A_97 = tpu.matmul %max3A_82, %get3A_95, %dot_general3A_96 {dimension_numbers = #tpu.dot_dimension_numbers<[1], [0], [0], [1], [0, 0, 1, 1], [], []>, transpose_lhs_hint = false} : vector<400x128xf32>, vector<128x64xf32>, vector<400x64xf32> -> vector<400x64xf32>
    %get3A_98 = arith.constant 0 : index
    %get3A_99 = arith.constant 0 : index
    %get3A_100 = vector.load %arg12[%get3A_98, %get3A_99] : memref<1x64xf32, #tpu.memory_space<vmem>>, vector<1x64xf32>
    %add3A_101 = vector.broadcast %get3A_100 : vector<1x64xf32> to vector<400x64xf32>
    %add3A_102 = arith.addf %dot_general3A_97, %add3A_101 : vector<400x64xf32>
    %concatenate3A_103 = tpu.concatenate %add3A_92, %add3A_102 in 1 : vector<400x64xf32>, vector<400x64xf32> -> vector<400x128xf32>
    %swap3A = arith.constant 0 : index
    %swap3A_104 = arith.constant 0 : index
    %swap3A_105 = vector.load %arg13[%swap3A, %swap3A_104] : memref<400x128xf32, #tpu.memory_space<vmem>>, vector<400x128xf32>
    tpu.vector_store %arg13[%swap3A, %swap3A_104], %concatenate3A_103 {strides = array<i32>} : memref<400x128xf32, #tpu.memory_space<vmem>>, vector<400x128xf32>,
    return
  }
  func.func @transform_0(%arg0: i32) -> (i32, i32, i32) {
    %c0_i32 = arith.constant 0 : i32
    %c0_i32_0 = arith.constant 0 : i32
    %c0_i32_1 = arith.constant 0 : i32
    return %c0_i32, %arg0, %c0_i32_0 : i32, i32, i32
  }
  func.func @transform_1(%arg0: i32) -> (i32, i32, i32) {
    %c0_i32 = arith.constant 0 : i32
    %c0_i32_0 = arith.constant 0 : i32
    %c0_i32_1 = arith.constant 0 : i32
    return %c0_i32, %arg0, %c0_i32_0 : i32, i32, i32
  }
  func.func @transform_2(%arg0: i32) -> (i32, i32) {
    %c0_i32 = arith.constant 0 : i32
    %c0_i32_0 = arith.constant 0 : i32
    return %arg0, %c0_i32 : i32, i32
  }
  func.func @transform_3(%arg0: i32) -> (i32, i32) {
    %c0_i32 = arith.constant 0 : i32
    %c0_i32_0 = arith.constant 0 : i32
    return %arg0, %c0_i32 : i32, i32
  }
  func.func @transform_4(%arg0: i32) -> (i32, i32) {
    %c0_i32 = arith.constant 0 : i32
    %c0_i32_0 = arith.constant 0 : i32
    %c0_i32_1 = arith.constant 0 : i32
    return %c0_i32, %c0_i32_0 : i32, i32
  }
  func.func @transform_5(%arg0: i32) -> (i32, i32) {
    %c0_i32 = arith.constant 0 : i32
    %c0_i32_0 = arith.constant 0 : i32
    %c0_i32_1 = arith.constant 0 : i32
    return %c0_i32, %c0_i32_0 : i32, i32
  }
  func.func @transform_6(%arg0: i32) -> (i32, i32) {
    %c0_i32 = arith.constant 0 : i32
    %c0_i32_0 = arith.constant 0 : i32
    %c0_i32_1 = arith.constant 0 : i32
    return %c0_i32, %c0_i32_0 : i32, i32
  }
  func.func @transform_7(%arg0: i32) -> (i32, i32) {
    %c0_i32 = arith.constant 0 : i32
    %c0_i32_0 = arith.constant 0 : i32
    %c0_i32_1 = arith.constant 0 : i32
    return %c0_i32, %c0_i32_0 : i32, i32
  }
  func.func @transform_8(%arg0: i32) -> (i32, i32) {
    %c0_i32 = arith.constant 0 : i32
    %c0_i32_0 = arith.constant 0 : i32
    %c0_i32_1 = arith.constant 0 : i32
    return %c0_i32, %c0_i32_0 : i32, i32
  }
  func.func @transform_9(%arg0: i32) -> (i32, i32) {
    %c0_i32 = arith.constant 0 : i32
    %c0_i32_0 = arith.constant 0 : i32
    %c0_i32_1 = arith.constant 0 : i32
    return %c0_i32, %c0_i32_0 : i32, i32
  }
  func.func @transform_10(%arg0: i32) -> (i32, i32) {
    %c0_i32 = arith.constant 0 : i32
    %c0_i32_0 = arith.constant 0 : i32
    %c0_i32_1 = arith.constant 0 : i32
    return %c0_i32, %c0_i32_0 : i32, i32
  }
  func.func @transform_11(%arg0: i32) -> (i32, i32) {
    %c0_i32 = arith.constant 0 : i32
    %c0_i32_0 = arith.constant 0 : i32
    %c0_i32_1 = arith.constant 0 : i32
    return %c0_i32, %c0_i32_0 : i32, i32
  }
  func.func @transform_12(%arg0: i32) -> (i32, i32) {
    %c0_i32 = arith.constant 0 : i32
    %c0_i32_0 = arith.constant 0 : i32
    return %arg0, %c0_i32 : i32, i32
  }
}

module attributes {stable_mosaic.version = 14 : i64} {
  func.func @_edge2_kernel(%arg0: i32, %arg1: memref<4000x128xf32, #tpu.memory_space<vmem>>, %arg2: memref<4000x128xf32, #tpu.memory_space<vmem>>, %arg3: memref<4000x4xf32, #tpu.memory_space<vmem>>, %arg4: memref<4x64xf32, #tpu.memory_space<vmem>>, %arg5: memref<1x64xf32, #tpu.memory_space<vmem>>, %arg6: memref<4000x128xf32, #tpu.memory_space<vmem>>) attributes {dimension_semantics = [#tpu.dimension_semantics<arbitrary>], iteration_bounds = array<i64: 80>, scalar_prefetch = 0 : i64, scratch_operands = 0 : i64, tpu.core_type = #tpu.core_type<tc>, window_params = [{transform_indices = @transform_0, window_bounds = array<i64: 4000, 128>}, {transform_indices = @transform_1, window_bounds = array<i64: 4000, 128>}, {transform_indices = @transform_2, window_bounds = array<i64: 4000, 4>}, {pipeline_mode = #tpu.pipeline_mode<synchronous>, transform_indices = @transform_3, window_bounds = array<i64: 4, 64>}, {pipeline_mode = #tpu.pipeline_mode<synchronous>, transform_indices = @transform_4, window_bounds = array<i64: 1, 64>}, {transform_indices = @transform_5, window_bounds = array<i64: 4000, 128>}]} {
    %get3A = arith.constant 0 : index
    %get3A_0 = arith.constant 0 : index
    %get3A_1 = vector.load %arg3[%get3A, %get3A_0] : memref<4000x4xf32, #tpu.memory_space<vmem>>, vector<4000x4xf32>
    %get3A_2 = arith.constant 0 : index
    %get3A_3 = arith.constant 0 : index
    %get3A_4 = vector.load %arg4[%get3A_2, %get3A_3] : memref<4x64xf32, #tpu.memory_space<vmem>>, vector<4x64xf32>
    %dot_general3A = arith.constant dense<0.000000e+00> : vector<4000x64xf32>
    %dot_general3A_5 = tpu.matmul %get3A_1, %get3A_4, %dot_general3A {dimension_numbers = #tpu.dot_dimension_numbers<[1], [0], [0], [1], [0, 0, 1, 1], [], []>, transpose_lhs_hint = false} : vector<4000x4xf32>, vector<4x64xf32>, vector<4000x64xf32> -> vector<4000x64xf32>
    %get3A_6 = arith.constant 0 : index
    %get3A_7 = arith.constant 0 : index
    %get3A_8 = vector.load %arg1[%get3A_6, %get3A_7] : memref<4000x128xf32, #tpu.memory_space<vmem>>, vector<4000x64xf32>
    %get3A_9 = arith.constant 0 : index
    %get3A_10 = arith.constant 64 : index
    %get3A_11 = vector.load %arg2[%get3A_9, %get3A_10] : memref<4000x128xf32, #tpu.memory_space<vmem>>, vector<4000x64xf32>
    %add3A = arith.addf %get3A_8, %get3A_11 : vector<4000x64xf32>
    %add3A_12 = arith.addf %add3A, %dot_general3A_5 : vector<4000x64xf32>
    %mul3A = arith.constant 2.000000e-01 : f32
    %mul3A_13 = vector.broadcast %mul3A : f32 to vector<4000x64xf32>
    %mul3A_14 = arith.mulf %mul3A_13, %add3A_12 : vector<4000x64xf32>
    %max3A = arith.maximumf %add3A_12, %mul3A_14 : vector<4000x64xf32>
    %get3A_15 = arith.constant 0 : index
    %get3A_16 = arith.constant 0 : index
    %get3A_17 = vector.load %arg5[%get3A_15, %get3A_16] : memref<1x64xf32, #tpu.memory_space<vmem>>, vector<1x64xf32>
    %mul3A_18 = vector.broadcast %get3A_17 : vector<1x64xf32> to vector<4000x64xf32>
    %mul3A_19 = arith.mulf %max3A, %mul3A_18 : vector<4000x64xf32>
    %reduce_sum3A = arith.constant dense<0.000000e+00> : vector<4000xf32>
    %reduce_sum3A_20 = vector.multi_reduction <add>, %mul3A_19, %reduce_sum3A [1] : vector<4000x64xf32> to vector<4000xf32>
    %broadcast_in_dim3A = vector.shape_cast %reduce_sum3A_20 : vector<4000xf32> to vector<4000x1xf32>
    %exp3A = math.exp %broadcast_in_dim3A : vector<4000x1xf32>
    %broadcast_in_dim3A_21 = arith.constant 0.000000e+00 : f32
    %broadcast_in_dim3A_22 = vector.broadcast %broadcast_in_dim3A_21 : f32 to vector<4000x63xf32>
    %mul3A_23 = vector.broadcast %exp3A : vector<4000x1xf32> to vector<4000x64xf32>
    %mul3A_24 = arith.mulf %mul3A_23, %get3A_8 : vector<4000x64xf32>
    %concatenate3A = tpu.concatenate %mul3A_24, %exp3A, %broadcast_in_dim3A_22 in 1 : vector<4000x64xf32>, vector<4000x1xf32>, vector<4000x63xf32> -> vector<4000x128xf32>
    %swap3A = arith.constant 0 : index
    %swap3A_25 = arith.constant 0 : index
    %swap3A_26 = vector.load %arg6[%swap3A, %swap3A_25] : memref<4000x128xf32, #tpu.memory_space<vmem>>, vector<4000x128xf32>
    tpu.vector_store %arg6[%swap3A, %swap3A_25], %concatenate3A {strides = array<i32>} : memref<4000x128xf32, #tpu.memory_space<vmem>>, vector<4000x128xf32>,
    return
  }
  func.func @transform_0(%arg0: i32) -> (i32, i32) {
    %c0_i32 = arith.constant 0 : i32
    %c0_i32_0 = arith.constant 0 : i32
    return %arg0, %c0_i32 : i32, i32
  }
  func.func @transform_1(%arg0: i32) -> (i32, i32) {
    %c0_i32 = arith.constant 0 : i32
    %c0_i32_0 = arith.constant 0 : i32
    return %arg0, %c0_i32 : i32, i32
  }
  func.func @transform_2(%arg0: i32) -> (i32, i32) {
    %c0_i32 = arith.constant 0 : i32
    %c0_i32_0 = arith.constant 0 : i32
    return %arg0, %c0_i32 : i32, i32
  }
  func.func @transform_3(%arg0: i32) -> (i32, i32) {
    %c0_i32 = arith.constant 0 : i32
    %c0_i32_0 = arith.constant 0 : i32
    %c0_i32_1 = arith.constant 0 : i32
    return %c0_i32, %c0_i32_0 : i32, i32
  }
  func.func @transform_4(%arg0: i32) -> (i32, i32) {
    %c0_i32 = arith.constant 0 : i32
    %c0_i32_0 = arith.constant 0 : i32
    %c0_i32_1 = arith.constant 0 : i32
    return %c0_i32, %c0_i32_0 : i32, i32
  }
  func.func @transform_5(%arg0: i32) -> (i32, i32) {
    %c0_i32 = arith.constant 0 : i32
    %c0_i32_0 = arith.constant 0 : i32
    return %arg0, %c0_i32 : i32, i32
  }
}

module attributes {stable_mosaic.version = 14 : i64} {
  func.func @_merge2_kernel(%arg0: i32, %arg1: memref<2x400x128xf32, #tpu.memory_space<vmem>>, %arg2: memref<400x128xf32, #tpu.memory_space<vmem>>, %arg3: memref<1x4xf32, #tpu.memory_space<vmem>>, %arg4: memref<4x64xf32, #tpu.memory_space<vmem>>, %arg5: memref<1x64xf32, #tpu.memory_space<vmem>>, %arg6: memref<1x64xf32, #tpu.memory_space<vmem>>, %arg7: memref<64x64xf32, #tpu.memory_space<vmem>>, %arg8: memref<1x64xf32, #tpu.memory_space<vmem>>, %arg9: memref<1x64xf32, #tpu.memory_space<vmem>>, %arg10: memref<1x1xf32, #tpu.memory_space<vmem>>, %arg11: memref<400x1xf32, #tpu.memory_space<vmem>>) attributes {dimension_semantics = [#tpu.dimension_semantics<arbitrary>], iteration_bounds = array<i64: 25>, scalar_prefetch = 0 : i64, scratch_operands = 0 : i64, tpu.core_type = #tpu.core_type<tc>, window_params = [{transform_indices = @transform_0, window_bounds = array<i64: 2, 400, 128>}, {transform_indices = @transform_1, window_bounds = array<i64: 400, 128>}, {pipeline_mode = #tpu.pipeline_mode<synchronous>, transform_indices = @transform_2, window_bounds = array<i64: 1, 4>}, {pipeline_mode = #tpu.pipeline_mode<synchronous>, transform_indices = @transform_3, window_bounds = array<i64: 4, 64>}, {pipeline_mode = #tpu.pipeline_mode<synchronous>, transform_indices = @transform_4, window_bounds = array<i64: 1, 64>}, {pipeline_mode = #tpu.pipeline_mode<synchronous>, transform_indices = @transform_5, window_bounds = array<i64: 1, 64>}, {pipeline_mode = #tpu.pipeline_mode<synchronous>, transform_indices = @transform_6, window_bounds = array<i64: 64, 64>}, {pipeline_mode = #tpu.pipeline_mode<synchronous>, transform_indices = @transform_7, window_bounds = array<i64: 1, 64>}, {pipeline_mode = #tpu.pipeline_mode<synchronous>, transform_indices = @transform_8, window_bounds = array<i64: 1, 64>}, {pipeline_mode = #tpu.pipeline_mode<synchronous>, transform_indices = @transform_9, window_bounds = array<i64: 1, 1>}, {transform_indices = @transform_10, window_bounds = array<i64: 400, 1>}]} {
    %get3A = arith.constant 0 : index
    %get3A_0 = arith.constant 0 : index
    %get3A_1 = vector.load %arg3[%get3A, %get3A_0] : memref<1x4xf32, #tpu.memory_space<vmem>>, vector<1x4xf32>
    %div3A = arith.constant 3.200000e+05 : f32
    %div3A_2 = vector.broadcast %div3A : f32 to vector<1x4xf32>
    %div3A_3 = arith.divf %get3A_1, %div3A_2 : vector<1x4xf32>
    %get3A_4 = arith.constant 0 : index
    %get3A_5 = arith.constant 0 : index
    %get3A_6 = vector.load %arg4[%get3A_4, %get3A_5] : memref<4x64xf32, #tpu.memory_space<vmem>>, vector<4x64xf32>
    %dot_general3A = arith.constant dense<0.000000e+00> : vector<1x64xf32>
    %dot_general3A_7 = tpu.matmul %div3A_3, %get3A_6, %dot_general3A {dimension_numbers = #tpu.dot_dimension_numbers<[1], [0], [0], [1], [0, 0, 1, 1], [], []>, transpose_lhs_hint = false} : vector<1x4xf32>, vector<4x64xf32>, vector<1x64xf32> -> vector<1x64xf32>
    %get3A_8 = arith.constant 0 : index
    %get3A_9 = arith.constant 0 : index
    %get3A_10 = vector.load %arg2[%get3A_8, %get3A_9] : memref<400x128xf32, #tpu.memory_space<vmem>>, vector<400x64xf32>
    %get3A_11 = arith.constant 0 : index
    %get3A_12 = arith.constant 64 : index
    %get3A_13 = vector.load %arg2[%get3A_11, %get3A_12] : memref<400x128xf32, #tpu.memory_space<vmem>>, vector<400x64xf32>
    %add3A = arith.addf %get3A_10, %get3A_13 : vector<400x64xf32>
    %add3A_14 = vector.broadcast %dot_general3A_7 : vector<1x64xf32> to vector<400x64xf32>
    %add3A_15 = arith.addf %add3A, %add3A_14 : vector<400x64xf32>
    %mul3A = arith.constant 2.000000e-01 : f32
    %mul3A_16 = vector.broadcast %mul3A : f32 to vector<400x64xf32>
    %mul3A_17 = arith.mulf %mul3A_16, %add3A_15 : vector<400x64xf32>
    %max3A = arith.maximumf %add3A_15, %mul3A_17 : vector<400x64xf32>
    %get3A_18 = arith.constant 0 : index
    %get3A_19 = arith.constant 0 : index
    %get3A_20 = vector.load %arg5[%get3A_18, %get3A_19] : memref<1x64xf32, #tpu.memory_space<vmem>>, vector<1x64xf32>
    %mul3A_21 = vector.broadcast %get3A_20 : vector<1x64xf32> to vector<400x64xf32>
    %mul3A_22 = arith.mulf %max3A, %mul3A_21 : vector<400x64xf32>
    %reduce_sum3A = arith.constant dense<0.000000e+00> : vector<400xf32>
    %reduce_sum3A_23 = vector.multi_reduction <add>, %mul3A_22, %reduce_sum3A [1] : vector<400x64xf32> to vector<400xf32>
    %broadcast_in_dim3A = vector.shape_cast %reduce_sum3A_23 : vector<400xf32> to vector<400x1xf32>
    %exp3A = math.exp %broadcast_in_dim3A : vector<400x1xf32>
    %get3A_24 = arith.constant 0 : index
    %get3A_25 = arith.constant 0 : index
    %get3A_26 = arith.constant 0 : index
    %get3A_27 = vector.load %arg1[%get3A_24, %get3A_25, %get3A_26] : memref<2x400x128xf32, #tpu.memory_space<vmem>>, vector<1x400x128xf32>
    %get3A_28 = vector.shape_cast %get3A_27 : vector<1x400x128xf32> to vector<400x128xf32>
    %get3A_29 = arith.constant 1 : index
    %get3A_30 = arith.constant 0 : index
    %get3A_31 = arith.constant 0 : index
    %get3A_32 = vector.load %arg1[%get3A_29, %get3A_30, %get3A_31] : memref<2x400x128xf32, #tpu.memory_space<vmem>>, vector<1x400x128xf32>
    %get3A_33 = vector.shape_cast %get3A_32 : vector<1x400x128xf32> to vector<400x128xf32>
    %add3A_34 = arith.addf %get3A_28, %get3A_33 : vector<400x128xf32>
    %slice3A = vector.extract_strided_slice %add3A_34 {offsets = [0, 0], sizes = [400, 64], strides = [1, 1]} : vector<400x128xf32> to vector<400x64xf32>
    %mul3A_35 = vector.broadcast %exp3A : vector<400x1xf32> to vector<400x64xf32>
    %mul3A_36 = arith.mulf %mul3A_35, %get3A_10 : vector<400x64xf32>
    %add3A_37 = arith.addf %slice3A, %mul3A_36 : vector<400x64xf32>
    %slice3A_38 = vector.extract_strided_slice %add3A_34 {offsets = [0, 64], sizes = [400, 1], strides = [1, 1]} : vector<400x128xf32> to vector<400x1xf32>
    %add3A_39 = arith.addf %slice3A_38, %exp3A : vector<400x1xf32>
    %add3A_40 = arith.constant 1.000000e-16 : f32
    %add3A_41 = vector.broadcast %add3A_40 : f32 to vector<400x1xf32>
    %add3A_42 = arith.addf %add3A_39, %add3A_41 : vector<400x1xf32>
    %div3A_43 = vector.broadcast %add3A_42 : vector<400x1xf32> to vector<400x64xf32>
    %div3A_44 = arith.divf %add3A_37, %div3A_43 : vector<400x64xf32>
    %get3A_45 = arith.constant 0 : index
    %get3A_46 = arith.constant 0 : index
    %get3A_47 = vector.load %arg6[%get3A_45, %get3A_46] : memref<1x64xf32, #tpu.memory_space<vmem>>, vector<1x64xf32>
    %add3A_48 = vector.broadcast %get3A_47 : vector<1x64xf32> to vector<400x64xf32>
    %add3A_49 = arith.addf %div3A_44, %add3A_48 : vector<400x64xf32>
    %max3A_50 = arith.constant 0.000000e+00 : f32
    %max3A_51 = vector.broadcast %max3A_50 : f32 to vector<400x64xf32>
    %max3A_52 = arith.maximumf %add3A_49, %max3A_51 : vector<400x64xf32>
    %get3A_53 = arith.constant 0 : index
    %get3A_54 = arith.constant 0 : index
    %get3A_55 = vector.load %arg7[%get3A_53, %get3A_54] : memref<64x64xf32, #tpu.memory_space<vmem>>, vector<64x64xf32>
    %dot_general3A_56 = arith.constant dense<0.000000e+00> : vector<400x64xf32>
    %dot_general3A_57 = tpu.matmul %max3A_52, %get3A_55, %dot_general3A_56 {dimension_numbers = #tpu.dot_dimension_numbers<[1], [0], [0], [1], [0, 0, 1, 1], [], []>, transpose_lhs_hint = false} : vector<400x64xf32>, vector<64x64xf32>, vector<400x64xf32> -> vector<400x64xf32>
    %get3A_58 = arith.constant 0 : index
    %get3A_59 = arith.constant 0 : index
    %get3A_60 = vector.load %arg8[%get3A_58, %get3A_59] : memref<1x64xf32, #tpu.memory_space<vmem>>, vector<1x64xf32>
    %add3A_61 = vector.broadcast %get3A_60 : vector<1x64xf32> to vector<400x64xf32>
    %add3A_62 = arith.addf %dot_general3A_57, %add3A_61 : vector<400x64xf32>
    %max3A_63 = arith.constant 0.000000e+00 : f32
    %max3A_64 = vector.broadcast %max3A_63 : f32 to vector<400x64xf32>
    %max3A_65 = arith.maximumf %add3A_62, %max3A_64 : vector<400x64xf32>
    %get3A_66 = arith.constant 0 : index
    %get3A_67 = arith.constant 0 : index
    %get3A_68 = vector.load %arg9[%get3A_66, %get3A_67] : memref<1x64xf32, #tpu.memory_space<vmem>>, vector<1x64xf32>
    %mul3A_69 = vector.broadcast %get3A_68 : vector<1x64xf32> to vector<400x64xf32>
    %mul3A_70 = arith.mulf %max3A_65, %mul3A_69 : vector<400x64xf32>
    %reduce_sum3A_71 = arith.constant dense<0.000000e+00> : vector<400xf32>
    %reduce_sum3A_72 = vector.multi_reduction <add>, %mul3A_70, %reduce_sum3A_71 [1] : vector<400x64xf32> to vector<400xf32>
    %broadcast_in_dim3A_73 = vector.shape_cast %reduce_sum3A_72 : vector<400xf32> to vector<400x1xf32>
    %get3A_74 = arith.constant 0 : index
    %get3A_75 = arith.constant 0 : index
    %get3A_76 = vector.load %arg10[%get3A_74, %get3A_75] : memref<1x1xf32, #tpu.memory_space<vmem>>, vector<1x1xf32>
    %add3A_77 = vector.broadcast %get3A_76 : vector<1x1xf32> to vector<400x1xf32>
    %add3A_78 = arith.addf %broadcast_in_dim3A_73, %add3A_77 : vector<400x1xf32>
    %swap3A = arith.constant 0 : index
    %swap3A_79 = arith.constant 0 : index
    %swap3A_80 = vector.load %arg11[%swap3A, %swap3A_79] : memref<400x1xf32, #tpu.memory_space<vmem>>, vector<400x1xf32>
    tpu.vector_store %arg11[%swap3A, %swap3A_79], %add3A_78 {strides = array<i32>} : memref<400x1xf32, #tpu.memory_space<vmem>>, vector<400x1xf32>,
    return
  }
  func.func @transform_0(%arg0: i32) -> (i32, i32, i32) {
    %c0_i32 = arith.constant 0 : i32
    %c0_i32_0 = arith.constant 0 : i32
    %c0_i32_1 = arith.constant 0 : i32
    return %c0_i32, %arg0, %c0_i32_0 : i32, i32, i32
  }
  func.func @transform_1(%arg0: i32) -> (i32, i32) {
    %c0_i32 = arith.constant 0 : i32
    %c0_i32_0 = arith.constant 0 : i32
    return %arg0, %c0_i32 : i32, i32
  }
  func.func @transform_2(%arg0: i32) -> (i32, i32) {
    %c0_i32 = arith.constant 0 : i32
    %c0_i32_0 = arith.constant 0 : i32
    %c0_i32_1 = arith.constant 0 : i32
    return %c0_i32, %c0_i32_0 : i32, i32
  }
  func.func @transform_3(%arg0: i32) -> (i32, i32) {
    %c0_i32 = arith.constant 0 : i32
    %c0_i32_0 = arith.constant 0 : i32
    %c0_i32_1 = arith.constant 0 : i32
    return %c0_i32, %c0_i32_0 : i32, i32
  }
  func.func @transform_4(%arg0: i32) -> (i32, i32) {
    %c0_i32 = arith.constant 0 : i32
    %c0_i32_0 = arith.constant 0 : i32
    %c0_i32_1 = arith.constant 0 : i32
    return %c0_i32, %c0_i32_0 : i32, i32
  }
  func.func @transform_5(%arg0: i32) -> (i32, i32) {
    %c0_i32 = arith.constant 0 : i32
    %c0_i32_0 = arith.constant 0 : i32
    %c0_i32_1 = arith.constant 0 : i32
    return %c0_i32, %c0_i32_0 : i32, i32
  }
  func.func @transform_6(%arg0: i32) -> (i32, i32) {
    %c0_i32 = arith.constant 0 : i32
    %c0_i32_0 = arith.constant 0 : i32
    %c0_i32_1 = arith.constant 0 : i32
    return %c0_i32, %c0_i32_0 : i32, i32
  }
  func.func @transform_7(%arg0: i32) -> (i32, i32) {
    %c0_i32 = arith.constant 0 : i32
    %c0_i32_0 = arith.constant 0 : i32
    %c0_i32_1 = arith.constant 0 : i32
    return %c0_i32, %c0_i32_0 : i32, i32
  }
  func.func @transform_8(%arg0: i32) -> (i32, i32) {
    %c0_i32 = arith.constant 0 : i32
    %c0_i32_0 = arith.constant 0 : i32
    %c0_i32_1 = arith.constant 0 : i32
    return %c0_i32, %c0_i32_0 : i32, i32
  }
  func.func @transform_9(%arg0: i32) -> (i32, i32) {
    %c0_i32 = arith.constant 0 : i32
    %c0_i32_0 = arith.constant 0 : i32
    %c0_i32_1 = arith.constant 0 : i32
    return %c0_i32, %c0_i32_0 : i32, i32
  }
  func.func @transform_10(%arg0: i32) -> (i32, i32) {
    %c0_i32 = arith.constant 0 : i32
    %c0_i32_0 = arith.constant 0 : i32
    return %arg0, %c0_i32 : i32, i32
  }
}

</mosaic_0001>

<sc_bundles>
// kernel: kernel.12.cloned.1.call-start
scs
__scs_entry_jumppad:
0x0: {  	(pc) =	sbr.rel $0x88, $3  }
0x1: {  	(tag) =	ssettag $0x0;
	lr =	simm.s32 $0x1  }
0x2: {  	[smem:$0x3F8C] =	sst lr;
	_ =	strace $0xD0000000  }
0x3: {  	_ = 	snop  }
0x4: {  	_ = 	snop  }
0x5: {  	_ = 	snop  }
0x6: {  	_ = 	snop  }
0x7: {  	_ = 	snop  }
__scs_overlays_trampoline_lowered:
0x8: {  	[smem:$0x3F9B] =	sst s0  }
0x9: {  	[smem:$0x3F9C] =	sst s1  }
0xa: {  	[smem:$0x3F9D] =	sst s2  }
0xb: {  	[smem:$0x3F9E] =	sst s3  }
0xc: {  	[smem:$0x3F9F] =	sst s4  }
0xd: {  	[smem:$0x3FA0] =	sst s5  }
0xe: {  	[smem:$0x3FA1] =	sst s6  }
0xf: {  	[smem:$0x3FA2] =	sst s7  }
0x10: {  	[smem:$0x3FA3] =	sst s8  }
0x11: {  	[smem:$0x3FA4] =	sst s9;
	s0 =	simm.s32 @!p0 $0x0  }
0x12: {  	s1 =	sld [smem:$0x3F8A];
	s0 =	simm.s32 @p0 $0x1  }
0x13: {  	[smem:$0x3FA5] =	sst s0;
	s0 =	simm.s32 @!p1 $0x0  }
0x14: {  	s2 =	sld [smem:$0x3F89];
	s0 =	simm.s32 @p1 $0x1  }
0x15: {  	[smem:$0x3FA6] =	sst s0;
	s0 =	simm.s32 @!p2 $0x0  }
0x16: {  	s3 =	sld [smem:$0x3FDB];
	s0 =	simm.s32 @p2 $0x1  }
0x17: {  	s4 =	simm.s32 $0x1BF5;
	[smem:$0x3FA8] =	sst s0  }
0x18: {  	s0 =	sld [smem:$0x3F8B];
	_ =	swait.ge [sflag:s4], $0x0  }
0x19: {  	s7 =	sld [smem:$0x3F8C]  }
0x1a: {  	s8 =	sadd.s32 $0xFFFFE003, lr  }
0x1b: {  	s9 =	sadd.s32 $0xFFFFFEF7, lr;
	s5 =	simm.s32 $0xFFFFFFFF;
	p2 =	slt.u32 s8, $0xFFFFF086  }
0x1c: {  	p1 =	slt.u32 s9, $0xF7A;
	s5 =	simm.s32 @!p2 $0x0  }
0x1d: {  	s5 =	simm.s32 @p1 $0x1;
	p0 =	seq.s32 s7, s2  }
0x1e: {  	s7 =	smul.u32 @!p0 $0xF7A, s2;
	p2 =	seq.s32 @!p0 s5, $0x0  }
0x1f: {  	s9 =	smul.u32 $0xF7A, s1;
	s8 =	simm.s32 @!p0 $0x1BF5;
	p2 =	por !p2, p0  }
0x20: {  	[sflag:s8] =	ssyncset.s32 @!p0 $0xFFFFF086;
	s6 =	sadd.s32 @!p0 s3, s7;
	s7 =	simm.s32 @!p0 $0x108  }
0x21: {  	s3 =	sadd.s32 s3, s9;
	s6 =	sadd.s32 @!p0 $0x88, s6;
	s7 =	simm.s32 @p2 $0x1082  }
0x22: {  	[simem:s7], [sflag:s8] =	dma.local @!p0 [hbm:s6], $0xF7A  }
0x23: {  	s9 =	sor.u32 $0xD0000000, s2;
	s6 =	simm.s32 $0x108;
	_ =	swait.ge @!p0 [sflag:s8], $0x0  }
0x24: {  	s3 =	sadd.s32 $0x88, s3;
	s6 =	simm.s32 @!p1 $0x1082;
	[sflag:s4] =	ssyncset.s32 $0xFFFFF086  }
0x25: {  	[simem:s6], [sflag:s4] =	dma.local [hbm:s3], $0xF7A  }
0x26: {  	[smem:$0x3F8C] =	sst s1;
	(tag) =	ssettag s2;
	_ =	strace s9  }
0x27: {  	s1 =	sld [smem:$0x3F9C]  }
0x28: {  	s2 =	sld [smem:$0x3F9D]  }
0x29: {  	s4 =	sld [smem:$0x3F9F]  }
0x2a: {  	p0 =	seq.s32 s5, $0x0;
	s5 =	sld [smem:$0x3FA0]  }
0x2b: {  	s6 =	sld [smem:$0x3FA1]  }
0x2c: {  	s7 =	sld [smem:$0x3FA2]  }
0x2d: {  	s3 =	simm.s32 $0x108;
	s8 =	sld [smem:$0x3FA3]  }
0x2e: {  	s3 =	simm.s32 @!p0 $0x1082;
	s9 =	sld [smem:$0x3FA4]  }
0x2f: {  	lr =	sadd.s32 s0, s3;
	s0 =	sld [smem:$0x3F9B]  }
0x30: {  	s3 =	sld [smem:$0x3F9E]  }
0x31: {  	[smem:$0x3FA7] =	sst s10  }
0x32: {  	s10 =	sld [smem:$0x3FA5];
	_ =	sdelay $0x3  }
0x33: {  	p0 =	seq.s32 s10, $0x1;
	s10 =	sld [smem:$0x3FA7];
	_ =	sdelay $0x3  }
0x34: {  	[smem:$0x3FA7] =	sst s10  }
0x35: {  	s10 =	sld [smem:$0x3FA6];
	_ =	sdelay $0x3  }
0x36: {  	p1 =	seq.s32 s10, $0x1;
	s10 =	sld [smem:$0x3FA7];
	_ =	sdelay $0x3  }
0x37: {  	[smem:$0x3FA7] =	sst s10  }
0x38: {  	s10 =	sld [smem:$0x3FA8]  }
0x39: {  	_ = 	snop;
	(pc) =	sbr.ind lr, $3  }
0x3a: {  	_ = 	snop  }
0x3b: {  	_ = 	snop  }
0x3c: {  	p2 =	seq.s32 s10, $0x1;
	s10 =	sld [smem:$0x3FA7]  }
0x3d: {  	_ =	shalt  }
0x3e: {  	_ =	shalt  }
0x3f: {  	_ =	shalt  }
0x40: {  	_ =	shalt  }
0x41: {  	_ =	shalt  }
0x42: {  	_ =	shalt  }
0x43: {  	_ =	shalt  }
0x44: {  	_ =	shalt  }
0x45: {  	_ =	shalt  }
0x46: {  	_ =	shalt  }
0x47: {  	_ =	shalt  }
0x48: {  	_ =	shalt  }
0x49: {  	_ =	shalt  }
0x4a: {  	_ =	shalt  }
0x4b: {  	_ =	shalt  }
0x4c: {  	_ =	shalt  }
0x4d: {  	_ =	shalt  }
0x4e: {  	_ =	shalt  }
0x4f: {  	_ =	shalt  }
0x50: {  	_ =	shalt  }
0x51: {  	_ =	shalt  }
0x52: {  	_ =	shalt  }
0x53: {  	_ =	shalt  }
0x54: {  	_ =	shalt  }
0x55: {  	_ =	shalt  }
0x56: {  	_ =	shalt  }
0x57: {  	_ =	shalt  }
0x58: {  	_ =	shalt  }
0x59: {  	_ =	shalt  }
0x5a: {  	_ =	shalt  }
0x5b: {  	_ =	shalt  }
0x5c: {  	_ =	shalt  }
0x5d: {  	_ =	shalt  }
0x5e: {  	_ =	shalt  }
0x5f: {  	_ =	shalt  }
0x60: {  	_ =	shalt  }
0x61: {  	_ =	shalt  }
0x62: {  	_ =	shalt  }
0x63: {  	_ =	shalt  }
0x64: {  	_ =	shalt  }
0x65: {  	_ =	shalt  }
0x66: {  	_ =	shalt  }
0x67: {  	_ =	shalt  }
0x68: {  	_ =	shalt  }
0x69: {  	_ =	shalt  }
0x6a: {  	_ =	shalt  }
0x6b: {  	_ =	shalt  }
0x6c: {  	_ =	shalt  }
0x6d: {  	_ =	shalt  }
0x6e: {  	_ =	shalt  }
0x6f: {  	_ =	shalt  }
0x70: {  	_ =	shalt  }
0x71: {  	_ =	shalt  }
0x72: {  	_ =	shalt  }
0x73: {  	_ =	shalt  }
0x74: {  	_ =	shalt  }
0x75: {  	_ =	shalt  }
0x76: {  	_ =	shalt  }
0x77: {  	_ =	shalt  }
0x78: {  	_ =	shalt  }
0x79: {  	_ =	shalt  }
0x7a: {  	_ =	shalt  }
0x7b: {  	_ =	shalt  }
0x7c: {  	_ =	shalt  }
0x7d: {  	_ =	shalt  }
0x7e: {  	_ =	shalt  }
0x7f: {  	_ =	shalt  }
0x80: {  	_ =	shalt  }
0x81: {  	_ =	shalt  }
0x82: {  	_ =	shalt  }
0x83: {  	_ =	shalt  }
0x84: {  	_ =	shalt  }
0x85: {  	_ =	shalt  }
0x86: {  	_ =	shalt  }
0x87: {  	_ =	shalt  }
.Lfunc_end0:
.L_simem_size_0:
called_computation_lowered:
.L_overlay_start_0:
0x88: {  	s2 =	sld [smem:$0x3FD9]  }
0x89: {  	s3 =	sld [smem:$0x3FFE];
	_ =	sdelay $0x1  }
0x8a: {  	s1 =	srdreg.scid  }
0x8b: {  	s0 =	sand.u32 $0x1, s1  }
0x8c: {  	s16 =	sshll.u32 s0, $0xA;
	s2 =	sadd.s32 s3, s2  }
0x8d: {  	s2 =	sadd.s32 s2, s16  }
0x8e: {  	[smem:$0x3FB3] =	sst s2  }
0x8f: {  	_ = 	snop  }
0x90: {  	(tm) =	ssettm $0x1  }
0x91: {  	s17 =	sld [smem:$0x3FFB];
	_ =	sdelay $0x3  }
0x92: {  	_ =	strace s17  }
0x93: {  	s2 =	sld [smem:$0x3FFC];
	_ =	sdelay $0x3  }
0x94: {  	_ =	strace s2  }
0x95: {  	s2 =	sld [smem:$0x3FFD];
	_ =	sdelay $0x3  }
0x96: {  	_ =	strace s2  }
0x97: {  	_ =	strace $0x8FFFFFFF  }
0x98: {  	s18 =	sld [smem:$0x3FDB];
	_ =	sdelay $0x1  }
0x99: {  	s19 =	simm.s32 $_scs_section_size  }
0x9a: {  	s4 =	simm.s32 $_size__tile_overlayer_lowered;
	s5 =	simm.s32 $_tile_overlayer_lowered  }
0x9b: {  	s22 =	simm.s32 $0x1BFF;
	s21 =	sshll.u32 s5, $0x1;
	s2 =	sadd.s32 s19, s18  }
0x9c: {  	s6 =	simm.s32 $0x0;
	s20 =	sshll.u32 s4, $0x1;
	s4 =	sadd.s32 s21, s2  }
0x9d: {  	[timem:s6], [sflag:s22] =	dma.local [hbm:s4], s20  }
0x9e: {  	_ =	swait.ge [sflag:s22], s20  }
0x9f: {  	s3 =	ssub.s32 $0x0, s20;
	[sflag:s22] =	ssyncset.done $0x0  }
0xa0: {  	[sflag:s22] =	ssyncadd.s32 s3;
	_ =	sdelay $0x1  }
0xa1: {  	s23 =	simm.s32 $0x1B8B  }
0xa2: {  	_ =	swait.ge [sflag:s23], $0x1  }
0xa3: {  	[sflag:s23] =	ssyncset.done $0x0  }
0xa4: {  	s25 =	simm.s32 $0x1B8E;
	s24 =	sld [smem:$0x3FFE];
	[sflag:s23] =	ssyncadd.s32 $0xFFFFFFFF  }
0xa5: {  	s26 =	simm.s32 $execute0_lowered;
	[smem:$0x3FD2] =	sst s25  }
0xa6: {  	s4 =	sshll.u32 s26, $0x1;
	_ =	strace $0x80000046;
	[dreg:$0x1] =	wrdreg $0xFFFFFFFF  }
0xa7: {  	s28 =	simm.s32 $_size_execute0_lowered;
	s2 =	sadd.s32 s2, s4;
	[dreg:$0x0] =	wrdreg $0x0  }
0xa8: {  	s4 =	sshll.u32 s28, $0x1;
	[dreg:$0x2] =	wrdreg s2  }
0xa9: {  	[dreg:$0x3] =	wrdreg s4  }
0xaa: {  	[dreg:$0x4] =	wrdreg $0xC0  }
0xab: {  	_ =	task [dreg:s6], $0x5FFFF  }
0xac: {  	[dreg:$0x1] =	wrdreg $0xFFFFFFFF  }
0xad: {  	[dreg:$0x0] =	wrdreg $0x60  }
0xae: {  	[dreg:$0x2] =	wrdreg s24  }
0xaf: {  	[dreg:$0x3] =	wrdreg $0x9  }
0xb0: {  	_ =	task.clear_ibuf [dreg:s6], $0x4FFFF;
	_ =	strace $0x90000046  }
0xb1: {  	s29 =	simm.s32 $0x9;
	_ =	strace $0x80000048  }
0xb2: {  	_ =	swait.ge [sflag:s29], $0x1  }
0xb3: {  	[sflag:s29] =	ssyncadd.s32 $0xFFFFFFFF  }
0xb4: {  	_ =	strace $0x90000048  }
0xb5: {  	_ =	sfence  }
0xb6: {  	s30 =	sld [smem:$0x0];
	_ =	sdelay $0x2  }
0xb7: {  	s31 =	sshll.u32 s1, $0xD;
	s1 =	sshrl.u32 s1, $0x2  }
0xb8: {  	s3 =	sand.u32 $0x4000, s31;
	s1 =	sadd.s32 s1, s30  }
0xb9: {  	s0 =	sor.u32 s3, s0;
	s1 =	sshll.u32 s1, $0x11  }
0xba: {  	s0 =	sor.u32 s1, s0  }
0xbb: {  	s0 =	sadd.s32 $0x8F2B, s0  }
0xbc: {  	[sflag:s0] =	ssyncadd.remote.s32 $0x1  }
0xbd: {  	_ =	sfence.sel $0xFFFF  }
0xbe: {  	[dreg:$0x0] =	wrdreg $0xFFFFFFFF;
	(pc) =	sbr.abs _section_cstart, $3  }
0xbf: {  	[dreg:$0x1] =	wrdreg $0xFFFFFFFF  }
0xc0: {  	_ =	task.clear_ibuf [dreg:s6], $0x2FFFF;
	_ =	strace $0x9FFFFFFF  }
0xc1: {  	(tm) =	ssettm $0x7FFFFFFF  }
tec
execute0_lowered:
.L_overlay_start_1:
0x0: {  	(tag) =	ssettag $0x1  }
0x1: {  	s0 =	srdreg.scid  }
0x2: {  	s1 =	rddreg [dreg:$0x0];
	s15 =	stileid.u32  }
0x3: {  	s2 =	simm.s32 $0x0;
	s17 =	simm.s32 $0x2780;
	s18 =	simm.s32 $0x50  }
0x4: {  	s19 =	simm.s32 $0x4F00;
	s20 =	simm.s32 $0x7700;
	s21 =	simm.s32 $0x9F00  }
0x5: {  	s23 =	simm.s32 $0xC700;
	s28 =	simm.s32 $0x13F00;
	s29 =	simm.s32 $0x16700  }
0x6: {  	s30 =	simm.s32 $0x2;
	s0 =	sand.u32 $0x1, s0;
	[smem:$0x7FF] =	sst s2  }
0x7: {  	s3 =	sshll.u32 s0, $0x4;
	s7 =	ssub.s32 $0x2, s0;
	s0 =	smul.u32 $0x271000, s0  }
0x8: {  	s4 =	sadd.s32 $0x41A00, s1;
	s5 =	sor.u32 s15, s3;
	s15 =	smul.u32 $0x27100, s15  }
0x9: {  	s13 =	sadd.s32 $0x68C00, s1;
	_ =	strace $0x80000047;
	s6 =	smul.u32 $0x2710, s5  }
0xa: {  	s3 =	sadd.s32 $0x1A800, s1;
	s8 =	sshrl.u32 s7, $0x1;
	s5 =	smul.u32 $0x138800, s5  }
0xb: {  	s14 =	ssub.s32 s7, s8;
	s16 =	sadd.s32 s0, s13;
	s6 =	sshrl.u32 s6, $0x3  }
0xc: {  	s11 =	sshrl.u32 s5, $0x3;
	s6 =	sadd.s32 s6, s1;
	s1 =	sadd.s32 $0x54AC00, s1  }
0xd: {  	s25 =	sadd.s32 $0xA00, s11;
	s10 =	sadd.s32 $0xF00, s11;
	s12 =	sadd.s32 $0x26C00, s11  }
0xe: {  	s24 =	sadd.s32 $0x6C00, s6;
	s26 =	sadd.s32 $0x10A00, s6;
	s31 =	sadd.s32 s13, s25  }
0xf: {  	s8 =	sadd.s32 s1, s25;
	s9 =	sadd.s32 s13, s10;
	s10 =	sadd.s32 s1, s10  }
.Ltmp0:
0x10: {  	s11 =	sadd.s32 s13, s12;
	s12 =	sadd.s32 s1, s12;
	(pc) =	sbr.rel .LBB2_1-.Ltmp0, $4  }
0x11: {  	s13 =	smax.u32 s14, $0x1;
	s14 =	sadd.s32 s15, s16;
	[dreg:$0x2] =	wrdreg s24  }
0x12: {  	s0 =	sadd.s32 s0, s1;
	s16 =	simm.s32 $0x3;
	[dreg:$0x3] =	wrdreg s26  }
0x13: {  	s25 =	simm.s32 $0xEF00;
	s1 =	simm.s32 $0x0;
	[dreg:$0x4] =	wrdreg s31  }
0x14: {  	s15 =	sadd.s32 s15, s0;
	s24 =	simm.s32 $0x1;
	s26 =	simm.s32 $0x11700  }
.LBB2_4:
0x15: {  	_ =	swait.ge [sflag:s30], $0x2800  }
0x16: {  	[sflag:s30] =	ssyncset.done $0x0  }
0x17: {  	[sflag:s30] =	ssyncadd.s32 $0xFFFFD800  }
0x18: {  	_ =	swait.ge [sflag:s30], $0x2800  }
0x19: {  	[sflag:s30] =	ssyncset.done $0x0  }
0x1a: {  	[sflag:s30] =	ssyncadd.s32 $0xFFFFD800  }
0x1b: {  	_ =	swait.ge [sflag:s30], $0x2800  }
0x1c: {  	[sflag:s30] =	ssyncset.done $0x0  }
0x1d: {  	[sflag:s30] =	ssyncadd.s32 $0xFFFFD800  }
0x1e: {  	_ =	swait.ge [sflag:s30], $0x2800  }
0x1f: {  	[sflag:s30] =	ssyncset.done $0x0  }
0x20: {  	s0 =	simm.s32 $0x26C0;
	[sflag:s30] =	ssyncadd.s32 $0xFFFFD800  }
0x21: {  	[tilespmem:s19], [sflag:$0x1] =	stream.indirect.gather [hbm4b:s3+s18], $0x80, s0, s18, $0xb8;
	[tilespmem:$0x18F00] =	vst v63  }
0x22: {  	s31 =	simm.s32 $0x4E40  }
0x23: {  	[tilespmem:s20], [sflag:$0x1] =	stream.indirect.gather [hbm4b:s4+s18], $0x80, s31, s18, $0xb8;
	[tilespmem:$0x18F00] =	vst v63  }
0x24: {  	_ =	swait.ge [sflag:s24], $0x2800  }
0x25: {  	[sflag:s24] =	ssyncset.done $0x0  }
0x26: {  	[sflag:s24] =	ssyncadd.s32 $0xFFFFD800  }
0x27: {  	_ =	swait.ge [sflag:s24], $0x2800  }
0x28: {  	[sflag:s24] =	ssyncset.done $0x0  }
0x29: {  	[sflag:s24] =	ssyncadd.s32 $0xFFFFD800  }
0x2a: {  	[hbm4b:s11+s2] =	stream.linear.scatter [tilespmem:s19], [sflag:$0x2], $0x2800, $0x38;
	[tilespmem:$0x18F00] =	vst v63  }
0x2b: {  	s1 =	sadd.s32 $0x1, s1  }
0x2c: {  	[hbm4b:s12+s2] =	stream.linear.scatter [tilespmem:s20], [sflag:$0x2], $0x2800, $0x38;
	[tilespmem:$0x18F00] =	vst v63  }
0x2d: {  	p0 =	sne.s32 s1, s13;
	_ =	swait.ge [sflag:s30], $0x2800  }
.Ltmp1:
0x2e: {  	[sflag:s30] =	ssyncset.done $0x0;
	(pc) =	sbr.rel @!p0 .LBB2_5-.Ltmp1, $4  }
0x2f: {  	[sflag:s30] =	ssyncadd.s32 $0xFFFFD800  }
0x30: {  	_ =	swait.ge [sflag:s30], $0x2800  }
0x31: {  	[sflag:s30] =	ssyncset.done $0x0  }
0x32: {  	[sflag:s30] =	ssyncadd.s32 $0xFFFFD800  }
.LBB2_1:
0x33: {  	s0 =	rddreg [dreg:$0x2]  }
0x34: {  	[tilespmem:s2], [sflag:$0x3] =	stream.linear.gather [hbm4b:s0+s2], $0x2710, $0x38;
	[tilespmem:$0x18F00] =	vst v63  }
0x35: {  	_ =	swait.ge [sflag:s16], $0x2710  }
0x36: {  	[sflag:s16] =	ssyncset.done $0x0  }
0x37: {  	s6 =	rddreg [dreg:$0x3];
	[sflag:s16] =	ssyncadd.s32 $0xFFFFD8F0  }
0x38: {  	[tilespmem:s17], [sflag:$0x3] =	stream.linear.gather [hbm4b:s6+s2], $0x2710, $0x38;
	[tilespmem:$0x18F00] =	vst v63  }
0x39: {  	_ =	swait.ge [sflag:s16], $0x2710  }
0x3a: {  	[sflag:s16] =	ssyncset.done $0x0  }
0x3b: {  	[sflag:s16] =	ssyncadd.s32 $0xFFFFD8F0  }
0x3c: {  	[tilespmem:s19], [sflag:$0x1] =	stream.indirect.gather [hbm4b:s3+s18], $0x80, s2, s18, $0xb8;
	[tilespmem:$0x18F00] =	vst v63  }
0x3d: {  	_ = 	snop  }
0x3e: {  	[tilespmem:s20], [sflag:$0x1] =	stream.indirect.gather [hbm4b:s4+s18], $0x80, s17, s18, $0xb8;
	[tilespmem:$0x18F00] =	vst v63  }
0x3f: {  	_ = 	snop  }
0x40: {  	[tilespmem:s21], [sflag:$0x1] =	stream.indirect.gather [hbm4b:s3+s18], $0x80, s18, s18, $0xb8;
	[tilespmem:$0x18F00] =	vst v63  }
0x41: {  	s7 =	simm.s32 $0x27D0  }
0x42: {  	[tilespmem:s23], [sflag:$0x1] =	stream.indirect.gather [hbm4b:s4+s18], $0x80, s7, s18, $0xb8;
	[tilespmem:$0x18F00] =	vst v63  }
0x43: {  	_ =	swait.ge [sflag:s24], $0x2800  }
0x44: {  	[sflag:s24] =	ssyncset.done $0x0  }
0x45: {  	[sflag:s24] =	ssyncadd.s32 $0xFFFFD800  }
0x46: {  	_ =	swait.ge [sflag:s24], $0x2800  }
0x47: {  	[sflag:s24] =	ssyncset.done $0x0  }
0x48: {  	[sflag:s24] =	ssyncadd.s32 $0xFFFFD800  }
0x49: {  	_ =	swait.ge [sflag:s24], $0x2800  }
0x4a: {  	[sflag:s24] =	ssyncset.done $0x0  }
0x4b: {  	[sflag:s24] =	ssyncadd.s32 $0xFFFFD800  }
0x4c: {  	_ =	swait.ge [sflag:s24], $0x2800  }
0x4d: {  	[sflag:s24] =	ssyncset.done $0x0  }
0x4e: {  	s22 =	rddreg [dreg:$0x4];
	[sflag:s24] =	ssyncadd.s32 $0xFFFFD800  }
0x4f: {  	[hbm4b:s22+s2] =	stream.linear.scatter [tilespmem:s25], [sflag:$0x2], $0x2800, $0x38;
	[tilespmem:$0x18F00] =	vst v63  }
0x50: {  	_ = 	snop  }
0x51: {  	[hbm4b:s8+s2] =	stream.linear.scatter [tilespmem:s26], [sflag:$0x2], $0x2800, $0x38;
	[tilespmem:$0x18F00] =	vst v63  }
0x52: {  	_ = 	snop  }
0x53: {  	[hbm4b:s9+s2] =	stream.linear.scatter [tilespmem:s28], [sflag:$0x2], $0x2800, $0x38;
	[tilespmem:$0x18F00] =	vst v63  }
0x54: {  	s31 =	simm.s32 $0x0;
	s22 =	simm.s32 $0x0  }
0x55: {  	[hbm4b:s10+s2] =	stream.linear.scatter [tilespmem:s29], [sflag:$0x2], $0x2800, $0x38;
	[tilespmem:$0x18F00] =	vst v63  }
.LBB2_2:
0x56: {  	_ =	swait.ge [sflag:s30], $0x2800  }
0x57: {  	[sflag:s30] =	ssyncset.done $0x0  }
0x58: {  	[sflag:s30] =	ssyncadd.s32 $0xFFFFD800  }
0x59: {  	_ =	swait.ge [sflag:s30], $0x2800  }
0x5a: {  	[sflag:s30] =	ssyncset.done $0x0  }
0x5b: {  	[sflag:s30] =	ssyncadd.s32 $0xFFFFD800  }
0x5c: {  	_ =	swait.ge [sflag:s30], $0x2800  }
0x5d: {  	[sflag:s30] =	ssyncset.done $0x0  }
0x5e: {  	[sflag:s30] =	ssyncadd.s32 $0xFFFFD800  }
0x5f: {  	_ =	swait.ge [sflag:s30], $0x2800  }
0x60: {  	[sflag:s30] =	ssyncset.done $0x0  }
0x61: {  	s5 =	sadd.s32 s31, s14;
	[sflag:s30] =	ssyncadd.s32 $0xFFFFD800  }
0x62: {  	[hbm4b:s5+s2] =	stream.linear.scatter [tilespmem:s19], [sflag:$0x2], $0x2800, $0x38;
	[tilespmem:$0x18F00] =	vst v63  }
0x63: {  	s6 =	sadd.s32 s31, s15  }
0x64: {  	[hbm4b:s6+s2] =	stream.linear.scatter [tilespmem:s20], [sflag:$0x2], $0x2800, $0x38;
	[tilespmem:$0x18F00] =	vst v63  }
0x65: {  	s0 =	sadd.s32 $0x500, s5  }
0x66: {  	[hbm4b:s0+s2] =	stream.linear.scatter [tilespmem:s21], [sflag:$0x2], $0x2800, $0x38;
	[tilespmem:$0x18F00] =	vst v63  }
0x67: {  	s7 =	sadd.s32 $0x500, s6;
	s0 =	sshra.s32 s22, $0x2  }
0x68: {  	[hbm4b:s7+s2] =	stream.linear.scatter [tilespmem:s23], [sflag:$0x2], $0x2800, $0x38;
	[tilespmem:$0x18F00] =	vst v63  }
0x69: {  	s7 =	sadd.s32 $0xA0, s0  }
0x6a: {  	[tilespmem:s25], [sflag:$0x1] =	stream.indirect.gather [hbm4b:s3+s18], $0x80, s7, s18, $0xb8;
	[tilespmem:$0x18F00] =	vst v63  }
0x6b: {  	s7 =	sadd.s32 $0x2820, s0  }
0x6c: {  	[tilespmem:s26], [sflag:$0x1] =	stream.indirect.gather [hbm4b:s4+s18], $0x80, s7, s18, $0xb8;
	[tilespmem:$0x18F00] =	vst v63  }
0x6d: {  	s7 =	sadd.s32 $0xF0, s0  }
0x6e: {  	[tilespmem:s28], [sflag:$0x1] =	stream.indirect.gather [hbm4b:s3+s18], $0x80, s7, s18, $0xb8;
	[tilespmem:$0x18F00] =	vst v63  }
0x6f: {  	s7 =	sadd.s32 $0x2870, s0  }
0x70: {  	[tilespmem:s29], [sflag:$0x1] =	stream.indirect.gather [hbm4b:s4+s18], $0x80, s7, s18, $0xb8;
	[tilespmem:$0x18F00] =	vst v63  }
0x71: {  	_ =	swait.ge [sflag:s24], $0x2800  }
0x72: {  	[sflag:s24] =	ssyncset.done $0x0  }
0x73: {  	[sflag:s24] =	ssyncadd.s32 $0xFFFFD800  }
0x74: {  	_ =	swait.ge [sflag:s24], $0x2800  }
0x75: {  	[sflag:s24] =	ssyncset.done $0x0  }
0x76: {  	[sflag:s24] =	ssyncadd.s32 $0xFFFFD800  }
0x77: {  	_ =	swait.ge [sflag:s24], $0x2800  }
0x78: {  	[sflag:s24] =	ssyncset.done $0x0  }
0x79: {  	[sflag:s24] =	ssyncadd.s32 $0xFFFFD800  }
0x7a: {  	_ =	swait.ge [sflag:s24], $0x2800  }
0x7b: {  	[sflag:s24] =	ssyncset.done $0x0  }
0x7c: {  	[sflag:s24] =	ssyncadd.s32 $0xFFFFD800  }
0x7d: {  	_ =	swait.ge [sflag:s30], $0x2800  }
0x7e: {  	[sflag:s30] =	ssyncset.done $0x0  }
0x7f: {  	[sflag:s30] =	ssyncadd.s32 $0xFFFFD800  }
0x80: {  	_ =	swait.ge [sflag:s30], $0x2800  }
0x81: {  	[sflag:s30] =	ssyncset.done $0x0  }
0x82: {  	[sflag:s30] =	ssyncadd.s32 $0xFFFFD800  }
0x83: {  	_ =	swait.ge [sflag:s30], $0x2800  }
0x84: {  	[sflag:s30] =	ssyncset.done $0x0  }
0x85: {  	[sflag:s30] =	ssyncadd.s32 $0xFFFFD800  }
0x86: {  	_ =	swait.ge [sflag:s30], $0x2800  }
0x87: {  	[sflag:s30] =	ssyncset.done $0x0  }
0x88: {  	s7 =	sadd.s32 $0xA00, s5;
	[sflag:s30] =	ssyncadd.s32 $0xFFFFD800  }
0x89: {  	[hbm4b:s7+s2] =	stream.linear.scatter [tilespmem:s25], [sflag:$0x2], $0x2800, $0x38;
	[tilespmem:$0x18F00] =	vst v63  }
0x8a: {  	p0 =	seq.s32 s31, $0x25800;
	s7 =	sadd.s32 $0xA00, s6  }
0x8b: {  	[hbm4b:s7+s2] =	stream.linear.scatter [tilespmem:s26], [sflag:$0x2], $0x2800, $0x38;
	[tilespmem:$0x18F00] =	vst v63  }
.Ltmp2:
0x8c: {  	_ = 	snop;
	(pc) =	sbr.rel @p0 .LBB2_4-.Ltmp2, $4  }
0x8d: {  	s5 =	sadd.s32 $0xF00, s5  }
0x8e: {  	[hbm4b:s5+s2] =	stream.linear.scatter [tilespmem:s28], [sflag:$0x2], $0x2800, $0x38;
	[tilespmem:$0x18F00] =	vst v63  }
0x8f: {  	s7 =	sadd.s32 $0xF00, s6  }
0x90: {  	[hbm4b:s7+s2] =	stream.linear.scatter [tilespmem:s29], [sflag:$0x2], $0x2800, $0x38;
	[tilespmem:$0x18F00] =	vst v63  }
0x91: {  	s5 =	sadd.s32 $0x140, s0  }
0x92: {  	[tilespmem:s19], [sflag:$0x1] =	stream.indirect.gather [hbm4b:s3+s18], $0x80, s5, s18, $0xb8;
	[tilespmem:$0x18F00] =	vst v63  }
0x93: {  	s7 =	sadd.s32 $0x28C0, s0  }
0x94: {  	[tilespmem:s20], [sflag:$0x1] =	stream.indirect.gather [hbm4b:s4+s18], $0x80, s7, s18, $0xb8;
	[tilespmem:$0x18F00] =	vst v63  }
0x95: {  	s6 =	sadd.s32 $0x190, s0  }
0x96: {  	[tilespmem:s21], [sflag:$0x1] =	stream.indirect.gather [hbm4b:s3+s18], $0x80, s6, s18, $0xb8;
	[tilespmem:$0x18F00] =	vst v63  }
0x97: {  	s7 =	sadd.s32 $0x2910, s0  }
0x98: {  	[tilespmem:s23], [sflag:$0x1] =	stream.indirect.gather [hbm4b:s4+s18], $0x80, s7, s18, $0xb8;
	[tilespmem:$0x18F00] =	vst v63  }
0x99: {  	_ =	swait.ge [sflag:s24], $0x2800  }
0x9a: {  	[sflag:s24] =	ssyncset.done $0x0  }
0x9b: {  	[sflag:s24] =	ssyncadd.s32 $0xFFFFD800  }
0x9c: {  	_ =	swait.ge [sflag:s24], $0x2800  }
0x9d: {  	[sflag:s24] =	ssyncset.done $0x0  }
0x9e: {  	[sflag:s24] =	ssyncadd.s32 $0xFFFFD800  }
0x9f: {  	_ =	swait.ge [sflag:s24], $0x2800  }
.Ltmp3:
0xa0: {  	[sflag:s24] =	ssyncset.done $0x0;
	(pc) =	sbr.rel .LBB2_2-.Ltmp3, $4  }
0xa1: {  	[sflag:s24] =	ssyncadd.s32 $0xFFFFD800  }
0xa2: {  	_ =	swait.ge [sflag:s24], $0x2800  }
0xa3: {  	[sflag:s24] =	ssyncset.done $0x0  }
0xa4: {  	s31 =	sadd.s32 $0x1400, s31;
	s22 =	sadd.s32 $0x500, s22;
	[sflag:s24] =	ssyncadd.s32 $0xFFFFD800  }
.LBB2_5:
0xa5: {  	_ =	sfence.sel $0x180000  }
0xa6: {  	[bflag:$0x0] =	sbarrier.arrive $0xFFFF  }
0xa7: {  	_ =	strace $0x90000047  }
0xa8: {  	s0 =	stileid.u32;
	[bflag:$0x2] =	sbarrier.arrive $0xFFFF  }
0xa9: {  	p0 =	sne.s32 s0, $0x0;
	s0 =	rddreg [dreg:$0x1]  }
0xaa: {  	s0 =	sadd.s32 @!p0 $0x100000, s0  }
0xab: {  	[sflag:s0] =	ssyncadd.tile.s32 @!p0 $0x1;
	_ =	shalt  }
.Lfunc_end2:
_tile_overlayer_lowered:
.L_overlay_start_2:
0xac: {  	(tag) =	ssettag $0x2  }
0xad: {  	s0 =	rddreg [dreg:$0x0];
	s2 =	stileid.u32  }
0xae: {  	s1 =	rddreg [dreg:$0x1];
	p0 =	sne.s32 s2, $0x0  }
0xaf: {  	s3 =	rddreg [dreg:$0x2];
	[bflag:$0x3] =	sbarrier.arrive $0xFFFF;
	s2 =	simm.s32 @!p0 $0x1C03  }
0xb0: {  	[timem:s3], [sflag:s2] =	dma.local @!p0 [hbm:s0], s1  }
0xb1: {  	s0 =	simm.s32 @!p0 $0x3  }
0xb2: {  	_ =	swait.ge @!p0 [sflag:s0], s1  }
0xb3: {  	s1 =	ssub.s32 @!p0 $0x0, s1;
	[sflag:s0] =	ssyncset.done @!p0 $0x0  }
0xb4: {  	[sflag:s0] =	ssyncadd.s32 @!p0 s1  }
0xb5: {  	[bflag:$0x3] =	sbarrier.arrive $0xFFFF  }
0xb6: {  	_ =	shalt  }

// kernel: kernel.15.cloned.1.call-start
scs
__scs_entry_jumppad:
0x0: {  	(pc) =	sbr.rel $0x88, $3  }
0x1: {  	(tag) =	ssettag $0x0;
	lr =	simm.s32 $0x1  }
0x2: {  	[smem:$0x3F8C] =	sst lr;
	_ =	strace $0xD0000000  }
0x3: {  	_ = 	snop  }
0x4: {  	_ = 	snop  }
0x5: {  	_ = 	snop  }
0x6: {  	_ = 	snop  }
0x7: {  	_ = 	snop  }
__scs_overlays_trampoline_lowered:
0x8: {  	[smem:$0x3F9B] =	sst s0  }
0x9: {  	[smem:$0x3F9C] =	sst s1  }
0xa: {  	[smem:$0x3F9D] =	sst s2  }
0xb: {  	[smem:$0x3F9E] =	sst s3  }
0xc: {  	[smem:$0x3F9F] =	sst s4  }
0xd: {  	[smem:$0x3FA0] =	sst s5  }
0xe: {  	[smem:$0x3FA1] =	sst s6  }
0xf: {  	[smem:$0x3FA2] =	sst s7  }
0x10: {  	[smem:$0x3FA3] =	sst s8  }
0x11: {  	[smem:$0x3FA4] =	sst s9;
	s0 =	simm.s32 @!p0 $0x0  }
0x12: {  	s1 =	sld [smem:$0x3F8A];
	s0 =	simm.s32 @p0 $0x1  }
0x13: {  	[smem:$0x3FA5] =	sst s0;
	s0 =	simm.s32 @!p1 $0x0  }
0x14: {  	s2 =	sld [smem:$0x3F89];
	s0 =	simm.s32 @p1 $0x1  }
0x15: {  	[smem:$0x3FA6] =	sst s0;
	s0 =	simm.s32 @!p2 $0x0  }
0x16: {  	s3 =	sld [smem:$0x3FDB];
	s0 =	simm.s32 @p2 $0x1  }
0x17: {  	s4 =	simm.s32 $0x1BF5;
	[smem:$0x3FA8] =	sst s0  }
0x18: {  	s0 =	sld [smem:$0x3F8B];
	_ =	swait.ge [sflag:s4], $0x0  }
0x19: {  	s7 =	sld [smem:$0x3F8C]  }
0x1a: {  	s8 =	sadd.s32 $0xFFFFE003, lr  }
0x1b: {  	s9 =	sadd.s32 $0xFFFFFEF7, lr;
	s5 =	simm.s32 $0xFFFFFFFF;
	p2 =	slt.u32 s8, $0xFFFFF086  }
0x1c: {  	p1 =	slt.u32 s9, $0xF7A;
	s5 =	simm.s32 @!p2 $0x0  }
0x1d: {  	s5 =	simm.s32 @p1 $0x1;
	p0 =	seq.s32 s7, s2  }
0x1e: {  	s7 =	smul.u32 @!p0 $0xF7A, s2;
	p2 =	seq.s32 @!p0 s5, $0x0  }
0x1f: {  	s9 =	smul.u32 $0xF7A, s1;
	s8 =	simm.s32 @!p0 $0x1BF5;
	p2 =	por !p2, p0  }
0x20: {  	[sflag:s8] =	ssyncset.s32 @!p0 $0xFFFFF086;
	s6 =	sadd.s32 @!p0 s3, s7;
	s7 =	simm.s32 @!p0 $0x108  }
0x21: {  	s3 =	sadd.s32 s3, s9;
	s6 =	sadd.s32 @!p0 $0x88, s6;
	s7 =	simm.s32 @p2 $0x1082  }
0x22: {  	[simem:s7], [sflag:s8] =	dma.local @!p0 [hbm:s6], $0xF7A  }
0x23: {  	s9 =	sor.u32 $0xD0000000, s2;
	s6 =	simm.s32 $0x108;
	_ =	swait.ge @!p0 [sflag:s8], $0x0  }
0x24: {  	s3 =	sadd.s32 $0x88, s3;
	s6 =	simm.s32 @!p1 $0x1082;
	[sflag:s4] =	ssyncset.s32 $0xFFFFF086  }
0x25: {  	[simem:s6], [sflag:s4] =	dma.local [hbm:s3], $0xF7A  }
0x26: {  	[smem:$0x3F8C] =	sst s1;
	(tag) =	ssettag s2;
	_ =	strace s9  }
0x27: {  	s1 =	sld [smem:$0x3F9C]  }
0x28: {  	s2 =	sld [smem:$0x3F9D]  }
0x29: {  	s4 =	sld [smem:$0x3F9F]  }
0x2a: {  	p0 =	seq.s32 s5, $0x0;
	s5 =	sld [smem:$0x3FA0]  }
0x2b: {  	s6 =	sld [smem:$0x3FA1]  }
0x2c: {  	s7 =	sld [smem:$0x3FA2]  }
0x2d: {  	s3 =	simm.s32 $0x108;
	s8 =	sld [smem:$0x3FA3]  }
0x2e: {  	s3 =	simm.s32 @!p0 $0x1082;
	s9 =	sld [smem:$0x3FA4]  }
0x2f: {  	lr =	sadd.s32 s0, s3;
	s0 =	sld [smem:$0x3F9B]  }
0x30: {  	s3 =	sld [smem:$0x3F9E]  }
0x31: {  	[smem:$0x3FA7] =	sst s10  }
0x32: {  	s10 =	sld [smem:$0x3FA5];
	_ =	sdelay $0x3  }
0x33: {  	p0 =	seq.s32 s10, $0x1;
	s10 =	sld [smem:$0x3FA7];
	_ =	sdelay $0x3  }
0x34: {  	[smem:$0x3FA7] =	sst s10  }
0x35: {  	s10 =	sld [smem:$0x3FA6];
	_ =	sdelay $0x3  }
0x36: {  	p1 =	seq.s32 s10, $0x1;
	s10 =	sld [smem:$0x3FA7];
	_ =	sdelay $0x3  }
0x37: {  	[smem:$0x3FA7] =	sst s10  }
0x38: {  	s10 =	sld [smem:$0x3FA8]  }
0x39: {  	_ = 	snop;
	(pc) =	sbr.ind lr, $3  }
0x3a: {  	_ = 	snop  }
0x3b: {  	_ = 	snop  }
0x3c: {  	p2 =	seq.s32 s10, $0x1;
	s10 =	sld [smem:$0x3FA7]  }
0x3d: {  	_ =	shalt  }
0x3e: {  	_ =	shalt  }
0x3f: {  	_ =	shalt  }
0x40: {  	_ =	shalt  }
0x41: {  	_ =	shalt  }
0x42: {  	_ =	shalt  }
0x43: {  	_ =	shalt  }
0x44: {  	_ =	shalt  }
0x45: {  	_ =	shalt  }
0x46: {  	_ =	shalt  }
0x47: {  	_ =	shalt  }
0x48: {  	_ =	shalt  }
0x49: {  	_ =	shalt  }
0x4a: {  	_ =	shalt  }
0x4b: {  	_ =	shalt  }
0x4c: {  	_ =	shalt  }
0x4d: {  	_ =	shalt  }
0x4e: {  	_ =	shalt  }
0x4f: {  	_ =	shalt  }
0x50: {  	_ =	shalt  }
0x51: {  	_ =	shalt  }
0x52: {  	_ =	shalt  }
0x53: {  	_ =	shalt  }
0x54: {  	_ =	shalt  }
0x55: {  	_ =	shalt  }
0x56: {  	_ =	shalt  }
0x57: {  	_ =	shalt  }
0x58: {  	_ =	shalt  }
0x59: {  	_ =	shalt  }
0x5a: {  	_ =	shalt  }
0x5b: {  	_ =	shalt  }
0x5c: {  	_ =	shalt  }
0x5d: {  	_ =	shalt  }
0x5e: {  	_ =	shalt  }
0x5f: {  	_ =	shalt  }
0x60: {  	_ =	shalt  }
0x61: {  	_ =	shalt  }
0x62: {  	_ =	shalt  }
0x63: {  	_ =	shalt  }
0x64: {  	_ =	shalt  }
0x65: {  	_ =	shalt  }
0x66: {  	_ =	shalt  }
0x67: {  	_ =	shalt  }
0x68: {  	_ =	shalt  }
0x69: {  	_ =	shalt  }
0x6a: {  	_ =	shalt  }
0x6b: {  	_ =	shalt  }
0x6c: {  	_ =	shalt  }
0x6d: {  	_ =	shalt  }
0x6e: {  	_ =	shalt  }
0x6f: {  	_ =	shalt  }
0x70: {  	_ =	shalt  }
0x71: {  	_ =	shalt  }
0x72: {  	_ =	shalt  }
0x73: {  	_ =	shalt  }
0x74: {  	_ =	shalt  }
0x75: {  	_ =	shalt  }
0x76: {  	_ =	shalt  }
0x77: {  	_ =	shalt  }
0x78: {  	_ =	shalt  }
0x79: {  	_ =	shalt  }
0x7a: {  	_ =	shalt  }
0x7b: {  	_ =	shalt  }
0x7c: {  	_ =	shalt  }
0x7d: {  	_ =	shalt  }
0x7e: {  	_ =	shalt  }
0x7f: {  	_ =	shalt  }
0x80: {  	_ =	shalt  }
0x81: {  	_ =	shalt  }
0x82: {  	_ =	shalt  }
0x83: {  	_ =	shalt  }
0x84: {  	_ =	shalt  }
0x85: {  	_ =	shalt  }
0x86: {  	_ =	shalt  }
0x87: {  	_ =	shalt  }
.Lfunc_end0:
.L_simem_size_0:
called_computation.1_lowered:
.L_overlay_start_0:
0x88: {  	s2 =	sld [smem:$0x3FD9]  }
0x89: {  	s3 =	sld [smem:$0x3FFE];
	_ =	sdelay $0x1  }
0x8a: {  	s1 =	srdreg.scid  }
0x8b: {  	s0 =	sand.u32 $0x1, s1  }
0x8c: {  	s17 =	sshll.u32 s0, $0xA;
	s2 =	sadd.s32 s3, s2  }
0x8d: {  	s2 =	sadd.s32 s2, s17  }
0x8e: {  	[smem:$0x3FB3] =	sst s2  }
0x8f: {  	_ = 	snop  }
0x90: {  	(tm) =	ssettm $0x1  }
0x91: {  	s18 =	sld [smem:$0x3FFB];
	_ =	sdelay $0x3  }
0x92: {  	_ =	strace s18  }
0x93: {  	s2 =	sld [smem:$0x3FFC];
	_ =	sdelay $0x3  }
0x94: {  	_ =	strace s2  }
0x95: {  	s2 =	sld [smem:$0x3FFD];
	_ =	sdelay $0x3  }
0x96: {  	_ =	strace s2  }
0x97: {  	_ =	strace $0x8FFFFFFF  }
0x98: {  	s19 =	sld [smem:$0x3FDB];
	_ =	sdelay $0x1  }
0x99: {  	s20 =	simm.s32 $_scs_section_size  }
0x9a: {  	s4 =	simm.s32 $_size__tile_overlayer_lowered;
	s5 =	simm.s32 $_tile_overlayer_lowered  }
0x9b: {  	s6 =	simm.s32 $0x1BFF;
	s21 =	sshll.u32 s5, $0x1;
	s3 =	sadd.s32 s20, s19  }
0x9c: {  	s22 =	simm.s32 $0x0;
	s4 =	sshll.u32 s4, $0x1;
	s5 =	sadd.s32 s21, s3  }
0x9d: {  	[timem:s22], [sflag:s6] =	dma.local [hbm:s5], s4  }
0x9e: {  	_ =	swait.ge [sflag:s6], s4  }
0x9f: {  	s4 =	ssub.s32 $0x0, s4;
	[sflag:s6] =	ssyncset.done $0x0  }
0xa0: {  	[sflag:s6] =	ssyncadd.s32 s4;
	_ =	sdelay $0x1  }
0xa1: {  	s23 =	simm.s32 $0x1B8B  }
0xa2: {  	_ =	swait.ge [sflag:s23], $0x1  }
0xa3: {  	[sflag:s23] =	ssyncset.done $0x0  }
0xa4: {  	[sflag:s23] =	ssyncadd.s32 $0xFFFFFFFF  }
0xa5: {  	s4 =	sld [smem:$0x0]  }
0xa6: {  	s5 =	sand.u32 $0xFFFFFFFE, s1  }
0xa7: {  	p0 =	sne.s32 s1, s5  }
0xa8: {  	s5 =	sshll.u32 @p0 s5, $0xE  }
0xa9: {  	s5 =	sadd.s32 @p0 $0x11B8D, s5;
	s6 =	sshll.u32 @p0 s4, $0x11  }
0xaa: {  	s5 =	sor.u32 @p0 s6, s5  }
0xab: {  	[sflag:s5] =	ssyncadd.remote.s32 @p0 $0x1;
	_ =	sdelay $0x1  }
0xac: {  	s5 =	simm.s32 @p0 $0x1B8D  }
0xad: {  	_ =	swait.eq @p0 [sflag:s5], $0x1  }
0xae: {  	[sflag:s5] =	ssyncadd.s32 @p0 $0xFFFFFFFF  }
0xaf: {  	s6 =	sshll.u32 @!p0 s1, $0xE  }
0xb0: {  	s6 =	sor.u32 @!p0 $0x4000, s6;
	s5 =	simm.s32 @!p0 $0x1B8D  }
0xb1: {  	s4 =	sshll.u32 @!p0 s4, $0x11;
	s6 =	sadd.s32 @!p0 $0x11B8D, s6;
	_ =	swait.eq @!p0 [sflag:s5], $0x1  }
0xb2: {  	s4 =	sor.u32 @!p0 s4, s6;
	[sflag:s5] =	ssyncadd.s32 @!p0 $0xFFFFFFFF  }
0xb3: {  	s25 =	simm.s32 $0x1B8E;
	s24 =	sld [smem:$0x3FFE];
	[sflag:s4] =	ssyncadd.remote.s32 @!p0 $0x1  }
0xb4: {  	s26 =	simm.s32 $execute0_lowered;
	[smem:$0x3FD2] =	sst s25  }
0xb5: {  	s5 =	sshll.u32 s26, $0x1;
	_ =	strace $0x8000004C;
	[dreg:$0x1] =	wrdreg $0xFFFFFFFF  }
0xb6: {  	s28 =	simm.s32 $_size_execute0_lowered;
	s3 =	sadd.s32 s3, s5;
	[dreg:$0x0] =	wrdreg $0x0  }
0xb7: {  	s5 =	sshll.u32 s28, $0x1;
	[dreg:$0x2] =	wrdreg s3  }
0xb8: {  	[dreg:$0x3] =	wrdreg s5  }
0xb9: {  	[dreg:$0x4] =	wrdreg $0xC0  }
0xba: {  	_ =	task [dreg:s22], $0x5FFFF  }
0xbb: {  	[dreg:$0x1] =	wrdreg $0xFFFFFFFF  }
0xbc: {  	[dreg:$0x0] =	wrdreg $0x60  }
0xbd: {  	[dreg:$0x2] =	wrdreg s24  }
0xbe: {  	[dreg:$0x3] =	wrdreg $0x91000  }
0xbf: {  	[dreg:$0x4] =	wrdreg $0x9  }
0xc0: {  	_ =	task.clear_ibuf [dreg:s22], $0x5FFFF;
	_ =	strace $0x9000004C  }
0xc1: {  	s29 =	simm.s32 $0x9;
	_ =	strace $0x8000004E  }
0xc2: {  	_ =	swait.ge [sflag:s29], $0x1  }
0xc3: {  	[sflag:s29] =	ssyncadd.s32 $0xFFFFFFFF  }
0xc4: {  	_ =	strace $0x9000004E  }
0xc5: {  	_ =	sfence  }
0xc6: {  	s30 =	sld [smem:$0x0];
	_ =	sdelay $0x2  }
0xc7: {  	s31 =	sshll.u32 s1, $0xD;
	s1 =	sshrl.u32 s1, $0x2  }
0xc8: {  	s4 =	sand.u32 $0x4000, s31;
	s1 =	sadd.s32 s1, s30  }
0xc9: {  	s0 =	sor.u32 s4, s0;
	s1 =	sshll.u32 s1, $0x11  }
0xca: {  	s0 =	sor.u32 s1, s0  }
0xcb: {  	s0 =	sadd.s32 $0x8F2B, s0  }
0xcc: {  	[sflag:s0] =	ssyncadd.remote.s32 $0x1  }
0xcd: {  	_ =	sfence.sel $0xFFFF  }
0xce: {  	[dreg:$0x0] =	wrdreg $0xFFFFFFFF;
	(pc) =	sbr.abs _section_cstart, $3  }
0xcf: {  	[dreg:$0x1] =	wrdreg $0xFFFFFFFF  }
0xd0: {  	_ =	task.clear_ibuf [dreg:s22], $0x2FFFF;
	_ =	strace $0x9FFFFFFF  }
0xd1: {  	(tm) =	ssettm $0x7FFFFFFF  }
tec
execute0_lowered:
.L_overlay_start_1:
0x0: {  	(tag) =	ssettag $0x1  }
0x1: {  	s0 =	rddreg [dreg:$0x0]  }
0x2: {  	s1 =	rddreg [dreg:$0x1];
	s2 =	simm.s32 $0x0;
	s3 =	srdreg.scid  }
0x3: {  	s10 =	stileid.u32;
	s28 =	simm.s32 $0x100;
	s29 =	simm.s32 $0x80  }
0x4: {  	s30 =	simm.s32 $0x2900;
	s31 =	simm.s32 $0x1;
	[smem:$0x7FF] =	sst s2  }
0x5: {  	s3 =	sand.u32 $0x1, s3;
	s6 =	sadd.s32 $0x13F0E00, s0;
	s5 =	smul.u32 $0x50000, s10  }
0x6: {  	s7 =	sadd.s32 $0x10A00, s0;
	s9 =	sadd.s32 $0x68C00, s0;
	s18 =	smul.u32 $0x14000, s10  }
0x7: {  	s0 =	sadd.s32 $0xB9400, s0;
	s24 =	smul.u32 $0x27100, s10;
	_ =	strace $0x8000004D  }
0x8: {  	s4 =	sshll.u32 s3, $0x4;
	s8 =	ssub.s32 $0x2, s3;
	[dreg:$0x3] =	wrdreg s9  }
0x9: {  	s14 =	smul.u32 $0x140000, s3;
	s4 =	sor.u32 s10, s4;
	s16 =	sshrl.u32 s8, $0x1  }
0xa: {  	s5 =	sshrl.u32 s5, $0x2;
	s21 =	sadd.s32 $0x4000, s18;
	s4 =	smul.u32 $0x2710, s4  }
0xb: {  	s8 =	ssub.s32 s8, s16;
	s5 =	sadd.s32 s5, s1;
	s11 =	sadd.s32 s14, s18  }
0xc: {  	s12 =	sadd.s32 s14, s21;
	s8 =	smax.u32 s8, $0x1;
	s19 =	sadd.s32 $0x4000, s5  }
0xd: {  	s20 =	sadd.s32 $0x8000, s5;
	s11 =	sshrl.u32 s11, $0x3;
	[dreg:$0x6] =	wrdreg s8  }
0xe: {  	s12 =	sshrl.u32 s12, $0x3;
	s4 =	sadd.s32 $0x26C0, s4;
	[dreg:$0x7] =	wrdreg s19  }
0xf: {  	[dreg:$0x8] =	wrdreg s20;
	s19 =	sadd.s32 $0x8000, s18;
	s22 =	sadd.s32 s0, s11  }
0x10: {  	s12 =	sadd.s32 s0, s12;
	s20 =	sadd.s32 $0xC000, s18;
	s17 =	sshrl.u32 s4, $0x3  }
0x11: {  	s4 =	sshll.u32 s4, $0x4;
	s13 =	sadd.s32 s14, s19;
	[dreg:$0x9] =	wrdreg s22  }
0x12: {  	s15 =	sadd.s32 s14, s20;
	s19 =	sadd.s32 s19, s1;
	s20 =	sadd.s32 s20, s1  }
0x13: {  	s9 =	sadd.s32 s7, s17;
	s4 =	sadd.s32 s6, s4;
	s17 =	smul.u32 $0x271000, s3  }
0x14: {  	s13 =	sshrl.u32 s13, $0x3;
	s3 =	smul.u32 $0x27100, s3;
	[dreg:$0x4] =	wrdreg s9  }
0x15: {  	s15 =	sshrl.u32 s15, $0x3;
	[dreg:$0x5] =	wrdreg s4;
	s4 =	sadd.s32 $0x10000, s18  }
0x16: {  	s13 =	sadd.s32 s0, s13;
	s18 =	smul.u32 $0x2710, s10;
	s14 =	sadd.s32 s14, s4  }
0x17: {  	s23 =	sadd.s32 s17, s6;
	s17 =	sadd.s32 $0x10000, s5;
	s16 =	sshrl.u32 s14, $0x3  }
0x18: {  	s14 =	sadd.s32 s0, s15;
	s3 =	sadd.s32 s18, s3;
	s18 =	sadd.s32 s21, s1  }
0x19: {  	s21 =	sadd.s32 s4, s1;
	s4 =	simm.s32 $0x0;
	s15 =	sadd.s32 s0, s16  }
0x1a: {  	s16 =	sadd.s32 $0xC000, s5;
	s0 =	sadd.s32 s24, s23;
	s25 =	sadd.s32 $0x50, s3  }
0x1b: {  	s3 =	sshrl.u32 s3, $0x3;
	s26 =	sshrl.u32 s25, $0x3;
	s22 =	sadd.s32 $0x500, s0  }
0x1c: {  	s24 =	sadd.s32 s3, s7;
	s25 =	simm.s32 $0x5100;
	s0 =	simm.s32 $0x50  }
0x1d: {  	s3 =	simm.s32 $0x2;
	s23 =	sadd.s32 s26, s7;
	s26 =	simm.s32 $0x3  }
.LBB2_1:
0x1e: {  	s6 =	rddreg [dreg:$0x3]  }
0x1f: {  	[tilespmem:s25], [sflag:$0x3] =	stream.linear.gather [hbm4b:s6+s2], $0x4000, $0x38;
	[tilespmem:$0x1D100] =	vst v63  }
0x20: {  	_ =	swait.ge [sflag:s26], $0x4000  }
0x21: {  	[sflag:s26] =	ssyncset.done $0x0  }
0x22: {  	[sflag:s26] =	ssyncadd.s32 $0xFFFFC000  }
0x23: {  	[spmem:s5] =	stream.linear.scatter [tilespmem:s25], [sflag:$0x3], $0x4000, $0x38;
	[tilespmem:$0x1D100] =	vst v63  }
0x24: {  	_ =	swait.ge [sflag:s26], $0x4000  }
0x25: {  	[sflag:s26] =	ssyncset.done $0x0  }
0x26: {  	s7 =	rddreg [dreg:$0x7];
	[sflag:s26] =	ssyncadd.s32 $0xFFFFC000  }
0x27: {  	[spmem:s7] =	stream.linear.scatter [tilespmem:s25], [sflag:$0x3], $0x4000, $0x38;
	[tilespmem:$0x1D100] =	vst v63  }
0x28: {  	_ =	swait.ge [sflag:s26], $0x4000  }
0x29: {  	[sflag:s26] =	ssyncset.done $0x0  }
0x2a: {  	s8 =	rddreg [dreg:$0x8];
	[sflag:s26] =	ssyncadd.s32 $0xFFFFC000  }
0x2b: {  	[spmem:s8] =	stream.linear.scatter [tilespmem:s25], [sflag:$0x3], $0x4000, $0x38;
	[tilespmem:$0x1D100] =	vst v63  }
0x2c: {  	_ =	swait.ge [sflag:s26], $0x4000  }
0x2d: {  	[sflag:s26] =	ssyncset.done $0x0  }
0x2e: {  	[sflag:s26] =	ssyncadd.s32 $0xFFFFC000  }
0x2f: {  	[spmem:s16] =	stream.linear.scatter [tilespmem:s25], [sflag:$0x3], $0x4000, $0x38;
	[tilespmem:$0x1D100] =	vst v63  }
0x30: {  	_ =	swait.ge [sflag:s26], $0x4000  }
0x31: {  	[sflag:s26] =	ssyncset.done $0x0  }
0x32: {  	[sflag:s26] =	ssyncadd.s32 $0xFFFFC000  }
0x33: {  	[spmem:s17] =	stream.linear.scatter [tilespmem:s25], [sflag:$0x3], $0x4000, $0x38;
	[tilespmem:$0x1D100] =	vst v63  }
0x34: {  	_ =	swait.ge [sflag:s26], $0x4000  }
0x35: {  	[sflag:s26] =	ssyncset.done $0x0  }
0x36: {  	[sflag:s26] =	ssyncadd.s32 $0xFFFFC000  }
0x37: {  	s9 =	sadd.s32 $0x0, s24;
	[bflag:$0x0] =	sbarrier.arrive $0xFFFF  }
0x38: {  	[tilespmem:s2], [sflag:$0x1] =	stream.linear.gather [hbm4b:s9+s2], $0x50, $0x38;
	[tilespmem:$0x1D100] =	vst v63  }
0x39: {  	s10 =	sadd.s32 $0xFFFFFB00, s22  }
0x3a: {  	[tilespmem:s28], [sflag:$0x1] =	stream.linear.gather [hbm4b:s10+s2], $0x2800, $0x38;
	[tilespmem:$0x1D100] =	vst v63  }
0x3b: {  	s11 =	sadd.s32 $0x0, s23  }
0x3c: {  	[tilespmem:s29], [sflag:$0x1] =	stream.linear.gather [hbm4b:s11+s2], $0x50, $0x38;
	[tilespmem:$0x1D100] =	vst v63  }
0x3d: {  	_ = 	snop  }
0x3e: {  	[tilespmem:s30], [sflag:$0x1] =	stream.linear.gather [hbm4b:s22+s2], $0x2800, $0x38;
	[tilespmem:$0x1D100] =	vst v63  }
0x3f: {  	_ =	swait.ge [sflag:s31], $0x50  }
0x40: {  	[sflag:s31] =	ssyncset.done $0x0  }
0x41: {  	[sflag:s31] =	ssyncadd.s32 $0xFFFFFFB0  }
0x42: {  	_ =	swait.ge [sflag:s31], $0x2800  }
0x43: {  	[sflag:s31] =	ssyncset.done $0x0  }
0x44: {  	[sflag:s31] =	ssyncadd.s32 $0xFFFFD800  }
0x45: {  	[spmem:s1] =	stream.indirect.scatter.add.f32 [tilespmem:s28], [sflag:$0x2], $0x80, s2, s0, $0xb8;
	[tilespmem:$0x1D100] =	vst v63  }
0x46: {  	_ =	swait.ge [sflag:s31], $0x50  }
0x47: {  	[sflag:s31] =	ssyncset.done $0x0  }
0x48: {  	[sflag:s31] =	ssyncadd.s32 $0xFFFFFFB0  }
0x49: {  	_ =	swait.ge [sflag:s31], $0x2800  }
0x4a: {  	[sflag:s31] =	ssyncset.done $0x0  }
0x4b: {  	[sflag:s31] =	ssyncadd.s32 $0xFFFFD800  }
0x4c: {  	[spmem:s1] =	stream.indirect.scatter.add.f32 [tilespmem:s30], [sflag:$0x2], $0x80, s29, s0, $0xb8;
	[tilespmem:$0x1D100] =	vst v63  }
0x4d: {  	_ =	swait.ge [sflag:s3], $0x2800  }
0x4e: {  	[sflag:s3] =	ssyncset.done $0x0  }
0x4f: {  	[sflag:s3] =	ssyncadd.s32 $0xFFFFD800  }
0x50: {  	s6 =	simm.s32 $0x14;
	_ =	swait.ge [sflag:s3], $0x2800  }
0x51: {  	s7 =	sadd.s32 $0xA00, s22;
	s8 =	simm.s32 $0x28;
	[sflag:s3] =	ssyncset.done $0x0  }
.LBB2_2:
0x52: {  	s9 =	sadd.s32 s6, s24  }
0x53: {  	[sflag:s3] =	ssyncadd.s32 $0xFFFFD800;
	s10 =	smov.u32 s8;
	s11 =	sadd.s32 $0x14, s8  }
0x54: {  	[tilespmem:s2], [sflag:$0x1] =	stream.linear.gather [hbm4b:s9+s2], $0x50, $0x38;
	[tilespmem:$0x1D100] =	vst v63  }
0x55: {  	p0 =	sne.s32 s8, $0x4C4;
	s8 =	sadd.s32 $0xFFFFFB00, s7  }
0x56: {  	[tilespmem:s28], [sflag:$0x1] =	stream.linear.gather [hbm4b:s8+s2], $0x2800, $0x38;
	[tilespmem:$0x1D100] =	vst v63  }
0x57: {  	s8 =	sadd.s32 s6, s23;
	s6 =	smov.u32 s10  }
0x58: {  	[tilespmem:s29], [sflag:$0x1] =	stream.linear.gather [hbm4b:s8+s2], $0x50, $0x38;
	[tilespmem:$0x1D100] =	vst v63  }
0x59: {  	_ = 	snop  }
0x5a: {  	[tilespmem:s30], [sflag:$0x1] =	stream.linear.gather [hbm4b:s7+s2], $0x2800, $0x38;
	[tilespmem:$0x1D100] =	vst v63  }
0x5b: {  	_ =	swait.ge [sflag:s31], $0x50  }
0x5c: {  	[sflag:s31] =	ssyncset.done $0x0  }
0x5d: {  	[sflag:s31] =	ssyncadd.s32 $0xFFFFFFB0  }
0x5e: {  	_ =	swait.ge [sflag:s31], $0x2800  }
0x5f: {  	[sflag:s31] =	ssyncset.done $0x0  }
0x60: {  	[sflag:s31] =	ssyncadd.s32 $0xFFFFD800  }
0x61: {  	[spmem:s1] =	stream.indirect.scatter.add.f32 [tilespmem:s28], [sflag:$0x2], $0x80, s2, s0, $0xb8;
	[tilespmem:$0x1D100] =	vst v63  }
0x62: {  	_ =	swait.ge [sflag:s31], $0x50  }
0x63: {  	[sflag:s31] =	ssyncset.done $0x0  }
0x64: {  	[sflag:s31] =	ssyncadd.s32 $0xFFFFFFB0  }
0x65: {  	_ =	swait.ge [sflag:s31], $0x2800  }
0x66: {  	[sflag:s31] =	ssyncset.done $0x0  }
0x67: {  	[sflag:s31] =	ssyncadd.s32 $0xFFFFD800  }
0x68: {  	[spmem:s1] =	stream.indirect.scatter.add.f32 [tilespmem:s30], [sflag:$0x2], $0x80, s29, s0, $0xb8;
	[tilespmem:$0x1D100] =	vst v63  }
.Ltmp0:
0x69: {  	_ =	swait.ge [sflag:s3], $0x2800;
	(pc) =	sbr.rel @p0 .LBB2_2-.Ltmp0, $4  }
0x6a: {  	[sflag:s3] =	ssyncset.done $0x0  }
0x6b: {  	[sflag:s3] =	ssyncadd.s32 $0xFFFFD800  }
0x6c: {  	_ =	swait.ge [sflag:s3], $0x2800  }
0x6d: {  	s8 =	smov.u32 s11;
	s7 =	sadd.s32 $0xA00, s7;
	[sflag:s3] =	ssyncset.done $0x0  }
0x6e: {  	s8 =	sadd.s32 s6, s24;
	[sflag:s3] =	ssyncadd.s32 $0xFFFFD800  }
0x6f: {  	[tilespmem:s2], [sflag:$0x1] =	stream.linear.gather [hbm4b:s8+s2], $0x50, $0x38;
	[tilespmem:$0x1D100] =	vst v63  }
0x70: {  	s10 =	sadd.s32 $0xFFFFFB00, s7  }
0x71: {  	[tilespmem:s28], [sflag:$0x1] =	stream.linear.gather [hbm4b:s10+s2], $0x2800, $0x38;
	[tilespmem:$0x1D100] =	vst v63  }
0x72: {  	s11 =	sadd.s32 s6, s23  }
0x73: {  	[tilespmem:s29], [sflag:$0x1] =	stream.linear.gather [hbm4b:s11+s2], $0x50, $0x38;
	[tilespmem:$0x1D100] =	vst v63  }
0x74: {  	_ = 	snop  }
0x75: {  	[tilespmem:s30], [sflag:$0x1] =	stream.linear.gather [hbm4b:s7+s2], $0x2800, $0x38;
	[tilespmem:$0x1D100] =	vst v63  }
0x76: {  	_ =	swait.ge [sflag:s31], $0x50  }
0x77: {  	[sflag:s31] =	ssyncset.done $0x0  }
0x78: {  	[sflag:s31] =	ssyncadd.s32 $0xFFFFFFB0  }
0x79: {  	_ =	swait.ge [sflag:s31], $0x2800  }
0x7a: {  	[sflag:s31] =	ssyncset.done $0x0  }
0x7b: {  	[sflag:s31] =	ssyncadd.s32 $0xFFFFD800  }
0x7c: {  	[spmem:s1] =	stream.indirect.scatter.add.f32 [tilespmem:s28], [sflag:$0x2], $0x80, s2, s0, $0xb8;
	[tilespmem:$0x1D100] =	vst v63  }
0x7d: {  	_ =	swait.ge [sflag:s31], $0x50  }
0x7e: {  	[sflag:s31] =	ssyncset.done $0x0  }
0x7f: {  	[sflag:s31] =	ssyncadd.s32 $0xFFFFFFB0  }
0x80: {  	_ =	swait.ge [sflag:s31], $0x2800  }
0x81: {  	[sflag:s31] =	ssyncset.done $0x0  }
0x82: {  	[sflag:s31] =	ssyncadd.s32 $0xFFFFD800  }
0x83: {  	[spmem:s1] =	stream.indirect.scatter.add.f32 [tilespmem:s30], [sflag:$0x2], $0x80, s29, s0, $0xb8;
	[tilespmem:$0x1D100] =	vst v63  }
0x84: {  	_ =	swait.ge [sflag:s3], $0x2800  }
0x85: {  	[sflag:s3] =	ssyncset.done $0x0  }
0x86: {  	[sflag:s3] =	ssyncadd.s32 $0xFFFFD800  }
0x87: {  	_ =	swait.ge [sflag:s3], $0x2800  }
0x88: {  	[sflag:s3] =	ssyncset.done $0x0  }
0x89: {  	s8 =	rddreg [dreg:$0x4];
	[sflag:s3] =	ssyncadd.s32 $0xFFFFD800  }
0x8a: {  	[tilespmem:s2], [sflag:$0x1] =	stream.linear.gather [hbm4b:s8+s2], $0x50, $0x38;
	[tilespmem:$0x1D100] =	vst v63  }
0x8b: {  	s9 =	rddreg [dreg:$0x5]  }
0x8c: {  	[tilespmem:s28], [sflag:$0x1] =	stream.linear.gather [hbm4b:s9+s2], $0x2800, $0x38;
	[tilespmem:$0x1D100] =	vst v63  }
0x8d: {  	_ =	swait.ge [sflag:s31], $0x50  }
0x8e: {  	[sflag:s31] =	ssyncset.done $0x0  }
0x8f: {  	[sflag:s31] =	ssyncadd.s32 $0xFFFFFFB0  }
0x90: {  	_ =	swait.ge [sflag:s31], $0x2800  }
0x91: {  	[sflag:s31] =	ssyncset.done $0x0  }
0x92: {  	[sflag:s31] =	ssyncadd.s32 $0xFFFFD800  }
0x93: {  	[spmem:s1] =	stream.indirect.scatter.add.f32 [tilespmem:s28], [sflag:$0x2], $0x80, s2, s0, $0xb8;
	[tilespmem:$0x1D100] =	vst v63  }
0x94: {  	_ =	swait.ge [sflag:s3], $0x2800  }
0x95: {  	[sflag:s3] =	ssyncset.done $0x0  }
0x96: {  	[sflag:s3] =	ssyncadd.s32 $0xFFFFD800  }
0x97: {  	[bflag:$0x0] =	sbarrier.arrive $0xFFFF  }
0x98: {  	[tilespmem:s25], [sflag:$0x3] =	stream.linear.gather [spmem:s5], $0x4000, $0x38;
	[tilespmem:$0x1D100] =	vst v63  }
0x99: {  	_ =	swait.ge [sflag:s26], $0x4000  }
0x9a: {  	[sflag:s26] =	ssyncset.done $0x0  }
0x9b: {  	s10 =	rddreg [dreg:$0x9];
	[sflag:s26] =	ssyncadd.s32 $0xFFFFC000  }
0x9c: {  	[hbm4b:s10+s2] =	stream.linear.scatter [tilespmem:s25], [sflag:$0x3], $0x4000, $0x38;
	[tilespmem:$0x1D100] =	vst v63  }
0x9d: {  	_ =	swait.ge [sflag:s26], $0x4000  }
0x9e: {  	[sflag:s26] =	ssyncset.done $0x0  }
0x9f: {  	[sflag:s26] =	ssyncadd.s32 $0xFFFFC000  }
0xa0: {  	[tilespmem:s25], [sflag:$0x3] =	stream.linear.gather [spmem:s18], $0x4000, $0x38;
	[tilespmem:$0x1D100] =	vst v63  }
0xa1: {  	_ =	swait.ge [sflag:s26], $0x4000  }
0xa2: {  	[sflag:s26] =	ssyncset.done $0x0  }
0xa3: {  	[sflag:s26] =	ssyncadd.s32 $0xFFFFC000  }
0xa4: {  	[hbm4b:s12+s2] =	stream.linear.scatter [tilespmem:s25], [sflag:$0x3], $0x4000, $0x38;
	[tilespmem:$0x1D100] =	vst v63  }
0xa5: {  	_ =	swait.ge [sflag:s26], $0x4000  }
0xa6: {  	[sflag:s26] =	ssyncset.done $0x0  }
0xa7: {  	[sflag:s26] =	ssyncadd.s32 $0xFFFFC000  }
0xa8: {  	[tilespmem:s25], [sflag:$0x3] =	stream.linear.gather [spmem:s19], $0x4000, $0x38;
	[tilespmem:$0x1D100] =	vst v63  }
0xa9: {  	_ =	swait.ge [sflag:s26], $0x4000  }
0xaa: {  	[sflag:s26] =	ssyncset.done $0x0  }
0xab: {  	[sflag:s26] =	ssyncadd.s32 $0xFFFFC000  }
0xac: {  	[hbm4b:s13+s2] =	stream.linear.scatter [tilespmem:s25], [sflag:$0x3], $0x4000, $0x38;
	[tilespmem:$0x1D100] =	vst v63  }
0xad: {  	_ =	swait.ge [sflag:s26], $0x4000  }
0xae: {  	[sflag:s26] =	ssyncset.done $0x0  }
0xaf: {  	[sflag:s26] =	ssyncadd.s32 $0xFFFFC000  }
0xb0: {  	[tilespmem:s25], [sflag:$0x3] =	stream.linear.gather [spmem:s20], $0x4000, $0x38;
	[tilespmem:$0x1D100] =	vst v63  }
0xb1: {  	_ =	swait.ge [sflag:s26], $0x4000  }
0xb2: {  	[sflag:s26] =	ssyncset.done $0x0  }
0xb3: {  	[sflag:s26] =	ssyncadd.s32 $0xFFFFC000  }
0xb4: {  	[hbm4b:s14+s2] =	stream.linear.scatter [tilespmem:s25], [sflag:$0x3], $0x4000, $0x38;
	[tilespmem:$0x1D100] =	vst v63  }
0xb5: {  	_ =	swait.ge [sflag:s26], $0x4000  }
0xb6: {  	[sflag:s26] =	ssyncset.done $0x0  }
0xb7: {  	[sflag:s26] =	ssyncadd.s32 $0xFFFFC000  }
0xb8: {  	[tilespmem:s25], [sflag:$0x3] =	stream.linear.gather [spmem:s21], $0x4000, $0x38;
	[tilespmem:$0x1D100] =	vst v63  }
0xb9: {  	_ =	swait.ge [sflag:s26], $0x4000  }
0xba: {  	[sflag:s26] =	ssyncset.done $0x0  }
0xbb: {  	[sflag:s26] =	ssyncadd.s32 $0xFFFFC000  }
0xbc: {  	[hbm4b:s15+s2] =	stream.linear.scatter [tilespmem:s25], [sflag:$0x3], $0x4000, $0x38;
	[tilespmem:$0x1D100] =	vst v63  }
0xbd: {  	_ =	swait.ge [sflag:s26], $0x4000  }
0xbe: {  	s4 =	sadd.s32 $0x1, s4;
	s11 =	rddreg [dreg:$0x6]  }
0xbf: {  	p0 =	sne.s32 s4, s11  }
.Ltmp1:
0xc0: {  	_ = 	snop;
	(pc) =	sbr.rel @p0 .LBB2_1-.Ltmp1, $3  }
0xc1: {  	_ =	sdelay $0x1  }
0xc2: {  	[sflag:s26] =	ssyncset.done $0x0  }
0xc3: {  	[sflag:s26] =	ssyncadd.s32 $0xFFFFC000  }
0xc4: {  	_ =	sfence.sel $0x180000  }
0xc5: {  	[bflag:$0x0] =	sbarrier.arrive $0xFFFF  }
0xc6: {  	_ =	strace $0x9000004D  }
0xc7: {  	s0 =	stileid.u32;
	[bflag:$0x2] =	sbarrier.arrive $0xFFFF  }
0xc8: {  	p0 =	sne.s32 s0, $0x0;
	s0 =	rddreg [dreg:$0x2]  }
0xc9: {  	s0 =	sadd.s32 @!p0 $0x100000, s0  }
0xca: {  	[sflag:s0] =	ssyncadd.tile.s32 @!p0 $0x1;
	_ =	shalt  }
.Lfunc_end2:
_tile_overlayer_lowered:
.L_overlay_start_2:
0xcb: {  	(tag) =	ssettag $0x2  }
0xcc: {  	s0 =	rddreg [dreg:$0x0];
	s2 =	stileid.u32  }
0xcd: {  	s1 =	rddreg [dreg:$0x1];
	p0 =	sne.s32 s2, $0x0  }
0xce: {  	s3 =	rddreg [dreg:$0x2];
	[bflag:$0x3] =	sbarrier.arrive $0xFFFF;
	s2 =	simm.s32 @!p0 $0x1C03  }
0xcf: {  	[timem:s3], [sflag:s2] =	dma.local @!p0 [hbm:s0], s1  }
0xd0: {  	s0 =	simm.s32 @!p0 $0x3  }
0xd1: {  	_ =	swait.ge @!p0 [sflag:s0], s1  }
0xd2: {  	s1 =	ssub.s32 @!p0 $0x0, s1;
	[sflag:s0] =	ssyncset.done @!p0 $0x0  }
0xd3: {  	[sflag:s0] =	ssyncadd.s32 @!p0 s1  }
0xd4: {  	[bflag:$0x3] =	sbarrier.arrive $0xFFFF  }
0xd5: {  	_ =	shalt  }

// kernel: kernel.18.cloned.1.call-start
scs
__scs_entry_jumppad:
0x0: {  	(pc) =	sbr.rel $0x88, $3  }
0x1: {  	(tag) =	ssettag $0x0;
	lr =	simm.s32 $0x1  }
0x2: {  	[smem:$0x3F8C] =	sst lr;
	_ =	strace $0xD0000000  }
0x3: {  	_ = 	snop  }
0x4: {  	_ = 	snop  }
0x5: {  	_ = 	snop  }
0x6: {  	_ = 	snop  }
0x7: {  	_ = 	snop  }
__scs_overlays_trampoline_lowered:
0x8: {  	[smem:$0x3F9B] =	sst s0  }
0x9: {  	[smem:$0x3F9C] =	sst s1  }
0xa: {  	[smem:$0x3F9D] =	sst s2  }
0xb: {  	[smem:$0x3F9E] =	sst s3  }
0xc: {  	[smem:$0x3F9F] =	sst s4  }
0xd: {  	[smem:$0x3FA0] =	sst s5  }
0xe: {  	[smem:$0x3FA1] =	sst s6  }
0xf: {  	[smem:$0x3FA2] =	sst s7  }
0x10: {  	[smem:$0x3FA3] =	sst s8  }
0x11: {  	[smem:$0x3FA4] =	sst s9;
	s0 =	simm.s32 @!p0 $0x0  }
0x12: {  	s1 =	sld [smem:$0x3F8A];
	s0 =	simm.s32 @p0 $0x1  }
0x13: {  	[smem:$0x3FA5] =	sst s0;
	s0 =	simm.s32 @!p1 $0x0  }
0x14: {  	s2 =	sld [smem:$0x3F89];
	s0 =	simm.s32 @p1 $0x1  }
0x15: {  	[smem:$0x3FA6] =	sst s0;
	s0 =	simm.s32 @!p2 $0x0  }
0x16: {  	s3 =	sld [smem:$0x3FDB];
	s0 =	simm.s32 @p2 $0x1  }
0x17: {  	s4 =	simm.s32 $0x1BF5;
	[smem:$0x3FA8] =	sst s0  }
0x18: {  	s0 =	sld [smem:$0x3F8B];
	_ =	swait.ge [sflag:s4], $0x0  }
0x19: {  	s7 =	sld [smem:$0x3F8C]  }
0x1a: {  	s8 =	sadd.s32 $0xFFFFE003, lr  }
0x1b: {  	s9 =	sadd.s32 $0xFFFFFEF7, lr;
	s5 =	simm.s32 $0xFFFFFFFF;
	p2 =	slt.u32 s8, $0xFFFFF086  }
0x1c: {  	p1 =	slt.u32 s9, $0xF7A;
	s5 =	simm.s32 @!p2 $0x0  }
0x1d: {  	s5 =	simm.s32 @p1 $0x1;
	p0 =	seq.s32 s7, s2  }
0x1e: {  	s7 =	smul.u32 @!p0 $0xF7A, s2;
	p2 =	seq.s32 @!p0 s5, $0x0  }
0x1f: {  	s9 =	smul.u32 $0xF7A, s1;
	s8 =	simm.s32 @!p0 $0x1BF5;
	p2 =	por !p2, p0  }
0x20: {  	[sflag:s8] =	ssyncset.s32 @!p0 $0xFFFFF086;
	s6 =	sadd.s32 @!p0 s3, s7;
	s7 =	simm.s32 @!p0 $0x108  }
0x21: {  	s3 =	sadd.s32 s3, s9;
	s6 =	sadd.s32 @!p0 $0x88, s6;
	s7 =	simm.s32 @p2 $0x1082  }
0x22: {  	[simem:s7], [sflag:s8] =	dma.local @!p0 [hbm:s6], $0xF7A  }
0x23: {  	s9 =	sor.u32 $0xD0000000, s2;
	s6 =	simm.s32 $0x108;
	_ =	swait.ge @!p0 [sflag:s8], $0x0  }
0x24: {  	s3 =	sadd.s32 $0x88, s3;
	s6 =	simm.s32 @!p1 $0x1082;
	[sflag:s4] =	ssyncset.s32 $0xFFFFF086  }
0x25: {  	[simem:s6], [sflag:s4] =	dma.local [hbm:s3], $0xF7A  }
0x26: {  	[smem:$0x3F8C] =	sst s1;
	(tag) =	ssettag s2;
	_ =	strace s9  }
0x27: {  	s1 =	sld [smem:$0x3F9C]  }
0x28: {  	s2 =	sld [smem:$0x3F9D]  }
0x29: {  	s4 =	sld [smem:$0x3F9F]  }
0x2a: {  	p0 =	seq.s32 s5, $0x0;
	s5 =	sld [smem:$0x3FA0]  }
0x2b: {  	s6 =	sld [smem:$0x3FA1]  }
0x2c: {  	s7 =	sld [smem:$0x3FA2]  }
0x2d: {  	s3 =	simm.s32 $0x108;
	s8 =	sld [smem:$0x3FA3]  }
0x2e: {  	s3 =	simm.s32 @!p0 $0x1082;
	s9 =	sld [smem:$0x3FA4]  }
0x2f: {  	lr =	sadd.s32 s0, s3;
	s0 =	sld [smem:$0x3F9B]  }
0x30: {  	s3 =	sld [smem:$0x3F9E]  }
0x31: {  	[smem:$0x3FA7] =	sst s10  }
0x32: {  	s10 =	sld [smem:$0x3FA5];
	_ =	sdelay $0x3  }
0x33: {  	p0 =	seq.s32 s10, $0x1;
	s10 =	sld [smem:$0x3FA7];
	_ =	sdelay $0x3  }
0x34: {  	[smem:$0x3FA7] =	sst s10  }
0x35: {  	s10 =	sld [smem:$0x3FA6];
	_ =	sdelay $0x3  }
0x36: {  	p1 =	seq.s32 s10, $0x1;
	s10 =	sld [smem:$0x3FA7];
	_ =	sdelay $0x3  }
0x37: {  	[smem:$0x3FA7] =	sst s10  }
0x38: {  	s10 =	sld [smem:$0x3FA8]  }
0x39: {  	_ = 	snop;
	(pc) =	sbr.ind lr, $3  }
0x3a: {  	_ = 	snop  }
0x3b: {  	_ = 	snop  }
0x3c: {  	p2 =	seq.s32 s10, $0x1;
	s10 =	sld [smem:$0x3FA7]  }
0x3d: {  	_ =	shalt  }
0x3e: {  	_ =	shalt  }
0x3f: {  	_ =	shalt  }
0x40: {  	_ =	shalt  }
0x41: {  	_ =	shalt  }
0x42: {  	_ =	shalt  }
0x43: {  	_ =	shalt  }
0x44: {  	_ =	shalt  }
0x45: {  	_ =	shalt  }
0x46: {  	_ =	shalt  }
0x47: {  	_ =	shalt  }
0x48: {  	_ =	shalt  }
0x49: {  	_ =	shalt  }
0x4a: {  	_ =	shalt  }
0x4b: {  	_ =	shalt  }
0x4c: {  	_ =	shalt  }
0x4d: {  	_ =	shalt  }
0x4e: {  	_ =	shalt  }
0x4f: {  	_ =	shalt  }
0x50: {  	_ =	shalt  }
0x51: {  	_ =	shalt  }
0x52: {  	_ =	shalt  }
0x53: {  	_ =	shalt  }
0x54: {  	_ =	shalt  }
0x55: {  	_ =	shalt  }
0x56: {  	_ =	shalt  }
0x57: {  	_ =	shalt  }
0x58: {  	_ =	shalt  }
0x59: {  	_ =	shalt  }
0x5a: {  	_ =	shalt  }
0x5b: {  	_ =	shalt  }
0x5c: {  	_ =	shalt  }
0x5d: {  	_ =	shalt  }
0x5e: {  	_ =	shalt  }
0x5f: {  	_ =	shalt  }
0x60: {  	_ =	shalt  }
0x61: {  	_ =	shalt  }
0x62: {  	_ =	shalt  }
0x63: {  	_ =	shalt  }
0x64: {  	_ =	shalt  }
0x65: {  	_ =	shalt  }
0x66: {  	_ =	shalt  }
0x67: {  	_ =	shalt  }
0x68: {  	_ =	shalt  }
0x69: {  	_ =	shalt  }
0x6a: {  	_ =	shalt  }
0x6b: {  	_ =	shalt  }
0x6c: {  	_ =	shalt  }
0x6d: {  	_ =	shalt  }
0x6e: {  	_ =	shalt  }
0x6f: {  	_ =	shalt  }
0x70: {  	_ =	shalt  }
0x71: {  	_ =	shalt  }
0x72: {  	_ =	shalt  }
0x73: {  	_ =	shalt  }
0x74: {  	_ =	shalt  }
0x75: {  	_ =	shalt  }
0x76: {  	_ =	shalt  }
0x77: {  	_ =	shalt  }
0x78: {  	_ =	shalt  }
0x79: {  	_ =	shalt  }
0x7a: {  	_ =	shalt  }
0x7b: {  	_ =	shalt  }
0x7c: {  	_ =	shalt  }
0x7d: {  	_ =	shalt  }
0x7e: {  	_ =	shalt  }
0x7f: {  	_ =	shalt  }
0x80: {  	_ =	shalt  }
0x81: {  	_ =	shalt  }
0x82: {  	_ =	shalt  }
0x83: {  	_ =	shalt  }
0x84: {  	_ =	shalt  }
0x85: {  	_ =	shalt  }
0x86: {  	_ =	shalt  }
0x87: {  	_ =	shalt  }
.Lfunc_end0:
.L_simem_size_0:
called_computation.2_lowered:
.L_overlay_start_0:
0x88: {  	s2 =	sld [smem:$0x3FD9]  }
0x89: {  	s3 =	sld [smem:$0x3FFE];
	_ =	sdelay $0x1  }
0x8a: {  	s1 =	srdreg.scid  }
0x8b: {  	s0 =	sand.u32 $0x1, s1  }
0x8c: {  	s16 =	sshll.u32 s0, $0xA;
	s2 =	sadd.s32 s3, s2  }
0x8d: {  	s2 =	sadd.s32 s2, s16  }
0x8e: {  	[smem:$0x3FB3] =	sst s2  }
0x8f: {  	_ = 	snop  }
0x90: {  	(tm) =	ssettm $0x1  }
0x91: {  	s17 =	sld [smem:$0x3FFB];
	_ =	sdelay $0x3  }
0x92: {  	_ =	strace s17  }
0x93: {  	s2 =	sld [smem:$0x3FFC];
	_ =	sdelay $0x3  }
0x94: {  	_ =	strace s2  }
0x95: {  	s2 =	sld [smem:$0x3FFD];
	_ =	sdelay $0x3  }
0x96: {  	_ =	strace s2  }
0x97: {  	_ =	strace $0x8FFFFFFF  }
0x98: {  	s18 =	sld [smem:$0x3FDB];
	_ =	sdelay $0x1  }
0x99: {  	s19 =	simm.s32 $_scs_section_size  }
0x9a: {  	s4 =	simm.s32 $_size__tile_overlayer_lowered;
	s5 =	simm.s32 $_tile_overlayer_lowered  }
0x9b: {  	s22 =	simm.s32 $0x1BFF;
	s21 =	sshll.u32 s5, $0x1;
	s2 =	sadd.s32 s19, s18  }
0x9c: {  	s6 =	simm.s32 $0x0;
	s20 =	sshll.u32 s4, $0x1;
	s4 =	sadd.s32 s21, s2  }
0x9d: {  	[timem:s6], [sflag:s22] =	dma.local [hbm:s4], s20  }
0x9e: {  	_ =	swait.ge [sflag:s22], s20  }
0x9f: {  	s3 =	ssub.s32 $0x0, s20;
	[sflag:s22] =	ssyncset.done $0x0  }
0xa0: {  	[sflag:s22] =	ssyncadd.s32 s3;
	_ =	sdelay $0x1  }
0xa1: {  	s23 =	simm.s32 $0x1B8B  }
0xa2: {  	_ =	swait.ge [sflag:s23], $0x1  }
0xa3: {  	[sflag:s23] =	ssyncset.done $0x0  }
0xa4: {  	s25 =	simm.s32 $0x1B8E;
	s24 =	sld [smem:$0x3FFE];
	[sflag:s23] =	ssyncadd.s32 $0xFFFFFFFF  }
0xa5: {  	s26 =	simm.s32 $execute0_lowered;
	[smem:$0x3FD2] =	sst s25  }
0xa6: {  	s4 =	sshll.u32 s26, $0x1;
	_ =	strace $0x80000049;
	[dreg:$0x1] =	wrdreg $0xFFFFFFFF  }
0xa7: {  	s28 =	simm.s32 $_size_execute0_lowered;
	s2 =	sadd.s32 s2, s4;
	[dreg:$0x0] =	wrdreg $0x0  }
0xa8: {  	s4 =	sshll.u32 s28, $0x1;
	[dreg:$0x2] =	wrdreg s2  }
0xa9: {  	[dreg:$0x3] =	wrdreg s4  }
0xaa: {  	[dreg:$0x4] =	wrdreg $0xC0  }
0xab: {  	_ =	task [dreg:s6], $0x5FFFF  }
0xac: {  	[dreg:$0x1] =	wrdreg $0xFFFFFFFF  }
0xad: {  	[dreg:$0x0] =	wrdreg $0x60  }
0xae: {  	[dreg:$0x2] =	wrdreg s24  }
0xaf: {  	[dreg:$0x3] =	wrdreg $0x91000  }
0xb0: {  	[dreg:$0x4] =	wrdreg $0xA  }
0xb1: {  	_ =	task.clear_ibuf [dreg:s6], $0x5FFFF;
	_ =	strace $0x90000049  }
0xb2: {  	s29 =	simm.s32 $0xA;
	_ =	strace $0x8000004B  }
0xb3: {  	_ =	swait.ge [sflag:s29], $0x1  }
0xb4: {  	[sflag:s29] =	ssyncadd.s32 $0xFFFFFFFF  }
0xb5: {  	_ =	strace $0x9000004B  }
0xb6: {  	_ =	sfence  }
0xb7: {  	s30 =	sld [smem:$0x0];
	_ =	sdelay $0x2  }
0xb8: {  	s31 =	sshll.u32 s1, $0xD;
	s1 =	sshrl.u32 s1, $0x2  }
0xb9: {  	s3 =	sand.u32 $0x4000, s31;
	s1 =	sadd.s32 s1, s30  }
0xba: {  	s0 =	sor.u32 s3, s0;
	s1 =	sshll.u32 s1, $0x11  }
0xbb: {  	s0 =	sor.u32 s1, s0  }
0xbc: {  	s0 =	sadd.s32 $0x8F2B, s0  }
0xbd: {  	[sflag:s0] =	ssyncadd.remote.s32 $0x1  }
0xbe: {  	_ =	sfence.sel $0xFFFF  }
0xbf: {  	[dreg:$0x0] =	wrdreg $0xFFFFFFFF;
	(pc) =	sbr.abs _section_cstart, $3  }
0xc0: {  	[dreg:$0x1] =	wrdreg $0xFFFFFFFF  }
0xc1: {  	_ =	task.clear_ibuf [dreg:s6], $0x2FFFF;
	_ =	strace $0x9FFFFFFF  }
0xc2: {  	(tm) =	ssettm $0x7FFFFFFF  }
0xc3: {  	_ =	shalt  }
tec
execute0_lowered:
.L_overlay_start_1:
0x0: {  	(tag) =	ssettag $0x1  }
0x1: {  	s0 =	rddreg [dreg:$0x0]  }
0x2: {  	s1 =	rddreg [dreg:$0x1];
	s2 =	simm.s32 $0x0;
	s3 =	srdreg.scid  }
0x3: {  	s10 =	stileid.u32;
	s28 =	simm.s32 $0x100;
	s29 =	simm.s32 $0x80  }
0x4: {  	s30 =	simm.s32 $0x2900;
	s31 =	simm.s32 $0x1;
	[smem:$0x7FF] =	sst s2  }
0x5: {  	s3 =	sand.u32 $0x1, s3;
	s6 =	sadd.s32 $0xF0EE00, s0;
	s5 =	smul.u32 $0x50000, s10  }
0x6: {  	s7 =	sadd.s32 $0x10A00, s0;
	s9 =	sadd.s32 $0x68C00, s0;
	s18 =	smul.u32 $0x14000, s10  }
0x7: {  	s0 =	sadd.s32 $0x69400, s0;
	s24 =	smul.u32 $0x27100, s10;
	_ =	strace $0x8000004A  }
0x8: {  	s4 =	sshll.u32 s3, $0x4;
	s8 =	ssub.s32 $0x2, s3;
	[dreg:$0x3] =	wrdreg s9  }
0x9: {  	s14 =	smul.u32 $0x140000, s3;
	s4 =	sor.u32 s10, s4;
	s16 =	sshrl.u32 s8, $0x1  }
0xa: {  	s5 =	sshrl.u32 s5, $0x2;
	s21 =	sadd.s32 $0x4000, s18;
	s4 =	smul.u32 $0x2710, s4  }
0xb: {  	s8 =	ssub.s32 s8, s16;
	s5 =	sadd.s32 s5, s1;
	s11 =	sadd.s32 s14, s18  }
0xc: {  	s12 =	sadd.s32 s14, s21;
	s8 =	smax.u32 s8, $0x1;
	s19 =	sadd.s32 $0x4000, s5  }
0xd: {  	s20 =	sadd.s32 $0x8000, s5;
	s11 =	sshrl.u32 s11, $0x3;
	[dreg:$0x6] =	wrdreg s8  }
0xe: {  	s12 =	sshrl.u32 s12, $0x3;
	s4 =	sadd.s32 $0x26C0, s4;
	[dreg:$0x7] =	wrdreg s19  }
0xf: {  	[dreg:$0x8] =	wrdreg s20;
	s19 =	sadd.s32 $0x8000, s18;
	s22 =	sadd.s32 s0, s11  }
0x10: {  	s12 =	sadd.s32 s0, s12;
	s20 =	sadd.s32 $0xC000, s18;
	s17 =	sshrl.u32 s4, $0x3  }
0x11: {  	s4 =	sshll.u32 s4, $0x4;
	s13 =	sadd.s32 s14, s19;
	[dreg:$0x9] =	wrdreg s22  }
0x12: {  	s15 =	sadd.s32 s14, s20;
	s19 =	sadd.s32 s19, s1;
	s20 =	sadd.s32 s20, s1  }
0x13: {  	s9 =	sadd.s32 s7, s17;
	s4 =	sadd.s32 s6, s4;
	s17 =	smul.u32 $0x271000, s3  }
0x14: {  	s13 =	sshrl.u32 s13, $0x3;
	s3 =	smul.u32 $0x27100, s3;
	[dreg:$0x4] =	wrdreg s9  }
0x15: {  	s15 =	sshrl.u32 s15, $0x3;
	[dreg:$0x5] =	wrdreg s4;
	s4 =	sadd.s32 $0x10000, s18  }
0x16: {  	s13 =	sadd.s32 s0, s13;
	s18 =	smul.u32 $0x2710, s10;
	s14 =	sadd.s32 s14, s4  }
0x17: {  	s23 =	sadd.s32 s17, s6;
	s17 =	sadd.s32 $0x10000, s5;
	s16 =	sshrl.u32 s14, $0x3  }
0x18: {  	s14 =	sadd.s32 s0, s15;
	s3 =	sadd.s32 s18, s3;
	s18 =	sadd.s32 s21, s1  }
0x19: {  	s21 =	sadd.s32 s4, s1;
	s4 =	simm.s32 $0x0;
	s15 =	sadd.s32 s0, s16  }
0x1a: {  	s16 =	sadd.s32 $0xC000, s5;
	s0 =	sadd.s32 s24, s23;
	s25 =	sadd.s32 $0x50, s3  }
0x1b: {  	s3 =	sshrl.u32 s3, $0x3;
	s26 =	sshrl.u32 s25, $0x3;
	s22 =	sadd.s32 $0x500, s0  }
0x1c: {  	s24 =	sadd.s32 s3, s7;
	s25 =	simm.s32 $0x5100;
	s0 =	simm.s32 $0x50  }
0x1d: {  	s3 =	simm.s32 $0x2;
	s23 =	sadd.s32 s26, s7;
	s26 =	simm.s32 $0x3  }
.LBB2_1:
0x1e: {  	s6 =	rddreg [dreg:$0x3]  }
0x1f: {  	[tilespmem:s25], [sflag:$0x3] =	stream.linear.gather [hbm4b:s6+s2], $0x4000, $0x38;
	[tilespmem:$0x1D100] =	vst v63  }
0x20: {  	_ =	swait.ge [sflag:s26], $0x4000  }
0x21: {  	[sflag:s26] =	ssyncset.done $0x0  }
0x22: {  	[sflag:s26] =	ssyncadd.s32 $0xFFFFC000  }
0x23: {  	[spmem:s5] =	stream.linear.scatter [tilespmem:s25], [sflag:$0x3], $0x4000, $0x38;
	[tilespmem:$0x1D100] =	vst v63  }
0x24: {  	_ =	swait.ge [sflag:s26], $0x4000  }
0x25: {  	[sflag:s26] =	ssyncset.done $0x0  }
0x26: {  	s7 =	rddreg [dreg:$0x7];
	[sflag:s26] =	ssyncadd.s32 $0xFFFFC000  }
0x27: {  	[spmem:s7] =	stream.linear.scatter [tilespmem:s25], [sflag:$0x3], $0x4000, $0x38;
	[tilespmem:$0x1D100] =	vst v63  }
0x28: {  	_ =	swait.ge [sflag:s26], $0x4000  }
0x29: {  	[sflag:s26] =	ssyncset.done $0x0  }
0x2a: {  	s8 =	rddreg [dreg:$0x8];
	[sflag:s26] =	ssyncadd.s32 $0xFFFFC000  }
0x2b: {  	[spmem:s8] =	stream.linear.scatter [tilespmem:s25], [sflag:$0x3], $0x4000, $0x38;
	[tilespmem:$0x1D100] =	vst v63  }
0x2c: {  	_ =	swait.ge [sflag:s26], $0x4000  }
0x2d: {  	[sflag:s26] =	ssyncset.done $0x0  }
0x2e: {  	[sflag:s26] =	ssyncadd.s32 $0xFFFFC000  }
0x2f: {  	[spmem:s16] =	stream.linear.scatter [tilespmem:s25], [sflag:$0x3], $0x4000, $0x38;
	[tilespmem:$0x1D100] =	vst v63  }
0x30: {  	_ =	swait.ge [sflag:s26], $0x4000  }
0x31: {  	[sflag:s26] =	ssyncset.done $0x0  }
0x32: {  	[sflag:s26] =	ssyncadd.s32 $0xFFFFC000  }
0x33: {  	[spmem:s17] =	stream.linear.scatter [tilespmem:s25], [sflag:$0x3], $0x4000, $0x38;
	[tilespmem:$0x1D100] =	vst v63  }
0x34: {  	_ =	swait.ge [sflag:s26], $0x4000  }
0x35: {  	[sflag:s26] =	ssyncset.done $0x0  }
0x36: {  	[sflag:s26] =	ssyncadd.s32 $0xFFFFC000  }
0x37: {  	s9 =	sadd.s32 $0x0, s24;
	[bflag:$0x0] =	sbarrier.arrive $0xFFFF  }
0x38: {  	[tilespmem:s2], [sflag:$0x1] =	stream.linear.gather [hbm4b:s9+s2], $0x50, $0x38;
	[tilespmem:$0x1D100] =	vst v63  }
0x39: {  	s10 =	sadd.s32 $0xFFFFFB00, s22  }
0x3a: {  	[tilespmem:s28], [sflag:$0x1] =	stream.linear.gather [hbm4b:s10+s2], $0x2800, $0x38;
	[tilespmem:$0x1D100] =	vst v63  }
0x3b: {  	s11 =	sadd.s32 $0x0, s23  }
0x3c: {  	[tilespmem:s29], [sflag:$0x1] =	stream.linear.gather [hbm4b:s11+s2], $0x50, $0x38;
	[tilespmem:$0x1D100] =	vst v63  }
0x3d: {  	_ = 	snop  }
0x3e: {  	[tilespmem:s30], [sflag:$0x1] =	stream.linear.gather [hbm4b:s22+s2], $0x2800, $0x38;
	[tilespmem:$0x1D100] =	vst v63  }
0x3f: {  	_ =	swait.ge [sflag:s31], $0x50  }
0x40: {  	[sflag:s31] =	ssyncset.done $0x0  }
0x41: {  	[sflag:s31] =	ssyncadd.s32 $0xFFFFFFB0  }
0x42: {  	_ =	swait.ge [sflag:s31], $0x2800  }
0x43: {  	[sflag:s31] =	ssyncset.done $0x0  }
0x44: {  	[sflag:s31] =	ssyncadd.s32 $0xFFFFD800  }
0x45: {  	[spmem:s1] =	stream.indirect.scatter.add.f32 [tilespmem:s28], [sflag:$0x2], $0x80, s2, s0, $0xb8;
	[tilespmem:$0x1D100] =	vst v63  }
0x46: {  	_ =	swait.ge [sflag:s31], $0x50  }
0x47: {  	[sflag:s31] =	ssyncset.done $0x0  }
0x48: {  	[sflag:s31] =	ssyncadd.s32 $0xFFFFFFB0  }
0x49: {  	_ =	swait.ge [sflag:s31], $0x2800  }
0x4a: {  	[sflag:s31] =	ssyncset.done $0x0  }
0x4b: {  	[sflag:s31] =	ssyncadd.s32 $0xFFFFD800  }
0x4c: {  	[spmem:s1] =	stream.indirect.scatter.add.f32 [tilespmem:s30], [sflag:$0x2], $0x80, s29, s0, $0xb8;
	[tilespmem:$0x1D100] =	vst v63  }
0x4d: {  	_ =	swait.ge [sflag:s3], $0x2800  }
0x4e: {  	[sflag:s3] =	ssyncset.done $0x0  }
0x4f: {  	[sflag:s3] =	ssyncadd.s32 $0xFFFFD800  }
0x50: {  	s6 =	simm.s32 $0x14;
	_ =	swait.ge [sflag:s3], $0x2800  }
0x51: {  	s7 =	sadd.s32 $0xA00, s22;
	s8 =	simm.s32 $0x28;
	[sflag:s3] =	ssyncset.done $0x0  }
.LBB2_2:
0x52: {  	s9 =	sadd.s32 s6, s24  }
0x53: {  	[sflag:s3] =	ssyncadd.s32 $0xFFFFD800;
	s10 =	smov.u32 s8;
	s11 =	sadd.s32 $0x14, s8  }
0x54: {  	[tilespmem:s2], [sflag:$0x1] =	stream.linear.gather [hbm4b:s9+s2], $0x50, $0x38;
	[tilespmem:$0x1D100] =	vst v63  }
0x55: {  	p0 =	sne.s32 s8, $0x4C4;
	s8 =	sadd.s32 $0xFFFFFB00, s7  }
0x56: {  	[tilespmem:s28], [sflag:$0x1] =	stream.linear.gather [hbm4b:s8+s2], $0x2800, $0x38;
	[tilespmem:$0x1D100] =	vst v63  }
0x57: {  	s8 =	sadd.s32 s6, s23;
	s6 =	smov.u32 s10  }
0x58: {  	[tilespmem:s29], [sflag:$0x1] =	stream.linear.gather [hbm4b:s8+s2], $0x50, $0x38;
	[tilespmem:$0x1D100] =	vst v63  }
0x59: {  	_ = 	snop  }
0x5a: {  	[tilespmem:s30], [sflag:$0x1] =	stream.linear.gather [hbm4b:s7+s2], $0x2800, $0x38;
	[tilespmem:$0x1D100] =	vst v63  }
0x5b: {  	_ =	swait.ge [sflag:s31], $0x50  }
0x5c: {  	[sflag:s31] =	ssyncset.done $0x0  }
0x5d: {  	[sflag:s31] =	ssyncadd.s32 $0xFFFFFFB0  }
0x5e: {  	_ =	swait.ge [sflag:s31], $0x2800  }
0x5f: {  	[sflag:s31] =	ssyncset.done $0x0  }
0x60: {  	[sflag:s31] =	ssyncadd.s32 $0xFFFFD800  }
0x61: {  	[spmem:s1] =	stream.indirect.scatter.add.f32 [tilespmem:s28], [sflag:$0x2], $0x80, s2, s0, $0xb8;
	[tilespmem:$0x1D100] =	vst v63  }
0x62: {  	_ =	swait.ge [sflag:s31], $0x50  }
0x63: {  	[sflag:s31] =	ssyncset.done $0x0  }
0x64: {  	[sflag:s31] =	ssyncadd.s32 $0xFFFFFFB0  }
0x65: {  	_ =	swait.ge [sflag:s31], $0x2800  }
0x66: {  	[sflag:s31] =	ssyncset.done $0x0  }
0x67: {  	[sflag:s31] =	ssyncadd.s32 $0xFFFFD800  }
0x68: {  	[spmem:s1] =	stream.indirect.scatter.add.f32 [tilespmem:s30], [sflag:$0x2], $0x80, s29, s0, $0xb8;
	[tilespmem:$0x1D100] =	vst v63  }
.Ltmp0:
0x69: {  	_ =	swait.ge [sflag:s3], $0x2800;
	(pc) =	sbr.rel @p0 .LBB2_2-.Ltmp0, $4  }
0x6a: {  	[sflag:s3] =	ssyncset.done $0x0  }
0x6b: {  	[sflag:s3] =	ssyncadd.s32 $0xFFFFD800  }
0x6c: {  	_ =	swait.ge [sflag:s3], $0x2800  }
0x6d: {  	s8 =	smov.u32 s11;
	s7 =	sadd.s32 $0xA00, s7;
	[sflag:s3] =	ssyncset.done $0x0  }
0x6e: {  	s8 =	sadd.s32 s6, s24;
	[sflag:s3] =	ssyncadd.s32 $0xFFFFD800  }
0x6f: {  	[tilespmem:s2], [sflag:$0x1] =	stream.linear.gather [hbm4b:s8+s2], $0x50, $0x38;
	[tilespmem:$0x1D100] =	vst v63  }
0x70: {  	s10 =	sadd.s32 $0xFFFFFB00, s7  }
0x71: {  	[tilespmem:s28], [sflag:$0x1] =	stream.linear.gather [hbm4b:s10+s2], $0x2800, $0x38;
	[tilespmem:$0x1D100] =	vst v63  }
0x72: {  	s11 =	sadd.s32 s6, s23  }
0x73: {  	[tilespmem:s29], [sflag:$0x1] =	stream.linear.gather [hbm4b:s11+s2], $0x50, $0x38;
	[tilespmem:$0x1D100] =	vst v63  }
0x74: {  	_ = 	snop  }
0x75: {  	[tilespmem:s30], [sflag:$0x1] =	stream.linear.gather [hbm4b:s7+s2], $0x2800, $0x38;
	[tilespmem:$0x1D100] =	vst v63  }
0x76: {  	_ =	swait.ge [sflag:s31], $0x50  }
0x77: {  	[sflag:s31] =	ssyncset.done $0x0  }
0x78: {  	[sflag:s31] =	ssyncadd.s32 $0xFFFFFFB0  }
0x79: {  	_ =	swait.ge [sflag:s31], $0x2800  }
0x7a: {  	[sflag:s31] =	ssyncset.done $0x0  }
0x7b: {  	[sflag:s31] =	ssyncadd.s32 $0xFFFFD800  }
0x7c: {  	[spmem:s1] =	stream.indirect.scatter.add.f32 [tilespmem:s28], [sflag:$0x2], $0x80, s2, s0, $0xb8;
	[tilespmem:$0x1D100] =	vst v63  }
0x7d: {  	_ =	swait.ge [sflag:s31], $0x50  }
0x7e: {  	[sflag:s31] =	ssyncset.done $0x0  }
0x7f: {  	[sflag:s31] =	ssyncadd.s32 $0xFFFFFFB0  }
0x80: {  	_ =	swait.ge [sflag:s31], $0x2800  }
0x81: {  	[sflag:s31] =	ssyncset.done $0x0  }
0x82: {  	[sflag:s31] =	ssyncadd.s32 $0xFFFFD800  }
0x83: {  	[spmem:s1] =	stream.indirect.scatter.add.f32 [tilespmem:s30], [sflag:$0x2], $0x80, s29, s0, $0xb8;
	[tilespmem:$0x1D100] =	vst v63  }
0x84: {  	_ =	swait.ge [sflag:s3], $0x2800  }
0x85: {  	[sflag:s3] =	ssyncset.done $0x0  }
0x86: {  	[sflag:s3] =	ssyncadd.s32 $0xFFFFD800  }
0x87: {  	_ =	swait.ge [sflag:s3], $0x2800  }
0x88: {  	[sflag:s3] =	ssyncset.done $0x0  }
0x89: {  	s8 =	rddreg [dreg:$0x4];
	[sflag:s3] =	ssyncadd.s32 $0xFFFFD800  }
0x8a: {  	[tilespmem:s2], [sflag:$0x1] =	stream.linear.gather [hbm4b:s8+s2], $0x50, $0x38;
	[tilespmem:$0x1D100] =	vst v63  }
0x8b: {  	s9 =	rddreg [dreg:$0x5]  }
0x8c: {  	[tilespmem:s28], [sflag:$0x1] =	stream.linear.gather [hbm4b:s9+s2], $0x2800, $0x38;
	[tilespmem:$0x1D100] =	vst v63  }
0x8d: {  	_ =	swait.ge [sflag:s31], $0x50  }
0x8e: {  	[sflag:s31] =	ssyncset.done $0x0  }
0x8f: {  	[sflag:s31] =	ssyncadd.s32 $0xFFFFFFB0  }
0x90: {  	_ =	swait.ge [sflag:s31], $0x2800  }
0x91: {  	[sflag:s31] =	ssyncset.done $0x0  }
0x92: {  	[sflag:s31] =	ssyncadd.s32 $0xFFFFD800  }
0x93: {  	[spmem:s1] =	stream.indirect.scatter.add.f32 [tilespmem:s28], [sflag:$0x2], $0x80, s2, s0, $0xb8;
	[tilespmem:$0x1D100] =	vst v63  }
0x94: {  	_ =	swait.ge [sflag:s3], $0x2800  }
0x95: {  	[sflag:s3] =	ssyncset.done $0x0  }
0x96: {  	[sflag:s3] =	ssyncadd.s32 $0xFFFFD800  }
0x97: {  	[bflag:$0x0] =	sbarrier.arrive $0xFFFF  }
0x98: {  	[tilespmem:s25], [sflag:$0x3] =	stream.linear.gather [spmem:s5], $0x4000, $0x38;
	[tilespmem:$0x1D100] =	vst v63  }
0x99: {  	_ =	swait.ge [sflag:s26], $0x4000  }
0x9a: {  	[sflag:s26] =	ssyncset.done $0x0  }
0x9b: {  	s10 =	rddreg [dreg:$0x9];
	[sflag:s26] =	ssyncadd.s32 $0xFFFFC000  }
0x9c: {  	[hbm4b:s10+s2] =	stream.linear.scatter [tilespmem:s25], [sflag:$0x3], $0x4000, $0x38;
	[tilespmem:$0x1D100] =	vst v63  }
0x9d: {  	_ =	swait.ge [sflag:s26], $0x4000  }
0x9e: {  	[sflag:s26] =	ssyncset.done $0x0  }
0x9f: {  	[sflag:s26] =	ssyncadd.s32 $0xFFFFC000  }
0xa0: {  	[tilespmem:s25], [sflag:$0x3] =	stream.linear.gather [spmem:s18], $0x4000, $0x38;
	[tilespmem:$0x1D100] =	vst v63  }
0xa1: {  	_ =	swait.ge [sflag:s26], $0x4000  }
0xa2: {  	[sflag:s26] =	ssyncset.done $0x0  }
0xa3: {  	[sflag:s26] =	ssyncadd.s32 $0xFFFFC000  }
0xa4: {  	[hbm4b:s12+s2] =	stream.linear.scatter [tilespmem:s25], [sflag:$0x3], $0x4000, $0x38;
	[tilespmem:$0x1D100] =	vst v63  }
0xa5: {  	_ =	swait.ge [sflag:s26], $0x4000  }
0xa6: {  	[sflag:s26] =	ssyncset.done $0x0  }
0xa7: {  	[sflag:s26] =	ssyncadd.s32 $0xFFFFC000  }
0xa8: {  	[tilespmem:s25], [sflag:$0x3] =	stream.linear.gather [spmem:s19], $0x4000, $0x38;
	[tilespmem:$0x1D100] =	vst v63  }
0xa9: {  	_ =	swait.ge [sflag:s26], $0x4000  }
0xaa: {  	[sflag:s26] =	ssyncset.done $0x0  }
0xab: {  	[sflag:s26] =	ssyncadd.s32 $0xFFFFC000  }
0xac: {  	[hbm4b:s13+s2] =	stream.linear.scatter [tilespmem:s25], [sflag:$0x3], $0x4000, $0x38;
	[tilespmem:$0x1D100] =	vst v63  }
0xad: {  	_ =	swait.ge [sflag:s26], $0x4000  }
0xae: {  	[sflag:s26] =	ssyncset.done $0x0  }
0xaf: {  	[sflag:s26] =	ssyncadd.s32 $0xFFFFC000  }
0xb0: {  	[tilespmem:s25], [sflag:$0x3] =	stream.linear.gather [spmem:s20], $0x4000, $0x38;
	[tilespmem:$0x1D100] =	vst v63  }
0xb1: {  	_ =	swait.ge [sflag:s26], $0x4000  }
0xb2: {  	[sflag:s26] =	ssyncset.done $0x0  }
0xb3: {  	[sflag:s26] =	ssyncadd.s32 $0xFFFFC000  }
0xb4: {  	[hbm4b:s14+s2] =	stream.linear.scatter [tilespmem:s25], [sflag:$0x3], $0x4000, $0x38;
	[tilespmem:$0x1D100] =	vst v63  }
0xb5: {  	_ =	swait.ge [sflag:s26], $0x4000  }
0xb6: {  	[sflag:s26] =	ssyncset.done $0x0  }
0xb7: {  	[sflag:s26] =	ssyncadd.s32 $0xFFFFC000  }
0xb8: {  	[tilespmem:s25], [sflag:$0x3] =	stream.linear.gather [spmem:s21], $0x4000, $0x38;
	[tilespmem:$0x1D100] =	vst v63  }
0xb9: {  	_ =	swait.ge [sflag:s26], $0x4000  }
0xba: {  	[sflag:s26] =	ssyncset.done $0x0  }
0xbb: {  	[sflag:s26] =	ssyncadd.s32 $0xFFFFC000  }
0xbc: {  	[hbm4b:s15+s2] =	stream.linear.scatter [tilespmem:s25], [sflag:$0x3], $0x4000, $0x38;
	[tilespmem:$0x1D100] =	vst v63  }
0xbd: {  	_ =	swait.ge [sflag:s26], $0x4000  }
0xbe: {  	s4 =	sadd.s32 $0x1, s4;
	s11 =	rddreg [dreg:$0x6]  }
0xbf: {  	p0 =	sne.s32 s4, s11  }
.Ltmp1:
0xc0: {  	_ = 	snop;
	(pc) =	sbr.rel @p0 .LBB2_1-.Ltmp1, $3  }
0xc1: {  	_ =	sdelay $0x1  }
0xc2: {  	[sflag:s26] =	ssyncset.done $0x0  }
0xc3: {  	[sflag:s26] =	ssyncadd.s32 $0xFFFFC000  }
0xc4: {  	_ =	sfence.sel $0x180000  }
0xc5: {  	[bflag:$0x0] =	sbarrier.arrive $0xFFFF  }
0xc6: {  	_ =	strace $0x9000004A  }
0xc7: {  	s0 =	stileid.u32;
	[bflag:$0x2] =	sbarrier.arrive $0xFFFF  }
0xc8: {  	p0 =	sne.s32 s0, $0x0;
	s0 =	rddreg [dreg:$0x2]  }
0xc9: {  	s0 =	sadd.s32 @!p0 $0x100000, s0  }
0xca: {  	[sflag:s0] =	ssyncadd.tile.s32 @!p0 $0x1;
	_ =	shalt  }
.Lfunc_end2:
_tile_overlayer_lowered:
.L_overlay_start_2:
0xcb: {  	(tag) =	ssettag $0x2  }
0xcc: {  	s0 =	rddreg [dreg:$0x0];
	s2 =	stileid.u32  }
0xcd: {  	s1 =	rddreg [dreg:$0x1];
	p0 =	sne.s32 s2, $0x0  }
0xce: {  	s3 =	rddreg [dreg:$0x2];
	[bflag:$0x3] =	sbarrier.arrive $0xFFFF;
	s2 =	simm.s32 @!p0 $0x1C03  }
0xcf: {  	[timem:s3], [sflag:s2] =	dma.local @!p0 [hbm:s0], s1  }
0xd0: {  	s0 =	simm.s32 @!p0 $0x3  }
0xd1: {  	_ =	swait.ge @!p0 [sflag:s0], s1  }
0xd2: {  	s1 =	ssub.s32 @!p0 $0x0, s1;
	[sflag:s0] =	ssyncset.done @!p0 $0x0  }
0xd3: {  	[sflag:s0] =	ssyncadd.s32 @!p0 s1  }
0xd4: {  	[bflag:$0x3] =	sbarrier.arrive $0xFFFF  }
0xd5: {  	_ =	shalt  }

// kernel: kernel.21.cloned.1.call-start
scs
__scs_entry_jumppad:
0x0: {  	(pc) =	sbr.rel $0x88, $3  }
0x1: {  	(tag) =	ssettag $0x0;
	lr =	simm.s32 $0x1  }
0x2: {  	[smem:$0x3F8C] =	sst lr;
	_ =	strace $0xD0000000  }
0x3: {  	_ = 	snop  }
0x4: {  	_ = 	snop  }
0x5: {  	_ = 	snop  }
0x6: {  	_ = 	snop  }
0x7: {  	_ = 	snop  }
__scs_overlays_trampoline_lowered:
0x8: {  	[smem:$0x3F9B] =	sst s0  }
0x9: {  	[smem:$0x3F9C] =	sst s1  }
0xa: {  	[smem:$0x3F9D] =	sst s2  }
0xb: {  	[smem:$0x3F9E] =	sst s3  }
0xc: {  	[smem:$0x3F9F] =	sst s4  }
0xd: {  	[smem:$0x3FA0] =	sst s5  }
0xe: {  	[smem:$0x3FA1] =	sst s6  }
0xf: {  	[smem:$0x3FA2] =	sst s7  }
0x10: {  	[smem:$0x3FA3] =	sst s8  }
0x11: {  	[smem:$0x3FA4] =	sst s9;
	s0 =	simm.s32 @!p0 $0x0  }
0x12: {  	s1 =	sld [smem:$0x3F8A];
	s0 =	simm.s32 @p0 $0x1  }
0x13: {  	[smem:$0x3FA5] =	sst s0;
	s0 =	simm.s32 @!p1 $0x0  }
0x14: {  	s2 =	sld [smem:$0x3F89];
	s0 =	simm.s32 @p1 $0x1  }
0x15: {  	[smem:$0x3FA6] =	sst s0;
	s0 =	simm.s32 @!p2 $0x0  }
0x16: {  	s3 =	sld [smem:$0x3FDB];
	s0 =	simm.s32 @p2 $0x1  }
0x17: {  	s4 =	simm.s32 $0x1BF5;
	[smem:$0x3FA8] =	sst s0  }
0x18: {  	s0 =	sld [smem:$0x3F8B];
	_ =	swait.ge [sflag:s4], $0x0  }
0x19: {  	s7 =	sld [smem:$0x3F8C]  }
0x1a: {  	s8 =	sadd.s32 $0xFFFFE003, lr  }
0x1b: {  	s9 =	sadd.s32 $0xFFFFFEF7, lr;
	s5 =	simm.s32 $0xFFFFFFFF;
	p2 =	slt.u32 s8, $0xFFFFF086  }
0x1c: {  	p1 =	slt.u32 s9, $0xF7A;
	s5 =	simm.s32 @!p2 $0x0  }
0x1d: {  	s5 =	simm.s32 @p1 $0x1;
	p0 =	seq.s32 s7, s2  }
0x1e: {  	s7 =	smul.u32 @!p0 $0xF7A, s2;
	p2 =	seq.s32 @!p0 s5, $0x0  }
0x1f: {  	s9 =	smul.u32 $0xF7A, s1;
	s8 =	simm.s32 @!p0 $0x1BF5;
	p2 =	por !p2, p0  }
0x20: {  	[sflag:s8] =	ssyncset.s32 @!p0 $0xFFFFF086;
	s6 =	sadd.s32 @!p0 s3, s7;
	s7 =	simm.s32 @!p0 $0x108  }
0x21: {  	s3 =	sadd.s32 s3, s9;
	s6 =	sadd.s32 @!p0 $0x88, s6;
	s7 =	simm.s32 @p2 $0x1082  }
0x22: {  	[simem:s7], [sflag:s8] =	dma.local @!p0 [hbm:s6], $0xF7A  }
0x23: {  	s9 =	sor.u32 $0xD0000000, s2;
	s6 =	simm.s32 $0x108;
	_ =	swait.ge @!p0 [sflag:s8], $0x0  }
0x24: {  	s3 =	sadd.s32 $0x88, s3;
	s6 =	simm.s32 @!p1 $0x1082;
	[sflag:s4] =	ssyncset.s32 $0xFFFFF086  }
0x25: {  	[simem:s6], [sflag:s4] =	dma.local [hbm:s3], $0xF7A  }
0x26: {  	[smem:$0x3F8C] =	sst s1;
	(tag) =	ssettag s2;
	_ =	strace s9  }
0x27: {  	s1 =	sld [smem:$0x3F9C]  }
0x28: {  	s2 =	sld [smem:$0x3F9D]  }
0x29: {  	s4 =	sld [smem:$0x3F9F]  }
0x2a: {  	p0 =	seq.s32 s5, $0x0;
	s5 =	sld [smem:$0x3FA0]  }
0x2b: {  	s6 =	sld [smem:$0x3FA1]  }
0x2c: {  	s7 =	sld [smem:$0x3FA2]  }
0x2d: {  	s3 =	simm.s32 $0x108;
	s8 =	sld [smem:$0x3FA3]  }
0x2e: {  	s3 =	simm.s32 @!p0 $0x1082;
	s9 =	sld [smem:$0x3FA4]  }
0x2f: {  	lr =	sadd.s32 s0, s3;
	s0 =	sld [smem:$0x3F9B]  }
0x30: {  	s3 =	sld [smem:$0x3F9E]  }
0x31: {  	[smem:$0x3FA7] =	sst s10  }
0x32: {  	s10 =	sld [smem:$0x3FA5];
	_ =	sdelay $0x3  }
0x33: {  	p0 =	seq.s32 s10, $0x1;
	s10 =	sld [smem:$0x3FA7];
	_ =	sdelay $0x3  }
0x34: {  	[smem:$0x3FA7] =	sst s10  }
0x35: {  	s10 =	sld [smem:$0x3FA6];
	_ =	sdelay $0x3  }
0x36: {  	p1 =	seq.s32 s10, $0x1;
	s10 =	sld [smem:$0x3FA7];
	_ =	sdelay $0x3  }
0x37: {  	[smem:$0x3FA7] =	sst s10  }
0x38: {  	s10 =	sld [smem:$0x3FA8]  }
0x39: {  	_ = 	snop;
	(pc) =	sbr.ind lr, $3  }
0x3a: {  	_ = 	snop  }
0x3b: {  	_ = 	snop  }
0x3c: {  	p2 =	seq.s32 s10, $0x1;
	s10 =	sld [smem:$0x3FA7]  }
0x3d: {  	_ =	shalt  }
0x3e: {  	_ =	shalt  }
0x3f: {  	_ =	shalt  }
0x40: {  	_ =	shalt  }
0x41: {  	_ =	shalt  }
0x42: {  	_ =	shalt  }
0x43: {  	_ =	shalt  }
0x44: {  	_ =	shalt  }
0x45: {  	_ =	shalt  }
0x46: {  	_ =	shalt  }
0x47: {  	_ =	shalt  }
0x48: {  	_ =	shalt  }
0x49: {  	_ =	shalt  }
0x4a: {  	_ =	shalt  }
0x4b: {  	_ =	shalt  }
0x4c: {  	_ =	shalt  }
0x4d: {  	_ =	shalt  }
0x4e: {  	_ =	shalt  }
0x4f: {  	_ =	shalt  }
0x50: {  	_ =	shalt  }
0x51: {  	_ =	shalt  }
0x52: {  	_ =	shalt  }
0x53: {  	_ =	shalt  }
0x54: {  	_ =	shalt  }
0x55: {  	_ =	shalt  }
0x56: {  	_ =	shalt  }
0x57: {  	_ =	shalt  }
0x58: {  	_ =	shalt  }
0x59: {  	_ =	shalt  }
0x5a: {  	_ =	shalt  }
0x5b: {  	_ =	shalt  }
0x5c: {  	_ =	shalt  }
0x5d: {  	_ =	shalt  }
0x5e: {  	_ =	shalt  }
0x5f: {  	_ =	shalt  }
0x60: {  	_ =	shalt  }
0x61: {  	_ =	shalt  }
0x62: {  	_ =	shalt  }
0x63: {  	_ =	shalt  }
0x64: {  	_ =	shalt  }
0x65: {  	_ =	shalt  }
0x66: {  	_ =	shalt  }
0x67: {  	_ =	shalt  }
0x68: {  	_ =	shalt  }
0x69: {  	_ =	shalt  }
0x6a: {  	_ =	shalt  }
0x6b: {  	_ =	shalt  }
0x6c: {  	_ =	shalt  }
0x6d: {  	_ =	shalt  }
0x6e: {  	_ =	shalt  }
0x6f: {  	_ =	shalt  }
0x70: {  	_ =	shalt  }
0x71: {  	_ =	shalt  }
0x72: {  	_ =	shalt  }
0x73: {  	_ =	shalt  }
0x74: {  	_ =	shalt  }
0x75: {  	_ =	shalt  }
0x76: {  	_ =	shalt  }
0x77: {  	_ =	shalt  }
0x78: {  	_ =	shalt  }
0x79: {  	_ =	shalt  }
0x7a: {  	_ =	shalt  }
0x7b: {  	_ =	shalt  }
0x7c: {  	_ =	shalt  }
0x7d: {  	_ =	shalt  }
0x7e: {  	_ =	shalt  }
0x7f: {  	_ =	shalt  }
0x80: {  	_ =	shalt  }
0x81: {  	_ =	shalt  }
0x82: {  	_ =	shalt  }
0x83: {  	_ =	shalt  }
0x84: {  	_ =	shalt  }
0x85: {  	_ =	shalt  }
0x86: {  	_ =	shalt  }
0x87: {  	_ =	shalt  }
.Lfunc_end0:
.L_simem_size_0:
called_computation.3_lowered:
.L_overlay_start_0:
0x88: {  	s2 =	sld [smem:$0x3FD9]  }
0x89: {  	s3 =	sld [smem:$0x3FFE];
	_ =	sdelay $0x1  }
0x8a: {  	s1 =	srdreg.scid  }
0x8b: {  	s0 =	sand.u32 $0x1, s1  }
0x8c: {  	s16 =	sshll.u32 s0, $0xA;
	s2 =	sadd.s32 s3, s2  }
0x8d: {  	s2 =	sadd.s32 s2, s16  }
0x8e: {  	[smem:$0x3FB3] =	sst s2  }
0x8f: {  	_ = 	snop  }
0x90: {  	(tm) =	ssettm $0x1  }
0x91: {  	s17 =	sld [smem:$0x3FFB];
	_ =	sdelay $0x3  }
0x92: {  	_ =	strace s17  }
0x93: {  	s2 =	sld [smem:$0x3FFC];
	_ =	sdelay $0x3  }
0x94: {  	_ =	strace s2  }
0x95: {  	s2 =	sld [smem:$0x3FFD];
	_ =	sdelay $0x3  }
0x96: {  	_ =	strace s2  }
0x97: {  	_ =	strace $0x8FFFFFFF  }
0x98: {  	s18 =	sld [smem:$0x3FDB];
	_ =	sdelay $0x1  }
0x99: {  	s19 =	simm.s32 $_scs_section_size  }
0x9a: {  	s4 =	simm.s32 $_size__tile_overlayer_lowered;
	s5 =	simm.s32 $_tile_overlayer_lowered  }
0x9b: {  	s22 =	simm.s32 $0x1BFF;
	s21 =	sshll.u32 s5, $0x1;
	s2 =	sadd.s32 s19, s18  }
0x9c: {  	s6 =	simm.s32 $0x0;
	s20 =	sshll.u32 s4, $0x1;
	s4 =	sadd.s32 s21, s2  }
0x9d: {  	[timem:s6], [sflag:s22] =	dma.local [hbm:s4], s20  }
0x9e: {  	_ =	swait.ge [sflag:s22], s20  }
0x9f: {  	s3 =	ssub.s32 $0x0, s20;
	[sflag:s22] =	ssyncset.done $0x0  }
0xa0: {  	[sflag:s22] =	ssyncadd.s32 s3;
	_ =	sdelay $0x1  }
0xa1: {  	s23 =	simm.s32 $0x1B8B  }
0xa2: {  	_ =	swait.ge [sflag:s23], $0x1  }
0xa3: {  	[sflag:s23] =	ssyncset.done $0x0  }
0xa4: {  	s25 =	simm.s32 $0x1B8E;
	s24 =	sld [smem:$0x3FFE];
	[sflag:s23] =	ssyncadd.s32 $0xFFFFFFFF  }
0xa5: {  	s26 =	simm.s32 $execute0_lowered;
	[smem:$0x3FD2] =	sst s25  }
0xa6: {  	s4 =	sshll.u32 s26, $0x1;
	_ =	strace $0x8000004F;
	[dreg:$0x1] =	wrdreg $0xFFFFFFFF  }
0xa7: {  	s28 =	simm.s32 $_size_execute0_lowered;
	s2 =	sadd.s32 s2, s4;
	[dreg:$0x0] =	wrdreg $0x0  }
0xa8: {  	s4 =	sshll.u32 s28, $0x1;
	[dreg:$0x2] =	wrdreg s2  }
0xa9: {  	[dreg:$0x3] =	wrdreg s4  }
0xaa: {  	[dreg:$0x4] =	wrdreg $0xC0  }
0xab: {  	_ =	task [dreg:s6], $0x5FFFF  }
0xac: {  	[dreg:$0x1] =	wrdreg $0xFFFFFFFF  }
0xad: {  	[dreg:$0x0] =	wrdreg $0x60  }
0xae: {  	[dreg:$0x2] =	wrdreg s24  }
0xaf: {  	[dreg:$0x3] =	wrdreg $0x9  }
0xb0: {  	_ =	task.clear_ibuf [dreg:s6], $0x4FFFF;
	_ =	strace $0x9000004F  }
0xb1: {  	s29 =	simm.s32 $0x9;
	_ =	strace $0x80000051  }
0xb2: {  	_ =	swait.ge [sflag:s29], $0x1  }
0xb3: {  	[sflag:s29] =	ssyncadd.s32 $0xFFFFFFFF  }
0xb4: {  	_ =	strace $0x90000051  }
0xb5: {  	_ =	sfence  }
0xb6: {  	s30 =	sld [smem:$0x0];
	_ =	sdelay $0x2  }
0xb7: {  	s31 =	sshll.u32 s1, $0xD;
	s1 =	sshrl.u32 s1, $0x2  }
0xb8: {  	s3 =	sand.u32 $0x4000, s31;
	s1 =	sadd.s32 s1, s30  }
0xb9: {  	s0 =	sor.u32 s3, s0;
	s1 =	sshll.u32 s1, $0x11  }
0xba: {  	s0 =	sor.u32 s1, s0  }
0xbb: {  	s0 =	sadd.s32 $0x8F2B, s0  }
0xbc: {  	[sflag:s0] =	ssyncadd.remote.s32 $0x1  }
0xbd: {  	_ =	sfence.sel $0xFFFF  }
0xbe: {  	[dreg:$0x0] =	wrdreg $0xFFFFFFFF;
	(pc) =	sbr.abs _section_cstart, $3  }
0xbf: {  	[dreg:$0x1] =	wrdreg $0xFFFFFFFF  }
0xc0: {  	_ =	task.clear_ibuf [dreg:s6], $0x2FFFF;
	_ =	strace $0x9FFFFFFF  }
0xc1: {  	(tm) =	ssettm $0x7FFFFFFF  }
tec
execute0_lowered:
.L_overlay_start_1:
0x0: {  	(tag) =	ssettag $0x1  }
0x1: {  	s0 =	srdreg.scid  }
0x2: {  	s1 =	rddreg [dreg:$0x0];
	s14 =	stileid.u32;
	s2 =	simm.s32 $0x0  }
0x3: {  	s16 =	simm.s32 $0x2780;
	s17 =	simm.s32 $0x50;
	s18 =	simm.s32 $0x4F00  }
0x4: {  	s19 =	simm.s32 $0x7700;
	s20 =	simm.s32 $0x9F00;
	s22 =	simm.s32 $0xC700  }
0x5: {  	s23 =	simm.s32 $0x1;
	s24 =	simm.s32 $0xEF00;
	s25 =	simm.s32 $0x11700  }
0x6: {  	s28 =	simm.s32 $0x16700;
	s29 =	simm.s32 $0x2;
	s0 =	sand.u32 $0x1, s0  }
0x7: {  	s3 =	sshll.u32 s0, $0x4;
	s6 =	ssub.s32 $0x2, s0;
	s0 =	smul.u32 $0x271000, s0  }
0x8: {  	[smem:$0x7FF] =	sst s2;
	s4 =	sor.u32 s14, s3;
	s14 =	smul.u32 $0x27100, s14  }
0x9: {  	s12 =	sadd.s32 $0x69400, s1;
	_ =	strace $0x80000050;
	s5 =	smul.u32 $0x2710, s4  }
0xa: {  	s3 =	sadd.s32 $0x1A800, s1;
	s7 =	sshrl.u32 s6, $0x1;
	s4 =	smul.u32 $0x138800, s4  }
0xb: {  	s13 =	ssub.s32 s6, s7;
	s15 =	sadd.s32 s0, s12;
	s5 =	sshrl.u32 s5, $0x3  }
0xc: {  	s10 =	sshrl.u32 s4, $0x3;
	s5 =	sadd.s32 s5, s1;
	s1 =	sadd.s32 $0xF0EC00, s1  }
0xd: {  	s30 =	sadd.s32 $0xA00, s10;
	s9 =	sadd.s32 $0xF00, s10;
	s11 =	sadd.s32 $0x26C00, s10  }
0xe: {  	s26 =	sadd.s32 $0x6C00, s5;
	s31 =	sadd.s32 $0x10A00, s5;
	s6 =	sadd.s32 s12, s30  }
.Ltmp0:
0xf: {  	s7 =	sadd.s32 s1, s30;
	s8 =	sadd.s32 s12, s9;
	(pc) =	sbr.rel .LBB2_1-.Ltmp0, $4  }
0x10: {  	s9 =	sadd.s32 s1, s9;
	s10 =	sadd.s32 s12, s11;
	s11 =	sadd.s32 s1, s11  }
0x11: {  	s12 =	smax.u32 s13, $0x1;
	s13 =	sadd.s32 s14, s15;
	[dreg:$0x2] =	wrdreg s26  }
0x12: {  	s0 =	sadd.s32 s0, s1;
	s15 =	simm.s32 $0x3;
	[dreg:$0x3] =	wrdreg s31  }
0x13: {  	s14 =	sadd.s32 s14, s0;
	s26 =	simm.s32 $0x13F00;
	s0 =	simm.s32 $0x0  }
.LBB2_4:
0x14: {  	_ =	swait.ge [sflag:s29], $0x2800  }
0x15: {  	[sflag:s29] =	ssyncset.done $0x0  }
0x16: {  	[sflag:s29] =	ssyncadd.s32 $0xFFFFD800  }
0x17: {  	_ =	swait.ge [sflag:s29], $0x2800  }
0x18: {  	[sflag:s29] =	ssyncset.done $0x0  }
0x19: {  	[sflag:s29] =	ssyncadd.s32 $0xFFFFD800  }
0x1a: {  	_ =	swait.ge [sflag:s29], $0x2800  }
0x1b: {  	[sflag:s29] =	ssyncset.done $0x0  }
0x1c: {  	[sflag:s29] =	ssyncadd.s32 $0xFFFFD800  }
0x1d: {  	_ =	swait.ge [sflag:s29], $0x2800  }
0x1e: {  	[sflag:s29] =	ssyncset.done $0x0  }
0x1f: {  	s1 =	simm.s32 $0x26C0;
	[sflag:s29] =	ssyncadd.s32 $0xFFFFD800  }
0x20: {  	[tilespmem:s18], [sflag:$0x1] =	stream.indirect.gather [hbm4b:s3+s17], $0x80, s1, s17, $0xb8;
	[tilespmem:$0x18F00] =	vst v63  }
0x21: {  	s31 =	simm.s32 $0x4E40  }
0x22: {  	[tilespmem:s19], [sflag:$0x1] =	stream.indirect.gather [hbm4b:s3+s17], $0x80, s31, s17, $0xb8;
	[tilespmem:$0x18F00] =	vst v63  }
0x23: {  	_ =	swait.ge [sflag:s23], $0x2800  }
0x24: {  	[sflag:s23] =	ssyncset.done $0x0  }
0x25: {  	[sflag:s23] =	ssyncadd.s32 $0xFFFFD800  }
0x26: {  	_ =	swait.ge [sflag:s23], $0x2800  }
0x27: {  	[sflag:s23] =	ssyncset.done $0x0  }
0x28: {  	[sflag:s23] =	ssyncadd.s32 $0xFFFFD800  }
0x29: {  	[hbm4b:s10+s2] =	stream.linear.scatter [tilespmem:s18], [sflag:$0x2], $0x2800, $0x38;
	[tilespmem:$0x18F00] =	vst v63  }
0x2a: {  	s0 =	sadd.s32 $0x1, s0  }
0x2b: {  	[hbm4b:s11+s2] =	stream.linear.scatter [tilespmem:s19], [sflag:$0x2], $0x2800, $0x38;
	[tilespmem:$0x18F00] =	vst v63  }
0x2c: {  	p0 =	sne.s32 s0, s12;
	_ =	swait.ge [sflag:s29], $0x2800  }
.Ltmp1:
0x2d: {  	[sflag:s29] =	ssyncset.done $0x0;
	(pc) =	sbr.rel @!p0 .LBB2_5-.Ltmp1, $4  }
0x2e: {  	[sflag:s29] =	ssyncadd.s32 $0xFFFFD800  }
0x2f: {  	_ =	swait.ge [sflag:s29], $0x2800  }
0x30: {  	[sflag:s29] =	ssyncset.done $0x0  }
0x31: {  	[sflag:s29] =	ssyncadd.s32 $0xFFFFD800  }
.LBB2_1:
0x32: {  	s1 =	rddreg [dreg:$0x2]  }
0x33: {  	[tilespmem:s2], [sflag:$0x3] =	stream.linear.gather [hbm4b:s1+s2], $0x2710, $0x38;
	[tilespmem:$0x18F00] =	vst v63  }
0x34: {  	_ =	swait.ge [sflag:s15], $0x2710  }
0x35: {  	[sflag:s15] =	ssyncset.done $0x0  }
0x36: {  	s30 =	rddreg [dreg:$0x3];
	[sflag:s15] =	ssyncadd.s32 $0xFFFFD8F0  }
0x37: {  	[tilespmem:s16], [sflag:$0x3] =	stream.linear.gather [hbm4b:s30+s2], $0x2710, $0x38;
	[tilespmem:$0x18F00] =	vst v63  }
0x38: {  	_ =	swait.ge [sflag:s15], $0x2710  }
0x39: {  	[sflag:s15] =	ssyncset.done $0x0  }
0x3a: {  	[sflag:s15] =	ssyncadd.s32 $0xFFFFD8F0  }
0x3b: {  	[tilespmem:s18], [sflag:$0x1] =	stream.indirect.gather [hbm4b:s3+s17], $0x80, s2, s17, $0xb8;
	[tilespmem:$0x18F00] =	vst v63  }
0x3c: {  	_ = 	snop  }
0x3d: {  	[tilespmem:s19], [sflag:$0x1] =	stream.indirect.gather [hbm4b:s3+s17], $0x80, s16, s17, $0xb8;
	[tilespmem:$0x18F00] =	vst v63  }
0x3e: {  	_ = 	snop  }
0x3f: {  	[tilespmem:s20], [sflag:$0x1] =	stream.indirect.gather [hbm4b:s3+s17], $0x80, s17, s17, $0xb8;
	[tilespmem:$0x18F00] =	vst v63  }
0x40: {  	s31 =	simm.s32 $0x27D0  }
0x41: {  	[tilespmem:s22], [sflag:$0x1] =	stream.indirect.gather [hbm4b:s3+s17], $0x80, s31, s17, $0xb8;
	[tilespmem:$0x18F00] =	vst v63  }
0x42: {  	_ =	swait.ge [sflag:s23], $0x2800  }
0x43: {  	[sflag:s23] =	ssyncset.done $0x0  }
0x44: {  	[sflag:s23] =	ssyncadd.s32 $0xFFFFD800  }
0x45: {  	_ =	swait.ge [sflag:s23], $0x2800  }
0x46: {  	[sflag:s23] =	ssyncset.done $0x0  }
0x47: {  	[sflag:s23] =	ssyncadd.s32 $0xFFFFD800  }
0x48: {  	_ =	swait.ge [sflag:s23], $0x2800  }
0x49: {  	[sflag:s23] =	ssyncset.done $0x0  }
0x4a: {  	[sflag:s23] =	ssyncadd.s32 $0xFFFFD800  }
0x4b: {  	_ =	swait.ge [sflag:s23], $0x2800  }
0x4c: {  	[sflag:s23] =	ssyncset.done $0x0  }
0x4d: {  	[sflag:s23] =	ssyncadd.s32 $0xFFFFD800  }
0x4e: {  	[hbm4b:s6+s2] =	stream.linear.scatter [tilespmem:s24], [sflag:$0x2], $0x2800, $0x38;
	[tilespmem:$0x18F00] =	vst v63  }
0x4f: {  	_ = 	snop  }
0x50: {  	[hbm4b:s7+s2] =	stream.linear.scatter [tilespmem:s25], [sflag:$0x2], $0x2800, $0x38;
	[tilespmem:$0x18F00] =	vst v63  }
0x51: {  	_ = 	snop  }
0x52: {  	[hbm4b:s8+s2] =	stream.linear.scatter [tilespmem:s26], [sflag:$0x2], $0x2800, $0x38;
	[tilespmem:$0x18F00] =	vst v63  }
0x53: {  	s21 =	simm.s32 $0x0;
	s1 =	simm.s32 $0x0  }
0x54: {  	[hbm4b:s9+s2] =	stream.linear.scatter [tilespmem:s28], [sflag:$0x2], $0x2800, $0x38;
	[tilespmem:$0x18F00] =	vst v63  }
.LBB2_2:
0x55: {  	_ =	swait.ge [sflag:s29], $0x2800  }
0x56: {  	[sflag:s29] =	ssyncset.done $0x0  }
0x57: {  	[sflag:s29] =	ssyncadd.s32 $0xFFFFD800  }
0x58: {  	_ =	swait.ge [sflag:s29], $0x2800  }
0x59: {  	[sflag:s29] =	ssyncset.done $0x0  }
0x5a: {  	[sflag:s29] =	ssyncadd.s32 $0xFFFFD800  }
0x5b: {  	_ =	swait.ge [sflag:s29], $0x2800  }
0x5c: {  	[sflag:s29] =	ssyncset.done $0x0  }
0x5d: {  	[sflag:s29] =	ssyncadd.s32 $0xFFFFD800  }
0x5e: {  	_ =	swait.ge [sflag:s29], $0x2800  }
0x5f: {  	[sflag:s29] =	ssyncset.done $0x0  }
0x60: {  	s31 =	sadd.s32 s21, s13;
	[sflag:s29] =	ssyncadd.s32 $0xFFFFD800  }
0x61: {  	[hbm4b:s31+s2] =	stream.linear.scatter [tilespmem:s18], [sflag:$0x2], $0x2800, $0x38;
	[tilespmem:$0x18F00] =	vst v63  }
0x62: {  	s4 =	sadd.s32 s21, s14  }
0x63: {  	[hbm4b:s4+s2] =	stream.linear.scatter [tilespmem:s19], [sflag:$0x2], $0x2800, $0x38;
	[tilespmem:$0x18F00] =	vst v63  }
0x64: {  	s30 =	sadd.s32 $0x500, s31  }
0x65: {  	[hbm4b:s30+s2] =	stream.linear.scatter [tilespmem:s20], [sflag:$0x2], $0x2800, $0x38;
	[tilespmem:$0x18F00] =	vst v63  }
0x66: {  	s30 =	sadd.s32 $0x500, s4  }
0x67: {  	[hbm4b:s30+s2] =	stream.linear.scatter [tilespmem:s22], [sflag:$0x2], $0x2800, $0x38;
	[tilespmem:$0x18F00] =	vst v63  }
0x68: {  	s30 =	sshra.s32 s1, $0x2  }
0x69: {  	s5 =	sadd.s32 $0xA0, s30  }
0x6a: {  	[tilespmem:s24], [sflag:$0x1] =	stream.indirect.gather [hbm4b:s3+s17], $0x80, s5, s17, $0xb8;
	[tilespmem:$0x18F00] =	vst v63  }
0x6b: {  	s5 =	sadd.s32 $0x2820, s30  }
0x6c: {  	[tilespmem:s25], [sflag:$0x1] =	stream.indirect.gather [hbm4b:s3+s17], $0x80, s5, s17, $0xb8;
	[tilespmem:$0x18F00] =	vst v63  }
0x6d: {  	s5 =	sadd.s32 $0xF0, s30  }
0x6e: {  	[tilespmem:s26], [sflag:$0x1] =	stream.indirect.gather [hbm4b:s3+s17], $0x80, s5, s17, $0xb8;
	[tilespmem:$0x18F00] =	vst v63  }
0x6f: {  	s5 =	sadd.s32 $0x2870, s30  }
0x70: {  	[tilespmem:s28], [sflag:$0x1] =	stream.indirect.gather [hbm4b:s3+s17], $0x80, s5, s17, $0xb8;
	[tilespmem:$0x18F00] =	vst v63  }
0x71: {  	_ =	swait.ge [sflag:s23], $0x2800  }
0x72: {  	[sflag:s23] =	ssyncset.done $0x0  }
0x73: {  	[sflag:s23] =	ssyncadd.s32 $0xFFFFD800  }
0x74: {  	_ =	swait.ge [sflag:s23], $0x2800  }
0x75: {  	[sflag:s23] =	ssyncset.done $0x0  }
0x76: {  	[sflag:s23] =	ssyncadd.s32 $0xFFFFD800  }
0x77: {  	_ =	swait.ge [sflag:s23], $0x2800  }
0x78: {  	[sflag:s23] =	ssyncset.done $0x0  }
0x79: {  	[sflag:s23] =	ssyncadd.s32 $0xFFFFD800  }
0x7a: {  	_ =	swait.ge [sflag:s23], $0x2800  }
0x7b: {  	[sflag:s23] =	ssyncset.done $0x0  }
0x7c: {  	[sflag:s23] =	ssyncadd.s32 $0xFFFFD800  }
0x7d: {  	_ =	swait.ge [sflag:s29], $0x2800  }
0x7e: {  	[sflag:s29] =	ssyncset.done $0x0  }
0x7f: {  	[sflag:s29] =	ssyncadd.s32 $0xFFFFD800  }
0x80: {  	_ =	swait.ge [sflag:s29], $0x2800  }
0x81: {  	[sflag:s29] =	ssyncset.done $0x0  }
0x82: {  	[sflag:s29] =	ssyncadd.s32 $0xFFFFD800  }
0x83: {  	_ =	swait.ge [sflag:s29], $0x2800  }
0x84: {  	[sflag:s29] =	ssyncset.done $0x0  }
0x85: {  	[sflag:s29] =	ssyncadd.s32 $0xFFFFD800  }
0x86: {  	_ =	swait.ge [sflag:s29], $0x2800  }
0x87: {  	[sflag:s29] =	ssyncset.done $0x0  }
0x88: {  	s5 =	sadd.s32 $0xA00, s31;
	[sflag:s29] =	ssyncadd.s32 $0xFFFFD800  }
0x89: {  	[hbm4b:s5+s2] =	stream.linear.scatter [tilespmem:s24], [sflag:$0x2], $0x2800, $0x38;
	[tilespmem:$0x18F00] =	vst v63  }
0x8a: {  	p0 =	seq.s32 s21, $0x25800;
	s5 =	sadd.s32 $0xA00, s4  }
0x8b: {  	[hbm4b:s5+s2] =	stream.linear.scatter [tilespmem:s25], [sflag:$0x2], $0x2800, $0x38;
	[tilespmem:$0x18F00] =	vst v63  }
.Ltmp2:
0x8c: {  	_ = 	snop;
	(pc) =	sbr.rel @p0 .LBB2_4-.Ltmp2, $4  }
0x8d: {  	s31 =	sadd.s32 $0xF00, s31  }
0x8e: {  	[hbm4b:s31+s2] =	stream.linear.scatter [tilespmem:s26], [sflag:$0x2], $0x2800, $0x38;
	[tilespmem:$0x18F00] =	vst v63  }
0x8f: {  	s4 =	sadd.s32 $0xF00, s4  }
0x90: {  	[hbm4b:s4+s2] =	stream.linear.scatter [tilespmem:s28], [sflag:$0x2], $0x2800, $0x38;
	[tilespmem:$0x18F00] =	vst v63  }
0x91: {  	s4 =	sadd.s32 $0x140, s30  }
0x92: {  	[tilespmem:s18], [sflag:$0x1] =	stream.indirect.gather [hbm4b:s3+s17], $0x80, s4, s17, $0xb8;
	[tilespmem:$0x18F00] =	vst v63  }
0x93: {  	s31 =	sadd.s32 $0x28C0, s30  }
0x94: {  	[tilespmem:s19], [sflag:$0x1] =	stream.indirect.gather [hbm4b:s3+s17], $0x80, s31, s17, $0xb8;
	[tilespmem:$0x18F00] =	vst v63  }
0x95: {  	s5 =	sadd.s32 $0x190, s30  }
0x96: {  	[tilespmem:s20], [sflag:$0x1] =	stream.indirect.gather [hbm4b:s3+s17], $0x80, s5, s17, $0xb8;
	[tilespmem:$0x18F00] =	vst v63  }
0x97: {  	s31 =	sadd.s32 $0x2910, s30  }
0x98: {  	[tilespmem:s22], [sflag:$0x1] =	stream.indirect.gather [hbm4b:s3+s17], $0x80, s31, s17, $0xb8;
	[tilespmem:$0x18F00] =	vst v63  }
0x99: {  	_ =	swait.ge [sflag:s23], $0x2800  }
0x9a: {  	[sflag:s23] =	ssyncset.done $0x0  }
0x9b: {  	[sflag:s23] =	ssyncadd.s32 $0xFFFFD800  }
0x9c: {  	_ =	swait.ge [sflag:s23], $0x2800  }
0x9d: {  	[sflag:s23] =	ssyncset.done $0x0  }
0x9e: {  	[sflag:s23] =	ssyncadd.s32 $0xFFFFD800  }
0x9f: {  	_ =	swait.ge [sflag:s23], $0x2800  }
.Ltmp3:
0xa0: {  	[sflag:s23] =	ssyncset.done $0x0;
	(pc) =	sbr.rel .LBB2_2-.Ltmp3, $4  }
0xa1: {  	[sflag:s23] =	ssyncadd.s32 $0xFFFFD800  }
0xa2: {  	_ =	swait.ge [sflag:s23], $0x2800  }
0xa3: {  	[sflag:s23] =	ssyncset.done $0x0  }
0xa4: {  	s21 =	sadd.s32 $0x1400, s21;
	s1 =	sadd.s32 $0x500, s1;
	[sflag:s23] =	ssyncadd.s32 $0xFFFFD800  }
.LBB2_5:
0xa5: {  	_ =	sfence.sel $0x180000  }
0xa6: {  	[bflag:$0x0] =	sbarrier.arrive $0xFFFF  }
0xa7: {  	_ =	strace $0x90000050  }
0xa8: {  	s0 =	stileid.u32;
	[bflag:$0x2] =	sbarrier.arrive $0xFFFF  }
0xa9: {  	p0 =	sne.s32 s0, $0x0;
	s0 =	rddreg [dreg:$0x1]  }
0xaa: {  	s0 =	sadd.s32 @!p0 $0x100000, s0  }
0xab: {  	[sflag:s0] =	ssyncadd.tile.s32 @!p0 $0x1;
	_ =	shalt  }
.Lfunc_end2:
_tile_overlayer_lowered:
.L_overlay_start_2:
0xac: {  	(tag) =	ssettag $0x2  }
0xad: {  	s0 =	rddreg [dreg:$0x0];
	s2 =	stileid.u32  }
0xae: {  	s1 =	rddreg [dreg:$0x1];
	p0 =	sne.s32 s2, $0x0  }
0xaf: {  	s3 =	rddreg [dreg:$0x2];
	[bflag:$0x3] =	sbarrier.arrive $0xFFFF;
	s2 =	simm.s32 @!p0 $0x1C03  }
0xb0: {  	[timem:s3], [sflag:s2] =	dma.local @!p0 [hbm:s0], s1  }
0xb1: {  	s0 =	simm.s32 @!p0 $0x3  }
0xb2: {  	_ =	swait.ge @!p0 [sflag:s0], s1  }
0xb3: {  	s1 =	ssub.s32 @!p0 $0x0, s1;
	[sflag:s0] =	ssyncset.done @!p0 $0x0  }
0xb4: {  	[sflag:s0] =	ssyncadd.s32 @!p0 s1  }
0xb5: {  	[bflag:$0x3] =	sbarrier.arrive $0xFFFF  }
0xb6: {  	_ =	shalt  }

// kernel: kernel.24.cloned.1.call-start
scs
__scs_entry_jumppad:
0x0: {  	(pc) =	sbr.rel $0x88, $3  }
0x1: {  	(tag) =	ssettag $0x0;
	lr =	simm.s32 $0x1  }
0x2: {  	[smem:$0x3F8C] =	sst lr;
	_ =	strace $0xD0000000  }
0x3: {  	_ = 	snop  }
0x4: {  	_ = 	snop  }
0x5: {  	_ = 	snop  }
0x6: {  	_ = 	snop  }
0x7: {  	_ = 	snop  }
__scs_overlays_trampoline_lowered:
0x8: {  	[smem:$0x3F9B] =	sst s0  }
0x9: {  	[smem:$0x3F9C] =	sst s1  }
0xa: {  	[smem:$0x3F9D] =	sst s2  }
0xb: {  	[smem:$0x3F9E] =	sst s3  }
0xc: {  	[smem:$0x3F9F] =	sst s4  }
0xd: {  	[smem:$0x3FA0] =	sst s5  }
0xe: {  	[smem:$0x3FA1] =	sst s6  }
0xf: {  	[smem:$0x3FA2] =	sst s7  }
0x10: {  	[smem:$0x3FA3] =	sst s8  }
0x11: {  	[smem:$0x3FA4] =	sst s9;
	s0 =	simm.s32 @!p0 $0x0  }
0x12: {  	s1 =	sld [smem:$0x3F8A];
	s0 =	simm.s32 @p0 $0x1  }
0x13: {  	[smem:$0x3FA5] =	sst s0;
	s0 =	simm.s32 @!p1 $0x0  }
0x14: {  	s2 =	sld [smem:$0x3F89];
	s0 =	simm.s32 @p1 $0x1  }
0x15: {  	[smem:$0x3FA6] =	sst s0;
	s0 =	simm.s32 @!p2 $0x0  }
0x16: {  	s3 =	sld [smem:$0x3FDB];
	s0 =	simm.s32 @p2 $0x1  }
0x17: {  	s4 =	simm.s32 $0x1BF5;
	[smem:$0x3FA8] =	sst s0  }
0x18: {  	s0 =	sld [smem:$0x3F8B];
	_ =	swait.ge [sflag:s4], $0x0  }
0x19: {  	s7 =	sld [smem:$0x3F8C]  }
0x1a: {  	s8 =	sadd.s32 $0xFFFFE003, lr  }
0x1b: {  	s9 =	sadd.s32 $0xFFFFFEF7, lr;
	s5 =	simm.s32 $0xFFFFFFFF;
	p2 =	slt.u32 s8, $0xFFFFF086  }
0x1c: {  	p1 =	slt.u32 s9, $0xF7A;
	s5 =	simm.s32 @!p2 $0x0  }
0x1d: {  	s5 =	simm.s32 @p1 $0x1;
	p0 =	seq.s32 s7, s2  }
0x1e: {  	s7 =	smul.u32 @!p0 $0xF7A, s2;
	p2 =	seq.s32 @!p0 s5, $0x0  }
0x1f: {  	s9 =	smul.u32 $0xF7A, s1;
	s8 =	simm.s32 @!p0 $0x1BF5;
	p2 =	por !p2, p0  }
0x20: {  	[sflag:s8] =	ssyncset.s32 @!p0 $0xFFFFF086;
	s6 =	sadd.s32 @!p0 s3, s7;
	s7 =	simm.s32 @!p0 $0x108  }
0x21: {  	s3 =	sadd.s32 s3, s9;
	s6 =	sadd.s32 @!p0 $0x88, s6;
	s7 =	simm.s32 @p2 $0x1082  }
0x22: {  	[simem:s7], [sflag:s8] =	dma.local @!p0 [hbm:s6], $0xF7A  }
0x23: {  	s9 =	sor.u32 $0xD0000000, s2;
	s6 =	simm.s32 $0x108;
	_ =	swait.ge @!p0 [sflag:s8], $0x0  }
0x24: {  	s3 =	sadd.s32 $0x88, s3;
	s6 =	simm.s32 @!p1 $0x1082;
	[sflag:s4] =	ssyncset.s32 $0xFFFFF086  }
0x25: {  	[simem:s6], [sflag:s4] =	dma.local [hbm:s3], $0xF7A  }
0x26: {  	[smem:$0x3F8C] =	sst s1;
	(tag) =	ssettag s2;
	_ =	strace s9  }
0x27: {  	s1 =	sld [smem:$0x3F9C]  }
0x28: {  	s2 =	sld [smem:$0x3F9D]  }
0x29: {  	s4 =	sld [smem:$0x3F9F]  }
0x2a: {  	p0 =	seq.s32 s5, $0x0;
	s5 =	sld [smem:$0x3FA0]  }
0x2b: {  	s6 =	sld [smem:$0x3FA1]  }
0x2c: {  	s7 =	sld [smem:$0x3FA2]  }
0x2d: {  	s3 =	simm.s32 $0x108;
	s8 =	sld [smem:$0x3FA3]  }
0x2e: {  	s3 =	simm.s32 @!p0 $0x1082;
	s9 =	sld [smem:$0x3FA4]  }
0x2f: {  	lr =	sadd.s32 s0, s3;
	s0 =	sld [smem:$0x3F9B]  }
0x30: {  	s3 =	sld [smem:$0x3F9E]  }
0x31: {  	[smem:$0x3FA7] =	sst s10  }
0x32: {  	s10 =	sld [smem:$0x3FA5];
	_ =	sdelay $0x3  }
0x33: {  	p0 =	seq.s32 s10, $0x1;
	s10 =	sld [smem:$0x3FA7];
	_ =	sdelay $0x3  }
0x34: {  	[smem:$0x3FA7] =	sst s10  }
0x35: {  	s10 =	sld [smem:$0x3FA6];
	_ =	sdelay $0x3  }
0x36: {  	p1 =	seq.s32 s10, $0x1;
	s10 =	sld [smem:$0x3FA7];
	_ =	sdelay $0x3  }
0x37: {  	[smem:$0x3FA7] =	sst s10  }
0x38: {  	s10 =	sld [smem:$0x3FA8]  }
0x39: {  	_ = 	snop;
	(pc) =	sbr.ind lr, $3  }
0x3a: {  	_ = 	snop  }
0x3b: {  	_ = 	snop  }
0x3c: {  	p2 =	seq.s32 s10, $0x1;
	s10 =	sld [smem:$0x3FA7]  }
0x3d: {  	_ =	shalt  }
0x3e: {  	_ =	shalt  }
0x3f: {  	_ =	shalt  }
0x40: {  	_ =	shalt  }
0x41: {  	_ =	shalt  }
0x42: {  	_ =	shalt  }
0x43: {  	_ =	shalt  }
0x44: {  	_ =	shalt  }
0x45: {  	_ =	shalt  }
0x46: {  	_ =	shalt  }
0x47: {  	_ =	shalt  }
0x48: {  	_ =	shalt  }
0x49: {  	_ =	shalt  }
0x4a: {  	_ =	shalt  }
0x4b: {  	_ =	shalt  }
0x4c: {  	_ =	shalt  }
0x4d: {  	_ =	shalt  }
0x4e: {  	_ =	shalt  }
0x4f: {  	_ =	shalt  }
0x50: {  	_ =	shalt  }
0x51: {  	_ =	shalt  }
0x52: {  	_ =	shalt  }
0x53: {  	_ =	shalt  }
0x54: {  	_ =	shalt  }
0x55: {  	_ =	shalt  }
0x56: {  	_ =	shalt  }
0x57: {  	_ =	shalt  }
0x58: {  	_ =	shalt  }
0x59: {  	_ =	shalt  }
0x5a: {  	_ =	shalt  }
0x5b: {  	_ =	shalt  }
0x5c: {  	_ =	shalt  }
0x5d: {  	_ =	shalt  }
0x5e: {  	_ =	shalt  }
0x5f: {  	_ =	shalt  }
0x60: {  	_ =	shalt  }
0x61: {  	_ =	shalt  }
0x62: {  	_ =	shalt  }
0x63: {  	_ =	shalt  }
0x64: {  	_ =	shalt  }
0x65: {  	_ =	shalt  }
0x66: {  	_ =	shalt  }
0x67: {  	_ =	shalt  }
0x68: {  	_ =	shalt  }
0x69: {  	_ =	shalt  }
0x6a: {  	_ =	shalt  }
0x6b: {  	_ =	shalt  }
0x6c: {  	_ =	shalt  }
0x6d: {  	_ =	shalt  }
0x6e: {  	_ =	shalt  }
0x6f: {  	_ =	shalt  }
0x70: {  	_ =	shalt  }
0x71: {  	_ =	shalt  }
0x72: {  	_ =	shalt  }
0x73: {  	_ =	shalt  }
0x74: {  	_ =	shalt  }
0x75: {  	_ =	shalt  }
0x76: {  	_ =	shalt  }
0x77: {  	_ =	shalt  }
0x78: {  	_ =	shalt  }
0x79: {  	_ =	shalt  }
0x7a: {  	_ =	shalt  }
0x7b: {  	_ =	shalt  }
0x7c: {  	_ =	shalt  }
0x7d: {  	_ =	shalt  }
0x7e: {  	_ =	shalt  }
0x7f: {  	_ =	shalt  }
0x80: {  	_ =	shalt  }
0x81: {  	_ =	shalt  }
0x82: {  	_ =	shalt  }
0x83: {  	_ =	shalt  }
0x84: {  	_ =	shalt  }
0x85: {  	_ =	shalt  }
0x86: {  	_ =	shalt  }
0x87: {  	_ =	shalt  }
.Lfunc_end0:
.L_simem_size_0:
called_computation.4_lowered:
.L_overlay_start_0:
0x88: {  	s2 =	sld [smem:$0x3FD9]  }
0x89: {  	s3 =	sld [smem:$0x3FFE];
	_ =	sdelay $0x1  }
0x8a: {  	s1 =	srdreg.scid  }
0x8b: {  	s0 =	sand.u32 $0x1, s1  }
0x8c: {  	s16 =	sshll.u32 s0, $0xA;
	s2 =	sadd.s32 s3, s2  }
0x8d: {  	s2 =	sadd.s32 s2, s16  }
0x8e: {  	[smem:$0x3FB3] =	sst s2  }
0x8f: {  	_ = 	snop  }
0x90: {  	(tm) =	ssettm $0x1  }
0x91: {  	s17 =	sld [smem:$0x3FFB];
	_ =	sdelay $0x3  }
0x92: {  	_ =	strace s17  }
0x93: {  	s2 =	sld [smem:$0x3FFC];
	_ =	sdelay $0x3  }
0x94: {  	_ =	strace s2  }
0x95: {  	s2 =	sld [smem:$0x3FFD];
	_ =	sdelay $0x3  }
0x96: {  	_ =	strace s2  }
0x97: {  	_ =	strace $0x8FFFFFFF  }
0x98: {  	s18 =	sld [smem:$0x3FDB];
	_ =	sdelay $0x1  }
0x99: {  	s19 =	simm.s32 $_scs_section_size  }
0x9a: {  	s4 =	simm.s32 $_size__tile_overlayer_lowered;
	s5 =	simm.s32 $_tile_overlayer_lowered  }
0x9b: {  	s22 =	simm.s32 $0x1BFF;
	s21 =	sshll.u32 s5, $0x1;
	s2 =	sadd.s32 s19, s18  }
0x9c: {  	s6 =	simm.s32 $0x0;
	s20 =	sshll.u32 s4, $0x1;
	s4 =	sadd.s32 s21, s2  }
0x9d: {  	[timem:s6], [sflag:s22] =	dma.local [hbm:s4], s20  }
0x9e: {  	_ =	swait.ge [sflag:s22], s20  }
0x9f: {  	s3 =	ssub.s32 $0x0, s20;
	[sflag:s22] =	ssyncset.done $0x0  }
0xa0: {  	[sflag:s22] =	ssyncadd.s32 s3;
	_ =	sdelay $0x1  }
0xa1: {  	s23 =	simm.s32 $0x1B8B  }
0xa2: {  	_ =	swait.ge [sflag:s23], $0x1  }
0xa3: {  	[sflag:s23] =	ssyncset.done $0x0  }
0xa4: {  	s25 =	simm.s32 $0x1B8E;
	s24 =	sld [smem:$0x3FFE];
	[sflag:s23] =	ssyncadd.s32 $0xFFFFFFFF  }
0xa5: {  	s26 =	simm.s32 $execute0_lowered;
	[smem:$0x3FD2] =	sst s25  }
0xa6: {  	s4 =	sshll.u32 s26, $0x1;
	_ =	strace $0x80000052;
	[dreg:$0x1] =	wrdreg $0xFFFFFFFF  }
0xa7: {  	s28 =	simm.s32 $_size_execute0_lowered;
	s2 =	sadd.s32 s2, s4;
	[dreg:$0x0] =	wrdreg $0x0  }
0xa8: {  	s4 =	sshll.u32 s28, $0x1;
	[dreg:$0x2] =	wrdreg s2  }
0xa9: {  	[dreg:$0x3] =	wrdreg s4  }
0xaa: {  	[dreg:$0x4] =	wrdreg $0xC0  }
0xab: {  	_ =	task [dreg:s6], $0x5FFFF  }
0xac: {  	[dreg:$0x1] =	wrdreg $0xFFFFFFFF  }
0xad: {  	[dreg:$0x0] =	wrdreg $0x60  }
0xae: {  	[dreg:$0x2] =	wrdreg s24  }
0xaf: {  	[dreg:$0x3] =	wrdreg $0x91000  }
0xb0: {  	[dreg:$0x4] =	wrdreg $0x9  }
0xb1: {  	_ =	task.clear_ibuf [dreg:s6], $0x5FFFF;
	_ =	strace $0x90000052  }
0xb2: {  	s29 =	simm.s32 $0x9;
	_ =	strace $0x80000054  }
0xb3: {  	_ =	swait.ge [sflag:s29], $0x1  }
0xb4: {  	[sflag:s29] =	ssyncadd.s32 $0xFFFFFFFF  }
0xb5: {  	_ =	strace $0x90000054  }
0xb6: {  	_ =	sfence  }
0xb7: {  	s30 =	sld [smem:$0x0];
	_ =	sdelay $0x2  }
0xb8: {  	s31 =	sshll.u32 s1, $0xD;
	s1 =	sshrl.u32 s1, $0x2  }
0xb9: {  	s3 =	sand.u32 $0x4000, s31;
	s1 =	sadd.s32 s1, s30  }
0xba: {  	s0 =	sor.u32 s3, s0;
	s1 =	sshll.u32 s1, $0x11  }
0xbb: {  	s0 =	sor.u32 s1, s0  }
0xbc: {  	s0 =	sadd.s32 $0x8F2B, s0  }
0xbd: {  	[sflag:s0] =	ssyncadd.remote.s32 $0x1  }
0xbe: {  	_ =	sfence.sel $0xFFFF  }
0xbf: {  	[dreg:$0x0] =	wrdreg $0xFFFFFFFF;
	(pc) =	sbr.abs _section_cstart, $3  }
0xc0: {  	[dreg:$0x1] =	wrdreg $0xFFFFFFFF  }
0xc1: {  	_ =	task.clear_ibuf [dreg:s6], $0x2FFFF;
	_ =	strace $0x9FFFFFFF  }
0xc2: {  	(tm) =	ssettm $0x7FFFFFFF  }
0xc3: {  	_ =	shalt  }
tec
execute0_lowered:
.L_overlay_start_1:
0x0: {  	(tag) =	ssettag $0x1  }
0x1: {  	s0 =	rddreg [dreg:$0x0]  }
0x2: {  	s1 =	rddreg [dreg:$0x1];
	s2 =	simm.s32 $0x0;
	s3 =	srdreg.scid  }
0x3: {  	s10 =	stileid.u32;
	s28 =	simm.s32 $0x100;
	s29 =	simm.s32 $0x80  }
0x4: {  	s30 =	simm.s32 $0x2900;
	s31 =	simm.s32 $0x1;
	[smem:$0x7FF] =	sst s2  }
0x5: {  	s3 =	sand.u32 $0x1, s3;
	s6 =	sadd.s32 $0x13F0C00, s0;
	s5 =	smul.u32 $0x50000, s10  }
0x6: {  	s7 =	sadd.s32 $0x10A00, s0;
	s9 =	sadd.s32 $0x68C00, s0;
	s18 =	smul.u32 $0x14000, s10  }
0x7: {  	s0 =	sadd.s32 $0x69400, s0;
	s24 =	smul.u32 $0x27100, s10;
	_ =	strace $0x80000053  }
0x8: {  	s4 =	sshll.u32 s3, $0x4;
	s8 =	ssub.s32 $0x2, s3;
	[dreg:$0x3] =	wrdreg s9  }
0x9: {  	s14 =	smul.u32 $0x140000, s3;
	s4 =	sor.u32 s10, s4;
	s16 =	sshrl.u32 s8, $0x1  }
0xa: {  	s5 =	sshrl.u32 s5, $0x2;
	s21 =	sadd.s32 $0x4000, s18;
	s4 =	smul.u32 $0x2710, s4  }
0xb: {  	s8 =	ssub.s32 s8, s16;
	s5 =	sadd.s32 s5, s1;
	s11 =	sadd.s32 s14, s18  }
0xc: {  	s12 =	sadd.s32 s14, s21;
	s8 =	smax.u32 s8, $0x1;
	s19 =	sadd.s32 $0x4000, s5  }
0xd: {  	s20 =	sadd.s32 $0x8000, s5;
	s11 =	sshrl.u32 s11, $0x3;
	[dreg:$0x6] =	wrdreg s8  }
0xe: {  	s12 =	sshrl.u32 s12, $0x3;
	s4 =	sadd.s32 $0x26C0, s4;
	[dreg:$0x7] =	wrdreg s19  }
0xf: {  	[dreg:$0x8] =	wrdreg s20;
	s19 =	sadd.s32 $0x8000, s18;
	s22 =	sadd.s32 s0, s11  }
0x10: {  	s12 =	sadd.s32 s0, s12;
	s20 =	sadd.s32 $0xC000, s18;
	s17 =	sshrl.u32 s4, $0x3  }
0x11: {  	s4 =	sshll.u32 s4, $0x4;
	s13 =	sadd.s32 s14, s19;
	[dreg:$0x9] =	wrdreg s22  }
0x12: {  	s15 =	sadd.s32 s14, s20;
	s19 =	sadd.s32 s19, s1;
	s20 =	sadd.s32 s20, s1  }
0x13: {  	s9 =	sadd.s32 s7, s17;
	s4 =	sadd.s32 s6, s4;
	s17 =	smul.u32 $0x271000, s3  }
0x14: {  	s13 =	sshrl.u32 s13, $0x3;
	s3 =	smul.u32 $0x27100, s3;
	[dreg:$0x4] =	wrdreg s9  }
0x15: {  	s15 =	sshrl.u32 s15, $0x3;
	[dreg:$0x5] =	wrdreg s4;
	s4 =	sadd.s32 $0x10000, s18  }
0x16: {  	s13 =	sadd.s32 s0, s13;
	s18 =	smul.u32 $0x2710, s10;
	s14 =	sadd.s32 s14, s4  }
0x17: {  	s23 =	sadd.s32 s17, s6;
	s17 =	sadd.s32 $0x10000, s5;
	s16 =	sshrl.u32 s14, $0x3  }
0x18: {  	s14 =	sadd.s32 s0, s15;
	s3 =	sadd.s32 s18, s3;
	s18 =	sadd.s32 s21, s1  }
0x19: {  	s21 =	sadd.s32 s4, s1;
	s4 =	simm.s32 $0x0;
	s15 =	sadd.s32 s0, s16  }
0x1a: {  	s16 =	sadd.s32 $0xC000, s5;
	s0 =	sadd.s32 s24, s23;
	s25 =	sadd.s32 $0x50, s3  }
0x1b: {  	s3 =	sshrl.u32 s3, $0x3;
	s26 =	sshrl.u32 s25, $0x3;
	s22 =	sadd.s32 $0x500, s0  }
0x1c: {  	s24 =	sadd.s32 s3, s7;
	s25 =	simm.s32 $0x5100;
	s0 =	simm.s32 $0x50  }
0x1d: {  	s3 =	simm.s32 $0x2;
	s23 =	sadd.s32 s26, s7;
	s26 =	simm.s32 $0x3  }
.LBB2_1:
0x1e: {  	s6 =	rddreg [dreg:$0x3]  }
0x1f: {  	[tilespmem:s25], [sflag:$0x3] =	stream.linear.gather [hbm4b:s6+s2], $0x4000, $0x38;
	[tilespmem:$0x1D100] =	vst v63  }
0x20: {  	_ =	swait.ge [sflag:s26], $0x4000  }
0x21: {  	[sflag:s26] =	ssyncset.done $0x0  }
0x22: {  	[sflag:s26] =	ssyncadd.s32 $0xFFFFC000  }
0x23: {  	[spmem:s5] =	stream.linear.scatter [tilespmem:s25], [sflag:$0x3], $0x4000, $0x38;
	[tilespmem:$0x1D100] =	vst v63  }
0x24: {  	_ =	swait.ge [sflag:s26], $0x4000  }
0x25: {  	[sflag:s26] =	ssyncset.done $0x0  }
0x26: {  	s7 =	rddreg [dreg:$0x7];
	[sflag:s26] =	ssyncadd.s32 $0xFFFFC000  }
0x27: {  	[spmem:s7] =	stream.linear.scatter [tilespmem:s25], [sflag:$0x3], $0x4000, $0x38;
	[tilespmem:$0x1D100] =	vst v63  }
0x28: {  	_ =	swait.ge [sflag:s26], $0x4000  }
0x29: {  	[sflag:s26] =	ssyncset.done $0x0  }
0x2a: {  	s8 =	rddreg [dreg:$0x8];
	[sflag:s26] =	ssyncadd.s32 $0xFFFFC000  }
0x2b: {  	[spmem:s8] =	stream.linear.scatter [tilespmem:s25], [sflag:$0x3], $0x4000, $0x38;
	[tilespmem:$0x1D100] =	vst v63  }
0x2c: {  	_ =	swait.ge [sflag:s26], $0x4000  }
0x2d: {  	[sflag:s26] =	ssyncset.done $0x0  }
0x2e: {  	[sflag:s26] =	ssyncadd.s32 $0xFFFFC000  }
0x2f: {  	[spmem:s16] =	stream.linear.scatter [tilespmem:s25], [sflag:$0x3], $0x4000, $0x38;
	[tilespmem:$0x1D100] =	vst v63  }
0x30: {  	_ =	swait.ge [sflag:s26], $0x4000  }
0x31: {  	[sflag:s26] =	ssyncset.done $0x0  }
0x32: {  	[sflag:s26] =	ssyncadd.s32 $0xFFFFC000  }
0x33: {  	[spmem:s17] =	stream.linear.scatter [tilespmem:s25], [sflag:$0x3], $0x4000, $0x38;
	[tilespmem:$0x1D100] =	vst v63  }
0x34: {  	_ =	swait.ge [sflag:s26], $0x4000  }
0x35: {  	[sflag:s26] =	ssyncset.done $0x0  }
0x36: {  	[sflag:s26] =	ssyncadd.s32 $0xFFFFC000  }
0x37: {  	s9 =	sadd.s32 $0x0, s24;
	[bflag:$0x0] =	sbarrier.arrive $0xFFFF  }
0x38: {  	[tilespmem:s2], [sflag:$0x1] =	stream.linear.gather [hbm4b:s9+s2], $0x50, $0x38;
	[tilespmem:$0x1D100] =	vst v63  }
0x39: {  	s10 =	sadd.s32 $0xFFFFFB00, s22  }
0x3a: {  	[tilespmem:s28], [sflag:$0x1] =	stream.linear.gather [hbm4b:s10+s2], $0x2800, $0x38;
	[tilespmem:$0x1D100] =	vst v63  }
0x3b: {  	s11 =	sadd.s32 $0x0, s23  }
0x3c: {  	[tilespmem:s29], [sflag:$0x1] =	stream.linear.gather [hbm4b:s11+s2], $0x50, $0x38;
	[tilespmem:$0x1D100] =	vst v63  }
0x3d: {  	_ = 	snop  }
0x3e: {  	[tilespmem:s30], [sflag:$0x1] =	stream.linear.gather [hbm4b:s22+s2], $0x2800, $0x38;
	[tilespmem:$0x1D100] =	vst v63  }
0x3f: {  	_ =	swait.ge [sflag:s31], $0x50  }
0x40: {  	[sflag:s31] =	ssyncset.done $0x0  }
0x41: {  	[sflag:s31] =	ssyncadd.s32 $0xFFFFFFB0  }
0x42: {  	_ =	swait.ge [sflag:s31], $0x2800  }
0x43: {  	[sflag:s31] =	ssyncset.done $0x0  }
0x44: {  	[sflag:s31] =	ssyncadd.s32 $0xFFFFD800  }
0x45: {  	[spmem:s1] =	stream.indirect.scatter.add.f32 [tilespmem:s28], [sflag:$0x2], $0x80, s2, s0, $0xb8;
	[tilespmem:$0x1D100] =	vst v63  }
0x46: {  	_ =	swait.ge [sflag:s31], $0x50  }
0x47: {  	[sflag:s31] =	ssyncset.done $0x0  }
0x48: {  	[sflag:s31] =	ssyncadd.s32 $0xFFFFFFB0  }
0x49: {  	_ =	swait.ge [sflag:s31], $0x2800  }
0x4a: {  	[sflag:s31] =	ssyncset.done $0x0  }
0x4b: {  	[sflag:s31] =	ssyncadd.s32 $0xFFFFD800  }
0x4c: {  	[spmem:s1] =	stream.indirect.scatter.add.f32 [tilespmem:s30], [sflag:$0x2], $0x80, s29, s0, $0xb8;
	[tilespmem:$0x1D100] =	vst v63  }
0x4d: {  	_ =	swait.ge [sflag:s3], $0x2800  }
0x4e: {  	[sflag:s3] =	ssyncset.done $0x0  }
0x4f: {  	[sflag:s3] =	ssyncadd.s32 $0xFFFFD800  }
0x50: {  	s6 =	simm.s32 $0x14;
	_ =	swait.ge [sflag:s3], $0x2800  }
0x51: {  	s7 =	sadd.s32 $0xA00, s22;
	s8 =	simm.s32 $0x28;
	[sflag:s3] =	ssyncset.done $0x0  }
.LBB2_2:
0x52: {  	s9 =	sadd.s32 s6, s24  }
0x53: {  	[sflag:s3] =	ssyncadd.s32 $0xFFFFD800;
	s10 =	smov.u32 s8;
	s11 =	sadd.s32 $0x14, s8  }
0x54: {  	[tilespmem:s2], [sflag:$0x1] =	stream.linear.gather [hbm4b:s9+s2], $0x50, $0x38;
	[tilespmem:$0x1D100] =	vst v63  }
0x55: {  	p0 =	sne.s32 s8, $0x4C4;
	s8 =	sadd.s32 $0xFFFFFB00, s7  }
0x56: {  	[tilespmem:s28], [sflag:$0x1] =	stream.linear.gather [hbm4b:s8+s2], $0x2800, $0x38;
	[tilespmem:$0x1D100] =	vst v63  }
0x57: {  	s8 =	sadd.s32 s6, s23;
	s6 =	smov.u32 s10  }
0x58: {  	[tilespmem:s29], [sflag:$0x1] =	stream.linear.gather [hbm4b:s8+s2], $0x50, $0x38;
	[tilespmem:$0x1D100] =	vst v63  }
0x59: {  	_ = 	snop  }
0x5a: {  	[tilespmem:s30], [sflag:$0x1] =	stream.linear.gather [hbm4b:s7+s2], $0x2800, $0x38;
	[tilespmem:$0x1D100] =	vst v63  }
0x5b: {  	_ =	swait.ge [sflag:s31], $0x50  }
0x5c: {  	[sflag:s31] =	ssyncset.done $0x0  }
0x5d: {  	[sflag:s31] =	ssyncadd.s32 $0xFFFFFFB0  }
0x5e: {  	_ =	swait.ge [sflag:s31], $0x2800  }
0x5f: {  	[sflag:s31] =	ssyncset.done $0x0  }
0x60: {  	[sflag:s31] =	ssyncadd.s32 $0xFFFFD800  }
0x61: {  	[spmem:s1] =	stream.indirect.scatter.add.f32 [tilespmem:s28], [sflag:$0x2], $0x80, s2, s0, $0xb8;
	[tilespmem:$0x1D100] =	vst v63  }
0x62: {  	_ =	swait.ge [sflag:s31], $0x50  }
0x63: {  	[sflag:s31] =	ssyncset.done $0x0  }
0x64: {  	[sflag:s31] =	ssyncadd.s32 $0xFFFFFFB0  }
0x65: {  	_ =	swait.ge [sflag:s31], $0x2800  }
0x66: {  	[sflag:s31] =	ssyncset.done $0x0  }
0x67: {  	[sflag:s31] =	ssyncadd.s32 $0xFFFFD800  }
0x68: {  	[spmem:s1] =	stream.indirect.scatter.add.f32 [tilespmem:s30], [sflag:$0x2], $0x80, s29, s0, $0xb8;
	[tilespmem:$0x1D100] =	vst v63  }
.Ltmp0:
0x69: {  	_ =	swait.ge [sflag:s3], $0x2800;
	(pc) =	sbr.rel @p0 .LBB2_2-.Ltmp0, $4  }
0x6a: {  	[sflag:s3] =	ssyncset.done $0x0  }
0x6b: {  	[sflag:s3] =	ssyncadd.s32 $0xFFFFD800  }
0x6c: {  	_ =	swait.ge [sflag:s3], $0x2800  }
0x6d: {  	s8 =	smov.u32 s11;
	s7 =	sadd.s32 $0xA00, s7;
	[sflag:s3] =	ssyncset.done $0x0  }
0x6e: {  	s8 =	sadd.s32 s6, s24;
	[sflag:s3] =	ssyncadd.s32 $0xFFFFD800  }
0x6f: {  	[tilespmem:s2], [sflag:$0x1] =	stream.linear.gather [hbm4b:s8+s2], $0x50, $0x38;
	[tilespmem:$0x1D100] =	vst v63  }
0x70: {  	s10 =	sadd.s32 $0xFFFFFB00, s7  }
0x71: {  	[tilespmem:s28], [sflag:$0x1] =	stream.linear.gather [hbm4b:s10+s2], $0x2800, $0x38;
	[tilespmem:$0x1D100] =	vst v63  }
0x72: {  	s11 =	sadd.s32 s6, s23  }
0x73: {  	[tilespmem:s29], [sflag:$0x1] =	stream.linear.gather [hbm4b:s11+s2], $0x50, $0x38;
	[tilespmem:$0x1D100] =	vst v63  }
0x74: {  	_ = 	snop  }
0x75: {  	[tilespmem:s30], [sflag:$0x1] =	stream.linear.gather [hbm4b:s7+s2], $0x2800, $0x38;
	[tilespmem:$0x1D100] =	vst v63  }
0x76: {  	_ =	swait.ge [sflag:s31], $0x50  }
0x77: {  	[sflag:s31] =	ssyncset.done $0x0  }
0x78: {  	[sflag:s31] =	ssyncadd.s32 $0xFFFFFFB0  }
0x79: {  	_ =	swait.ge [sflag:s31], $0x2800  }
0x7a: {  	[sflag:s31] =	ssyncset.done $0x0  }
0x7b: {  	[sflag:s31] =	ssyncadd.s32 $0xFFFFD800  }
0x7c: {  	[spmem:s1] =	stream.indirect.scatter.add.f32 [tilespmem:s28], [sflag:$0x2], $0x80, s2, s0, $0xb8;
	[tilespmem:$0x1D100] =	vst v63  }
0x7d: {  	_ =	swait.ge [sflag:s31], $0x50  }
0x7e: {  	[sflag:s31] =	ssyncset.done $0x0  }
0x7f: {  	[sflag:s31] =	ssyncadd.s32 $0xFFFFFFB0  }
0x80: {  	_ =	swait.ge [sflag:s31], $0x2800  }
0x81: {  	[sflag:s31] =	ssyncset.done $0x0  }
0x82: {  	[sflag:s31] =	ssyncadd.s32 $0xFFFFD800  }
0x83: {  	[spmem:s1] =	stream.indirect.scatter.add.f32 [tilespmem:s30], [sflag:$0x2], $0x80, s29, s0, $0xb8;
	[tilespmem:$0x1D100] =	vst v63  }
0x84: {  	_ =	swait.ge [sflag:s3], $0x2800  }
0x85: {  	[sflag:s3] =	ssyncset.done $0x0  }
0x86: {  	[sflag:s3] =	ssyncadd.s32 $0xFFFFD800  }
0x87: {  	_ =	swait.ge [sflag:s3], $0x2800  }
0x88: {  	[sflag:s3] =	ssyncset.done $0x0  }
0x89: {  	s8 =	rddreg [dreg:$0x4];
	[sflag:s3] =	ssyncadd.s32 $0xFFFFD800  }
0x8a: {  	[tilespmem:s2], [sflag:$0x1] =	stream.linear.gather [hbm4b:s8+s2], $0x50, $0x38;
	[tilespmem:$0x1D100] =	vst v63  }
0x8b: {  	s9 =	rddreg [dreg:$0x5]  }
0x8c: {  	[tilespmem:s28], [sflag:$0x1] =	stream.linear.gather [hbm4b:s9+s2], $0x2800, $0x38;
	[tilespmem:$0x1D100] =	vst v63  }
0x8d: {  	_ =	swait.ge [sflag:s31], $0x50  }
0x8e: {  	[sflag:s31] =	ssyncset.done $0x0  }
0x8f: {  	[sflag:s31] =	ssyncadd.s32 $0xFFFFFFB0  }
0x90: {  	_ =	swait.ge [sflag:s31], $0x2800  }
0x91: {  	[sflag:s31] =	ssyncset.done $0x0  }
0x92: {  	[sflag:s31] =	ssyncadd.s32 $0xFFFFD800  }
0x93: {  	[spmem:s1] =	stream.indirect.scatter.add.f32 [tilespmem:s28], [sflag:$0x2], $0x80, s2, s0, $0xb8;
	[tilespmem:$0x1D100] =	vst v63  }
0x94: {  	_ =	swait.ge [sflag:s3], $0x2800  }
0x95: {  	[sflag:s3] =	ssyncset.done $0x0  }
0x96: {  	[sflag:s3] =	ssyncadd.s32 $0xFFFFD800  }
0x97: {  	[bflag:$0x0] =	sbarrier.arrive $0xFFFF  }
0x98: {  	[tilespmem:s25], [sflag:$0x3] =	stream.linear.gather [spmem:s5], $0x4000, $0x38;
	[tilespmem:$0x1D100] =	vst v63  }
0x99: {  	_ =	swait.ge [sflag:s26], $0x4000  }
0x9a: {  	[sflag:s26] =	ssyncset.done $0x0  }
0x9b: {  	s10 =	rddreg [dreg:$0x9];
	[sflag:s26] =	ssyncadd.s32 $0xFFFFC000  }
0x9c: {  	[hbm4b:s10+s2] =	stream.linear.scatter [tilespmem:s25], [sflag:$0x3], $0x4000, $0x38;
	[tilespmem:$0x1D100] =	vst v63  }
0x9d: {  	_ =	swait.ge [sflag:s26], $0x4000  }
0x9e: {  	[sflag:s26] =	ssyncset.done $0x0  }
0x9f: {  	[sflag:s26] =	ssyncadd.s32 $0xFFFFC000  }
0xa0: {  	[tilespmem:s25], [sflag:$0x3] =	stream.linear.gather [spmem:s18], $0x4000, $0x38;
	[tilespmem:$0x1D100] =	vst v63  }
0xa1: {  	_ =	swait.ge [sflag:s26], $0x4000  }
0xa2: {  	[sflag:s26] =	ssyncset.done $0x0  }
0xa3: {  	[sflag:s26] =	ssyncadd.s32 $0xFFFFC000  }
0xa4: {  	[hbm4b:s12+s2] =	stream.linear.scatter [tilespmem:s25], [sflag:$0x3], $0x4000, $0x38;
	[tilespmem:$0x1D100] =	vst v63  }
0xa5: {  	_ =	swait.ge [sflag:s26], $0x4000  }
0xa6: {  	[sflag:s26] =	ssyncset.done $0x0  }
0xa7: {  	[sflag:s26] =	ssyncadd.s32 $0xFFFFC000  }
0xa8: {  	[tilespmem:s25], [sflag:$0x3] =	stream.linear.gather [spmem:s19], $0x4000, $0x38;
	[tilespmem:$0x1D100] =	vst v63  }
0xa9: {  	_ =	swait.ge [sflag:s26], $0x4000  }
0xaa: {  	[sflag:s26] =	ssyncset.done $0x0  }
0xab: {  	[sflag:s26] =	ssyncadd.s32 $0xFFFFC000  }
0xac: {  	[hbm4b:s13+s2] =	stream.linear.scatter [tilespmem:s25], [sflag:$0x3], $0x4000, $0x38;
	[tilespmem:$0x1D100] =	vst v63  }
0xad: {  	_ =	swait.ge [sflag:s26], $0x4000  }
0xae: {  	[sflag:s26] =	ssyncset.done $0x0  }
0xaf: {  	[sflag:s26] =	ssyncadd.s32 $0xFFFFC000  }
0xb0: {  	[tilespmem:s25], [sflag:$0x3] =	stream.linear.gather [spmem:s20], $0x4000, $0x38;
	[tilespmem:$0x1D100] =	vst v63  }
0xb1: {  	_ =	swait.ge [sflag:s26], $0x4000  }
0xb2: {  	[sflag:s26] =	ssyncset.done $0x0  }
0xb3: {  	[sflag:s26] =	ssyncadd.s32 $0xFFFFC000  }
0xb4: {  	[hbm4b:s14+s2] =	stream.linear.scatter [tilespmem:s25], [sflag:$0x3], $0x4000, $0x38;
	[tilespmem:$0x1D100] =	vst v63  }
0xb5: {  	_ =	swait.ge [sflag:s26], $0x4000  }
0xb6: {  	[sflag:s26] =	ssyncset.done $0x0  }
0xb7: {  	[sflag:s26] =	ssyncadd.s32 $0xFFFFC000  }
0xb8: {  	[tilespmem:s25], [sflag:$0x3] =	stream.linear.gather [spmem:s21], $0x4000, $0x38;
	[tilespmem:$0x1D100] =	vst v63  }
0xb9: {  	_ =	swait.ge [sflag:s26], $0x4000  }
0xba: {  	[sflag:s26] =	ssyncset.done $0x0  }
0xbb: {  	[sflag:s26] =	ssyncadd.s32 $0xFFFFC000  }
0xbc: {  	[hbm4b:s15+s2] =	stream.linear.scatter [tilespmem:s25], [sflag:$0x3], $0x4000, $0x38;
	[tilespmem:$0x1D100] =	vst v63  }
0xbd: {  	_ =	swait.ge [sflag:s26], $0x4000  }
0xbe: {  	s4 =	sadd.s32 $0x1, s4;
	s11 =	rddreg [dreg:$0x6]  }
0xbf: {  	p0 =	sne.s32 s4, s11  }
.Ltmp1:
0xc0: {  	_ = 	snop;
	(pc) =	sbr.rel @p0 .LBB2_1-.Ltmp1, $3  }
0xc1: {  	_ =	sdelay $0x1  }
0xc2: {  	[sflag:s26] =	ssyncset.done $0x0  }
0xc3: {  	[sflag:s26] =	ssyncadd.s32 $0xFFFFC000  }
0xc4: {  	_ =	sfence.sel $0x180000  }
0xc5: {  	[bflag:$0x0] =	sbarrier.arrive $0xFFFF  }
0xc6: {  	_ =	strace $0x90000053  }
0xc7: {  	s0 =	stileid.u32;
	[bflag:$0x2] =	sbarrier.arrive $0xFFFF  }
0xc8: {  	p0 =	sne.s32 s0, $0x0;
	s0 =	rddreg [dreg:$0x2]  }
0xc9: {  	s0 =	sadd.s32 @!p0 $0x100000, s0  }
0xca: {  	[sflag:s0] =	ssyncadd.tile.s32 @!p0 $0x1;
	_ =	shalt  }
.Lfunc_end2:
_tile_overlayer_lowered:
.L_overlay_start_2:
0xcb: {  	(tag) =	ssettag $0x2  }
0xcc: {  	s0 =	rddreg [dreg:$0x0];
	s2 =	stileid.u32  }
0xcd: {  	s1 =	rddreg [dreg:$0x1];
	p0 =	sne.s32 s2, $0x0  }
0xce: {  	s3 =	rddreg [dreg:$0x2];
	[bflag:$0x3] =	sbarrier.arrive $0xFFFF;
	s2 =	simm.s32 @!p0 $0x1C03  }
0xcf: {  	[timem:s3], [sflag:s2] =	dma.local @!p0 [hbm:s0], s1  }
0xd0: {  	s0 =	simm.s32 @!p0 $0x3  }
0xd1: {  	_ =	swait.ge @!p0 [sflag:s0], s1  }
0xd2: {  	s1 =	ssub.s32 @!p0 $0x0, s1;
	[sflag:s0] =	ssyncset.done @!p0 $0x0  }
0xd3: {  	[sflag:s0] =	ssyncadd.s32 @!p0 s1  }
0xd4: {  	[bflag:$0x3] =	sbarrier.arrive $0xFFFF  }
0xd5: {  	_ =	shalt  }

</sc_bundles>
